<compile_context>
chip_gen: v7x
topology: tpu7x:2x2x1
jax: 0.10.2.dev20260603
libtpu: 0.0.44.dev20260713+nightly
codegen_flags: <defaults>
</compile_context>

<pallas_src>
import functools
import math

import jax
import jax.numpy as jnp
from jax import lax
from jax.experimental import pallas as pl
from jax.experimental.pallas import tpu as pltpu
from jax.experimental.pallas import tpu_sc as plsc

N = 10000
E = 320000
DIM = 128
T = 4
R = 8
H = 8
DK = 16

NC = 2
NS = 16
NW = NC * NS
CA = 128
NCHA = 2 * (-(-E // (NW * CA * 2)))
EPW = NCHA * CA
EP = NW * EPW
EPX = (NW * NCHA + 2) * CA
CB = 64
NCHB = EPW // CB
ACC_W = 144
NPAD = N + 16
ROWS_PT = N // NS
BE = 2048

_mesh = plsc.VectorSubcoreMesh(core_axis_name="c", subcore_axis_name="s")
_sc_params = pltpu.CompilerParams(use_tc_tiling_on_sc=False,
                                  needs_layout_passes=False)


def _proj_body(x_ref, t_ref, wq_ref, bq_ref, wk_ref, bk_ref, wv_ref, bv_ref,
               q_ref, k_ref, v_ref):
    x = x_ref[...]
    t = t_ref[...]
    for out_ref, w_ref, b_ref in ((q_ref, wq_ref, bq_ref),
                                  (k_ref, wk_ref, bk_ref),
                                  (v_ref, wv_ref, bv_ref)):
        acc = jnp.zeros(x.shape, jnp.float32)
        for tt in range(T):
            sel = (t == tt).astype(jnp.float32)
            y = jnp.dot(x, w_ref[tt], preferred_element_type=jnp.float32)
            acc = acc + sel * (y + b_ref[tt:tt + 1, :])
        out_ref[...] = acc


def _project(node_inp, node_type2d, Wq, bq, Wk, bk, Wv, bv):
    B = 1000
    grid = (N // B,)
    row = pl.BlockSpec((B, DIM), lambda i: (i, 0))
    tspec = pl.BlockSpec((B, 1), lambda i: (i, 0))
    wspec = pl.BlockSpec((T, DIM, DIM), lambda i: (0, 0, 0))
    bspec = pl.BlockSpec((T, DIM), lambda i: (0, 0))
    out = jax.ShapeDtypeStruct((N, DIM), jnp.float32)
    return pl.pallas_call(
        _proj_body,
        grid=grid,
        in_specs=[row, tspec, wspec, bspec, wspec, bspec, wspec, bspec],
        out_specs=[row, row, row],
        out_shape=[out, out, out],
    )(node_inp, node_type2d, Wq, bq, Wk, bk, Wv, bv)


@functools.partial(
    pl.kernel,
    mesh=_mesh,
    compiler_params=_sc_params,
    out_type=[jax.ShapeDtypeStruct((EP, DIM), jnp.float32),
              jax.ShapeDtypeStruct((EP, DIM), jnp.float32),
              jax.ShapeDtypeStruct((EP, DIM), jnp.float32)],
    scratch_types=[
        pltpu.VMEM((2, 2, CA), jnp.int32),
        pltpu.VMEM((2, CA), jnp.int32),
        pltpu.VMEM((2, CA), jnp.int32),
        pltpu.VMEM((2, CA, DIM), jnp.float32),
        pltpu.VMEM((2, CA, DIM), jnp.float32),
        pltpu.VMEM((2, CA, DIM), jnp.float32),
        pltpu.SemaphoreType.DMA,
        pltpu.SemaphoreType.DMA,
        pltpu.SemaphoreType.DMA,
        pltpu.SemaphoreType.DMA,
        pltpu.SemaphoreType.DMA,
        pltpu.SemaphoreType.DMA,
        pltpu.SemaphoreType.DMA,
        pltpu.SemaphoreType.DMA,
    ],
)
def _gather_kernel(e2_hbm, q_hbm, k_hbm, v_hbm, qg_hbm, kg_hbm, vg_hbm,
                   e2_v, src_v, dst_v, q_rows, k_rows, v_rows,
                   semi0, semi1, semq0, semq1, semk0, semk1, semv0, semv1):
    c = lax.axis_index("c")
    s = lax.axis_index("s")
    wid = c * NS + s
    base0 = wid * NCHA
    semi = (semi0, semi1)
    semq = (semq0, semq1)
    semk = (semk0, semk1)
    semv = (semv0, semv1)

    def _unpack(b):
        for i in range(CA // 16):
            sl = pl.ds(i * 16, 16)
            src_v[b, sl] = e2_v[b, 0, sl]
            dst_v[b, sl] = e2_v[b, 1, sl]

    def _issue_idx(j, b):
        return pltpu.async_copy(e2_hbm.at[pl.ds(2 * (base0 + j), 2)],
                                e2_v.at[b], semi[b])

    def _issue_gathers(b):
        pltpu.async_copy(q_hbm.at[dst_v.at[b]], q_rows.at[b], semq[b])
        pltpu.async_copy(k_hbm.at[src_v.at[b]], k_rows.at[b], semk[b])
        pltpu.async_copy(v_hbm.at[src_v.at[b]], v_rows.at[b], semv[b])

    _issue_idx(0, 0).wait()
    _unpack(0)
    _issue_gathers(0)
    _issue_idx(1, 1)

    @pl.loop(0, NCHA, step=2)
    def _(j):
        for b in range(2):
            pltpu.make_async_copy(e2_hbm.at[pl.ds(0, 2)], e2_v.at[1 - b],
                                  semi[1 - b]).wait()
            _unpack(1 - b)
            _issue_gathers(1 - b)
            _issue_idx(j + b + 2, b)
            pltpu.make_async_copy(q_hbm.at[dst_v.at[b]],
                                  q_rows.at[b], semq[b]).wait()
            pltpu.make_async_copy(k_hbm.at[src_v.at[b]],
                                  k_rows.at[b], semk[b]).wait()
            pltpu.make_async_copy(v_hbm.at[src_v.at[b]],
                                  v_rows.at[b], semv[b]).wait()
            ebase = (base0 + j + b) * CA
            pltpu.sync_copy(q_rows.at[b], qg_hbm.at[pl.ds(ebase, CA)])
            pltpu.sync_copy(k_rows.at[b], kg_hbm.at[pl.ds(ebase, CA)])
            pltpu.sync_copy(v_rows.at[b], vg_hbm.at[pl.ds(ebase, CA)])

    pltpu.make_async_copy(e2_hbm.at[pl.ds(0, 2)], e2_v.at[1], semi[1]).wait()
    pltpu.make_async_copy(q_hbm.at[dst_v.at[0]], q_rows.at[0], semq[0]).wait()
    pltpu.make_async_copy(k_hbm.at[src_v.at[0]], k_rows.at[0], semk[0]).wait()
    pltpu.make_async_copy(v_hbm.at[src_v.at[0]], v_rows.at[0], semv[0]).wait()


def _edge_body(q_ref, k_ref, v_ref, et_ref, sg_ref, cs_ref, cv_ref, eb_ref,
               selt_ref, sel_ref, o_ref, d_ref):
    qf = q_ref[...]
    kf = k_ref[...]
    vf = v_ref[...]
    et = et_ref[...]
    sg = sg_ref[...]
    sidx = jnp.where(sg == -1, 0, jnp.where(sg == 1, 1, 2))
    ci = et * 3 + sidx
    iota24 = lax.broadcasted_iota(jnp.int32, (BE, 3 * R), 1)
    oh = (ci == iota24).astype(jnp.float32)
    csrow = jnp.dot(oh, cs_ref[...], preferred_element_type=jnp.float32)
    cvrow = jnp.dot(oh, cv_ref[...], preferred_element_type=jnp.float32)
    ebrow = jnp.dot(oh, eb_ref[...], preferred_element_type=jnp.float32)
    s8 = jnp.dot(qf * kf * csrow, selt_ref[...],
                 preferred_element_type=jnp.float32)
    ex8 = jnp.exp(s8)
    exb = jnp.dot(ex8, sel_ref[...], preferred_element_type=jnp.float32)
    o_ref[...] = vf * cvrow * exb
    den8 = ex8 * ebrow
    d_ref[...] = jnp.concatenate(
        [den8, jnp.zeros((BE, DIM - H), jnp.float32)], axis=1)


def _edge_math(qg, kg, vg, et2d, sg2d, cs24, cv24, eb8, selt, sel8):
    grid = (EP // BE,)
    rspec = pl.BlockSpec((BE, DIM), lambda i: (i, 0))
    ispec = pl.BlockSpec((BE, 1), lambda i: (i, 0))
    cspec = pl.BlockSpec((3 * R, DIM), lambda i: (0, 0))
    ebspec = pl.BlockSpec((3 * R, H), lambda i: (0, 0))
    seltspec = pl.BlockSpec((DIM, H), lambda i: (0, 0))
    selspec = pl.BlockSpec((H, DIM), lambda i: (0, 0))
    return pl.pallas_call(
        _edge_body,
        grid=grid,
        in_specs=[rspec, rspec, rspec, ispec, ispec, cspec, cspec, ebspec,
                  seltspec, selspec],
        out_specs=[rspec, rspec],
        out_shape=[jax.ShapeDtypeStruct((EP, DIM), jnp.float32),
                   jax.ShapeDtypeStruct((EP, DIM), jnp.float32)],
    )(qg, kg, vg, et2d, sg2d, cs24, cv24, eb8, selt, sel8)


@functools.partial(
    pl.kernel,
    mesh=_mesh,
    compiler_params=_sc_params,
    out_type=[jax.ShapeDtypeStruct((NC * N, DIM), jnp.float32),
              jax.ShapeDtypeStruct((NC * N, 16), jnp.float32)],
    scratch_types=[
        pltpu.VMEM_SHARED((NPAD, DIM), jnp.float32),
        pltpu.VMEM_SHARED((NPAD, 16), jnp.float32),
        pltpu.VMEM((2, CB, DIM), jnp.float32),
        pltpu.VMEM((2, CB, DIM), jnp.float32),
        pltpu.VMEM((2, CB, 16), jnp.float32),
        pltpu.VMEM((2, CB), jnp.int32),
        pltpu.SemaphoreType.DMA,
        pltpu.SemaphoreType.DMA,
        pltpu.SemaphoreType.DMA,
        pltpu.SemaphoreType.DMA,
        pltpu.SemaphoreType.DMA,
        pltpu.SemaphoreType.DMA,
    ],
)
def _scatter_kernel(dst_hbm, msg_hbm, den_hbm, outm_hbm, outd_hbm,
                    accm_sh, accd_sh, msg_v, den_v, den16_v, dst_v,
                    semm0, semm1, semn0, semn1, semd0, semd1):
    c = lax.axis_index("c")
    s = lax.axis_index("s")
    wid = c * NS + s
    base0 = wid * NCHB
    semm = (semm0, semm1)
    semn = (semn0, semn1)
    semd = (semd0, semd1)
    zero16 = jnp.zeros((16,), jnp.float32)

    @pl.loop(0, CB)
    def _(i):
        for j in range(DIM // 16):
            msg_v[0, i, pl.ds(j * 16, 16)] = zero16
        den16_v[0, i, pl.ds(0, 16)] = zero16

    nz = ROWS_PT // CB
    rem = ROWS_PT - nz * CB

    @pl.loop(0, nz * CB, step=CB)
    def _(i):
        pltpu.sync_copy(msg_v.at[0], accm_sh.at[pl.ds(s * ROWS_PT + i, CB)])
        pltpu.sync_copy(den16_v.at[0], accd_sh.at[pl.ds(s * ROWS_PT + i, CB)])

    pltpu.sync_copy(msg_v.at[0, pl.ds(0, rem)],
                    accm_sh.at[pl.ds(s * ROWS_PT + nz * CB, rem)])
    pltpu.sync_copy(den16_v.at[0, pl.ds(0, rem)],
                    accd_sh.at[pl.ds(s * ROWS_PT + nz * CB, rem)])

    plsc.subcore_barrier()

    def _issue(j, b):
        jj = jnp.minimum(j, NCHB - 1)
        ebase = (base0 + jj) * CB
        pltpu.async_copy(msg_hbm.at[pl.ds(ebase, CB)], msg_v.at[b], semm[b])
        pltpu.async_copy(den_hbm.at[pl.ds(ebase, CB)], den_v.at[b], semn[b])
        pltpu.async_copy(dst_hbm.at[pl.ds(ebase, CB)], dst_v.at[b], semd[b])

    _issue(0, 0)

    @pl.loop(0, NCHB, step=2)
    def _(j):
        for b in range(2):
            pltpu.make_async_copy(msg_hbm.at[pl.ds(0, CB)], msg_v.at[b],
                                  semm[b]).wait()
            pltpu.make_async_copy(den_hbm.at[pl.ds(0, CB)], den_v.at[b],
                                  semn[b]).wait()
            pltpu.make_async_copy(dst_hbm.at[pl.ds(0, CB)], dst_v.at[b],
                                  semd[b]).wait()
            _issue(j + b + 1, 1 - b)
            for e in range(CB):
                den16_v[b, e, pl.ds(0, 16)] = den_v[b, e, pl.ds(0, 16)]
            pltpu.sync_copy(msg_v.at[b], accm_sh.at[dst_v.at[b]], add=True)
            pltpu.sync_copy(den16_v.at[b], accd_sh.at[dst_v.at[b]], add=True)

    pltpu.make_async_copy(msg_hbm.at[pl.ds(0, CB)], msg_v.at[0], semm[0]).wait()
    pltpu.make_async_copy(den_hbm.at[pl.ds(0, CB)], den_v.at[0], semn[0]).wait()
    pltpu.make_async_copy(dst_hbm.at[pl.ds(0, CB)], dst_v.at[0], semd[0]).wait()

    plsc.subcore_barrier()
    pltpu.sync_copy(accm_sh.at[pl.ds(s * ROWS_PT, ROWS_PT)],
                    outm_hbm.at[pl.ds(c * N + s * ROWS_PT, ROWS_PT)])
    pltpu.sync_copy(accd_sh.at[pl.ds(s * ROWS_PT, ROWS_PT)],
                    outd_hbm.at[pl.ds(c * N + s * ROWS_PT, ROWS_PT)])


def _final_body(a0_ref, a1_ref, d0_ref, d1_ref, x_ref, t_ref, sel_ref,
                alpha_ref, gamma_ref, beta_ref, o_ref):
    num = a0_ref[...] + a1_ref[...]
    den8 = d0_ref[:, :H] + d1_ref[:, :H]
    den = jnp.dot(den8, sel_ref[...], preferred_element_type=jnp.float32)
    out = num / jnp.maximum(den, 1e-16)
    x = x_ref[...]
    t = t_ref[...]
    iota_t = lax.broadcasted_iota(jnp.int32, (t.shape[0], T), 1)
    onehot = (t == iota_t).astype(jnp.float32)
    arow = jnp.dot(onehot, alpha_ref[...], preferred_element_type=jnp.float32)
    grow = jnp.dot(onehot, gamma_ref[...], preferred_element_type=jnp.float32)
    brow = jnp.dot(onehot, beta_ref[...], preferred_element_type=jnp.float32)
    hm = arow * out + (1.0 - arow) * x
    mu = jnp.mean(hm, axis=1, keepdims=True)
    var = jnp.mean((hm - mu) ** 2, axis=1, keepdims=True)
    o_ref[...] = (hm - mu) * lax.rsqrt(var + 1e-5) * grow + brow


def _finalize(a0, a1, d0, d1, node_inp, node_type2d, sel8, alpha_mat,
              gamma, beta):
    B = 1000
    grid = (N // B,)
    row = pl.BlockSpec((B, DIM), lambda i: (i, 0))
    dspec = pl.BlockSpec((B, 16), lambda i: (i, 0))
    tspec = pl.BlockSpec((B, 1), lambda i: (i, 0))
    sspec = pl.BlockSpec((H, DIM), lambda i: (0, 0))
    pspec = pl.BlockSpec((T, DIM), lambda i: (0, 0))
    return pl.pallas_call(
        _final_body,
        grid=grid,
        in_specs=[row, row, dspec, dspec, row, tspec, sspec, pspec, pspec,
                  pspec],
        out_specs=row,
        out_shape=jax.ShapeDtypeStruct((N, DIM), jnp.float32),
    )(a0, a1, d0, d1, node_inp, node_type2d, sel8, alpha_mat, gamma, beta)


def kernel(node_inp, node_type, edge_index, edge_type, edge_sign,
           Wq, bq, Wk, bk, Wv, bv, rel_q, rel_k, rel_v,
           sign_k_fixed, sign_v_fixed, sign_k_neutral, sign_v_neutral,
           rel_bias, skip, gamma, beta):
    src = edge_index[0].astype(jnp.int32)
    dst = edge_index[1].astype(jnp.int32)
    et = edge_type.astype(jnp.int32)
    sg = edge_sign.astype(jnp.int32)
    padn = EPX - E
    src = jnp.concatenate([src, jnp.zeros((padn,), jnp.int32)])
    dst = jnp.concatenate([dst, jnp.full((padn,), N, jnp.int32)])
    et = jnp.concatenate([et, jnp.zeros((padn,), jnp.int32)])
    sg = jnp.concatenate([sg, jnp.zeros((padn,), jnp.int32)])
    e2 = jnp.stack([src.reshape(-1, CA), dst.reshape(-1, CA)],
                   axis=1).reshape(-1, CA)
    node_type2d = node_type.astype(jnp.int32).reshape(N, 1)

    sk_all = jnp.concatenate([sign_k_fixed, sign_k_neutral[None]], axis=0)
    sv_all = jnp.concatenate([sign_v_fixed, sign_v_neutral[None]], axis=0)
    eb = jnp.exp(rel_bias)
    cs24 = ((rel_q * rel_k)[:, None] * sk_all[None]
            / math.sqrt(DK)).reshape(R * 3, DIM)
    cv24 = (rel_v[:, None] * sv_all[None]
            * eb[:, None, :, None]).reshape(R * 3, DIM)
    eb8 = jnp.tile(eb[:, None], (1, 3, 1)).reshape(R * 3, H)

    alphas = jax.nn.sigmoid(skip)
    alpha_mat = jnp.broadcast_to(alphas[:, None], (T, DIM)).astype(jnp.float32)
    sel8 = jnp.kron(jnp.eye(H, dtype=jnp.float32),
                    jnp.ones((1, DK), jnp.float32))

    q, k, v = _project(node_inp, node_type2d, Wq, bq, Wk, bk, Wv, bv)
    zrows = jnp.zeros((NPAD - N, DIM), jnp.float32)
    q = jnp.concatenate([q, zrows])
    k = jnp.concatenate([k, zrows])
    v = jnp.concatenate([v, zrows])

    qg, kg, vg = _gather_kernel(e2, q, k, v)
    msg, den = _edge_math(qg, kg, vg, et[:EP].reshape(EP, 1),
                          sg[:EP].reshape(EP, 1),
                          cs24, cv24, eb8, sel8.T, sel8)
    accm, accd = _scatter_kernel(dst, msg, den)
    return _finalize(accm[:N], accm[N:], accd[:N], accd[N:],
                     node_inp, node_type2d, sel8, alpha_mat, gamma, beta)

# --- scband reference (transcript-rebuilt; emitter-appended) ---
"""Pipeline reference for scband-weighted-hgtconv-8375186227282 (READ-ONLY COPY).

The authoritative reference and input builder live on the scoring server;
editing this copy changes nothing except your own understanding.
"""

import math
import jax, jax.numpy as jnp
import numpy as np

N = 10000
E = 320000
IN_DIM = 128
OUT_DIM = 128
T = 4
R = 8
H = 8
DK = OUT_DIM // H

def _xavier(key, shape):
    fan_in, fan_out = shape[-2], shape[-1]
    limit = math.sqrt(6.0 / (fan_in + fan_out))
    return jax.random.uniform(key, shape, jnp.float32, -limit, limit)

def setup_inputs(seed: int = 0):
    key = jax.random.key(seed)
    ks = jax.random.split(key, 16)
    node_inp = jax.random.normal(ks[0], (N, IN_DIM), jnp.float32)
    node_type = jax.random.randint(ks[1], (N,), 0, T)
    edge_index = jax.random.randint(ks[2], (2, E), 0, N)
    edge_type = jax.random.randint(ks[3], (E,), 0, R)
    edge_sign = jax.random.randint(ks[4], (E,), 0, 3)
    Wq = _xavier(ks[5], (T, IN_DIM, OUT_DIM))
    Wk = _xavier(ks[6], (T, IN_DIM, OUT_DIM))
    Wv = _xavier(ks[7], (T, IN_DIM, OUT_DIM))
    bq = jnp.zeros((T, OUT_DIM), jnp.float32)
    bk = jnp.zeros((T, OUT_DIM), jnp.float32)
    bv = jnp.zeros((T, OUT_DIM), jnp.float32)
    rel_q = jax.random.normal(ks[8], (R, H, DK), jnp.float32)
    rel_k = jax.random.normal(ks[9], (R, H, DK), jnp.float32)
    rel_v = jax.random.normal(ks[10], (R, H, DK), jnp.float32)
    sign_k_fixed = jnp.stack([jnp.full((H, DK), -1.0, jnp.float32), jnp.full((H, DK), 1.0, jnp.float32)], axis=0)
    sign_v_fixed = jnp.stack([jnp.full((H, DK), -1.0, jnp.float32), jnp.full((H, DK), 1.0, jnp.float32)], axis=0)
    sign_k_neutral = jnp.ones((H, DK), jnp.float32)
    sign_v_neutral = jnp.ones((H, DK), jnp.float32)
    rel_bias = jnp.zeros((R, H), jnp.float32)
    skip = jnp.ones((T,), jnp.float32)
    gamma = jnp.ones((T, OUT_DIM), jnp.float32)
    beta = jnp.zeros((T, OUT_DIM), jnp.float32)
    return {"node_inp": node_inp, "node_type": node_type, "edge_index": edge_index,
            "edge_type": edge_type, "edge_sign": edge_sign,
            "Wq": Wq, "bq": bq, "Wk": Wk, "bk": bk, "Wv": Wv, "bv": bv,
            "rel_q": rel_q, "rel_k": rel_k, "rel_v": rel_v,
            "sign_k_fixed": sign_k_fixed, "sign_v_fixed": sign_v_fixed,
            "sign_k_neutral": sign_k_neutral, "sign_v_neutral": sign_v_neutral,
            "rel_bias": rel_bias, "skip": skip, "gamma": gamma, "beta": beta}

def reference(node_inp, node_type, edge_index, edge_type, edge_sign,
              Wq, bq, Wk, bk, Wv, bv, rel_q, rel_k, rel_v,
              sign_k_fixed, sign_v_fixed, sign_k_neutral, sign_v_neutral,
              rel_bias, skip, gamma, beta):
    Nn = node_inp.shape[0]
    src = edge_index[0]
    dst = edge_index[1]
    Q = jnp.zeros((Nn, OUT_DIM), jnp.float32)
    K = jnp.zeros((Nn, OUT_DIM), jnp.float32)
    V = jnp.zeros((Nn, OUT_DIM), jnp.float32)
    for t in range(T):
        m = (node_type == t)[:, None]
        Q = jnp.where(m, node_inp @ Wq[t] + bq[t], Q)
        K = jnp.where(m, node_inp @ Wk[t] + bk[t], K)
        V = jnp.where(m, node_inp @ Wv[t] + bv[t], V)
    Qh = Q.reshape(Nn, H, DK)
    Kh = K.reshape(Nn, H, DK)
    Vh = V.reshape(Nn, H, DK)
    r_q = rel_q[edge_type]
    r_k = rel_k[edge_type]
    r_v = rel_v[edge_type]
    s_idx = jnp.where(edge_sign == -1, 0, jnp.where(edge_sign == 1, 1, 2))
    sign_k_all = jnp.concatenate([sign_k_fixed, sign_k_neutral[None]], axis=0)
    sign_v_all = jnp.concatenate([sign_v_fixed, sign_v_neutral[None]], axis=0)
    s_k = sign_k_all[s_idx]
    s_v = sign_v_all[s_idx]
    q_eff = Qh[dst] * r_q
    k_eff = Kh[src] * r_k * s_k
    v_eff = Vh[src] * r_v * s_v
    scores = (q_eff * k_eff).sum(-1) / math.sqrt(DK) + rel_bias[edge_type]
    smax = jax.ops.segment_max(scores, dst, num_segments=Nn)
    smax = jnp.where(jnp.isfinite(smax), smax, 0.0)
    ex = jnp.exp(scores - smax[dst])
    denom = jax.ops.segment_sum(ex, dst, num_segments=Nn)
    attn = ex / jnp.maximum(denom[dst], 1e-16)
    msg = (v_eff * attn[:, :, None]).reshape(-1, OUT_DIM)
    out = jnp.zeros((Nn, OUT_DIM), jnp.float32).at[dst].add(msg)
    res = jnp.zeros_like(out)
    for t in range(T):
        alpha = jax.nn.sigmoid(skip[t])
        h = alpha * out + (1.0 - alpha) * node_inp
        mu = jnp.mean(h, axis=-1, keepdims=True)
        var = jnp.mean((h - mu) ** 2, axis=-1, keepdims=True)
        hn = (h - mu) / jnp.sqrt(var + 1e-5) * gamma[t] + beta[t]
        res = jnp.where((node_type == t)[:, None], hn, res)
    return res

if __name__ == "__main__":
    import jax
    _d = setup_inputs()
    print(jax.jit(kernel)(*tuple(_d.values())))

</pallas_src>

<mosaic_0001>
#map = affine_map<(d0, d1) -> (0, 0)>
module attributes {stable_mosaic.version = 14 : i64} {
  func.func @_gather_kernel(%arg0: i32, %arg1: i32, %arg2: memref<5124x128xi32, #tpu.memory_space<hbm>>, %arg3: memref<10016x128xf32, #tpu.memory_space<hbm>>, %arg4: memref<10016x128xf32, #tpu.memory_space<hbm>>, %arg5: memref<10016x128xf32, #tpu.memory_space<hbm>>, %arg6: memref<327680x128xf32, #tpu.memory_space<hbm>>, %arg7: memref<327680x128xf32, #tpu.memory_space<hbm>>, %arg8: memref<327680x128xf32, #tpu.memory_space<hbm>>, %arg9: memref<2x2x128xi32, #tpu.memory_space<vmem>>, %arg10: memref<2x128xi32, #tpu.memory_space<vmem>>, %arg11: memref<2x128xi32, #tpu.memory_space<vmem>>, %arg12: memref<2x128x128xf32, #tpu.memory_space<vmem>>, %arg13: memref<2x128x128xf32, #tpu.memory_space<vmem>>, %arg14: memref<2x128x128xf32, #tpu.memory_space<vmem>>, %arg15: memref<!tpu.dma_semaphore, #tpu.memory_space<semaphore_mem>>, %arg16: memref<!tpu.dma_semaphore, #tpu.memory_space<semaphore_mem>>, %arg17: memref<!tpu.dma_semaphore, #tpu.memory_space<semaphore_mem>>, %arg18: memref<!tpu.dma_semaphore, #tpu.memory_space<semaphore_mem>>, %arg19: memref<!tpu.dma_semaphore, #tpu.memory_space<semaphore_mem>>, %arg20: memref<!tpu.dma_semaphore, #tpu.memory_space<semaphore_mem>>, %arg21: memref<!tpu.dma_semaphore, #tpu.memory_space<semaphore_mem>>, %arg22: memref<!tpu.dma_semaphore, #tpu.memory_space<semaphore_mem>>) attributes {dimension_semantics = [#tpu.dimension_semantics<core_parallel>, #tpu.dimension_semantics<subcore_parallel>], iteration_bounds = array<i64: 2, 16>, scalar_prefetch = 0 : i64, scratch_operands = 14 : i64, tpu.core_type = #tpu.core_type<sc_vector_subcore>, window_params = [{transform_indices = #map}, {transform_indices = #map}, {transform_indices = #map}, {transform_indices = #map}, {transform_indices = #map}, {transform_indices = #map}, {transform_indices = #map}]} {
    %mul3A = arith.constant 16 : i32
    %mul3A_0 = arith.muli %arg0, %mul3A : i32
    %add3A = arith.addi %mul3A_0, %arg1 : i32
    %mul3A_1 = arith.constant 80 : i32
    %mul3A_2 = arith.muli %add3A, %mul3A_1 : i32
    %add3A_3 = arith.constant 0 : i32
    %add3A_4 = arith.addi %mul3A_2, %add3A_3 : i32
    %mul3A_5 = arith.constant 2 : i32
    %mul3A_6 = arith.muli %mul3A_5, %add3A_4 : i32
    %dma_start3A = arith.constant 0 : i32
    %dma_start3A_7 = arith.constant 0 : i32
    %dma_start3A_8 = arith.constant 0 : i32
    %dma_start3A_9 = tpu.memref_slice %arg9[%dma_start3A, %dma_start3A_7, %dma_start3A_8] : memref<2x2x128xi32, #tpu.memory_space<vmem>> -> memref<1x2x128xi32, #tpu.memory_space<vmem>>
    %dma_start3A_10 = tpu.memref_squeeze %dma_start3A_9 : memref<1x2x128xi32, #tpu.memory_space<vmem>> -> memref<2x128xi32, #tpu.memory_space<vmem>>
    %dma_start3A_11 = arith.constant 0 : i32
    %dma_start3A_12 = tpu.memref_slice %arg2[%mul3A_6, %dma_start3A_11] : memref<5124x128xi32, #tpu.memory_space<hbm>> -> memref<2x128xi32, #tpu.memory_space<hbm>>
    %dma_start3A_13 = arith.constant 0 : i32
    %dma_start3A_14 = arith.constant 0 : i32
    %dma_start3A_15 = tpu.memref_slice %arg9[%dma_start3A, %dma_start3A_13, %dma_start3A_14] : memref<2x2x128xi32, #tpu.memory_space<vmem>> -> memref<1x2x128xi32, #tpu.memory_space<vmem>>
    %dma_start3A_16 = tpu.memref_squeeze %dma_start3A_15 : memref<1x2x128xi32, #tpu.memory_space<vmem>> -> memref<2x128xi32, #tpu.memory_space<vmem>>
    %dma_start3A_17 = arith.constant 0 : i32
    %dma_start3A_18 = tpu.memref_slice %arg2[%mul3A_6, %dma_start3A_17] : memref<5124x128xi32, #tpu.memory_space<hbm>> -> memref<2x128xi32, #tpu.memory_space<hbm>>
    tpu.enqueue_dma source(%dma_start3A_18 : memref<2x128xi32, #tpu.memory_space<hbm>>) target(%dma_start3A_16 : memref<2x128xi32, #tpu.memory_space<vmem>>) target_semaphore(%arg15 : memref<!tpu.dma_semaphore, #tpu.memory_space<semaphore_mem>>)
    %dma_wait3A = arith.constant 0 : i32
    %dma_wait3A_19 = arith.constant 0 : i32
    %dma_wait3A_20 = arith.constant 0 : i32
    %dma_wait3A_21 = tpu.memref_slice %arg9[%dma_wait3A, %dma_wait3A_19, %dma_wait3A_20] : memref<2x2x128xi32, #tpu.memory_space<vmem>> -> memref<1x2x128xi32, #tpu.memory_space<vmem>>
    %dma_wait3A_22 = tpu.memref_squeeze %dma_wait3A_21 : memref<1x2x128xi32, #tpu.memory_space<vmem>> -> memref<2x128xi32, #tpu.memory_space<vmem>>
    %dma_wait3A_23 = arith.constant 0 : i32
    %dma_wait3A_24 = tpu.memref_slice %arg2[%mul3A_6, %dma_wait3A_23] : memref<5124x128xi32, #tpu.memory_space<hbm>> -> memref<2x128xi32, #tpu.memory_space<hbm>>
    %dma_wait3A_25 = arith.constant 0 : i32
    %dma_wait3A_26 = arith.constant 0 : i32
    %dma_wait3A_27 = tpu.memref_slice %arg9[%dma_wait3A, %dma_wait3A_25, %dma_wait3A_26] : memref<2x2x128xi32, #tpu.memory_space<vmem>> -> memref<1x2x128xi32, #tpu.memory_space<vmem>>
    %dma_wait3A_28 = tpu.memref_squeeze %dma_wait3A_27 : memref<1x2x128xi32, #tpu.memory_space<vmem>> -> memref<2x128xi32, #tpu.memory_space<vmem>>
    %dma_wait3A_29 = arith.constant 0 : i32
    %dma_wait3A_30 = tpu.memref_slice %arg2[%mul3A_6, %dma_wait3A_29] : memref<5124x128xi32, #tpu.memory_space<hbm>> -> memref<2x128xi32, #tpu.memory_space<hbm>>
    tpu.wait_dma2 semaphore(%arg15 : memref<!tpu.dma_semaphore, #tpu.memory_space<semaphore_mem>>) src(%dma_wait3A_30 : memref<2x128xi32, #tpu.memory_space<hbm>>) dst(%dma_wait3A_28 : memref<2x128xi32, #tpu.memory_space<vmem>>)
    %get3A = arith.constant 0 : i32
    %get3A_31 = arith.constant 0 : i32
    %get3A_32 = arith.index_cast %get3A : i32 to index
    %get3A_33 = arith.index_cast %get3A_31 : i32 to index
    %get3A_34 = arith.constant 0 : index
    %get3A_35 = tpu.vector_load %arg9[%get3A_32, %get3A_33, %get3A_34] {strides = array<i32>} : memref<2x2x128xi32, #tpu.memory_space<vmem>>, vector<16xi32>,
    %swap3A = arith.constant 0 : i32
    %swap3A_36 = arith.index_cast %swap3A : i32 to index
    %swap3A_37 = arith.constant 0 : index
    %swap3A_38 = tpu.vector_load %arg10[%swap3A_36, %swap3A_37] {strides = array<i32>} : memref<2x128xi32, #tpu.memory_space<vmem>>, vector<16xi32>,
    tpu.vector_store %arg10[%swap3A_36, %swap3A_37], %get3A_35 {strides = array<i32>} : memref<2x128xi32, #tpu.memory_space<vmem>>, vector<16xi32>,
    %get3A_39 = arith.constant 0 : i32
    %get3A_40 = arith.constant 1 : i32
    %get3A_41 = arith.index_cast %get3A_39 : i32 to index
    %get3A_42 = arith.index_cast %get3A_40 : i32 to index
    %get3A_43 = arith.constant 0 : index
    %get3A_44 = tpu.vector_load %arg9[%get3A_41, %get3A_42, %get3A_43] {strides = array<i32>} : memref<2x2x128xi32, #tpu.memory_space<vmem>>, vector<16xi32>,
    %swap3A_45 = arith.constant 0 : i32
    %swap3A_46 = arith.index_cast %swap3A_45 : i32 to index
    %swap3A_47 = arith.constant 0 : index
    %swap3A_48 = tpu.vector_load %arg11[%swap3A_46, %swap3A_47] {strides = array<i32>} : memref<2x128xi32, #tpu.memory_space<vmem>>, vector<16xi32>,
    tpu.vector_store %arg11[%swap3A_46, %swap3A_47], %get3A_44 {strides = array<i32>} : memref<2x128xi32, #tpu.memory_space<vmem>>, vector<16xi32>,
    %get3A_49 = arith.constant 0 : i32
    %get3A_50 = arith.constant 0 : i32
    %get3A_51 = arith.index_cast %get3A_49 : i32 to index
    %get3A_52 = arith.index_cast %get3A_50 : i32 to index
    %get3A_53 = arith.constant 16 : index
    %get3A_54 = tpu.vector_load %arg9[%get3A_51, %get3A_52, %get3A_53] {strides = array<i32>} : memref<2x2x128xi32, #tpu.memory_space<vmem>>, vector<16xi32>,
    %swap3A_55 = arith.constant 0 : i32
    %swap3A_56 = arith.index_cast %swap3A_55 : i32 to index
    %swap3A_57 = arith.constant 16 : index
    %swap3A_58 = tpu.vector_load %arg10[%swap3A_56, %swap3A_57] {strides = array<i32>} : memref<2x128xi32, #tpu.memory_space<vmem>>, vector<16xi32>,
    tpu.vector_store %arg10[%swap3A_56, %swap3A_57], %get3A_54 {strides = array<i32>} : memref<2x128xi32, #tpu.memory_space<vmem>>, vector<16xi32>,
    %get3A_59 = arith.constant 0 : i32
    %get3A_60 = arith.constant 1 : i32
    %get3A_61 = arith.index_cast %get3A_59 : i32 to index
    %get3A_62 = arith.index_cast %get3A_60 : i32 to index
    %get3A_63 = arith.constant 16 : index
    %get3A_64 = tpu.vector_load %arg9[%get3A_61, %get3A_62, %get3A_63] {strides = array<i32>} : memref<2x2x128xi32, #tpu.memory_space<vmem>>, vector<16xi32>,
    %swap3A_65 = arith.constant 0 : i32
    %swap3A_66 = arith.index_cast %swap3A_65 : i32 to index
    %swap3A_67 = arith.constant 16 : index
    %swap3A_68 = tpu.vector_load %arg11[%swap3A_66, %swap3A_67] {strides = array<i32>} : memref<2x128xi32, #tpu.memory_space<vmem>>, vector<16xi32>,
    tpu.vector_store %arg11[%swap3A_66, %swap3A_67], %get3A_64 {strides = array<i32>} : memref<2x128xi32, #tpu.memory_space<vmem>>, vector<16xi32>,
    %get3A_69 = arith.constant 0 : i32
    %get3A_70 = arith.constant 0 : i32
    %get3A_71 = arith.index_cast %get3A_69 : i32 to index
    %get3A_72 = arith.index_cast %get3A_70 : i32 to index
    %get3A_73 = arith.constant 32 : index
    %get3A_74 = tpu.vector_load %arg9[%get3A_71, %get3A_72, %get3A_73] {strides = array<i32>} : memref<2x2x128xi32, #tpu.memory_space<vmem>>, vector<16xi32>,
    %swap3A_75 = arith.constant 0 : i32
    %swap3A_76 = arith.index_cast %swap3A_75 : i32 to index
    %swap3A_77 = arith.constant 32 : index
    %swap3A_78 = tpu.vector_load %arg10[%swap3A_76, %swap3A_77] {strides = array<i32>} : memref<2x128xi32, #tpu.memory_space<vmem>>, vector<16xi32>,
    tpu.vector_store %arg10[%swap3A_76, %swap3A_77], %get3A_74 {strides = array<i32>} : memref<2x128xi32, #tpu.memory_space<vmem>>, vector<16xi32>,
    %get3A_79 = arith.constant 0 : i32
    %get3A_80 = arith.constant 1 : i32
    %get3A_81 = arith.index_cast %get3A_79 : i32 to index
    %get3A_82 = arith.index_cast %get3A_80 : i32 to index
    %get3A_83 = arith.constant 32 : index
    %get3A_84 = tpu.vector_load %arg9[%get3A_81, %get3A_82, %get3A_83] {strides = array<i32>} : memref<2x2x128xi32, #tpu.memory_space<vmem>>, vector<16xi32>,
    %swap3A_85 = arith.constant 0 : i32
    %swap3A_86 = arith.index_cast %swap3A_85 : i32 to index
    %swap3A_87 = arith.constant 32 : index
    %swap3A_88 = tpu.vector_load %arg11[%swap3A_86, %swap3A_87] {strides = array<i32>} : memref<2x128xi32, #tpu.memory_space<vmem>>, vector<16xi32>,
    tpu.vector_store %arg11[%swap3A_86, %swap3A_87], %get3A_84 {strides = array<i32>} : memref<2x128xi32, #tpu.memory_space<vmem>>, vector<16xi32>,
    %get3A_89 = arith.constant 0 : i32
    %get3A_90 = arith.constant 0 : i32
    %get3A_91 = arith.index_cast %get3A_89 : i32 to index
    %get3A_92 = arith.index_cast %get3A_90 : i32 to index
    %get3A_93 = arith.constant 48 : index
    %get3A_94 = tpu.vector_load %arg9[%get3A_91, %get3A_92, %get3A_93] {strides = array<i32>} : memref<2x2x128xi32, #tpu.memory_space<vmem>>, vector<16xi32>,
    %swap3A_95 = arith.constant 0 : i32
    %swap3A_96 = arith.index_cast %swap3A_95 : i32 to index
    %swap3A_97 = arith.constant 48 : index
    %swap3A_98 = tpu.vector_load %arg10[%swap3A_96, %swap3A_97] {strides = array<i32>} : memref<2x128xi32, #tpu.memory_space<vmem>>, vector<16xi32>,
    tpu.vector_store %arg10[%swap3A_96, %swap3A_97], %get3A_94 {strides = array<i32>} : memref<2x128xi32, #tpu.memory_space<vmem>>, vector<16xi32>,
    %get3A_99 = arith.constant 0 : i32
    %get3A_100 = arith.constant 1 : i32
    %get3A_101 = arith.index_cast %get3A_99 : i32 to index
    %get3A_102 = arith.index_cast %get3A_100 : i32 to index
    %get3A_103 = arith.constant 48 : index
    %get3A_104 = tpu.vector_load %arg9[%get3A_101, %get3A_102, %get3A_103] {strides = array<i32>} : memref<2x2x128xi32, #tpu.memory_space<vmem>>, vector<16xi32>,
    %swap3A_105 = arith.constant 0 : i32
    %swap3A_106 = arith.index_cast %swap3A_105 : i32 to index
    %swap3A_107 = arith.constant 48 : index
    %swap3A_108 = tpu.vector_load %arg11[%swap3A_106, %swap3A_107] {strides = array<i32>} : memref<2x128xi32, #tpu.memory_space<vmem>>, vector<16xi32>,
    tpu.vector_store %arg11[%swap3A_106, %swap3A_107], %get3A_104 {strides = array<i32>} : memref<2x128xi32, #tpu.memory_space<vmem>>, vector<16xi32>,
    %get3A_109 = arith.constant 0 : i32
    %get3A_110 = arith.constant 0 : i32
    %get3A_111 = arith.index_cast %get3A_109 : i32 to index
    %get3A_112 = arith.index_cast %get3A_110 : i32 to index
    %get3A_113 = arith.constant 64 : index
    %get3A_114 = tpu.vector_load %arg9[%get3A_111, %get3A_112, %get3A_113] {strides = array<i32>} : memref<2x2x128xi32, #tpu.memory_space<vmem>>, vector<16xi32>,
    %swap3A_115 = arith.constant 0 : i32
    %swap3A_116 = arith.index_cast %swap3A_115 : i32 to index
    %swap3A_117 = arith.constant 64 : index
    %swap3A_118 = tpu.vector_load %arg10[%swap3A_116, %swap3A_117] {strides = array<i32>} : memref<2x128xi32, #tpu.memory_space<vmem>>, vector<16xi32>,
    tpu.vector_store %arg10[%swap3A_116, %swap3A_117], %get3A_114 {strides = array<i32>} : memref<2x128xi32, #tpu.memory_space<vmem>>, vector<16xi32>,
    %get3A_119 = arith.constant 0 : i32
    %get3A_120 = arith.constant 1 : i32
    %get3A_121 = arith.index_cast %get3A_119 : i32 to index
    %get3A_122 = arith.index_cast %get3A_120 : i32 to index
    %get3A_123 = arith.constant 64 : index
    %get3A_124 = tpu.vector_load %arg9[%get3A_121, %get3A_122, %get3A_123] {strides = array<i32>} : memref<2x2x128xi32, #tpu.memory_space<vmem>>, vector<16xi32>,
    %swap3A_125 = arith.constant 0 : i32
    %swap3A_126 = arith.index_cast %swap3A_125 : i32 to index
    %swap3A_127 = arith.constant 64 : index
    %swap3A_128 = tpu.vector_load %arg11[%swap3A_126, %swap3A_127] {strides = array<i32>} : memref<2x128xi32, #tpu.memory_space<vmem>>, vector<16xi32>,
    tpu.vector_store %arg11[%swap3A_126, %swap3A_127], %get3A_124 {strides = array<i32>} : memref<2x128xi32, #tpu.memory_space<vmem>>, vector<16xi32>,
    %get3A_129 = arith.constant 0 : i32
    %get3A_130 = arith.constant 0 : i32
    %get3A_131 = arith.index_cast %get3A_129 : i32 to index
    %get3A_132 = arith.index_cast %get3A_130 : i32 to index
    %get3A_133 = arith.constant 80 : index
    %get3A_134 = tpu.vector_load %arg9[%get3A_131, %get3A_132, %get3A_133] {strides = array<i32>} : memref<2x2x128xi32, #tpu.memory_space<vmem>>, vector<16xi32>,
    %swap3A_135 = arith.constant 0 : i32
    %swap3A_136 = arith.index_cast %swap3A_135 : i32 to index
    %swap3A_137 = arith.constant 80 : index
    %swap3A_138 = tpu.vector_load %arg10[%swap3A_136, %swap3A_137] {strides = array<i32>} : memref<2x128xi32, #tpu.memory_space<vmem>>, vector<16xi32>,
    tpu.vector_store %arg10[%swap3A_136, %swap3A_137], %get3A_134 {strides = array<i32>} : memref<2x128xi32, #tpu.memory_space<vmem>>, vector<16xi32>,
    %get3A_139 = arith.constant 0 : i32
    %get3A_140 = arith.constant 1 : i32
    %get3A_141 = arith.index_cast %get3A_139 : i32 to index
    %get3A_142 = arith.index_cast %get3A_140 : i32 to index
    %get3A_143 = arith.constant 80 : index
    %get3A_144 = tpu.vector_load %arg9[%get3A_141, %get3A_142, %get3A_143] {strides = array<i32>} : memref<2x2x128xi32, #tpu.memory_space<vmem>>, vector<16xi32>,
    %swap3A_145 = arith.constant 0 : i32
    %swap3A_146 = arith.index_cast %swap3A_145 : i32 to index
    %swap3A_147 = arith.constant 80 : index
    %swap3A_148 = tpu.vector_load %arg11[%swap3A_146, %swap3A_147] {strides = array<i32>} : memref<2x128xi32, #tpu.memory_space<vmem>>, vector<16xi32>,
    tpu.vector_store %arg11[%swap3A_146, %swap3A_147], %get3A_144 {strides = array<i32>} : memref<2x128xi32, #tpu.memory_space<vmem>>, vector<16xi32>,
    %get3A_149 = arith.constant 0 : i32
    %get3A_150 = arith.constant 0 : i32
    %get3A_151 = arith.index_cast %get3A_149 : i32 to index
    %get3A_152 = arith.index_cast %get3A_150 : i32 to index
    %get3A_153 = arith.constant 96 : index
    %get3A_154 = tpu.vector_load %arg9[%get3A_151, %get3A_152, %get3A_153] {strides = array<i32>} : memref<2x2x128xi32, #tpu.memory_space<vmem>>, vector<16xi32>,
    %swap3A_155 = arith.constant 0 : i32
    %swap3A_156 = arith.index_cast %swap3A_155 : i32 to index
    %swap3A_157 = arith.constant 96 : index
    %swap3A_158 = tpu.vector_load %arg10[%swap3A_156, %swap3A_157] {strides = array<i32>} : memref<2x128xi32, #tpu.memory_space<vmem>>, vector<16xi32>,
    tpu.vector_store %arg10[%swap3A_156, %swap3A_157], %get3A_154 {strides = array<i32>} : memref<2x128xi32, #tpu.memory_space<vmem>>, vector<16xi32>,
    %get3A_159 = arith.constant 0 : i32
    %get3A_160 = arith.constant 1 : i32
    %get3A_161 = arith.index_cast %get3A_159 : i32 to index
    %get3A_162 = arith.index_cast %get3A_160 : i32 to index
    %get3A_163 = arith.constant 96 : index
    %get3A_164 = tpu.vector_load %arg9[%get3A_161, %get3A_162, %get3A_163] {strides = array<i32>} : memref<2x2x128xi32, #tpu.memory_space<vmem>>, vector<16xi32>,
    %swap3A_165 = arith.constant 0 : i32
    %swap3A_166 = arith.index_cast %swap3A_165 : i32 to index
    %swap3A_167 = arith.constant 96 : index
    %swap3A_168 = tpu.vector_load %arg11[%swap3A_166, %swap3A_167] {strides = array<i32>} : memref<2x128xi32, #tpu.memory_space<vmem>>, vector<16xi32>,
    tpu.vector_store %arg11[%swap3A_166, %swap3A_167], %get3A_164 {strides = array<i32>} : memref<2x128xi32, #tpu.memory_space<vmem>>, vector<16xi32>,
    %get3A_169 = arith.constant 0 : i32
    %get3A_170 = arith.constant 0 : i32
    %get3A_171 = arith.index_cast %get3A_169 : i32 to index
    %get3A_172 = arith.index_cast %get3A_170 : i32 to index
    %get3A_173 = arith.constant 112 : index
    %get3A_174 = tpu.vector_load %arg9[%get3A_171, %get3A_172, %get3A_173] {strides = array<i32>} : memref<2x2x128xi32, #tpu.memory_space<vmem>>, vector<16xi32>,
    %swap3A_175 = arith.constant 0 : i32
    %swap3A_176 = arith.index_cast %swap3A_175 : i32 to index
    %swap3A_177 = arith.constant 112 : index
    %swap3A_178 = tpu.vector_load %arg10[%swap3A_176, %swap3A_177] {strides = array<i32>} : memref<2x128xi32, #tpu.memory_space<vmem>>, vector<16xi32>,
    tpu.vector_store %arg10[%swap3A_176, %swap3A_177], %get3A_174 {strides = array<i32>} : memref<2x128xi32, #tpu.memory_space<vmem>>, vector<16xi32>,
    %get3A_179 = arith.constant 0 : i32
    %get3A_180 = arith.constant 1 : i32
    %get3A_181 = arith.index_cast %get3A_179 : i32 to index
    %get3A_182 = arith.index_cast %get3A_180 : i32 to index
    %get3A_183 = arith.constant 112 : index
    %get3A_184 = tpu.vector_load %arg9[%get3A_181, %get3A_182, %get3A_183] {strides = array<i32>} : memref<2x2x128xi32, #tpu.memory_space<vmem>>, vector<16xi32>,
    %swap3A_185 = arith.constant 0 : i32
    %swap3A_186 = arith.index_cast %swap3A_185 : i32 to index
    %swap3A_187 = arith.constant 112 : index
    %swap3A_188 = tpu.vector_load %arg11[%swap3A_186, %swap3A_187] {strides = array<i32>} : memref<2x128xi32, #tpu.memory_space<vmem>>, vector<16xi32>,
    tpu.vector_store %arg11[%swap3A_186, %swap3A_187], %get3A_184 {strides = array<i32>} : memref<2x128xi32, #tpu.memory_space<vmem>>, vector<16xi32>,
    %dma_start3A_189 = arith.constant 0 : i32
    %dma_start3A_190 = arith.constant 0 : i32
    %dma_start3A_191 = arith.constant 0 : i32
    %dma_start3A_192 = arith.constant 0 : i32
    %dma_start3A_193 = tpu.memref_slice %arg12[%dma_start3A_190, %dma_start3A_191, %dma_start3A_192] : memref<2x128x128xf32, #tpu.memory_space<vmem>> -> memref<1x128x128xf32, #tpu.memory_space<vmem>>
    %dma_start3A_194 = tpu.memref_squeeze %dma_start3A_193 : memref<1x128x128xf32, #tpu.memory_space<vmem>> -> memref<128x128xf32, #tpu.memory_space<vmem>>
    %dma_start3A_195 = arith.constant 0 : i32
    %dma_start3A_196 = tpu.memref_slice %arg11[%dma_start3A_189, %dma_start3A_195] : memref<2x128xi32, #tpu.memory_space<vmem>> -> memref<1x128xi32, #tpu.memory_space<vmem>>
    %dma_start3A_197 = tpu.memref_squeeze %dma_start3A_196 : memref<1x128xi32, #tpu.memory_space<vmem>> -> memref<128xi32, #tpu.memory_space<vmem>>
    %dma_start3A_198 = arith.constant 0 : i32
    %dma_start3A_199 = arith.constant 0 : i32
    %dma_start3A_200 = tpu.memref_slice %arg3[%dma_start3A_198, %dma_start3A_199] : memref<10016x128xf32, #tpu.memory_space<hbm>> -> memref<10016x128xf32, #tpu.memory_space<hbm>>
    tpu.enqueue_indirect_dma source(%dma_start3A_200 : memref<10016x128xf32, #tpu.memory_space<hbm>>) target(%dma_start3A_194 : memref<128x128xf32, #tpu.memory_space<vmem>>) offsets(%dma_start3A_197 : memref<128xi32, #tpu.memory_space<vmem>>) semaphore(%arg17 : memref<!tpu.dma_semaphore, #tpu.memory_space<semaphore_mem>>)
    %dma_start3A_201 = arith.constant 0 : i32
    %dma_start3A_202 = arith.constant 0 : i32
    %dma_start3A_203 = arith.constant 0 : i32
    %dma_start3A_204 = arith.constant 0 : i32
    %dma_start3A_205 = tpu.memref_slice %arg13[%dma_start3A_202, %dma_start3A_203, %dma_start3A_204] : memref<2x128x128xf32, #tpu.memory_space<vmem>> -> memref<1x128x128xf32, #tpu.memory_space<vmem>>
    %dma_start3A_206 = tpu.memref_squeeze %dma_start3A_205 : memref<1x128x128xf32, #tpu.memory_space<vmem>> -> memref<128x128xf32, #tpu.memory_space<vmem>>
    %dma_start3A_207 = arith.constant 0 : i32
    %dma_start3A_208 = tpu.memref_slice %arg10[%dma_start3A_201, %dma_start3A_207] : memref<2x128xi32, #tpu.memory_space<vmem>> -> memref<1x128xi32, #tpu.memory_space<vmem>>
    %dma_start3A_209 = tpu.memref_squeeze %dma_start3A_208 : memref<1x128xi32, #tpu.memory_space<vmem>> -> memref<128xi32, #tpu.memory_space<vmem>>
    %dma_start3A_210 = arith.constant 0 : i32
    %dma_start3A_211 = arith.constant 0 : i32
    %dma_start3A_212 = tpu.memref_slice %arg4[%dma_start3A_210, %dma_start3A_211] : memref<10016x128xf32, #tpu.memory_space<hbm>> -> memref<10016x128xf32, #tpu.memory_space<hbm>>
    tpu.enqueue_indirect_dma source(%dma_start3A_212 : memref<10016x128xf32, #tpu.memory_space<hbm>>) target(%dma_start3A_206 : memref<128x128xf32, #tpu.memory_space<vmem>>) offsets(%dma_start3A_209 : memref<128xi32, #tpu.memory_space<vmem>>) semaphore(%arg19 : memref<!tpu.dma_semaphore, #tpu.memory_space<semaphore_mem>>)
    %dma_start3A_213 = arith.constant 0 : i32
    %dma_start3A_214 = arith.constant 0 : i32
    %dma_start3A_215 = arith.constant 0 : i32
    %dma_start3A_216 = arith.constant 0 : i32
    %dma_start3A_217 = tpu.memref_slice %arg14[%dma_start3A_214, %dma_start3A_215, %dma_start3A_216] : memref<2x128x128xf32, #tpu.memory_space<vmem>> -> memref<1x128x128xf32, #tpu.memory_space<vmem>>
    %dma_start3A_218 = tpu.memref_squeeze %dma_start3A_217 : memref<1x128x128xf32, #tpu.memory_space<vmem>> -> memref<128x128xf32, #tpu.memory_space<vmem>>
    %dma_start3A_219 = arith.constant 0 : i32
    %dma_start3A_220 = tpu.memref_slice %arg10[%dma_start3A_213, %dma_start3A_219] : memref<2x128xi32, #tpu.memory_space<vmem>> -> memref<1x128xi32, #tpu.memory_space<vmem>>
    %dma_start3A_221 = tpu.memref_squeeze %dma_start3A_220 : memref<1x128xi32, #tpu.memory_space<vmem>> -> memref<128xi32, #tpu.memory_space<vmem>>
    %dma_start3A_222 = arith.constant 0 : i32
    %dma_start3A_223 = arith.constant 0 : i32
    %dma_start3A_224 = tpu.memref_slice %arg5[%dma_start3A_222, %dma_start3A_223] : memref<10016x128xf32, #tpu.memory_space<hbm>> -> memref<10016x128xf32, #tpu.memory_space<hbm>>
    tpu.enqueue_indirect_dma source(%dma_start3A_224 : memref<10016x128xf32, #tpu.memory_space<hbm>>) target(%dma_start3A_218 : memref<128x128xf32, #tpu.memory_space<vmem>>) offsets(%dma_start3A_221 : memref<128xi32, #tpu.memory_space<vmem>>) semaphore(%arg21 : memref<!tpu.dma_semaphore, #tpu.memory_space<semaphore_mem>>)
    %add3A_225 = arith.constant 1 : i32
    %add3A_226 = arith.addi %mul3A_2, %add3A_225 : i32
    %mul3A_227 = arith.constant 2 : i32
    %mul3A_228 = arith.muli %mul3A_227, %add3A_226 : i32
    %dma_start3A_229 = arith.constant 1 : i32
    %dma_start3A_230 = arith.constant 0 : i32
    %dma_start3A_231 = arith.constant 0 : i32
    %dma_start3A_232 = tpu.memref_slice %arg9[%dma_start3A_229, %dma_start3A_230, %dma_start3A_231] : memref<2x2x128xi32, #tpu.memory_space<vmem>> -> memref<1x2x128xi32, #tpu.memory_space<vmem>>
    %dma_start3A_233 = tpu.memref_squeeze %dma_start3A_232 : memref<1x2x128xi32, #tpu.memory_space<vmem>> -> memref<2x128xi32, #tpu.memory_space<vmem>>
    %dma_start3A_234 = arith.constant 0 : i32
    %dma_start3A_235 = tpu.memref_slice %arg2[%mul3A_228, %dma_start3A_234] : memref<5124x128xi32, #tpu.memory_space<hbm>> -> memref<2x128xi32, #tpu.memory_space<hbm>>
    %dma_start3A_236 = arith.constant 0 : i32
    %dma_start3A_237 = arith.constant 0 : i32
    %dma_start3A_238 = tpu.memref_slice %arg9[%dma_start3A_229, %dma_start3A_236, %dma_start3A_237] : memref<2x2x128xi32, #tpu.memory_space<vmem>> -> memref<1x2x128xi32, #tpu.memory_space<vmem>>
    %dma_start3A_239 = tpu.memref_squeeze %dma_start3A_238 : memref<1x2x128xi32, #tpu.memory_space<vmem>> -> memref<2x128xi32, #tpu.memory_space<vmem>>
    %dma_start3A_240 = arith.constant 0 : i32
    %dma_start3A_241 = tpu.memref_slice %arg2[%mul3A_228, %dma_start3A_240] : memref<5124x128xi32, #tpu.memory_space<hbm>> -> memref<2x128xi32, #tpu.memory_space<hbm>>
    tpu.enqueue_dma source(%dma_start3A_241 : memref<2x128xi32, #tpu.memory_space<hbm>>) target(%dma_start3A_239 : memref<2x128xi32, #tpu.memory_space<vmem>>) target_semaphore(%arg16 : memref<!tpu.dma_semaphore, #tpu.memory_space<semaphore_mem>>)
    %scan3A = arith.constant 0 : i32
    %scan3A_242 = arith.constant 40 : i32
    %scan3A_243 = arith.addi %scan3A, %scan3A_242 : i32
    %scan3A_244 = arith.constant 1 : i32
    scf.for %scan3A_297 = %scan3A to %scan3A_243 step %scan3A_244  : i32 {
      %mul3A_298 = arith.constant 2 : i32
      %mul3A_299 = arith.muli %scan3A_297, %mul3A_298 : i32
      %add3A_300 = arith.constant 0 : i32
      %add3A_301 = arith.addi %add3A_300, %mul3A_299 : i32
      %dma_wait3A_302 = arith.constant 1 : i32
      %dma_wait3A_303 = arith.constant 0 : i32
      %dma_wait3A_304 = arith.constant 0 : i32
      %dma_wait3A_305 = tpu.memref_slice %arg9[%dma_wait3A_302, %dma_wait3A_303, %dma_wait3A_304] : memref<2x2x128xi32, #tpu.memory_space<vmem>> -> memref<1x2x128xi32, #tpu.memory_space<vmem>>
      %dma_wait3A_306 = tpu.memref_squeeze %dma_wait3A_305 : memref<1x2x128xi32, #tpu.memory_space<vmem>> -> memref<2x128xi32, #tpu.memory_space<vmem>>
      %dma_wait3A_307 = arith.constant 0 : i32
      %dma_wait3A_308 = arith.constant 0 : i32
      %dma_wait3A_309 = tpu.memref_slice %arg2[%dma_wait3A_307, %dma_wait3A_308] : memref<5124x128xi32, #tpu.memory_space<hbm>> -> memref<2x128xi32, #tpu.memory_space<hbm>>
      %dma_wait3A_310 = arith.constant 0 : i32
      %dma_wait3A_311 = arith.constant 0 : i32
      %dma_wait3A_312 = tpu.memref_slice %arg9[%dma_wait3A_302, %dma_wait3A_310, %dma_wait3A_311] : memref<2x2x128xi32, #tpu.memory_space<vmem>> -> memref<1x2x128xi32, #tpu.memory_space<vmem>>
      %dma_wait3A_313 = tpu.memref_squeeze %dma_wait3A_312 : memref<1x2x128xi32, #tpu.memory_space<vmem>> -> memref<2x128xi32, #tpu.memory_space<vmem>>
      %dma_wait3A_314 = arith.constant 0 : i32
      %dma_wait3A_315 = arith.constant 0 : i32
      %dma_wait3A_316 = tpu.memref_slice %arg2[%dma_wait3A_314, %dma_wait3A_315] : memref<5124x128xi32, #tpu.memory_space<hbm>> -> memref<2x128xi32, #tpu.memory_space<hbm>>
      tpu.wait_dma2 semaphore(%arg16 : memref<!tpu.dma_semaphore, #tpu.memory_space<semaphore_mem>>) src(%dma_wait3A_316 : memref<2x128xi32, #tpu.memory_space<hbm>>) dst(%dma_wait3A_313 : memref<2x128xi32, #tpu.memory_space<vmem>>)
      %get3A_317 = arith.constant 1 : i32
      %get3A_318 = arith.constant 0 : i32
      %get3A_319 = arith.index_cast %get3A_317 : i32 to index
      %get3A_320 = arith.index_cast %get3A_318 : i32 to index
      %get3A_321 = arith.constant 0 : index
      %get3A_322 = tpu.vector_load %arg9[%get3A_319, %get3A_320, %get3A_321] {strides = array<i32>} : memref<2x2x128xi32, #tpu.memory_space<vmem>>, vector<16xi32>,
      %swap3A_323 = arith.constant 1 : i32
      %swap3A_324 = arith.index_cast %swap3A_323 : i32 to index
      %swap3A_325 = arith.constant 0 : index
      %swap3A_326 = tpu.vector_load %arg10[%swap3A_324, %swap3A_325] {strides = array<i32>} : memref<2x128xi32, #tpu.memory_space<vmem>>, vector<16xi32>,
      tpu.vector_store %arg10[%swap3A_324, %swap3A_325], %get3A_322 {strides = array<i32>} : memref<2x128xi32, #tpu.memory_space<vmem>>, vector<16xi32>,
      %get3A_327 = arith.constant 1 : i32
      %get3A_328 = arith.constant 1 : i32
      %get3A_329 = arith.index_cast %get3A_327 : i32 to index
      %get3A_330 = arith.index_cast %get3A_328 : i32 to index
      %get3A_331 = arith.constant 0 : index
      %get3A_332 = tpu.vector_load %arg9[%get3A_329, %get3A_330, %get3A_331] {strides = array<i32>} : memref<2x2x128xi32, #tpu.memory_space<vmem>>, vector<16xi32>,
      %swap3A_333 = arith.constant 1 : i32
      %swap3A_334 = arith.index_cast %swap3A_333 : i32 to index
      %swap3A_335 = arith.constant 0 : index
      %swap3A_336 = tpu.vector_load %arg11[%swap3A_334, %swap3A_335] {strides = array<i32>} : memref<2x128xi32, #tpu.memory_space<vmem>>, vector<16xi32>,
      tpu.vector_store %arg11[%swap3A_334, %swap3A_335], %get3A_332 {strides = array<i32>} : memref<2x128xi32, #tpu.memory_space<vmem>>, vector<16xi32>,
      %get3A_337 = arith.constant 1 : i32
      %get3A_338 = arith.constant 0 : i32
      %get3A_339 = arith.index_cast %get3A_337 : i32 to index
      %get3A_340 = arith.index_cast %get3A_338 : i32 to index
      %get3A_341 = arith.constant 16 : index
      %get3A_342 = tpu.vector_load %arg9[%get3A_339, %get3A_340, %get3A_341] {strides = array<i32>} : memref<2x2x128xi32, #tpu.memory_space<vmem>>, vector<16xi32>,
      %swap3A_343 = arith.constant 1 : i32
      %swap3A_344 = arith.index_cast %swap3A_343 : i32 to index
      %swap3A_345 = arith.constant 16 : index
      %swap3A_346 = tpu.vector_load %arg10[%swap3A_344, %swap3A_345] {strides = array<i32>} : memref<2x128xi32, #tpu.memory_space<vmem>>, vector<16xi32>,
      tpu.vector_store %arg10[%swap3A_344, %swap3A_345], %get3A_342 {strides = array<i32>} : memref<2x128xi32, #tpu.memory_space<vmem>>, vector<16xi32>,
      %get3A_347 = arith.constant 1 : i32
      %get3A_348 = arith.constant 1 : i32
      %get3A_349 = arith.index_cast %get3A_347 : i32 to index
      %get3A_350 = arith.index_cast %get3A_348 : i32 to index
      %get3A_351 = arith.constant 16 : index
      %get3A_352 = tpu.vector_load %arg9[%get3A_349, %get3A_350, %get3A_351] {strides = array<i32>} : memref<2x2x128xi32, #tpu.memory_space<vmem>>, vector<16xi32>,
      %swap3A_353 = arith.constant 1 : i32
      %swap3A_354 = arith.index_cast %swap3A_353 : i32 to index
      %swap3A_355 = arith.constant 16 : index
      %swap3A_356 = tpu.vector_load %arg11[%swap3A_354, %swap3A_355] {strides = array<i32>} : memref<2x128xi32, #tpu.memory_space<vmem>>, vector<16xi32>,
      tpu.vector_store %arg11[%swap3A_354, %swap3A_355], %get3A_352 {strides = array<i32>} : memref<2x128xi32, #tpu.memory_space<vmem>>, vector<16xi32>,
      %get3A_357 = arith.constant 1 : i32
      %get3A_358 = arith.constant 0 : i32
      %get3A_359 = arith.index_cast %get3A_357 : i32 to index
      %get3A_360 = arith.index_cast %get3A_358 : i32 to index
      %get3A_361 = arith.constant 32 : index
      %get3A_362 = tpu.vector_load %arg9[%get3A_359, %get3A_360, %get3A_361] {strides = array<i32>} : memref<2x2x128xi32, #tpu.memory_space<vmem>>, vector<16xi32>,
      %swap3A_363 = arith.constant 1 : i32
      %swap3A_364 = arith.index_cast %swap3A_363 : i32 to index
      %swap3A_365 = arith.constant 32 : index
      %swap3A_366 = tpu.vector_load %arg10[%swap3A_364, %swap3A_365] {strides = array<i32>} : memref<2x128xi32, #tpu.memory_space<vmem>>, vector<16xi32>,
      tpu.vector_store %arg10[%swap3A_364, %swap3A_365], %get3A_362 {strides = array<i32>} : memref<2x128xi32, #tpu.memory_space<vmem>>, vector<16xi32>,
      %get3A_367 = arith.constant 1 : i32
      %get3A_368 = arith.constant 1 : i32
      %get3A_369 = arith.index_cast %get3A_367 : i32 to index
      %get3A_370 = arith.index_cast %get3A_368 : i32 to index
      %get3A_371 = arith.constant 32 : index
      %get3A_372 = tpu.vector_load %arg9[%get3A_369, %get3A_370, %get3A_371] {strides = array<i32>} : memref<2x2x128xi32, #tpu.memory_space<vmem>>, vector<16xi32>,
      %swap3A_373 = arith.constant 1 : i32
      %swap3A_374 = arith.index_cast %swap3A_373 : i32 to index
      %swap3A_375 = arith.constant 32 : index
      %swap3A_376 = tpu.vector_load %arg11[%swap3A_374, %swap3A_375] {strides = array<i32>} : memref<2x128xi32, #tpu.memory_space<vmem>>, vector<16xi32>,
      tpu.vector_store %arg11[%swap3A_374, %swap3A_375], %get3A_372 {strides = array<i32>} : memref<2x128xi32, #tpu.memory_space<vmem>>, vector<16xi32>,
      %get3A_377 = arith.constant 1 : i32
      %get3A_378 = arith.constant 0 : i32
      %get3A_379 = arith.index_cast %get3A_377 : i32 to index
      %get3A_380 = arith.index_cast %get3A_378 : i32 to index
      %get3A_381 = arith.constant 48 : index
      %get3A_382 = tpu.vector_load %arg9[%get3A_379, %get3A_380, %get3A_381] {strides = array<i32>} : memref<2x2x128xi32, #tpu.memory_space<vmem>>, vector<16xi32>,
      %swap3A_383 = arith.constant 1 : i32
      %swap3A_384 = arith.index_cast %swap3A_383 : i32 to index
      %swap3A_385 = arith.constant 48 : index
      %swap3A_386 = tpu.vector_load %arg10[%swap3A_384, %swap3A_385] {strides = array<i32>} : memref<2x128xi32, #tpu.memory_space<vmem>>, vector<16xi32>,
      tpu.vector_store %arg10[%swap3A_384, %swap3A_385], %get3A_382 {strides = array<i32>} : memref<2x128xi32, #tpu.memory_space<vmem>>, vector<16xi32>,
      %get3A_387 = arith.constant 1 : i32
      %get3A_388 = arith.constant 1 : i32
      %get3A_389 = arith.index_cast %get3A_387 : i32 to index
      %get3A_390 = arith.index_cast %get3A_388 : i32 to index
      %get3A_391 = arith.constant 48 : index
      %get3A_392 = tpu.vector_load %arg9[%get3A_389, %get3A_390, %get3A_391] {strides = array<i32>} : memref<2x2x128xi32, #tpu.memory_space<vmem>>, vector<16xi32>,
      %swap3A_393 = arith.constant 1 : i32
      %swap3A_394 = arith.index_cast %swap3A_393 : i32 to index
      %swap3A_395 = arith.constant 48 : index
      %swap3A_396 = tpu.vector_load %arg11[%swap3A_394, %swap3A_395] {strides = array<i32>} : memref<2x128xi32, #tpu.memory_space<vmem>>, vector<16xi32>,
      tpu.vector_store %arg11[%swap3A_394, %swap3A_395], %get3A_392 {strides = array<i32>} : memref<2x128xi32, #tpu.memory_space<vmem>>, vector<16xi32>,
      %get3A_397 = arith.constant 1 : i32
      %get3A_398 = arith.constant 0 : i32
      %get3A_399 = arith.index_cast %get3A_397 : i32 to index
      %get3A_400 = arith.index_cast %get3A_398 : i32 to index
      %get3A_401 = arith.constant 64 : index
      %get3A_402 = tpu.vector_load %arg9[%get3A_399, %get3A_400, %get3A_401] {strides = array<i32>} : memref<2x2x128xi32, #tpu.memory_space<vmem>>, vector<16xi32>,
      %swap3A_403 = arith.constant 1 : i32
      %swap3A_404 = arith.index_cast %swap3A_403 : i32 to index
      %swap3A_405 = arith.constant 64 : index
      %swap3A_406 = tpu.vector_load %arg10[%swap3A_404, %swap3A_405] {strides = array<i32>} : memref<2x128xi32, #tpu.memory_space<vmem>>, vector<16xi32>,
      tpu.vector_store %arg10[%swap3A_404, %swap3A_405], %get3A_402 {strides = array<i32>} : memref<2x128xi32, #tpu.memory_space<vmem>>, vector<16xi32>,
      %get3A_407 = arith.constant 1 : i32
      %get3A_408 = arith.constant 1 : i32
      %get3A_409 = arith.index_cast %get3A_407 : i32 to index
      %get3A_410 = arith.index_cast %get3A_408 : i32 to index
      %get3A_411 = arith.constant 64 : index
      %get3A_412 = tpu.vector_load %arg9[%get3A_409, %get3A_410, %get3A_411] {strides = array<i32>} : memref<2x2x128xi32, #tpu.memory_space<vmem>>, vector<16xi32>,
      %swap3A_413 = arith.constant 1 : i32
      %swap3A_414 = arith.index_cast %swap3A_413 : i32 to index
      %swap3A_415 = arith.constant 64 : index
      %swap3A_416 = tpu.vector_load %arg11[%swap3A_414, %swap3A_415] {strides = array<i32>} : memref<2x128xi32, #tpu.memory_space<vmem>>, vector<16xi32>,
      tpu.vector_store %arg11[%swap3A_414, %swap3A_415], %get3A_412 {strides = array<i32>} : memref<2x128xi32, #tpu.memory_space<vmem>>, vector<16xi32>,
      %get3A_417 = arith.constant 1 : i32
      %get3A_418 = arith.constant 0 : i32
      %get3A_419 = arith.index_cast %get3A_417 : i32 to index
      %get3A_420 = arith.index_cast %get3A_418 : i32 to index
      %get3A_421 = arith.constant 80 : index
      %get3A_422 = tpu.vector_load %arg9[%get3A_419, %get3A_420, %get3A_421] {strides = array<i32>} : memref<2x2x128xi32, #tpu.memory_space<vmem>>, vector<16xi32>,
      %swap3A_423 = arith.constant 1 : i32
      %swap3A_424 = arith.index_cast %swap3A_423 : i32 to index
      %swap3A_425 = arith.constant 80 : index
      %swap3A_426 = tpu.vector_load %arg10[%swap3A_424, %swap3A_425] {strides = array<i32>} : memref<2x128xi32, #tpu.memory_space<vmem>>, vector<16xi32>,
      tpu.vector_store %arg10[%swap3A_424, %swap3A_425], %get3A_422 {strides = array<i32>} : memref<2x128xi32, #tpu.memory_space<vmem>>, vector<16xi32>,
      %get3A_427 = arith.constant 1 : i32
      %get3A_428 = arith.constant 1 : i32
      %get3A_429 = arith.index_cast %get3A_427 : i32 to index
      %get3A_430 = arith.index_cast %get3A_428 : i32 to index
      %get3A_431 = arith.constant 80 : index
      %get3A_432 = tpu.vector_load %arg9[%get3A_429, %get3A_430, %get3A_431] {strides = array<i32>} : memref<2x2x128xi32, #tpu.memory_space<vmem>>, vector<16xi32>,
      %swap3A_433 = arith.constant 1 : i32
      %swap3A_434 = arith.index_cast %swap3A_433 : i32 to index
      %swap3A_435 = arith.constant 80 : index
      %swap3A_436 = tpu.vector_load %arg11[%swap3A_434, %swap3A_435] {strides = array<i32>} : memref<2x128xi32, #tpu.memory_space<vmem>>, vector<16xi32>,
      tpu.vector_store %arg11[%swap3A_434, %swap3A_435], %get3A_432 {strides = array<i32>} : memref<2x128xi32, #tpu.memory_space<vmem>>, vector<16xi32>,
      %get3A_437 = arith.constant 1 : i32
      %get3A_438 = arith.constant 0 : i32
      %get3A_439 = arith.index_cast %get3A_437 : i32 to index
      %get3A_440 = arith.index_cast %get3A_438 : i32 to index
      %get3A_441 = arith.constant 96 : index
      %get3A_442 = tpu.vector_load %arg9[%get3A_439, %get3A_440, %get3A_441] {strides = array<i32>} : memref<2x2x128xi32, #tpu.memory_space<vmem>>, vector<16xi32>,
      %swap3A_443 = arith.constant 1 : i32
      %swap3A_444 = arith.index_cast %swap3A_443 : i32 to index
      %swap3A_445 = arith.constant 96 : index
      %swap3A_446 = tpu.vector_load %arg10[%swap3A_444, %swap3A_445] {strides = array<i32>} : memref<2x128xi32, #tpu.memory_space<vmem>>, vector<16xi32>,
      tpu.vector_store %arg10[%swap3A_444, %swap3A_445], %get3A_442 {strides = array<i32>} : memref<2x128xi32, #tpu.memory_space<vmem>>, vector<16xi32>,
      %get3A_447 = arith.constant 1 : i32
      %get3A_448 = arith.constant 1 : i32
      %get3A_449 = arith.index_cast %get3A_447 : i32 to index
      %get3A_450 = arith.index_cast %get3A_448 : i32 to index
      %get3A_451 = arith.constant 96 : index
      %get3A_452 = tpu.vector_load %arg9[%get3A_449, %get3A_450, %get3A_451] {strides = array<i32>} : memref<2x2x128xi32, #tpu.memory_space<vmem>>, vector<16xi32>,
      %swap3A_453 = arith.constant 1 : i32
      %swap3A_454 = arith.index_cast %swap3A_453 : i32 to index
      %swap3A_455 = arith.constant 96 : index
      %swap3A_456 = tpu.vector_load %arg11[%swap3A_454, %swap3A_455] {strides = array<i32>} : memref<2x128xi32, #tpu.memory_space<vmem>>, vector<16xi32>,
      tpu.vector_store %arg11[%swap3A_454, %swap3A_455], %get3A_452 {strides = array<i32>} : memref<2x128xi32, #tpu.memory_space<vmem>>, vector<16xi32>,
      %get3A_457 = arith.constant 1 : i32
      %get3A_458 = arith.constant 0 : i32
      %get3A_459 = arith.index_cast %get3A_457 : i32 to index
      %get3A_460 = arith.index_cast %get3A_458 : i32 to index
      %get3A_461 = arith.constant 112 : index
      %get3A_462 = tpu.vector_load %arg9[%get3A_459, %get3A_460, %get3A_461] {strides = array<i32>} : memref<2x2x128xi32, #tpu.memory_space<vmem>>, vector<16xi32>,
      %swap3A_463 = arith.constant 1 : i32
      %swap3A_464 = arith.index_cast %swap3A_463 : i32 to index
      %swap3A_465 = arith.constant 112 : index
      %swap3A_466 = tpu.vector_load %arg10[%swap3A_464, %swap3A_465] {strides = array<i32>} : memref<2x128xi32, #tpu.memory_space<vmem>>, vector<16xi32>,
      tpu.vector_store %arg10[%swap3A_464, %swap3A_465], %get3A_462 {strides = array<i32>} : memref<2x128xi32, #tpu.memory_space<vmem>>, vector<16xi32>,
      %get3A_467 = arith.constant 1 : i32
      %get3A_468 = arith.constant 1 : i32
      %get3A_469 = arith.index_cast %get3A_467 : i32 to index
      %get3A_470 = arith.index_cast %get3A_468 : i32 to index
      %get3A_471 = arith.constant 112 : index
      %get3A_472 = tpu.vector_load %arg9[%get3A_469, %get3A_470, %get3A_471] {strides = array<i32>} : memref<2x2x128xi32, #tpu.memory_space<vmem>>, vector<16xi32>,
      %swap3A_473 = arith.constant 1 : i32
      %swap3A_474 = arith.index_cast %swap3A_473 : i32 to index
      %swap3A_475 = arith.constant 112 : index
      %swap3A_476 = tpu.vector_load %arg11[%swap3A_474, %swap3A_475] {strides = array<i32>} : memref<2x128xi32, #tpu.memory_space<vmem>>, vector<16xi32>,
      tpu.vector_store %arg11[%swap3A_474, %swap3A_475], %get3A_472 {strides = array<i32>} : memref<2x128xi32, #tpu.memory_space<vmem>>, vector<16xi32>,
      %dma_start3A_477 = arith.constant 1 : i32
      %dma_start3A_478 = arith.constant 1 : i32
      %dma_start3A_479 = arith.constant 0 : i32
      %dma_start3A_480 = arith.constant 0 : i32
      %dma_start3A_481 = tpu.memref_slice %arg12[%dma_start3A_478, %dma_start3A_479, %dma_start3A_480] : memref<2x128x128xf32, #tpu.memory_space<vmem>> -> memref<1x128x128xf32, #tpu.memory_space<vmem>>
      %dma_start3A_482 = tpu.memref_squeeze %dma_start3A_481 : memref<1x128x128xf32, #tpu.memory_space<vmem>> -> memref<128x128xf32, #tpu.memory_space<vmem>>
      %dma_start3A_483 = arith.constant 0 : i32
      %dma_start3A_484 = tpu.memref_slice %arg11[%dma_start3A_477, %dma_start3A_483] : memref<2x128xi32, #tpu.memory_space<vmem>> -> memref<1x128xi32, #tpu.memory_space<vmem>>
      %dma_start3A_485 = tpu.memref_squeeze %dma_start3A_484 : memref<1x128xi32, #tpu.memory_space<vmem>> -> memref<128xi32, #tpu.memory_space<vmem>>
      %dma_start3A_486 = arith.constant 0 : i32
      %dma_start3A_487 = arith.constant 0 : i32
      %dma_start3A_488 = tpu.memref_slice %arg3[%dma_start3A_486, %dma_start3A_487] : memref<10016x128xf32, #tpu.memory_space<hbm>> -> memref<10016x128xf32, #tpu.memory_space<hbm>>
      tpu.enqueue_indirect_dma source(%dma_start3A_488 : memref<10016x128xf32, #tpu.memory_space<hbm>>) target(%dma_start3A_482 : memref<128x128xf32, #tpu.memory_space<vmem>>) offsets(%dma_start3A_485 : memref<128xi32, #tpu.memory_space<vmem>>) semaphore(%arg18 : memref<!tpu.dma_semaphore, #tpu.memory_space<semaphore_mem>>)
      %dma_start3A_489 = arith.constant 1 : i32
      %dma_start3A_490 = arith.constant 1 : i32
      %dma_start3A_491 = arith.constant 0 : i32
      %dma_start3A_492 = arith.constant 0 : i32
      %dma_start3A_493 = tpu.memref_slice %arg13[%dma_start3A_490, %dma_start3A_491, %dma_start3A_492] : memref<2x128x128xf32, #tpu.memory_space<vmem>> -> memref<1x128x128xf32, #tpu.memory_space<vmem>>
      %dma_start3A_494 = tpu.memref_squeeze %dma_start3A_493 : memref<1x128x128xf32, #tpu.memory_space<vmem>> -> memref<128x128xf32, #tpu.memory_space<vmem>>
      %dma_start3A_495 = arith.constant 0 : i32
      %dma_start3A_496 = tpu.memref_slice %arg10[%dma_start3A_489, %dma_start3A_495] : memref<2x128xi32, #tpu.memory_space<vmem>> -> memref<1x128xi32, #tpu.memory_space<vmem>>
      %dma_start3A_497 = tpu.memref_squeeze %dma_start3A_496 : memref<1x128xi32, #tpu.memory_space<vmem>> -> memref<128xi32, #tpu.memory_space<vmem>>
      %dma_start3A_498 = arith.constant 0 : i32
      %dma_start3A_499 = arith.constant 0 : i32
      %dma_start3A_500 = tpu.memref_slice %arg4[%dma_start3A_498, %dma_start3A_499] : memref<10016x128xf32, #tpu.memory_space<hbm>> -> memref<10016x128xf32, #tpu.memory_space<hbm>>
      tpu.enqueue_indirect_dma source(%dma_start3A_500 : memref<10016x128xf32, #tpu.memory_space<hbm>>) target(%dma_start3A_494 : memref<128x128xf32, #tpu.memory_space<vmem>>) offsets(%dma_start3A_497 : memref<128xi32, #tpu.memory_space<vmem>>) semaphore(%arg20 : memref<!tpu.dma_semaphore, #tpu.memory_space<semaphore_mem>>)
      %dma_start3A_501 = arith.constant 1 : i32
      %dma_start3A_502 = arith.constant 1 : i32
      %dma_start3A_503 = arith.constant 0 : i32
      %dma_start3A_504 = arith.constant 0 : i32
      %dma_start3A_505 = tpu.memref_slice %arg14[%dma_start3A_502, %dma_start3A_503, %dma_start3A_504] : memref<2x128x128xf32, #tpu.memory_space<vmem>> -> memref<1x128x128xf32, #tpu.memory_space<vmem>>
      %dma_start3A_506 = tpu.memref_squeeze %dma_start3A_505 : memref<1x128x128xf32, #tpu.memory_space<vmem>> -> memref<128x128xf32, #tpu.memory_space<vmem>>
      %dma_start3A_507 = arith.constant 0 : i32
      %dma_start3A_508 = tpu.memref_slice %arg10[%dma_start3A_501, %dma_start3A_507] : memref<2x128xi32, #tpu.memory_space<vmem>> -> memref<1x128xi32, #tpu.memory_space<vmem>>
      %dma_start3A_509 = tpu.memref_squeeze %dma_start3A_508 : memref<1x128xi32, #tpu.memory_space<vmem>> -> memref<128xi32, #tpu.memory_space<vmem>>
      %dma_start3A_510 = arith.constant 0 : i32
      %dma_start3A_511 = arith.constant 0 : i32
      %dma_start3A_512 = tpu.memref_slice %arg5[%dma_start3A_510, %dma_start3A_511] : memref<10016x128xf32, #tpu.memory_space<hbm>> -> memref<10016x128xf32, #tpu.memory_space<hbm>>
      tpu.enqueue_indirect_dma source(%dma_start3A_512 : memref<10016x128xf32, #tpu.memory_space<hbm>>) target(%dma_start3A_506 : memref<128x128xf32, #tpu.memory_space<vmem>>) offsets(%dma_start3A_509 : memref<128xi32, #tpu.memory_space<vmem>>) semaphore(%arg22 : memref<!tpu.dma_semaphore, #tpu.memory_space<semaphore_mem>>)
      %add3A_513 = arith.constant 0 : i32
      %add3A_514 = arith.addi %add3A_301, %add3A_513 : i32
      %add3A_515 = arith.constant 2 : i32
      %add3A_516 = arith.addi %add3A_514, %add3A_515 : i32
      %add3A_517 = arith.addi %mul3A_2, %add3A_516 : i32
      %mul3A_518 = arith.constant 2 : i32
      %mul3A_519 = arith.muli %mul3A_518, %add3A_517 : i32
      %dma_start3A_520 = arith.constant 0 : i32
      %dma_start3A_521 = arith.constant 0 : i32
      %dma_start3A_522 = arith.constant 0 : i32
      %dma_start3A_523 = tpu.memref_slice %arg9[%dma_start3A_520, %dma_start3A_521, %dma_start3A_522] : memref<2x2x128xi32, #tpu.memory_space<vmem>> -> memref<1x2x128xi32, #tpu.memory_space<vmem>>
      %dma_start3A_524 = tpu.memref_squeeze %dma_start3A_523 : memref<1x2x128xi32, #tpu.memory_space<vmem>> -> memref<2x128xi32, #tpu.memory_space<vmem>>
      %dma_start3A_525 = arith.constant 0 : i32
      %dma_start3A_526 = tpu.memref_slice %arg2[%mul3A_519, %dma_start3A_525] : memref<5124x128xi32, #tpu.memory_space<hbm>> -> memref<2x128xi32, #tpu.memory_space<hbm>>
      %dma_start3A_527 = arith.constant 0 : i32
      %dma_start3A_528 = arith.constant 0 : i32
      %dma_start3A_529 = tpu.memref_slice %arg9[%dma_start3A_520, %dma_start3A_527, %dma_start3A_528] : memref<2x2x128xi32, #tpu.memory_space<vmem>> -> memref<1x2x128xi32, #tpu.memory_space<vmem>>
      %dma_start3A_530 = tpu.memref_squeeze %dma_start3A_529 : memref<1x2x128xi32, #tpu.memory_space<vmem>> -> memref<2x128xi32, #tpu.memory_space<vmem>>
      %dma_start3A_531 = arith.constant 0 : i32
      %dma_start3A_532 = tpu.memref_slice %arg2[%mul3A_519, %dma_start3A_531] : memref<5124x128xi32, #tpu.memory_space<hbm>> -> memref<2x128xi32, #tpu.memory_space<hbm>>
      tpu.enqueue_dma source(%dma_start3A_532 : memref<2x128xi32, #tpu.memory_space<hbm>>) target(%dma_start3A_530 : memref<2x128xi32, #tpu.memory_space<vmem>>) target_semaphore(%arg15 : memref<!tpu.dma_semaphore, #tpu.memory_space<semaphore_mem>>)
      %dma_wait3A_533 = arith.constant 0 : i32
      %dma_wait3A_534 = arith.constant 0 : i32
      %dma_wait3A_535 = arith.constant 0 : i32
      %dma_wait3A_536 = arith.constant 0 : i32
      %dma_wait3A_537 = tpu.memref_slice %arg12[%dma_wait3A_534, %dma_wait3A_535, %dma_wait3A_536] : memref<2x128x128xf32, #tpu.memory_space<vmem>> -> memref<1x128x128xf32, #tpu.memory_space<vmem>>
      %dma_wait3A_538 = tpu.memref_squeeze %dma_wait3A_537 : memref<1x128x128xf32, #tpu.memory_space<vmem>> -> memref<128x128xf32, #tpu.memory_space<vmem>>
      %dma_wait3A_539 = arith.constant 0 : i32
      %dma_wait3A_540 = tpu.memref_slice %arg11[%dma_wait3A_533, %dma_wait3A_539] : memref<2x128xi32, #tpu.memory_space<vmem>> -> memref<1x128xi32, #tpu.memory_space<vmem>>
      %dma_wait3A_541 = tpu.memref_squeeze %dma_wait3A_540 : memref<1x128xi32, #tpu.memory_space<vmem>> -> memref<128xi32, #tpu.memory_space<vmem>>
      %dma_wait3A_542 = arith.constant 0 : i32
      %dma_wait3A_543 = arith.constant 0 : i32
      %dma_wait3A_544 = tpu.memref_slice %arg3[%dma_wait3A_542, %dma_wait3A_543] : memref<10016x128xf32, #tpu.memory_space<hbm>> -> memref<10016x128xf32, #tpu.memory_space<hbm>>
      tpu.wait_indirect_dma semaphore(%arg17 : memref<!tpu.dma_semaphore, #tpu.memory_space<semaphore_mem>>) src(%dma_wait3A_544 : memref<10016x128xf32, #tpu.memory_space<hbm>>) dst(%dma_wait3A_538 : memref<128x128xf32, #tpu.memory_space<vmem>>)
      %dma_wait3A_545 = arith.constant 0 : i32
      %dma_wait3A_546 = arith.constant 0 : i32
      %dma_wait3A_547 = arith.constant 0 : i32
      %dma_wait3A_548 = arith.constant 0 : i32
      %dma_wait3A_549 = tpu.memref_slice %arg13[%dma_wait3A_546, %dma_wait3A_547, %dma_wait3A_548] : memref<2x128x128xf32, #tpu.memory_space<vmem>> -> memref<1x128x128xf32, #tpu.memory_space<vmem>>
      %dma_wait3A_550 = tpu.memref_squeeze %dma_wait3A_549 : memref<1x128x128xf32, #tpu.memory_space<vmem>> -> memref<128x128xf32, #tpu.memory_space<vmem>>
      %dma_wait3A_551 = arith.constant 0 : i32
      %dma_wait3A_552 = tpu.memref_slice %arg10[%dma_wait3A_545, %dma_wait3A_551] : memref<2x128xi32, #tpu.memory_space<vmem>> -> memref<1x128xi32, #tpu.memory_space<vmem>>
      %dma_wait3A_553 = tpu.memref_squeeze %dma_wait3A_552 : memref<1x128xi32, #tpu.memory_space<vmem>> -> memref<128xi32, #tpu.memory_space<vmem>>
      %dma_wait3A_554 = arith.constant 0 : i32
      %dma_wait3A_555 = arith.constant 0 : i32
      %dma_wait3A_556 = tpu.memref_slice %arg4[%dma_wait3A_554, %dma_wait3A_555] : memref<10016x128xf32, #tpu.memory_space<hbm>> -> memref<10016x128xf32, #tpu.memory_space<hbm>>
      tpu.wait_indirect_dma semaphore(%arg19 : memref<!tpu.dma_semaphore, #tpu.memory_space<semaphore_mem>>) src(%dma_wait3A_556 : memref<10016x128xf32, #tpu.memory_space<hbm>>) dst(%dma_wait3A_550 : memref<128x128xf32, #tpu.memory_space<vmem>>)
      %dma_wait3A_557 = arith.constant 0 : i32
      %dma_wait3A_558 = arith.constant 0 : i32
      %dma_wait3A_559 = arith.constant 0 : i32
      %dma_wait3A_560 = arith.constant 0 : i32
      %dma_wait3A_561 = tpu.memref_slice %arg14[%dma_wait3A_558, %dma_wait3A_559, %dma_wait3A_560] : memref<2x128x128xf32, #tpu.memory_space<vmem>> -> memref<1x128x128xf32, #tpu.memory_space<vmem>>
      %dma_wait3A_562 = tpu.memref_squeeze %dma_wait3A_561 : memref<1x128x128xf32, #tpu.memory_space<vmem>> -> memref<128x128xf32, #tpu.memory_space<vmem>>
      %dma_wait3A_563 = arith.constant 0 : i32
      %dma_wait3A_564 = tpu.memref_slice %arg10[%dma_wait3A_557, %dma_wait3A_563] : memref<2x128xi32, #tpu.memory_space<vmem>> -> memref<1x128xi32, #tpu.memory_space<vmem>>
      %dma_wait3A_565 = tpu.memref_squeeze %dma_wait3A_564 : memref<1x128xi32, #tpu.memory_space<vmem>> -> memref<128xi32, #tpu.memory_space<vmem>>
      %dma_wait3A_566 = arith.constant 0 : i32
      %dma_wait3A_567 = arith.constant 0 : i32
      %dma_wait3A_568 = tpu.memref_slice %arg5[%dma_wait3A_566, %dma_wait3A_567] : memref<10016x128xf32, #tpu.memory_space<hbm>> -> memref<10016x128xf32, #tpu.memory_space<hbm>>
      tpu.wait_indirect_dma semaphore(%arg21 : memref<!tpu.dma_semaphore, #tpu.memory_space<semaphore_mem>>) src(%dma_wait3A_568 : memref<10016x128xf32, #tpu.memory_space<hbm>>) dst(%dma_wait3A_562 : memref<128x128xf32, #tpu.memory_space<vmem>>)
      %add3A_569 = arith.addi %mul3A_2, %add3A_301 : i32
      %add3A_570 = arith.constant 0 : i32
      %add3A_571 = arith.addi %add3A_569, %add3A_570 : i32
      %mul3A_572 = arith.constant 128 : i32
      %mul3A_573 = arith.muli %add3A_571, %mul3A_572 : i32
      %run_scoped3A = arith.constant 0 : i32
      "tpu.region"() ({
        %run_scoped3A_851 = tpu.sem_alloc : memref<!tpu.dma_semaphore, #tpu.memory_space<semaphore_mem>>
        %dma_start3A_852 = arith.constant 0 : i32
        %dma_start3A_853 = arith.constant 0 : i32
        %dma_start3A_854 = tpu.memref_slice %arg12[%run_scoped3A, %dma_start3A_852, %dma_start3A_853] : memref<2x128x128xf32, #tpu.memory_space<vmem>> -> memref<1x128x128xf32, #tpu.memory_space<vmem>>
        %dma_start3A_855 = tpu.memref_squeeze %dma_start3A_854 : memref<1x128x128xf32, #tpu.memory_space<vmem>> -> memref<128x128xf32, #tpu.memory_space<vmem>>
        %dma_start3A_856 = arith.constant 0 : i32
        %dma_start3A_857 = tpu.memref_slice %arg6[%mul3A_573, %dma_start3A_856] : memref<327680x128xf32, #tpu.memory_space<hbm>> -> memref<128x128xf32, #tpu.memory_space<hbm>>
        %dma_start3A_858 = arith.constant 0 : i32
        %dma_start3A_859 = tpu.memref_slice %arg6[%mul3A_573, %dma_start3A_858] : memref<327680x128xf32, #tpu.memory_space<hbm>> -> memref<128x128xf32, #tpu.memory_space<hbm>>
        %dma_start3A_860 = arith.constant 0 : i32
        %dma_start3A_861 = arith.constant 0 : i32
        %dma_start3A_862 = tpu.memref_slice %arg12[%run_scoped3A, %dma_start3A_860, %dma_start3A_861] : memref<2x128x128xf32, #tpu.memory_space<vmem>> -> memref<1x128x128xf32, #tpu.memory_space<vmem>>
        %dma_start3A_863 = tpu.memref_squeeze %dma_start3A_862 : memref<1x128x128xf32, #tpu.memory_space<vmem>> -> memref<128x128xf32, #tpu.memory_space<vmem>>
        tpu.enqueue_dma source(%dma_start3A_863 : memref<128x128xf32, #tpu.memory_space<vmem>>) target(%dma_start3A_859 : memref<128x128xf32, #tpu.memory_space<hbm>>) target_semaphore(%run_scoped3A_851 : memref<!tpu.dma_semaphore, #tpu.memory_space<semaphore_mem>>)
        %dma_wait3A_864 = arith.constant 0 : i32
        %dma_wait3A_865 = arith.constant 0 : i32
        %dma_wait3A_866 = tpu.memref_slice %arg12[%run_scoped3A, %dma_wait3A_864, %dma_wait3A_865] : memref<2x128x128xf32, #tpu.memory_space<vmem>> -> memref<1x128x128xf32, #tpu.memory_space<vmem>>
        %dma_wait3A_867 = tpu.memref_squeeze %dma_wait3A_866 : memref<1x128x128xf32, #tpu.memory_space<vmem>> -> memref<128x128xf32, #tpu.memory_space<vmem>>
        %dma_wait3A_868 = arith.constant 0 : i32
        %dma_wait3A_869 = tpu.memref_slice %arg6[%mul3A_573, %dma_wait3A_868] : memref<327680x128xf32, #tpu.memory_space<hbm>> -> memref<128x128xf32, #tpu.memory_space<hbm>>
        %dma_wait3A_870 = arith.constant 0 : i32
        %dma_wait3A_871 = tpu.memref_slice %arg6[%mul3A_573, %dma_wait3A_870] : memref<327680x128xf32, #tpu.memory_space<hbm>> -> memref<128x128xf32, #tpu.memory_space<hbm>>
        %dma_wait3A_872 = arith.constant 0 : i32
        %dma_wait3A_873 = arith.constant 0 : i32
        %dma_wait3A_874 = tpu.memref_slice %arg12[%run_scoped3A, %dma_wait3A_872, %dma_wait3A_873] : memref<2x128x128xf32, #tpu.memory_space<vmem>> -> memref<1x128x128xf32, #tpu.memory_space<vmem>>
        %dma_wait3A_875 = tpu.memref_squeeze %dma_wait3A_874 : memref<1x128x128xf32, #tpu.memory_space<vmem>> -> memref<128x128xf32, #tpu.memory_space<vmem>>
        tpu.wait_dma2 semaphore(%run_scoped3A_851 : memref<!tpu.dma_semaphore, #tpu.memory_space<semaphore_mem>>) src(%dma_wait3A_875 : memref<128x128xf32, #tpu.memory_space<vmem>>) dst(%dma_wait3A_871 : memref<128x128xf32, #tpu.memory_space<hbm>>)
        tpu.yield
      }) : () -> ()
      %run_scoped3A_574 = arith.constant 0 : i32
      "tpu.region"() ({
        %run_scoped3A_851 = tpu.sem_alloc : memref<!tpu.dma_semaphore, #tpu.memory_space<semaphore_mem>>
        %dma_start3A_852 = arith.constant 0 : i32
        %dma_start3A_853 = arith.constant 0 : i32
        %dma_start3A_854 = tpu.memref_slice %arg13[%run_scoped3A_574, %dma_start3A_852, %dma_start3A_853] : memref<2x128x128xf32, #tpu.memory_space<vmem>> -> memref<1x128x128xf32, #tpu.memory_space<vmem>>
        %dma_start3A_855 = tpu.memref_squeeze %dma_start3A_854 : memref<1x128x128xf32, #tpu.memory_space<vmem>> -> memref<128x128xf32, #tpu.memory_space<vmem>>
        %dma_start3A_856 = arith.constant 0 : i32
        %dma_start3A_857 = tpu.memref_slice %arg7[%mul3A_573, %dma_start3A_856] : memref<327680x128xf32, #tpu.memory_space<hbm>> -> memref<128x128xf32, #tpu.memory_space<hbm>>
        %dma_start3A_858 = arith.constant 0 : i32
        %dma_start3A_859 = tpu.memref_slice %arg7[%mul3A_573, %dma_start3A_858] : memref<327680x128xf32, #tpu.memory_space<hbm>> -> memref<128x128xf32, #tpu.memory_space<hbm>>
        %dma_start3A_860 = arith.constant 0 : i32
        %dma_start3A_861 = arith.constant 0 : i32
        %dma_start3A_862 = tpu.memref_slice %arg13[%run_scoped3A_574, %dma_start3A_860, %dma_start3A_861] : memref<2x128x128xf32, #tpu.memory_space<vmem>> -> memref<1x128x128xf32, #tpu.memory_space<vmem>>
        %dma_start3A_863 = tpu.memref_squeeze %dma_start3A_862 : memref<1x128x128xf32, #tpu.memory_space<vmem>> -> memref<128x128xf32, #tpu.memory_space<vmem>>
        tpu.enqueue_dma source(%dma_start3A_863 : memref<128x128xf32, #tpu.memory_space<vmem>>) target(%dma_start3A_859 : memref<128x128xf32, #tpu.memory_space<hbm>>) target_semaphore(%run_scoped3A_851 : memref<!tpu.dma_semaphore, #tpu.memory_space<semaphore_mem>>)
        %dma_wait3A_864 = arith.constant 0 : i32
        %dma_wait3A_865 = arith.constant 0 : i32
        %dma_wait3A_866 = tpu.memref_slice %arg13[%run_scoped3A_574, %dma_wait3A_864, %dma_wait3A_865] : memref<2x128x128xf32, #tpu.memory_space<vmem>> -> memref<1x128x128xf32, #tpu.memory_space<vmem>>
        %dma_wait3A_867 = tpu.memref_squeeze %dma_wait3A_866 : memref<1x128x128xf32, #tpu.memory_space<vmem>> -> memref<128x128xf32, #tpu.memory_space<vmem>>
        %dma_wait3A_868 = arith.constant 0 : i32
        %dma_wait3A_869 = tpu.memref_slice %arg7[%mul3A_573, %dma_wait3A_868] : memref<327680x128xf32, #tpu.memory_space<hbm>> -> memref<128x128xf32, #tpu.memory_space<hbm>>
        %dma_wait3A_870 = arith.constant 0 : i32
        %dma_wait3A_871 = tpu.memref_slice %arg7[%mul3A_573, %dma_wait3A_870] : memref<327680x128xf32, #tpu.memory_space<hbm>> -> memref<128x128xf32, #tpu.memory_space<hbm>>
        %dma_wait3A_872 = arith.constant 0 : i32
        %dma_wait3A_873 = arith.constant 0 : i32
        %dma_wait3A_874 = tpu.memref_slice %arg13[%run_scoped3A_574, %dma_wait3A_872, %dma_wait3A_873] : memref<2x128x128xf32, #tpu.memory_space<vmem>> -> memref<1x128x128xf32, #tpu.memory_space<vmem>>
        %dma_wait3A_875 = tpu.memref_squeeze %dma_wait3A_874 : memref<1x128x128xf32, #tpu.memory_space<vmem>> -> memref<128x128xf32, #tpu.memory_space<vmem>>
        tpu.wait_dma2 semaphore(%run_scoped3A_851 : memref<!tpu.dma_semaphore, #tpu.memory_space<semaphore_mem>>) src(%dma_wait3A_875 : memref<128x128xf32, #tpu.memory_space<vmem>>) dst(%dma_wait3A_871 : memref<128x128xf32, #tpu.memory_space<hbm>>)
        tpu.yield
      }) : () -> ()
      %run_scoped3A_575 = arith.constant 0 : i32
      "tpu.region"() ({
        %run_scoped3A_851 = tpu.sem_alloc : memref<!tpu.dma_semaphore, #tpu.memory_space<semaphore_mem>>
        %dma_start3A_852 = arith.constant 0 : i32
        %dma_start3A_853 = arith.constant 0 : i32
        %dma_start3A_854 = tpu.memref_slice %arg14[%run_scoped3A_575, %dma_start3A_852, %dma_start3A_853] : memref<2x128x128xf32, #tpu.memory_space<vmem>> -> memref<1x128x128xf32, #tpu.memory_space<vmem>>
        %dma_start3A_855 = tpu.memref_squeeze %dma_start3A_854 : memref<1x128x128xf32, #tpu.memory_space<vmem>> -> memref<128x128xf32, #tpu.memory_space<vmem>>
        %dma_start3A_856 = arith.constant 0 : i32
        %dma_start3A_857 = tpu.memref_slice %arg8[%mul3A_573, %dma_start3A_856] : memref<327680x128xf32, #tpu.memory_space<hbm>> -> memref<128x128xf32, #tpu.memory_space<hbm>>
        %dma_start3A_858 = arith.constant 0 : i32
        %dma_start3A_859 = tpu.memref_slice %arg8[%mul3A_573, %dma_start3A_858] : memref<327680x128xf32, #tpu.memory_space<hbm>> -> memref<128x128xf32, #tpu.memory_space<hbm>>
        %dma_start3A_860 = arith.constant 0 : i32
        %dma_start3A_861 = arith.constant 0 : i32
        %dma_start3A_862 = tpu.memref_slice %arg14[%run_scoped3A_575, %dma_start3A_860, %dma_start3A_861] : memref<2x128x128xf32, #tpu.memory_space<vmem>> -> memref<1x128x128xf32, #tpu.memory_space<vmem>>
        %dma_start3A_863 = tpu.memref_squeeze %dma_start3A_862 : memref<1x128x128xf32, #tpu.memory_space<vmem>> -> memref<128x128xf32, #tpu.memory_space<vmem>>
        tpu.enqueue_dma source(%dma_start3A_863 : memref<128x128xf32, #tpu.memory_space<vmem>>) target(%dma_start3A_859 : memref<128x128xf32, #tpu.memory_space<hbm>>) target_semaphore(%run_scoped3A_851 : memref<!tpu.dma_semaphore, #tpu.memory_space<semaphore_mem>>)
        %dma_wait3A_864 = arith.constant 0 : i32
        %dma_wait3A_865 = arith.constant 0 : i32
        %dma_wait3A_866 = tpu.memref_slice %arg14[%run_scoped3A_575, %dma_wait3A_864, %dma_wait3A_865] : memref<2x128x128xf32, #tpu.memory_space<vmem>> -> memref<1x128x128xf32, #tpu.memory_space<vmem>>
        %dma_wait3A_867 = tpu.memref_squeeze %dma_wait3A_866 : memref<1x128x128xf32, #tpu.memory_space<vmem>> -> memref<128x128xf32, #tpu.memory_space<vmem>>
        %dma_wait3A_868 = arith.constant 0 : i32
        %dma_wait3A_869 = tpu.memref_slice %arg8[%mul3A_573, %dma_wait3A_868] : memref<327680x128xf32, #tpu.memory_space<hbm>> -> memref<128x128xf32, #tpu.memory_space<hbm>>
        %dma_wait3A_870 = arith.constant 0 : i32
        %dma_wait3A_871 = tpu.memref_slice %arg8[%mul3A_573, %dma_wait3A_870] : memref<327680x128xf32, #tpu.memory_space<hbm>> -> memref<128x128xf32, #tpu.memory_space<hbm>>
        %dma_wait3A_872 = arith.constant 0 : i32
        %dma_wait3A_873 = arith.constant 0 : i32
        %dma_wait3A_874 = tpu.memref_slice %arg14[%run_scoped3A_575, %dma_wait3A_872, %dma_wait3A_873] : memref<2x128x128xf32, #tpu.memory_space<vmem>> -> memref<1x128x128xf32, #tpu.memory_space<vmem>>
        %dma_wait3A_875 = tpu.memref_squeeze %dma_wait3A_874 : memref<1x128x128xf32, #tpu.memory_space<vmem>> -> memref<128x128xf32, #tpu.memory_space<vmem>>
        tpu.wait_dma2 semaphore(%run_scoped3A_851 : memref<!tpu.dma_semaphore, #tpu.memory_space<semaphore_mem>>) src(%dma_wait3A_875 : memref<128x128xf32, #tpu.memory_space<vmem>>) dst(%dma_wait3A_871 : memref<128x128xf32, #tpu.memory_space<hbm>>)
        tpu.yield
      }) : () -> ()
      %dma_wait3A_576 = arith.constant 0 : i32
      %dma_wait3A_577 = arith.constant 0 : i32
      %dma_wait3A_578 = arith.constant 0 : i32
      %dma_wait3A_579 = tpu.memref_slice %arg9[%dma_wait3A_576, %dma_wait3A_577, %dma_wait3A_578] : memref<2x2x128xi32, #tpu.memory_space<vmem>> -> memref<1x2x128xi32, #tpu.memory_space<vmem>>
      %dma_wait3A_580 = tpu.memref_squeeze %dma_wait3A_579 : memref<1x2x128xi32, #tpu.memory_space<vmem>> -> memref<2x128xi32, #tpu.memory_space<vmem>>
      %dma_wait3A_581 = arith.constant 0 : i32
      %dma_wait3A_582 = arith.constant 0 : i32
      %dma_wait3A_583 = tpu.memref_slice %arg2[%dma_wait3A_581, %dma_wait3A_582] : memref<5124x128xi32, #tpu.memory_space<hbm>> -> memref<2x128xi32, #tpu.memory_space<hbm>>
      %dma_wait3A_584 = arith.constant 0 : i32
      %dma_wait3A_585 = arith.constant 0 : i32
      %dma_wait3A_586 = tpu.memref_slice %arg9[%dma_wait3A_576, %dma_wait3A_584, %dma_wait3A_585] : memref<2x2x128xi32, #tpu.memory_space<vmem>> -> memref<1x2x128xi32, #tpu.memory_space<vmem>>
      %dma_wait3A_587 = tpu.memref_squeeze %dma_wait3A_586 : memref<1x2x128xi32, #tpu.memory_space<vmem>> -> memref<2x128xi32, #tpu.memory_space<vmem>>
      %dma_wait3A_588 = arith.constant 0 : i32
      %dma_wait3A_589 = arith.constant 0 : i32
      %dma_wait3A_590 = tpu.memref_slice %arg2[%dma_wait3A_588, %dma_wait3A_589] : memref<5124x128xi32, #tpu.memory_space<hbm>> -> memref<2x128xi32, #tpu.memory_space<hbm>>
      tpu.wait_dma2 semaphore(%arg15 : memref<!tpu.dma_semaphore, #tpu.memory_space<semaphore_mem>>) src(%dma_wait3A_590 : memref<2x128xi32, #tpu.memory_space<hbm>>) dst(%dma_wait3A_587 : memref<2x128xi32, #tpu.memory_space<vmem>>)
      %get3A_591 = arith.constant 0 : i32
      %get3A_592 = arith.constant 0 : i32
      %get3A_593 = arith.index_cast %get3A_591 : i32 to index
      %get3A_594 = arith.index_cast %get3A_592 : i32 to index
      %get3A_595 = arith.constant 0 : index
      %get3A_596 = tpu.vector_load %arg9[%get3A_593, %get3A_594, %get3A_595] {strides = array<i32>} : memref<2x2x128xi32, #tpu.memory_space<vmem>>, vector<16xi32>,
      %swap3A_597 = arith.constant 0 : i32
      %swap3A_598 = arith.index_cast %swap3A_597 : i32 to index
      %swap3A_599 = arith.constant 0 : index
      %swap3A_600 = tpu.vector_load %arg10[%swap3A_598, %swap3A_599] {strides = array<i32>} : memref<2x128xi32, #tpu.memory_space<vmem>>, vector<16xi32>,
      tpu.vector_store %arg10[%swap3A_598, %swap3A_599], %get3A_596 {strides = array<i32>} : memref<2x128xi32, #tpu.memory_space<vmem>>, vector<16xi32>,
      %get3A_601 = arith.constant 0 : i32
      %get3A_602 = arith.constant 1 : i32
      %get3A_603 = arith.index_cast %get3A_601 : i32 to index
      %get3A_604 = arith.index_cast %get3A_602 : i32 to index
      %get3A_605 = arith.constant 0 : index
      %get3A_606 = tpu.vector_load %arg9[%get3A_603, %get3A_604, %get3A_605] {strides = array<i32>} : memref<2x2x128xi32, #tpu.memory_space<vmem>>, vector<16xi32>,
      %swap3A_607 = arith.constant 0 : i32
      %swap3A_608 = arith.index_cast %swap3A_607 : i32 to index
      %swap3A_609 = arith.constant 0 : index
      %swap3A_610 = tpu.vector_load %arg11[%swap3A_608, %swap3A_609] {strides = array<i32>} : memref<2x128xi32, #tpu.memory_space<vmem>>, vector<16xi32>,
      tpu.vector_store %arg11[%swap3A_608, %swap3A_609], %get3A_606 {strides = array<i32>} : memref<2x128xi32, #tpu.memory_space<vmem>>, vector<16xi32>,
      %get3A_611 = arith.constant 0 : i32
      %get3A_612 = arith.constant 0 : i32
      %get3A_613 = arith.index_cast %get3A_611 : i32 to index
      %get3A_614 = arith.index_cast %get3A_612 : i32 to index
      %get3A_615 = arith.constant 16 : index
      %get3A_616 = tpu.vector_load %arg9[%get3A_613, %get3A_614, %get3A_615] {strides = array<i32>} : memref<2x2x128xi32, #tpu.memory_space<vmem>>, vector<16xi32>,
      %swap3A_617 = arith.constant 0 : i32
      %swap3A_618 = arith.index_cast %swap3A_617 : i32 to index
      %swap3A_619 = arith.constant 16 : index
      %swap3A_620 = tpu.vector_load %arg10[%swap3A_618, %swap3A_619] {strides = array<i32>} : memref<2x128xi32, #tpu.memory_space<vmem>>, vector<16xi32>,
      tpu.vector_store %arg10[%swap3A_618, %swap3A_619], %get3A_616 {strides = array<i32>} : memref<2x128xi32, #tpu.memory_space<vmem>>, vector<16xi32>,
      %get3A_621 = arith.constant 0 : i32
      %get3A_622 = arith.constant 1 : i32
      %get3A_623 = arith.index_cast %get3A_621 : i32 to index
      %get3A_624 = arith.index_cast %get3A_622 : i32 to index
      %get3A_625 = arith.constant 16 : index
      %get3A_626 = tpu.vector_load %arg9[%get3A_623, %get3A_624, %get3A_625] {strides = array<i32>} : memref<2x2x128xi32, #tpu.memory_space<vmem>>, vector<16xi32>,
      %swap3A_627 = arith.constant 0 : i32
      %swap3A_628 = arith.index_cast %swap3A_627 : i32 to index
      %swap3A_629 = arith.constant 16 : index
      %swap3A_630 = tpu.vector_load %arg11[%swap3A_628, %swap3A_629] {strides = array<i32>} : memref<2x128xi32, #tpu.memory_space<vmem>>, vector<16xi32>,
      tpu.vector_store %arg11[%swap3A_628, %swap3A_629], %get3A_626 {strides = array<i32>} : memref<2x128xi32, #tpu.memory_space<vmem>>, vector<16xi32>,
      %get3A_631 = arith.constant 0 : i32
      %get3A_632 = arith.constant 0 : i32
      %get3A_633 = arith.index_cast %get3A_631 : i32 to index
      %get3A_634 = arith.index_cast %get3A_632 : i32 to index
      %get3A_635 = arith.constant 32 : index
      %get3A_636 = tpu.vector_load %arg9[%get3A_633, %get3A_634, %get3A_635] {strides = array<i32>} : memref<2x2x128xi32, #tpu.memory_space<vmem>>, vector<16xi32>,
      %swap3A_637 = arith.constant 0 : i32
      %swap3A_638 = arith.index_cast %swap3A_637 : i32 to index
      %swap3A_639 = arith.constant 32 : index
      %swap3A_640 = tpu.vector_load %arg10[%swap3A_638, %swap3A_639] {strides = array<i32>} : memref<2x128xi32, #tpu.memory_space<vmem>>, vector<16xi32>,
      tpu.vector_store %arg10[%swap3A_638, %swap3A_639], %get3A_636 {strides = array<i32>} : memref<2x128xi32, #tpu.memory_space<vmem>>, vector<16xi32>,
      %get3A_641 = arith.constant 0 : i32
      %get3A_642 = arith.constant 1 : i32
      %get3A_643 = arith.index_cast %get3A_641 : i32 to index
      %get3A_644 = arith.index_cast %get3A_642 : i32 to index
      %get3A_645 = arith.constant 32 : index
      %get3A_646 = tpu.vector_load %arg9[%get3A_643, %get3A_644, %get3A_645] {strides = array<i32>} : memref<2x2x128xi32, #tpu.memory_space<vmem>>, vector<16xi32>,
      %swap3A_647 = arith.constant 0 : i32
      %swap3A_648 = arith.index_cast %swap3A_647 : i32 to index
      %swap3A_649 = arith.constant 32 : index
      %swap3A_650 = tpu.vector_load %arg11[%swap3A_648, %swap3A_649] {strides = array<i32>} : memref<2x128xi32, #tpu.memory_space<vmem>>, vector<16xi32>,
      tpu.vector_store %arg11[%swap3A_648, %swap3A_649], %get3A_646 {strides = array<i32>} : memref<2x128xi32, #tpu.memory_space<vmem>>, vector<16xi32>,
      %get3A_651 = arith.constant 0 : i32
      %get3A_652 = arith.constant 0 : i32
      %get3A_653 = arith.index_cast %get3A_651 : i32 to index
      %get3A_654 = arith.index_cast %get3A_652 : i32 to index
      %get3A_655 = arith.constant 48 : index
      %get3A_656 = tpu.vector_load %arg9[%get3A_653, %get3A_654, %get3A_655] {strides = array<i32>} : memref<2x2x128xi32, #tpu.memory_space<vmem>>, vector<16xi32>,
      %swap3A_657 = arith.constant 0 : i32
      %swap3A_658 = arith.index_cast %swap3A_657 : i32 to index
      %swap3A_659 = arith.constant 48 : index
      %swap3A_660 = tpu.vector_load %arg10[%swap3A_658, %swap3A_659] {strides = array<i32>} : memref<2x128xi32, #tpu.memory_space<vmem>>, vector<16xi32>,
      tpu.vector_store %arg10[%swap3A_658, %swap3A_659], %get3A_656 {strides = array<i32>} : memref<2x128xi32, #tpu.memory_space<vmem>>, vector<16xi32>,
      %get3A_661 = arith.constant 0 : i32
      %get3A_662 = arith.constant 1 : i32
      %get3A_663 = arith.index_cast %get3A_661 : i32 to index
      %get3A_664 = arith.index_cast %get3A_662 : i32 to index
      %get3A_665 = arith.constant 48 : index
      %get3A_666 = tpu.vector_load %arg9[%get3A_663, %get3A_664, %get3A_665] {strides = array<i32>} : memref<2x2x128xi32, #tpu.memory_space<vmem>>, vector<16xi32>,
      %swap3A_667 = arith.constant 0 : i32
      %swap3A_668 = arith.index_cast %swap3A_667 : i32 to index
      %swap3A_669 = arith.constant 48 : index
      %swap3A_670 = tpu.vector_load %arg11[%swap3A_668, %swap3A_669] {strides = array<i32>} : memref<2x128xi32, #tpu.memory_space<vmem>>, vector<16xi32>,
      tpu.vector_store %arg11[%swap3A_668, %swap3A_669], %get3A_666 {strides = array<i32>} : memref<2x128xi32, #tpu.memory_space<vmem>>, vector<16xi32>,
      %get3A_671 = arith.constant 0 : i32
      %get3A_672 = arith.constant 0 : i32
      %get3A_673 = arith.index_cast %get3A_671 : i32 to index
      %get3A_674 = arith.index_cast %get3A_672 : i32 to index
      %get3A_675 = arith.constant 64 : index
      %get3A_676 = tpu.vector_load %arg9[%get3A_673, %get3A_674, %get3A_675] {strides = array<i32>} : memref<2x2x128xi32, #tpu.memory_space<vmem>>, vector<16xi32>,
      %swap3A_677 = arith.constant 0 : i32
      %swap3A_678 = arith.index_cast %swap3A_677 : i32 to index
      %swap3A_679 = arith.constant 64 : index
      %swap3A_680 = tpu.vector_load %arg10[%swap3A_678, %swap3A_679] {strides = array<i32>} : memref<2x128xi32, #tpu.memory_space<vmem>>, vector<16xi32>,
      tpu.vector_store %arg10[%swap3A_678, %swap3A_679], %get3A_676 {strides = array<i32>} : memref<2x128xi32, #tpu.memory_space<vmem>>, vector<16xi32>,
      %get3A_681 = arith.constant 0 : i32
      %get3A_682 = arith.constant 1 : i32
      %get3A_683 = arith.index_cast %get3A_681 : i32 to index
      %get3A_684 = arith.index_cast %get3A_682 : i32 to index
      %get3A_685 = arith.constant 64 : index
      %get3A_686 = tpu.vector_load %arg9[%get3A_683, %get3A_684, %get3A_685] {strides = array<i32>} : memref<2x2x128xi32, #tpu.memory_space<vmem>>, vector<16xi32>,
      %swap3A_687 = arith.constant 0 : i32
      %swap3A_688 = arith.index_cast %swap3A_687 : i32 to index
      %swap3A_689 = arith.constant 64 : index
      %swap3A_690 = tpu.vector_load %arg11[%swap3A_688, %swap3A_689] {strides = array<i32>} : memref<2x128xi32, #tpu.memory_space<vmem>>, vector<16xi32>,
      tpu.vector_store %arg11[%swap3A_688, %swap3A_689], %get3A_686 {strides = array<i32>} : memref<2x128xi32, #tpu.memory_space<vmem>>, vector<16xi32>,
      %get3A_691 = arith.constant 0 : i32
      %get3A_692 = arith.constant 0 : i32
      %get3A_693 = arith.index_cast %get3A_691 : i32 to index
      %get3A_694 = arith.index_cast %get3A_692 : i32 to index
      %get3A_695 = arith.constant 80 : index
      %get3A_696 = tpu.vector_load %arg9[%get3A_693, %get3A_694, %get3A_695] {strides = array<i32>} : memref<2x2x128xi32, #tpu.memory_space<vmem>>, vector<16xi32>,
      %swap3A_697 = arith.constant 0 : i32
      %swap3A_698 = arith.index_cast %swap3A_697 : i32 to index
      %swap3A_699 = arith.constant 80 : index
      %swap3A_700 = tpu.vector_load %arg10[%swap3A_698, %swap3A_699] {strides = array<i32>} : memref<2x128xi32, #tpu.memory_space<vmem>>, vector<16xi32>,
      tpu.vector_store %arg10[%swap3A_698, %swap3A_699], %get3A_696 {strides = array<i32>} : memref<2x128xi32, #tpu.memory_space<vmem>>, vector<16xi32>,
      %get3A_701 = arith.constant 0 : i32
      %get3A_702 = arith.constant 1 : i32
      %get3A_703 = arith.index_cast %get3A_701 : i32 to index
      %get3A_704 = arith.index_cast %get3A_702 : i32 to index
      %get3A_705 = arith.constant 80 : index
      %get3A_706 = tpu.vector_load %arg9[%get3A_703, %get3A_704, %get3A_705] {strides = array<i32>} : memref<2x2x128xi32, #tpu.memory_space<vmem>>, vector<16xi32>,
      %swap3A_707 = arith.constant 0 : i32
      %swap3A_708 = arith.index_cast %swap3A_707 : i32 to index
      %swap3A_709 = arith.constant 80 : index
      %swap3A_710 = tpu.vector_load %arg11[%swap3A_708, %swap3A_709] {strides = array<i32>} : memref<2x128xi32, #tpu.memory_space<vmem>>, vector<16xi32>,
      tpu.vector_store %arg11[%swap3A_708, %swap3A_709], %get3A_706 {strides = array<i32>} : memref<2x128xi32, #tpu.memory_space<vmem>>, vector<16xi32>,
      %get3A_711 = arith.constant 0 : i32
      %get3A_712 = arith.constant 0 : i32
      %get3A_713 = arith.index_cast %get3A_711 : i32 to index
      %get3A_714 = arith.index_cast %get3A_712 : i32 to index
      %get3A_715 = arith.constant 96 : index
      %get3A_716 = tpu.vector_load %arg9[%get3A_713, %get3A_714, %get3A_715] {strides = array<i32>} : memref<2x2x128xi32, #tpu.memory_space<vmem>>, vector<16xi32>,
      %swap3A_717 = arith.constant 0 : i32
      %swap3A_718 = arith.index_cast %swap3A_717 : i32 to index
      %swap3A_719 = arith.constant 96 : index
      %swap3A_720 = tpu.vector_load %arg10[%swap3A_718, %swap3A_719] {strides = array<i32>} : memref<2x128xi32, #tpu.memory_space<vmem>>, vector<16xi32>,
      tpu.vector_store %arg10[%swap3A_718, %swap3A_719], %get3A_716 {strides = array<i32>} : memref<2x128xi32, #tpu.memory_space<vmem>>, vector<16xi32>,
      %get3A_721 = arith.constant 0 : i32
      %get3A_722 = arith.constant 1 : i32
      %get3A_723 = arith.index_cast %get3A_721 : i32 to index
      %get3A_724 = arith.index_cast %get3A_722 : i32 to index
      %get3A_725 = arith.constant 96 : index
      %get3A_726 = tpu.vector_load %arg9[%get3A_723, %get3A_724, %get3A_725] {strides = array<i32>} : memref<2x2x128xi32, #tpu.memory_space<vmem>>, vector<16xi32>,
      %swap3A_727 = arith.constant 0 : i32
      %swap3A_728 = arith.index_cast %swap3A_727 : i32 to index
      %swap3A_729 = arith.constant 96 : index
      %swap3A_730 = tpu.vector_load %arg11[%swap3A_728, %swap3A_729] {strides = array<i32>} : memref<2x128xi32, #tpu.memory_space<vmem>>, vector<16xi32>,
      tpu.vector_store %arg11[%swap3A_728, %swap3A_729], %get3A_726 {strides = array<i32>} : memref<2x128xi32, #tpu.memory_space<vmem>>, vector<16xi32>,
      %get3A_731 = arith.constant 0 : i32
      %get3A_732 = arith.constant 0 : i32
      %get3A_733 = arith.index_cast %get3A_731 : i32 to index
      %get3A_734 = arith.index_cast %get3A_732 : i32 to index
      %get3A_735 = arith.constant 112 : index
      %get3A_736 = tpu.vector_load %arg9[%get3A_733, %get3A_734, %get3A_735] {strides = array<i32>} : memref<2x2x128xi32, #tpu.memory_space<vmem>>, vector<16xi32>,
      %swap3A_737 = arith.constant 0 : i32
      %swap3A_738 = arith.index_cast %swap3A_737 : i32 to index
      %swap3A_739 = arith.constant 112 : index
      %swap3A_740 = tpu.vector_load %arg10[%swap3A_738, %swap3A_739] {strides = array<i32>} : memref<2x128xi32, #tpu.memory_space<vmem>>, vector<16xi32>,
      tpu.vector_store %arg10[%swap3A_738, %swap3A_739], %get3A_736 {strides = array<i32>} : memref<2x128xi32, #tpu.memory_space<vmem>>, vector<16xi32>,
      %get3A_741 = arith.constant 0 : i32
      %get3A_742 = arith.constant 1 : i32
      %get3A_743 = arith.index_cast %get3A_741 : i32 to index
      %get3A_744 = arith.index_cast %get3A_742 : i32 to index
      %get3A_745 = arith.constant 112 : index
      %get3A_746 = tpu.vector_load %arg9[%get3A_743, %get3A_744, %get3A_745] {strides = array<i32>} : memref<2x2x128xi32, #tpu.memory_space<vmem>>, vector<16xi32>,
      %swap3A_747 = arith.constant 0 : i32
      %swap3A_748 = arith.index_cast %swap3A_747 : i32 to index
      %swap3A_749 = arith.constant 112 : index
      %swap3A_750 = tpu.vector_load %arg11[%swap3A_748, %swap3A_749] {strides = array<i32>} : memref<2x128xi32, #tpu.memory_space<vmem>>, vector<16xi32>,
      tpu.vector_store %arg11[%swap3A_748, %swap3A_749], %get3A_746 {strides = array<i32>} : memref<2x128xi32, #tpu.memory_space<vmem>>, vector<16xi32>,
      %dma_start3A_751 = arith.constant 0 : i32
      %dma_start3A_752 = arith.constant 0 : i32
      %dma_start3A_753 = arith.constant 0 : i32
      %dma_start3A_754 = arith.constant 0 : i32
      %dma_start3A_755 = tpu.memref_slice %arg12[%dma_start3A_752, %dma_start3A_753, %dma_start3A_754] : memref<2x128x128xf32, #tpu.memory_space<vmem>> -> memref<1x128x128xf32, #tpu.memory_space<vmem>>
      %dma_start3A_756 = tpu.memref_squeeze %dma_start3A_755 : memref<1x128x128xf32, #tpu.memory_space<vmem>> -> memref<128x128xf32, #tpu.memory_space<vmem>>
      %dma_start3A_757 = arith.constant 0 : i32
      %dma_start3A_758 = tpu.memref_slice %arg11[%dma_start3A_751, %dma_start3A_757] : memref<2x128xi32, #tpu.memory_space<vmem>> -> memref<1x128xi32, #tpu.memory_space<vmem>>
      %dma_start3A_759 = tpu.memref_squeeze %dma_start3A_758 : memref<1x128xi32, #tpu.memory_space<vmem>> -> memref<128xi32, #tpu.memory_space<vmem>>
      %dma_start3A_760 = arith.constant 0 : i32
      %dma_start3A_761 = arith.constant 0 : i32
      %dma_start3A_762 = tpu.memref_slice %arg3[%dma_start3A_760, %dma_start3A_761] : memref<10016x128xf32, #tpu.memory_space<hbm>> -> memref<10016x128xf32, #tpu.memory_space<hbm>>
      tpu.enqueue_indirect_dma source(%dma_start3A_762 : memref<10016x128xf32, #tpu.memory_space<hbm>>) target(%dma_start3A_756 : memref<128x128xf32, #tpu.memory_space<vmem>>) offsets(%dma_start3A_759 : memref<128xi32, #tpu.memory_space<vmem>>) semaphore(%arg17 : memref<!tpu.dma_semaphore, #tpu.memory_space<semaphore_mem>>)
      %dma_start3A_763 = arith.constant 0 : i32
      %dma_start3A_764 = arith.constant 0 : i32
      %dma_start3A_765 = arith.constant 0 : i32
      %dma_start3A_766 = arith.constant 0 : i32
      %dma_start3A_767 = tpu.memref_slice %arg13[%dma_start3A_764, %dma_start3A_765, %dma_start3A_766] : memref<2x128x128xf32, #tpu.memory_space<vmem>> -> memref<1x128x128xf32, #tpu.memory_space<vmem>>
      %dma_start3A_768 = tpu.memref_squeeze %dma_start3A_767 : memref<1x128x128xf32, #tpu.memory_space<vmem>> -> memref<128x128xf32, #tpu.memory_space<vmem>>
      %dma_start3A_769 = arith.constant 0 : i32
      %dma_start3A_770 = tpu.memref_slice %arg10[%dma_start3A_763, %dma_start3A_769] : memref<2x128xi32, #tpu.memory_space<vmem>> -> memref<1x128xi32, #tpu.memory_space<vmem>>
      %dma_start3A_771 = tpu.memref_squeeze %dma_start3A_770 : memref<1x128xi32, #tpu.memory_space<vmem>> -> memref<128xi32, #tpu.memory_space<vmem>>
      %dma_start3A_772 = arith.constant 0 : i32
      %dma_start3A_773 = arith.constant 0 : i32
      %dma_start3A_774 = tpu.memref_slice %arg4[%dma_start3A_772, %dma_start3A_773] : memref<10016x128xf32, #tpu.memory_space<hbm>> -> memref<10016x128xf32, #tpu.memory_space<hbm>>
      tpu.enqueue_indirect_dma source(%dma_start3A_774 : memref<10016x128xf32, #tpu.memory_space<hbm>>) target(%dma_start3A_768 : memref<128x128xf32, #tpu.memory_space<vmem>>) offsets(%dma_start3A_771 : memref<128xi32, #tpu.memory_space<vmem>>) semaphore(%arg19 : memref<!tpu.dma_semaphore, #tpu.memory_space<semaphore_mem>>)
      %dma_start3A_775 = arith.constant 0 : i32
      %dma_start3A_776 = arith.constant 0 : i32
      %dma_start3A_777 = arith.constant 0 : i32
      %dma_start3A_778 = arith.constant 0 : i32
      %dma_start3A_779 = tpu.memref_slice %arg14[%dma_start3A_776, %dma_start3A_777, %dma_start3A_778] : memref<2x128x128xf32, #tpu.memory_space<vmem>> -> memref<1x128x128xf32, #tpu.memory_space<vmem>>
      %dma_start3A_780 = tpu.memref_squeeze %dma_start3A_779 : memref<1x128x128xf32, #tpu.memory_space<vmem>> -> memref<128x128xf32, #tpu.memory_space<vmem>>
      %dma_start3A_781 = arith.constant 0 : i32
      %dma_start3A_782 = tpu.memref_slice %arg10[%dma_start3A_775, %dma_start3A_781] : memref<2x128xi32, #tpu.memory_space<vmem>> -> memref<1x128xi32, #tpu.memory_space<vmem>>
      %dma_start3A_783 = tpu.memref_squeeze %dma_start3A_782 : memref<1x128xi32, #tpu.memory_space<vmem>> -> memref<128xi32, #tpu.memory_space<vmem>>
      %dma_start3A_784 = arith.constant 0 : i32
      %dma_start3A_785 = arith.constant 0 : i32
      %dma_start3A_786 = tpu.memref_slice %arg5[%dma_start3A_784, %dma_start3A_785] : memref<10016x128xf32, #tpu.memory_space<hbm>> -> memref<10016x128xf32, #tpu.memory_space<hbm>>
      tpu.enqueue_indirect_dma source(%dma_start3A_786 : memref<10016x128xf32, #tpu.memory_space<hbm>>) target(%dma_start3A_780 : memref<128x128xf32, #tpu.memory_space<vmem>>) offsets(%dma_start3A_783 : memref<128xi32, #tpu.memory_space<vmem>>) semaphore(%arg21 : memref<!tpu.dma_semaphore, #tpu.memory_space<semaphore_mem>>)
      %add3A_787 = arith.constant 1 : i32
      %add3A_788 = arith.addi %add3A_301, %add3A_787 : i32
      %add3A_789 = arith.constant 2 : i32
      %add3A_790 = arith.addi %add3A_788, %add3A_789 : i32
      %add3A_791 = arith.addi %mul3A_2, %add3A_790 : i32
      %mul3A_792 = arith.constant 2 : i32
      %mul3A_793 = arith.muli %mul3A_792, %add3A_791 : i32
      %dma_start3A_794 = arith.constant 1 : i32
      %dma_start3A_795 = arith.constant 0 : i32
      %dma_start3A_796 = arith.constant 0 : i32
      %dma_start3A_797 = tpu.memref_slice %arg9[%dma_start3A_794, %dma_start3A_795, %dma_start3A_796] : memref<2x2x128xi32, #tpu.memory_space<vmem>> -> memref<1x2x128xi32, #tpu.memory_space<vmem>>
      %dma_start3A_798 = tpu.memref_squeeze %dma_start3A_797 : memref<1x2x128xi32, #tpu.memory_space<vmem>> -> memref<2x128xi32, #tpu.memory_space<vmem>>
      %dma_start3A_799 = arith.constant 0 : i32
      %dma_start3A_800 = tpu.memref_slice %arg2[%mul3A_793, %dma_start3A_799] : memref<5124x128xi32, #tpu.memory_space<hbm>> -> memref<2x128xi32, #tpu.memory_space<hbm>>
      %dma_start3A_801 = arith.constant 0 : i32
      %dma_start3A_802 = arith.constant 0 : i32
      %dma_start3A_803 = tpu.memref_slice %arg9[%dma_start3A_794, %dma_start3A_801, %dma_start3A_802] : memref<2x2x128xi32, #tpu.memory_space<vmem>> -> memref<1x2x128xi32, #tpu.memory_space<vmem>>
      %dma_start3A_804 = tpu.memref_squeeze %dma_start3A_803 : memref<1x2x128xi32, #tpu.memory_space<vmem>> -> memref<2x128xi32, #tpu.memory_space<vmem>>
      %dma_start3A_805 = arith.constant 0 : i32
      %dma_start3A_806 = tpu.memref_slice %arg2[%mul3A_793, %dma_start3A_805] : memref<5124x128xi32, #tpu.memory_space<hbm>> -> memref<2x128xi32, #tpu.memory_space<hbm>>
      tpu.enqueue_dma source(%dma_start3A_806 : memref<2x128xi32, #tpu.memory_space<hbm>>) target(%dma_start3A_804 : memref<2x128xi32, #tpu.memory_space<vmem>>) target_semaphore(%arg16 : memref<!tpu.dma_semaphore, #tpu.memory_space<semaphore_mem>>)
      %dma_wait3A_807 = arith.constant 1 : i32
      %dma_wait3A_808 = arith.constant 1 : i32
      %dma_wait3A_809 = arith.constant 0 : i32
      %dma_wait3A_810 = arith.constant 0 : i32
      %dma_wait3A_811 = tpu.memref_slice %arg12[%dma_wait3A_808, %dma_wait3A_809, %dma_wait3A_810] : memref<2x128x128xf32, #tpu.memory_space<vmem>> -> memref<1x128x128xf32, #tpu.memory_space<vmem>>
      %dma_wait3A_812 = tpu.memref_squeeze %dma_wait3A_811 : memref<1x128x128xf32, #tpu.memory_space<vmem>> -> memref<128x128xf32, #tpu.memory_space<vmem>>
      %dma_wait3A_813 = arith.constant 0 : i32
      %dma_wait3A_814 = tpu.memref_slice %arg11[%dma_wait3A_807, %dma_wait3A_813] : memref<2x128xi32, #tpu.memory_space<vmem>> -> memref<1x128xi32, #tpu.memory_space<vmem>>
      %dma_wait3A_815 = tpu.memref_squeeze %dma_wait3A_814 : memref<1x128xi32, #tpu.memory_space<vmem>> -> memref<128xi32, #tpu.memory_space<vmem>>
      %dma_wait3A_816 = arith.constant 0 : i32
      %dma_wait3A_817 = arith.constant 0 : i32
      %dma_wait3A_818 = tpu.memref_slice %arg3[%dma_wait3A_816, %dma_wait3A_817] : memref<10016x128xf32, #tpu.memory_space<hbm>> -> memref<10016x128xf32, #tpu.memory_space<hbm>>
      tpu.wait_indirect_dma semaphore(%arg18 : memref<!tpu.dma_semaphore, #tpu.memory_space<semaphore_mem>>) src(%dma_wait3A_818 : memref<10016x128xf32, #tpu.memory_space<hbm>>) dst(%dma_wait3A_812 : memref<128x128xf32, #tpu.memory_space<vmem>>)
      %dma_wait3A_819 = arith.constant 1 : i32
      %dma_wait3A_820 = arith.constant 1 : i32
      %dma_wait3A_821 = arith.constant 0 : i32
      %dma_wait3A_822 = arith.constant 0 : i32
      %dma_wait3A_823 = tpu.memref_slice %arg13[%dma_wait3A_820, %dma_wait3A_821, %dma_wait3A_822] : memref<2x128x128xf32, #tpu.memory_space<vmem>> -> memref<1x128x128xf32, #tpu.memory_space<vmem>>
      %dma_wait3A_824 = tpu.memref_squeeze %dma_wait3A_823 : memref<1x128x128xf32, #tpu.memory_space<vmem>> -> memref<128x128xf32, #tpu.memory_space<vmem>>
      %dma_wait3A_825 = arith.constant 0 : i32
      %dma_wait3A_826 = tpu.memref_slice %arg10[%dma_wait3A_819, %dma_wait3A_825] : memref<2x128xi32, #tpu.memory_space<vmem>> -> memref<1x128xi32, #tpu.memory_space<vmem>>
      %dma_wait3A_827 = tpu.memref_squeeze %dma_wait3A_826 : memref<1x128xi32, #tpu.memory_space<vmem>> -> memref<128xi32, #tpu.memory_space<vmem>>
      %dma_wait3A_828 = arith.constant 0 : i32
      %dma_wait3A_829 = arith.constant 0 : i32
      %dma_wait3A_830 = tpu.memref_slice %arg4[%dma_wait3A_828, %dma_wait3A_829] : memref<10016x128xf32, #tpu.memory_space<hbm>> -> memref<10016x128xf32, #tpu.memory_space<hbm>>
      tpu.wait_indirect_dma semaphore(%arg20 : memref<!tpu.dma_semaphore, #tpu.memory_space<semaphore_mem>>) src(%dma_wait3A_830 : memref<10016x128xf32, #tpu.memory_space<hbm>>) dst(%dma_wait3A_824 : memref<128x128xf32, #tpu.memory_space<vmem>>)
      %dma_wait3A_831 = arith.constant 1 : i32
      %dma_wait3A_832 = arith.constant 1 : i32
      %dma_wait3A_833 = arith.constant 0 : i32
      %dma_wait3A_834 = arith.constant 0 : i32
      %dma_wait3A_835 = tpu.memref_slice %arg14[%dma_wait3A_832, %dma_wait3A_833, %dma_wait3A_834] : memref<2x128x128xf32, #tpu.memory_space<vmem>> -> memref<1x128x128xf32, #tpu.memory_space<vmem>>
      %dma_wait3A_836 = tpu.memref_squeeze %dma_wait3A_835 : memref<1x128x128xf32, #tpu.memory_space<vmem>> -> memref<128x128xf32, #tpu.memory_space<vmem>>
      %dma_wait3A_837 = arith.constant 0 : i32
      %dma_wait3A_838 = tpu.memref_slice %arg10[%dma_wait3A_831, %dma_wait3A_837] : memref<2x128xi32, #tpu.memory_space<vmem>> -> memref<1x128xi32, #tpu.memory_space<vmem>>
      %dma_wait3A_839 = tpu.memref_squeeze %dma_wait3A_838 : memref<1x128xi32, #tpu.memory_space<vmem>> -> memref<128xi32, #tpu.memory_space<vmem>>
      %dma_wait3A_840 = arith.constant 0 : i32
      %dma_wait3A_841 = arith.constant 0 : i32
      %dma_wait3A_842 = tpu.memref_slice %arg5[%dma_wait3A_840, %dma_wait3A_841] : memref<10016x128xf32, #tpu.memory_space<hbm>> -> memref<10016x128xf32, #tpu.memory_space<hbm>>
      tpu.wait_indirect_dma semaphore(%arg22 : memref<!tpu.dma_semaphore, #tpu.memory_space<semaphore_mem>>) src(%dma_wait3A_842 : memref<10016x128xf32, #tpu.memory_space<hbm>>) dst(%dma_wait3A_836 : memref<128x128xf32, #tpu.memory_space<vmem>>)
      %add3A_843 = arith.addi %mul3A_2, %add3A_301 : i32
      %add3A_844 = arith.constant 1 : i32
      %add3A_845 = arith.addi %add3A_843, %add3A_844 : i32
      %mul3A_846 = arith.constant 128 : i32
      %mul3A_847 = arith.muli %add3A_845, %mul3A_846 : i32
      %run_scoped3A_848 = arith.constant 1 : i32
      "tpu.region"() ({
        %run_scoped3A_851 = tpu.sem_alloc : memref<!tpu.dma_semaphore, #tpu.memory_space<semaphore_mem>>
        %dma_start3A_852 = arith.constant 0 : i32
        %dma_start3A_853 = arith.constant 0 : i32
        %dma_start3A_854 = tpu.memref_slice %arg12[%run_scoped3A_848, %dma_start3A_852, %dma_start3A_853] : memref<2x128x128xf32, #tpu.memory_space<vmem>> -> memref<1x128x128xf32, #tpu.memory_space<vmem>>
        %dma_start3A_855 = tpu.memref_squeeze %dma_start3A_854 : memref<1x128x128xf32, #tpu.memory_space<vmem>> -> memref<128x128xf32, #tpu.memory_space<vmem>>
        %dma_start3A_856 = arith.constant 0 : i32
        %dma_start3A_857 = tpu.memref_slice %arg6[%mul3A_847, %dma_start3A_856] : memref<327680x128xf32, #tpu.memory_space<hbm>> -> memref<128x128xf32, #tpu.memory_space<hbm>>
        %dma_start3A_858 = arith.constant 0 : i32
        %dma_start3A_859 = tpu.memref_slice %arg6[%mul3A_847, %dma_start3A_858] : memref<327680x128xf32, #tpu.memory_space<hbm>> -> memref<128x128xf32, #tpu.memory_space<hbm>>
        %dma_start3A_860 = arith.constant 0 : i32
        %dma_start3A_861 = arith.constant 0 : i32
        %dma_start3A_862 = tpu.memref_slice %arg12[%run_scoped3A_848, %dma_start3A_860, %dma_start3A_861] : memref<2x128x128xf32, #tpu.memory_space<vmem>> -> memref<1x128x128xf32, #tpu.memory_space<vmem>>
        %dma_start3A_863 = tpu.memref_squeeze %dma_start3A_862 : memref<1x128x128xf32, #tpu.memory_space<vmem>> -> memref<128x128xf32, #tpu.memory_space<vmem>>
        tpu.enqueue_dma source(%dma_start3A_863 : memref<128x128xf32, #tpu.memory_space<vmem>>) target(%dma_start3A_859 : memref<128x128xf32, #tpu.memory_space<hbm>>) target_semaphore(%run_scoped3A_851 : memref<!tpu.dma_semaphore, #tpu.memory_space<semaphore_mem>>)
        %dma_wait3A_864 = arith.constant 0 : i32
        %dma_wait3A_865 = arith.constant 0 : i32
        %dma_wait3A_866 = tpu.memref_slice %arg12[%run_scoped3A_848, %dma_wait3A_864, %dma_wait3A_865] : memref<2x128x128xf32, #tpu.memory_space<vmem>> -> memref<1x128x128xf32, #tpu.memory_space<vmem>>
        %dma_wait3A_867 = tpu.memref_squeeze %dma_wait3A_866 : memref<1x128x128xf32, #tpu.memory_space<vmem>> -> memref<128x128xf32, #tpu.memory_space<vmem>>
        %dma_wait3A_868 = arith.constant 0 : i32
        %dma_wait3A_869 = tpu.memref_slice %arg6[%mul3A_847, %dma_wait3A_868] : memref<327680x128xf32, #tpu.memory_space<hbm>> -> memref<128x128xf32, #tpu.memory_space<hbm>>
        %dma_wait3A_870 = arith.constant 0 : i32
        %dma_wait3A_871 = tpu.memref_slice %arg6[%mul3A_847, %dma_wait3A_870] : memref<327680x128xf32, #tpu.memory_space<hbm>> -> memref<128x128xf32, #tpu.memory_space<hbm>>
        %dma_wait3A_872 = arith.constant 0 : i32
        %dma_wait3A_873 = arith.constant 0 : i32
        %dma_wait3A_874 = tpu.memref_slice %arg12[%run_scoped3A_848, %dma_wait3A_872, %dma_wait3A_873] : memref<2x128x128xf32, #tpu.memory_space<vmem>> -> memref<1x128x128xf32, #tpu.memory_space<vmem>>
        %dma_wait3A_875 = tpu.memref_squeeze %dma_wait3A_874 : memref<1x128x128xf32, #tpu.memory_space<vmem>> -> memref<128x128xf32, #tpu.memory_space<vmem>>
        tpu.wait_dma2 semaphore(%run_scoped3A_851 : memref<!tpu.dma_semaphore, #tpu.memory_space<semaphore_mem>>) src(%dma_wait3A_875 : memref<128x128xf32, #tpu.memory_space<vmem>>) dst(%dma_wait3A_871 : memref<128x128xf32, #tpu.memory_space<hbm>>)
        tpu.yield
      }) : () -> ()
      %run_scoped3A_849 = arith.constant 1 : i32
      "tpu.region"() ({
        %run_scoped3A_851 = tpu.sem_alloc : memref<!tpu.dma_semaphore, #tpu.memory_space<semaphore_mem>>
        %dma_start3A_852 = arith.constant 0 : i32
        %dma_start3A_853 = arith.constant 0 : i32
        %dma_start3A_854 = tpu.memref_slice %arg13[%run_scoped3A_849, %dma_start3A_852, %dma_start3A_853] : memref<2x128x128xf32, #tpu.memory_space<vmem>> -> memref<1x128x128xf32, #tpu.memory_space<vmem>>
        %dma_start3A_855 = tpu.memref_squeeze %dma_start3A_854 : memref<1x128x128xf32, #tpu.memory_space<vmem>> -> memref<128x128xf32, #tpu.memory_space<vmem>>
        %dma_start3A_856 = arith.constant 0 : i32
        %dma_start3A_857 = tpu.memref_slice %arg7[%mul3A_847, %dma_start3A_856] : memref<327680x128xf32, #tpu.memory_space<hbm>> -> memref<128x128xf32, #tpu.memory_space<hbm>>
        %dma_start3A_858 = arith.constant 0 : i32
        %dma_start3A_859 = tpu.memref_slice %arg7[%mul3A_847, %dma_start3A_858] : memref<327680x128xf32, #tpu.memory_space<hbm>> -> memref<128x128xf32, #tpu.memory_space<hbm>>
        %dma_start3A_860 = arith.constant 0 : i32
        %dma_start3A_861 = arith.constant 0 : i32
        %dma_start3A_862 = tpu.memref_slice %arg13[%run_scoped3A_849, %dma_start3A_860, %dma_start3A_861] : memref<2x128x128xf32, #tpu.memory_space<vmem>> -> memref<1x128x128xf32, #tpu.memory_space<vmem>>
        %dma_start3A_863 = tpu.memref_squeeze %dma_start3A_862 : memref<1x128x128xf32, #tpu.memory_space<vmem>> -> memref<128x128xf32, #tpu.memory_space<vmem>>
        tpu.enqueue_dma source(%dma_start3A_863 : memref<128x128xf32, #tpu.memory_space<vmem>>) target(%dma_start3A_859 : memref<128x128xf32, #tpu.memory_space<hbm>>) target_semaphore(%run_scoped3A_851 : memref<!tpu.dma_semaphore, #tpu.memory_space<semaphore_mem>>)
        %dma_wait3A_864 = arith.constant 0 : i32
        %dma_wait3A_865 = arith.constant 0 : i32
        %dma_wait3A_866 = tpu.memref_slice %arg13[%run_scoped3A_849, %dma_wait3A_864, %dma_wait3A_865] : memref<2x128x128xf32, #tpu.memory_space<vmem>> -> memref<1x128x128xf32, #tpu.memory_space<vmem>>
        %dma_wait3A_867 = tpu.memref_squeeze %dma_wait3A_866 : memref<1x128x128xf32, #tpu.memory_space<vmem>> -> memref<128x128xf32, #tpu.memory_space<vmem>>
        %dma_wait3A_868 = arith.constant 0 : i32
        %dma_wait3A_869 = tpu.memref_slice %arg7[%mul3A_847, %dma_wait3A_868] : memref<327680x128xf32, #tpu.memory_space<hbm>> -> memref<128x128xf32, #tpu.memory_space<hbm>>
        %dma_wait3A_870 = arith.constant 0 : i32
        %dma_wait3A_871 = tpu.memref_slice %arg7[%mul3A_847, %dma_wait3A_870] : memref<327680x128xf32, #tpu.memory_space<hbm>> -> memref<128x128xf32, #tpu.memory_space<hbm>>
        %dma_wait3A_872 = arith.constant 0 : i32
        %dma_wait3A_873 = arith.constant 0 : i32
        %dma_wait3A_874 = tpu.memref_slice %arg13[%run_scoped3A_849, %dma_wait3A_872, %dma_wait3A_873] : memref<2x128x128xf32, #tpu.memory_space<vmem>> -> memref<1x128x128xf32, #tpu.memory_space<vmem>>
        %dma_wait3A_875 = tpu.memref_squeeze %dma_wait3A_874 : memref<1x128x128xf32, #tpu.memory_space<vmem>> -> memref<128x128xf32, #tpu.memory_space<vmem>>
        tpu.wait_dma2 semaphore(%run_scoped3A_851 : memref<!tpu.dma_semaphore, #tpu.memory_space<semaphore_mem>>) src(%dma_wait3A_875 : memref<128x128xf32, #tpu.memory_space<vmem>>) dst(%dma_wait3A_871 : memref<128x128xf32, #tpu.memory_space<hbm>>)
        tpu.yield
      }) : () -> ()
      %run_scoped3A_850 = arith.constant 1 : i32
      "tpu.region"() ({
        %run_scoped3A_851 = tpu.sem_alloc : memref<!tpu.dma_semaphore, #tpu.memory_space<semaphore_mem>>
        %dma_start3A_852 = arith.constant 0 : i32
        %dma_start3A_853 = arith.constant 0 : i32
        %dma_start3A_854 = tpu.memref_slice %arg14[%run_scoped3A_850, %dma_start3A_852, %dma_start3A_853] : memref<2x128x128xf32, #tpu.memory_space<vmem>> -> memref<1x128x128xf32, #tpu.memory_space<vmem>>
        %dma_start3A_855 = tpu.memref_squeeze %dma_start3A_854 : memref<1x128x128xf32, #tpu.memory_space<vmem>> -> memref<128x128xf32, #tpu.memory_space<vmem>>
        %dma_start3A_856 = arith.constant 0 : i32
        %dma_start3A_857 = tpu.memref_slice %arg8[%mul3A_847, %dma_start3A_856] : memref<327680x128xf32, #tpu.memory_space<hbm>> -> memref<128x128xf32, #tpu.memory_space<hbm>>
        %dma_start3A_858 = arith.constant 0 : i32
        %dma_start3A_859 = tpu.memref_slice %arg8[%mul3A_847, %dma_start3A_858] : memref<327680x128xf32, #tpu.memory_space<hbm>> -> memref<128x128xf32, #tpu.memory_space<hbm>>
        %dma_start3A_860 = arith.constant 0 : i32
        %dma_start3A_861 = arith.constant 0 : i32
        %dma_start3A_862 = tpu.memref_slice %arg14[%run_scoped3A_850, %dma_start3A_860, %dma_start3A_861] : memref<2x128x128xf32, #tpu.memory_space<vmem>> -> memref<1x128x128xf32, #tpu.memory_space<vmem>>
        %dma_start3A_863 = tpu.memref_squeeze %dma_start3A_862 : memref<1x128x128xf32, #tpu.memory_space<vmem>> -> memref<128x128xf32, #tpu.memory_space<vmem>>
        tpu.enqueue_dma source(%dma_start3A_863 : memref<128x128xf32, #tpu.memory_space<vmem>>) target(%dma_start3A_859 : memref<128x128xf32, #tpu.memory_space<hbm>>) target_semaphore(%run_scoped3A_851 : memref<!tpu.dma_semaphore, #tpu.memory_space<semaphore_mem>>)
        %dma_wait3A_864 = arith.constant 0 : i32
        %dma_wait3A_865 = arith.constant 0 : i32
        %dma_wait3A_866 = tpu.memref_slice %arg14[%run_scoped3A_850, %dma_wait3A_864, %dma_wait3A_865] : memref<2x128x128xf32, #tpu.memory_space<vmem>> -> memref<1x128x128xf32, #tpu.memory_space<vmem>>
        %dma_wait3A_867 = tpu.memref_squeeze %dma_wait3A_866 : memref<1x128x128xf32, #tpu.memory_space<vmem>> -> memref<128x128xf32, #tpu.memory_space<vmem>>
        %dma_wait3A_868 = arith.constant 0 : i32
        %dma_wait3A_869 = tpu.memref_slice %arg8[%mul3A_847, %dma_wait3A_868] : memref<327680x128xf32, #tpu.memory_space<hbm>> -> memref<128x128xf32, #tpu.memory_space<hbm>>
        %dma_wait3A_870 = arith.constant 0 : i32
        %dma_wait3A_871 = tpu.memref_slice %arg8[%mul3A_847, %dma_wait3A_870] : memref<327680x128xf32, #tpu.memory_space<hbm>> -> memref<128x128xf32, #tpu.memory_space<hbm>>
        %dma_wait3A_872 = arith.constant 0 : i32
        %dma_wait3A_873 = arith.constant 0 : i32
        %dma_wait3A_874 = tpu.memref_slice %arg14[%run_scoped3A_850, %dma_wait3A_872, %dma_wait3A_873] : memref<2x128x128xf32, #tpu.memory_space<vmem>> -> memref<1x128x128xf32, #tpu.memory_space<vmem>>
        %dma_wait3A_875 = tpu.memref_squeeze %dma_wait3A_874 : memref<1x128x128xf32, #tpu.memory_space<vmem>> -> memref<128x128xf32, #tpu.memory_space<vmem>>
        tpu.wait_dma2 semaphore(%run_scoped3A_851 : memref<!tpu.dma_semaphore, #tpu.memory_space<semaphore_mem>>) src(%dma_wait3A_875 : memref<128x128xf32, #tpu.memory_space<vmem>>) dst(%dma_wait3A_871 : memref<128x128xf32, #tpu.memory_space<hbm>>)
        tpu.yield
      }) : () -> ()
    }
    %scan3A_245 = arith.constant 40 : i32
    %dma_wait3A_246 = arith.constant 1 : i32
    %dma_wait3A_247 = arith.constant 0 : i32
    %dma_wait3A_248 = arith.constant 0 : i32
    %dma_wait3A_249 = tpu.memref_slice %arg9[%dma_wait3A_246, %dma_wait3A_247, %dma_wait3A_248] : memref<2x2x128xi32, #tpu.memory_space<vmem>> -> memref<1x2x128xi32, #tpu.memory_space<vmem>>
    %dma_wait3A_250 = tpu.memref_squeeze %dma_wait3A_249 : memref<1x2x128xi32, #tpu.memory_space<vmem>> -> memref<2x128xi32, #tpu.memory_space<vmem>>
    %dma_wait3A_251 = arith.constant 0 : i32
    %dma_wait3A_252 = arith.constant 0 : i32
    %dma_wait3A_253 = tpu.memref_slice %arg2[%dma_wait3A_251, %dma_wait3A_252] : memref<5124x128xi32, #tpu.memory_space<hbm>> -> memref<2x128xi32, #tpu.memory_space<hbm>>
    %dma_wait3A_254 = arith.constant 0 : i32
    %dma_wait3A_255 = arith.constant 0 : i32
    %dma_wait3A_256 = tpu.memref_slice %arg9[%dma_wait3A_246, %dma_wait3A_254, %dma_wait3A_255] : memref<2x2x128xi32, #tpu.memory_space<vmem>> -> memref<1x2x128xi32, #tpu.memory_space<vmem>>
    %dma_wait3A_257 = tpu.memref_squeeze %dma_wait3A_256 : memref<1x2x128xi32, #tpu.memory_space<vmem>> -> memref<2x128xi32, #tpu.memory_space<vmem>>
    %dma_wait3A_258 = arith.constant 0 : i32
    %dma_wait3A_259 = arith.constant 0 : i32
    %dma_wait3A_260 = tpu.memref_slice %arg2[%dma_wait3A_258, %dma_wait3A_259] : memref<5124x128xi32, #tpu.memory_space<hbm>> -> memref<2x128xi32, #tpu.memory_space<hbm>>
    tpu.wait_dma2 semaphore(%arg16 : memref<!tpu.dma_semaphore, #tpu.memory_space<semaphore_mem>>) src(%dma_wait3A_260 : memref<2x128xi32, #tpu.memory_space<hbm>>) dst(%dma_wait3A_257 : memref<2x128xi32, #tpu.memory_space<vmem>>)
    %dma_wait3A_261 = arith.constant 0 : i32
    %dma_wait3A_262 = arith.constant 0 : i32
    %dma_wait3A_263 = arith.constant 0 : i32
    %dma_wait3A_264 = arith.constant 0 : i32
    %dma_wait3A_265 = tpu.memref_slice %arg12[%dma_wait3A_262, %dma_wait3A_263, %dma_wait3A_264] : memref<2x128x128xf32, #tpu.memory_space<vmem>> -> memref<1x128x128xf32, #tpu.memory_space<vmem>>
    %dma_wait3A_266 = tpu.memref_squeeze %dma_wait3A_265 : memref<1x128x128xf32, #tpu.memory_space<vmem>> -> memref<128x128xf32, #tpu.memory_space<vmem>>
    %dma_wait3A_267 = arith.constant 0 : i32
    %dma_wait3A_268 = tpu.memref_slice %arg11[%dma_wait3A_261, %dma_wait3A_267] : memref<2x128xi32, #tpu.memory_space<vmem>> -> memref<1x128xi32, #tpu.memory_space<vmem>>
    %dma_wait3A_269 = tpu.memref_squeeze %dma_wait3A_268 : memref<1x128xi32, #tpu.memory_space<vmem>> -> memref<128xi32, #tpu.memory_space<vmem>>
    %dma_wait3A_270 = arith.constant 0 : i32
    %dma_wait3A_271 = arith.constant 0 : i32
    %dma_wait3A_272 = tpu.memref_slice %arg3[%dma_wait3A_270, %dma_wait3A_271] : memref<10016x128xf32, #tpu.memory_space<hbm>> -> memref<10016x128xf32, #tpu.memory_space<hbm>>
    tpu.wait_indirect_dma semaphore(%arg17 : memref<!tpu.dma_semaphore, #tpu.memory_space<semaphore_mem>>) src(%dma_wait3A_272 : memref<10016x128xf32, #tpu.memory_space<hbm>>) dst(%dma_wait3A_266 : memref<128x128xf32, #tpu.memory_space<vmem>>)
    %dma_wait3A_273 = arith.constant 0 : i32
    %dma_wait3A_274 = arith.constant 0 : i32
    %dma_wait3A_275 = arith.constant 0 : i32
    %dma_wait3A_276 = arith.constant 0 : i32
    %dma_wait3A_277 = tpu.memref_slice %arg13[%dma_wait3A_274, %dma_wait3A_275, %dma_wait3A_276] : memref<2x128x128xf32, #tpu.memory_space<vmem>> -> memref<1x128x128xf32, #tpu.memory_space<vmem>>
    %dma_wait3A_278 = tpu.memref_squeeze %dma_wait3A_277 : memref<1x128x128xf32, #tpu.memory_space<vmem>> -> memref<128x128xf32, #tpu.memory_space<vmem>>
    %dma_wait3A_279 = arith.constant 0 : i32
    %dma_wait3A_280 = tpu.memref_slice %arg10[%dma_wait3A_273, %dma_wait3A_279] : memref<2x128xi32, #tpu.memory_space<vmem>> -> memref<1x128xi32, #tpu.memory_space<vmem>>
    %dma_wait3A_281 = tpu.memref_squeeze %dma_wait3A_280 : memref<1x128xi32, #tpu.memory_space<vmem>> -> memref<128xi32, #tpu.memory_space<vmem>>
    %dma_wait3A_282 = arith.constant 0 : i32
    %dma_wait3A_283 = arith.constant 0 : i32
    %dma_wait3A_284 = tpu.memref_slice %arg4[%dma_wait3A_282, %dma_wait3A_283] : memref<10016x128xf32, #tpu.memory_space<hbm>> -> memref<10016x128xf32, #tpu.memory_space<hbm>>
    tpu.wait_indirect_dma semaphore(%arg19 : memref<!tpu.dma_semaphore, #tpu.memory_space<semaphore_mem>>) src(%dma_wait3A_284 : memref<10016x128xf32, #tpu.memory_space<hbm>>) dst(%dma_wait3A_278 : memref<128x128xf32, #tpu.memory_space<vmem>>)
    %dma_wait3A_285 = arith.constant 0 : i32
    %dma_wait3A_286 = arith.constant 0 : i32
    %dma_wait3A_287 = arith.constant 0 : i32
    %dma_wait3A_288 = arith.constant 0 : i32
    %dma_wait3A_289 = tpu.memref_slice %arg14[%dma_wait3A_286, %dma_wait3A_287, %dma_wait3A_288] : memref<2x128x128xf32, #tpu.memory_space<vmem>> -> memref<1x128x128xf32, #tpu.memory_space<vmem>>
    %dma_wait3A_290 = tpu.memref_squeeze %dma_wait3A_289 : memref<1x128x128xf32, #tpu.memory_space<vmem>> -> memref<128x128xf32, #tpu.memory_space<vmem>>
    %dma_wait3A_291 = arith.constant 0 : i32
    %dma_wait3A_292 = tpu.memref_slice %arg10[%dma_wait3A_285, %dma_wait3A_291] : memref<2x128xi32, #tpu.memory_space<vmem>> -> memref<1x128xi32, #tpu.memory_space<vmem>>
    %dma_wait3A_293 = tpu.memref_squeeze %dma_wait3A_292 : memref<1x128xi32, #tpu.memory_space<vmem>> -> memref<128xi32, #tpu.memory_space<vmem>>
    %dma_wait3A_294 = arith.constant 0 : i32
    %dma_wait3A_295 = arith.constant 0 : i32
    %dma_wait3A_296 = tpu.memref_slice %arg5[%dma_wait3A_294, %dma_wait3A_295] : memref<10016x128xf32, #tpu.memory_space<hbm>> -> memref<10016x128xf32, #tpu.memory_space<hbm>>
    tpu.wait_indirect_dma semaphore(%arg21 : memref<!tpu.dma_semaphore, #tpu.memory_space<semaphore_mem>>) src(%dma_wait3A_296 : memref<10016x128xf32, #tpu.memory_space<hbm>>) dst(%dma_wait3A_290 : memref<128x128xf32, #tpu.memory_space<vmem>>)
    return
  }
}

#map = affine_map<(d0, d1) -> (0)>
#map1 = affine_map<(d0, d1) -> (0, 0)>
module attributes {stable_mosaic.version = 14 : i64} {
  func.func @_scatter_kernel(%arg0: i32, %arg1: i32, %arg2: memref<327936xi32, #tpu.memory_space<hbm>>, %arg3: memref<327680x128xf32, #tpu.memory_space<hbm>>, %arg4: memref<327680x128xf32, #tpu.memory_space<hbm>>, %arg5: memref<20000x128xf32, #tpu.memory_space<hbm>>, %arg6: memref<20000x16xf32, #tpu.memory_space<hbm>>, %arg7: memref<10016x128xf32, #tpu.memory_space<vmem_shared>>, %arg8: memref<10016x16xf32, #tpu.memory_space<vmem_shared>>, %arg9: memref<2x64x128xf32, #tpu.memory_space<vmem>>, %arg10: memref<2x64x128xf32, #tpu.memory_space<vmem>>, %arg11: memref<2x64x16xf32, #tpu.memory_space<vmem>>, %arg12: memref<2x64xi32, #tpu.memory_space<vmem>>, %arg13: memref<!tpu.dma_semaphore, #tpu.memory_space<semaphore_mem>>, %arg14: memref<!tpu.dma_semaphore, #tpu.memory_space<semaphore_mem>>, %arg15: memref<!tpu.dma_semaphore, #tpu.memory_space<semaphore_mem>>, %arg16: memref<!tpu.dma_semaphore, #tpu.memory_space<semaphore_mem>>, %arg17: memref<!tpu.dma_semaphore, #tpu.memory_space<semaphore_mem>>, %arg18: memref<!tpu.dma_semaphore, #tpu.memory_space<semaphore_mem>>) attributes {dimension_semantics = [#tpu.dimension_semantics<core_parallel>, #tpu.dimension_semantics<subcore_parallel>], iteration_bounds = array<i64: 2, 16>, scalar_prefetch = 0 : i64, scratch_operands = 12 : i64, tpu.core_type = #tpu.core_type<sc_vector_subcore>, window_params = [{transform_indices = #map}, {transform_indices = #map1}, {transform_indices = #map1}, {transform_indices = #map1}, {transform_indices = #map1}]} {
    %mul3A = arith.constant 16 : i32
    %mul3A_0 = arith.muli %arg0, %mul3A : i32
    %add3A = arith.addi %mul3A_0, %arg1 : i32
    %mul3A_1 = arith.constant 160 : i32
    %mul3A_2 = arith.muli %add3A, %mul3A_1 : i32
    %broadcast_in_dim3A = arith.constant 0.000000e+00 : f32
    %broadcast_in_dim3A_3 = vector.broadcast %broadcast_in_dim3A : f32 to vector<16xf32>
    %scan3A = arith.constant 0 : i32
    %scan3A_4 = arith.constant 64 : i32
    %scan3A_5 = arith.addi %scan3A, %scan3A_4 : i32
    %scan3A_6 = arith.constant 1 : i32
    scf.for %scan3A_121 = %scan3A to %scan3A_5 step %scan3A_6  : i32 {
      %mul3A_122 = arith.constant 1 : i32
      %mul3A_123 = arith.muli %scan3A_121, %mul3A_122 : i32
      %add3A_124 = arith.constant 0 : i32
      %add3A_125 = arith.addi %add3A_124, %mul3A_123 : i32
      %swap3A = arith.constant 0 : i32
      %swap3A_126 = arith.index_cast %swap3A : i32 to index
      %swap3A_127 = arith.index_cast %add3A_125 : i32 to index
      %swap3A_128 = arith.constant 0 : index
      %swap3A_129 = tpu.vector_load %arg9[%swap3A_126, %swap3A_127, %swap3A_128] {strides = array<i32>} : memref<2x64x128xf32, #tpu.memory_space<vmem>>, vector<16xf32>,
      tpu.vector_store %arg9[%swap3A_126, %swap3A_127, %swap3A_128], %broadcast_in_dim3A_3 {strides = array<i32>} : memref<2x64x128xf32, #tpu.memory_space<vmem>>, vector<16xf32>,
      %swap3A_130 = arith.constant 0 : i32
      %swap3A_131 = arith.index_cast %swap3A_130 : i32 to index
      %swap3A_132 = arith.index_cast %add3A_125 : i32 to index
      %swap3A_133 = arith.constant 16 : index
      %swap3A_134 = tpu.vector_load %arg9[%swap3A_131, %swap3A_132, %swap3A_133] {strides = array<i32>} : memref<2x64x128xf32, #tpu.memory_space<vmem>>, vector<16xf32>,
      tpu.vector_store %arg9[%swap3A_131, %swap3A_132, %swap3A_133], %broadcast_in_dim3A_3 {strides = array<i32>} : memref<2x64x128xf32, #tpu.memory_space<vmem>>, vector<16xf32>,
      %swap3A_135 = arith.constant 0 : i32
      %swap3A_136 = arith.index_cast %swap3A_135 : i32 to index
      %swap3A_137 = arith.index_cast %add3A_125 : i32 to index
      %swap3A_138 = arith.constant 32 : index
      %swap3A_139 = tpu.vector_load %arg9[%swap3A_136, %swap3A_137, %swap3A_138] {strides = array<i32>} : memref<2x64x128xf32, #tpu.memory_space<vmem>>, vector<16xf32>,
      tpu.vector_store %arg9[%swap3A_136, %swap3A_137, %swap3A_138], %broadcast_in_dim3A_3 {strides = array<i32>} : memref<2x64x128xf32, #tpu.memory_space<vmem>>, vector<16xf32>,
      %swap3A_140 = arith.constant 0 : i32
      %swap3A_141 = arith.index_cast %swap3A_140 : i32 to index
      %swap3A_142 = arith.index_cast %add3A_125 : i32 to index
      %swap3A_143 = arith.constant 48 : index
      %swap3A_144 = tpu.vector_load %arg9[%swap3A_141, %swap3A_142, %swap3A_143] {strides = array<i32>} : memref<2x64x128xf32, #tpu.memory_space<vmem>>, vector<16xf32>,
      tpu.vector_store %arg9[%swap3A_141, %swap3A_142, %swap3A_143], %broadcast_in_dim3A_3 {strides = array<i32>} : memref<2x64x128xf32, #tpu.memory_space<vmem>>, vector<16xf32>,
      %swap3A_145 = arith.constant 0 : i32
      %swap3A_146 = arith.index_cast %swap3A_145 : i32 to index
      %swap3A_147 = arith.index_cast %add3A_125 : i32 to index
      %swap3A_148 = arith.constant 64 : index
      %swap3A_149 = tpu.vector_load %arg9[%swap3A_146, %swap3A_147, %swap3A_148] {strides = array<i32>} : memref<2x64x128xf32, #tpu.memory_space<vmem>>, vector<16xf32>,
      tpu.vector_store %arg9[%swap3A_146, %swap3A_147, %swap3A_148], %broadcast_in_dim3A_3 {strides = array<i32>} : memref<2x64x128xf32, #tpu.memory_space<vmem>>, vector<16xf32>,
      %swap3A_150 = arith.constant 0 : i32
      %swap3A_151 = arith.index_cast %swap3A_150 : i32 to index
      %swap3A_152 = arith.index_cast %add3A_125 : i32 to index
      %swap3A_153 = arith.constant 80 : index
      %swap3A_154 = tpu.vector_load %arg9[%swap3A_151, %swap3A_152, %swap3A_153] {strides = array<i32>} : memref<2x64x128xf32, #tpu.memory_space<vmem>>, vector<16xf32>,
      tpu.vector_store %arg9[%swap3A_151, %swap3A_152, %swap3A_153], %broadcast_in_dim3A_3 {strides = array<i32>} : memref<2x64x128xf32, #tpu.memory_space<vmem>>, vector<16xf32>,
      %swap3A_155 = arith.constant 0 : i32
      %swap3A_156 = arith.index_cast %swap3A_155 : i32 to index
      %swap3A_157 = arith.index_cast %add3A_125 : i32 to index
      %swap3A_158 = arith.constant 96 : index
      %swap3A_159 = tpu.vector_load %arg9[%swap3A_156, %swap3A_157, %swap3A_158] {strides = array<i32>} : memref<2x64x128xf32, #tpu.memory_space<vmem>>, vector<16xf32>,
      tpu.vector_store %arg9[%swap3A_156, %swap3A_157, %swap3A_158], %broadcast_in_dim3A_3 {strides = array<i32>} : memref<2x64x128xf32, #tpu.memory_space<vmem>>, vector<16xf32>,
      %swap3A_160 = arith.constant 0 : i32
      %swap3A_161 = arith.index_cast %swap3A_160 : i32 to index
      %swap3A_162 = arith.index_cast %add3A_125 : i32 to index
      %swap3A_163 = arith.constant 112 : index
      %swap3A_164 = tpu.vector_load %arg9[%swap3A_161, %swap3A_162, %swap3A_163] {strides = array<i32>} : memref<2x64x128xf32, #tpu.memory_space<vmem>>, vector<16xf32>,
      tpu.vector_store %arg9[%swap3A_161, %swap3A_162, %swap3A_163], %broadcast_in_dim3A_3 {strides = array<i32>} : memref<2x64x128xf32, #tpu.memory_space<vmem>>, vector<16xf32>,
      %swap3A_165 = arith.constant 0 : i32
      %swap3A_166 = arith.index_cast %swap3A_165 : i32 to index
      %swap3A_167 = arith.index_cast %add3A_125 : i32 to index
      %swap3A_168 = arith.constant 0 : index
      %swap3A_169 = tpu.vector_load %arg11[%swap3A_166, %swap3A_167, %swap3A_168] {strides = array<i32>} : memref<2x64x16xf32, #tpu.memory_space<vmem>>, vector<16xf32>,
      tpu.vector_store %arg11[%swap3A_166, %swap3A_167, %swap3A_168], %broadcast_in_dim3A_3 {strides = array<i32>} : memref<2x64x16xf32, #tpu.memory_space<vmem>>, vector<16xf32>,
    }
    %scan3A_7 = arith.constant 64 : i32
    %scan3A_8 = arith.constant 0 : i32
    %scan3A_9 = arith.constant 9 : i32
    %scan3A_10 = arith.addi %scan3A_8, %scan3A_9 : i32
    %scan3A_11 = arith.constant 1 : i32
    scf.for %scan3A_121 = %scan3A_8 to %scan3A_10 step %scan3A_11  : i32 {
      %mul3A_122 = arith.constant 64 : i32
      %mul3A_123 = arith.muli %scan3A_121, %mul3A_122 : i32
      %add3A_124 = arith.constant 0 : i32
      %add3A_125 = arith.addi %add3A_124, %mul3A_123 : i32
      %mul3A_126 = arith.constant 625 : i32
      %mul3A_127 = arith.muli %arg1, %mul3A_126 : i32
      %add3A_128 = arith.addi %mul3A_127, %add3A_125 : i32
      %run_scoped3A_129 = arith.constant 0 : i32
      "tpu.region"() ({
        %run_scoped3A_134 = tpu.sem_alloc : memref<!tpu.dma_semaphore, #tpu.memory_space<semaphore_mem>>
        %dma_start3A_135 = arith.constant 0 : i32
        %dma_start3A_136 = arith.constant 0 : i32
        %dma_start3A_137 = tpu.memref_slice %arg9[%run_scoped3A_129, %dma_start3A_135, %dma_start3A_136] : memref<2x64x128xf32, #tpu.memory_space<vmem>> -> memref<1x64x128xf32, #tpu.memory_space<vmem>>
        %dma_start3A_138 = tpu.memref_squeeze %dma_start3A_137 : memref<1x64x128xf32, #tpu.memory_space<vmem>> -> memref<64x128xf32, #tpu.memory_space<vmem>>
        %dma_start3A_139 = arith.constant 0 : i32
        %dma_start3A_140 = tpu.memref_slice %arg7[%add3A_128, %dma_start3A_139] : memref<10016x128xf32, #tpu.memory_space<vmem_shared>> -> memref<64x128xf32, #tpu.memory_space<vmem_shared>>
        %dma_start3A_141 = arith.constant 0 : i32
        %dma_start3A_142 = tpu.memref_slice %arg7[%add3A_128, %dma_start3A_141] : memref<10016x128xf32, #tpu.memory_space<vmem_shared>> -> memref<64x128xf32, #tpu.memory_space<vmem_shared>>
        %dma_start3A_143 = arith.constant 0 : i32
        %dma_start3A_144 = arith.constant 0 : i32
        %dma_start3A_145 = tpu.memref_slice %arg9[%run_scoped3A_129, %dma_start3A_143, %dma_start3A_144] : memref<2x64x128xf32, #tpu.memory_space<vmem>> -> memref<1x64x128xf32, #tpu.memory_space<vmem>>
        %dma_start3A_146 = tpu.memref_squeeze %dma_start3A_145 : memref<1x64x128xf32, #tpu.memory_space<vmem>> -> memref<64x128xf32, #tpu.memory_space<vmem>>
        tpu.enqueue_dma source(%dma_start3A_146 : memref<64x128xf32, #tpu.memory_space<vmem>>) target(%dma_start3A_142 : memref<64x128xf32, #tpu.memory_space<vmem_shared>>) target_semaphore(%run_scoped3A_134 : memref<!tpu.dma_semaphore, #tpu.memory_space<semaphore_mem>>)
        %dma_wait3A_147 = arith.constant 0 : i32
        %dma_wait3A_148 = arith.constant 0 : i32
        %dma_wait3A_149 = tpu.memref_slice %arg9[%run_scoped3A_129, %dma_wait3A_147, %dma_wait3A_148] : memref<2x64x128xf32, #tpu.memory_space<vmem>> -> memref<1x64x128xf32, #tpu.memory_space<vmem>>
        %dma_wait3A_150 = tpu.memref_squeeze %dma_wait3A_149 : memref<1x64x128xf32, #tpu.memory_space<vmem>> -> memref<64x128xf32, #tpu.memory_space<vmem>>
        %dma_wait3A_151 = arith.constant 0 : i32
        %dma_wait3A_152 = tpu.memref_slice %arg7[%add3A_128, %dma_wait3A_151] : memref<10016x128xf32, #tpu.memory_space<vmem_shared>> -> memref<64x128xf32, #tpu.memory_space<vmem_shared>>
        %dma_wait3A_153 = arith.constant 0 : i32
        %dma_wait3A_154 = tpu.memref_slice %arg7[%add3A_128, %dma_wait3A_153] : memref<10016x128xf32, #tpu.memory_space<vmem_shared>> -> memref<64x128xf32, #tpu.memory_space<vmem_shared>>
        %dma_wait3A_155 = arith.constant 0 : i32
        %dma_wait3A_156 = arith.constant 0 : i32
        %dma_wait3A_157 = tpu.memref_slice %arg9[%run_scoped3A_129, %dma_wait3A_155, %dma_wait3A_156] : memref<2x64x128xf32, #tpu.memory_space<vmem>> -> memref<1x64x128xf32, #tpu.memory_space<vmem>>
        %dma_wait3A_158 = tpu.memref_squeeze %dma_wait3A_157 : memref<1x64x128xf32, #tpu.memory_space<vmem>> -> memref<64x128xf32, #tpu.memory_space<vmem>>
        tpu.wait_dma2 semaphore(%run_scoped3A_134 : memref<!tpu.dma_semaphore, #tpu.memory_space<semaphore_mem>>) src(%dma_wait3A_158 : memref<64x128xf32, #tpu.memory_space<vmem>>) dst(%dma_wait3A_154 : memref<64x128xf32, #tpu.memory_space<vmem_shared>>)
        tpu.yield
      }) : () -> ()
      %mul3A_130 = arith.constant 625 : i32
      %mul3A_131 = arith.muli %arg1, %mul3A_130 : i32
      %add3A_132 = arith.addi %mul3A_131, %add3A_125 : i32
      %run_scoped3A_133 = arith.constant 0 : i32
      "tpu.region"() ({
        %run_scoped3A_134 = tpu.sem_alloc : memref<!tpu.dma_semaphore, #tpu.memory_space<semaphore_mem>>
        %dma_start3A_135 = arith.constant 0 : i32
        %dma_start3A_136 = arith.constant 0 : i32
        %dma_start3A_137 = tpu.memref_slice %arg11[%run_scoped3A_133, %dma_start3A_135, %dma_start3A_136] : memref<2x64x16xf32, #tpu.memory_space<vmem>> -> memref<1x64x16xf32, #tpu.memory_space<vmem>>
        %dma_start3A_138 = tpu.memref_squeeze %dma_start3A_137 : memref<1x64x16xf32, #tpu.memory_space<vmem>> -> memref<64x16xf32, #tpu.memory_space<vmem>>
        %dma_start3A_139 = arith.constant 0 : i32
        %dma_start3A_140 = tpu.memref_slice %arg8[%add3A_132, %dma_start3A_139] : memref<10016x16xf32, #tpu.memory_space<vmem_shared>> -> memref<64x16xf32, #tpu.memory_space<vmem_shared>>
        %dma_start3A_141 = arith.constant 0 : i32
        %dma_start3A_142 = tpu.memref_slice %arg8[%add3A_132, %dma_start3A_141] : memref<10016x16xf32, #tpu.memory_space<vmem_shared>> -> memref<64x16xf32, #tpu.memory_space<vmem_shared>>
        %dma_start3A_143 = arith.constant 0 : i32
        %dma_start3A_144 = arith.constant 0 : i32
        %dma_start3A_145 = tpu.memref_slice %arg11[%run_scoped3A_133, %dma_start3A_143, %dma_start3A_144] : memref<2x64x16xf32, #tpu.memory_space<vmem>> -> memref<1x64x16xf32, #tpu.memory_space<vmem>>
        %dma_start3A_146 = tpu.memref_squeeze %dma_start3A_145 : memref<1x64x16xf32, #tpu.memory_space<vmem>> -> memref<64x16xf32, #tpu.memory_space<vmem>>
        tpu.enqueue_dma source(%dma_start3A_146 : memref<64x16xf32, #tpu.memory_space<vmem>>) target(%dma_start3A_142 : memref<64x16xf32, #tpu.memory_space<vmem_shared>>) target_semaphore(%run_scoped3A_134 : memref<!tpu.dma_semaphore, #tpu.memory_space<semaphore_mem>>)
        %dma_wait3A_147 = arith.constant 0 : i32
        %dma_wait3A_148 = arith.constant 0 : i32
        %dma_wait3A_149 = tpu.memref_slice %arg11[%run_scoped3A_133, %dma_wait3A_147, %dma_wait3A_148] : memref<2x64x16xf32, #tpu.memory_space<vmem>> -> memref<1x64x16xf32, #tpu.memory_space<vmem>>
        %dma_wait3A_150 = tpu.memref_squeeze %dma_wait3A_149 : memref<1x64x16xf32, #tpu.memory_space<vmem>> -> memref<64x16xf32, #tpu.memory_space<vmem>>
        %dma_wait3A_151 = arith.constant 0 : i32
        %dma_wait3A_152 = tpu.memref_slice %arg8[%add3A_132, %dma_wait3A_151] : memref<10016x16xf32, #tpu.memory_space<vmem_shared>> -> memref<64x16xf32, #tpu.memory_space<vmem_shared>>
        %dma_wait3A_153 = arith.constant 0 : i32
        %dma_wait3A_154 = tpu.memref_slice %arg8[%add3A_132, %dma_wait3A_153] : memref<10016x16xf32, #tpu.memory_space<vmem_shared>> -> memref<64x16xf32, #tpu.memory_space<vmem_shared>>
        %dma_wait3A_155 = arith.constant 0 : i32
        %dma_wait3A_156 = arith.constant 0 : i32
        %dma_wait3A_157 = tpu.memref_slice %arg11[%run_scoped3A_133, %dma_wait3A_155, %dma_wait3A_156] : memref<2x64x16xf32, #tpu.memory_space<vmem>> -> memref<1x64x16xf32, #tpu.memory_space<vmem>>
        %dma_wait3A_158 = tpu.memref_squeeze %dma_wait3A_157 : memref<1x64x16xf32, #tpu.memory_space<vmem>> -> memref<64x16xf32, #tpu.memory_space<vmem>>
        tpu.wait_dma2 semaphore(%run_scoped3A_134 : memref<!tpu.dma_semaphore, #tpu.memory_space<semaphore_mem>>) src(%dma_wait3A_158 : memref<64x16xf32, #tpu.memory_space<vmem>>) dst(%dma_wait3A_154 : memref<64x16xf32, #tpu.memory_space<vmem_shared>>)
        tpu.yield
      }) : () -> ()
    }
    %scan3A_12 = arith.constant 9 : i32
    %mul3A_13 = arith.constant 625 : i32
    %mul3A_14 = arith.muli %arg1, %mul3A_13 : i32
    %add3A_15 = arith.constant 576 : i32
    %add3A_16 = arith.addi %mul3A_14, %add3A_15 : i32
    %run_scoped3A = arith.constant 0 : i32
    "tpu.region"() ({
      %run_scoped3A_121 = tpu.sem_alloc : memref<!tpu.dma_semaphore, #tpu.memory_space<semaphore_mem>>
      %dma_start3A_122 = arith.constant 0 : i32
      %dma_start3A_123 = arith.constant 0 : i32
      %dma_start3A_124 = tpu.memref_slice %arg9[%run_scoped3A, %dma_start3A_122, %dma_start3A_123] : memref<2x64x128xf32, #tpu.memory_space<vmem>> -> memref<1x49x128xf32, #tpu.memory_space<vmem>>
      %dma_start3A_125 = tpu.memref_squeeze %dma_start3A_124 : memref<1x49x128xf32, #tpu.memory_space<vmem>> -> memref<49x128xf32, #tpu.memory_space<vmem>>
      %dma_start3A_126 = arith.constant 0 : i32
      %dma_start3A_127 = tpu.memref_slice %arg7[%add3A_16, %dma_start3A_126] : memref<10016x128xf32, #tpu.memory_space<vmem_shared>> -> memref<49x128xf32, #tpu.memory_space<vmem_shared>>
      %dma_start3A_128 = arith.constant 0 : i32
      %dma_start3A_129 = tpu.memref_slice %arg7[%add3A_16, %dma_start3A_128] : memref<10016x128xf32, #tpu.memory_space<vmem_shared>> -> memref<49x128xf32, #tpu.memory_space<vmem_shared>>
      %dma_start3A_130 = arith.constant 0 : i32
      %dma_start3A_131 = arith.constant 0 : i32
      %dma_start3A_132 = tpu.memref_slice %arg9[%run_scoped3A, %dma_start3A_130, %dma_start3A_131] : memref<2x64x128xf32, #tpu.memory_space<vmem>> -> memref<1x49x128xf32, #tpu.memory_space<vmem>>
      %dma_start3A_133 = tpu.memref_squeeze %dma_start3A_132 : memref<1x49x128xf32, #tpu.memory_space<vmem>> -> memref<49x128xf32, #tpu.memory_space<vmem>>
      tpu.enqueue_dma source(%dma_start3A_133 : memref<49x128xf32, #tpu.memory_space<vmem>>) target(%dma_start3A_129 : memref<49x128xf32, #tpu.memory_space<vmem_shared>>) target_semaphore(%run_scoped3A_121 : memref<!tpu.dma_semaphore, #tpu.memory_space<semaphore_mem>>)
      %dma_wait3A_134 = arith.constant 0 : i32
      %dma_wait3A_135 = arith.constant 0 : i32
      %dma_wait3A_136 = tpu.memref_slice %arg9[%run_scoped3A, %dma_wait3A_134, %dma_wait3A_135] : memref<2x64x128xf32, #tpu.memory_space<vmem>> -> memref<1x49x128xf32, #tpu.memory_space<vmem>>
      %dma_wait3A_137 = tpu.memref_squeeze %dma_wait3A_136 : memref<1x49x128xf32, #tpu.memory_space<vmem>> -> memref<49x128xf32, #tpu.memory_space<vmem>>
      %dma_wait3A_138 = arith.constant 0 : i32
      %dma_wait3A_139 = tpu.memref_slice %arg7[%add3A_16, %dma_wait3A_138] : memref<10016x128xf32, #tpu.memory_space<vmem_shared>> -> memref<49x128xf32, #tpu.memory_space<vmem_shared>>
      %dma_wait3A_140 = arith.constant 0 : i32
      %dma_wait3A_141 = tpu.memref_slice %arg7[%add3A_16, %dma_wait3A_140] : memref<10016x128xf32, #tpu.memory_space<vmem_shared>> -> memref<49x128xf32, #tpu.memory_space<vmem_shared>>
      %dma_wait3A_142 = arith.constant 0 : i32
      %dma_wait3A_143 = arith.constant 0 : i32
      %dma_wait3A_144 = tpu.memref_slice %arg9[%run_scoped3A, %dma_wait3A_142, %dma_wait3A_143] : memref<2x64x128xf32, #tpu.memory_space<vmem>> -> memref<1x49x128xf32, #tpu.memory_space<vmem>>
      %dma_wait3A_145 = tpu.memref_squeeze %dma_wait3A_144 : memref<1x49x128xf32, #tpu.memory_space<vmem>> -> memref<49x128xf32, #tpu.memory_space<vmem>>
      tpu.wait_dma2 semaphore(%run_scoped3A_121 : memref<!tpu.dma_semaphore, #tpu.memory_space<semaphore_mem>>) src(%dma_wait3A_145 : memref<49x128xf32, #tpu.memory_space<vmem>>) dst(%dma_wait3A_141 : memref<49x128xf32, #tpu.memory_space<vmem_shared>>)
      tpu.yield
    }) : () -> ()
    %mul3A_17 = arith.constant 625 : i32
    %mul3A_18 = arith.muli %arg1, %mul3A_17 : i32
    %add3A_19 = arith.constant 576 : i32
    %add3A_20 = arith.addi %mul3A_18, %add3A_19 : i32
    %run_scoped3A_21 = arith.constant 0 : i32
    "tpu.region"() ({
      %run_scoped3A_121 = tpu.sem_alloc : memref<!tpu.dma_semaphore, #tpu.memory_space<semaphore_mem>>
      %dma_start3A_122 = arith.constant 0 : i32
      %dma_start3A_123 = arith.constant 0 : i32
      %dma_start3A_124 = tpu.memref_slice %arg11[%run_scoped3A_21, %dma_start3A_122, %dma_start3A_123] : memref<2x64x16xf32, #tpu.memory_space<vmem>> -> memref<1x49x16xf32, #tpu.memory_space<vmem>>
      %dma_start3A_125 = tpu.memref_squeeze %dma_start3A_124 : memref<1x49x16xf32, #tpu.memory_space<vmem>> -> memref<49x16xf32, #tpu.memory_space<vmem>>
      %dma_start3A_126 = arith.constant 0 : i32
      %dma_start3A_127 = tpu.memref_slice %arg8[%add3A_20, %dma_start3A_126] : memref<10016x16xf32, #tpu.memory_space<vmem_shared>> -> memref<49x16xf32, #tpu.memory_space<vmem_shared>>
      %dma_start3A_128 = arith.constant 0 : i32
      %dma_start3A_129 = tpu.memref_slice %arg8[%add3A_20, %dma_start3A_128] : memref<10016x16xf32, #tpu.memory_space<vmem_shared>> -> memref<49x16xf32, #tpu.memory_space<vmem_shared>>
      %dma_start3A_130 = arith.constant 0 : i32
      %dma_start3A_131 = arith.constant 0 : i32
      %dma_start3A_132 = tpu.memref_slice %arg11[%run_scoped3A_21, %dma_start3A_130, %dma_start3A_131] : memref<2x64x16xf32, #tpu.memory_space<vmem>> -> memref<1x49x16xf32, #tpu.memory_space<vmem>>
      %dma_start3A_133 = tpu.memref_squeeze %dma_start3A_132 : memref<1x49x16xf32, #tpu.memory_space<vmem>> -> memref<49x16xf32, #tpu.memory_space<vmem>>
      tpu.enqueue_dma source(%dma_start3A_133 : memref<49x16xf32, #tpu.memory_space<vmem>>) target(%dma_start3A_129 : memref<49x16xf32, #tpu.memory_space<vmem_shared>>) target_semaphore(%run_scoped3A_121 : memref<!tpu.dma_semaphore, #tpu.memory_space<semaphore_mem>>)
      %dma_wait3A_134 = arith.constant 0 : i32
      %dma_wait3A_135 = arith.constant 0 : i32
      %dma_wait3A_136 = tpu.memref_slice %arg11[%run_scoped3A_21, %dma_wait3A_134, %dma_wait3A_135] : memref<2x64x16xf32, #tpu.memory_space<vmem>> -> memref<1x49x16xf32, #tpu.memory_space<vmem>>
      %dma_wait3A_137 = tpu.memref_squeeze %dma_wait3A_136 : memref<1x49x16xf32, #tpu.memory_space<vmem>> -> memref<49x16xf32, #tpu.memory_space<vmem>>
      %dma_wait3A_138 = arith.constant 0 : i32
      %dma_wait3A_139 = tpu.memref_slice %arg8[%add3A_20, %dma_wait3A_138] : memref<10016x16xf32, #tpu.memory_space<vmem_shared>> -> memref<49x16xf32, #tpu.memory_space<vmem_shared>>
      %dma_wait3A_140 = arith.constant 0 : i32
      %dma_wait3A_141 = tpu.memref_slice %arg8[%add3A_20, %dma_wait3A_140] : memref<10016x16xf32, #tpu.memory_space<vmem_shared>> -> memref<49x16xf32, #tpu.memory_space<vmem_shared>>
      %dma_wait3A_142 = arith.constant 0 : i32
      %dma_wait3A_143 = arith.constant 0 : i32
      %dma_wait3A_144 = tpu.memref_slice %arg11[%run_scoped3A_21, %dma_wait3A_142, %dma_wait3A_143] : memref<2x64x16xf32, #tpu.memory_space<vmem>> -> memref<1x49x16xf32, #tpu.memory_space<vmem>>
      %dma_wait3A_145 = tpu.memref_squeeze %dma_wait3A_144 : memref<1x49x16xf32, #tpu.memory_space<vmem>> -> memref<49x16xf32, #tpu.memory_space<vmem>>
      tpu.wait_dma2 semaphore(%run_scoped3A_121 : memref<!tpu.dma_semaphore, #tpu.memory_space<semaphore_mem>>) src(%dma_wait3A_145 : memref<49x16xf32, #tpu.memory_space<vmem>>) dst(%dma_wait3A_141 : memref<49x16xf32, #tpu.memory_space<vmem_shared>>)
      tpu.yield
    }) : () -> ()
    %barrier3A = arith.constant 0 : index
    tpu.barrier barrier_id(%barrier3A)
    %min3A = arith.constant 0 : i32
    %min3A_22 = arith.constant 159 : i32
    %min3A_23 = arith.minsi %min3A, %min3A_22 : i32
    %add3A_24 = arith.addi %mul3A_2, %min3A_23 : i32
    %mul3A_25 = arith.constant 64 : i32
    %mul3A_26 = arith.muli %add3A_24, %mul3A_25 : i32
    %dma_start3A = arith.constant 0 : i32
    %dma_start3A_27 = arith.constant 0 : i32
    %dma_start3A_28 = arith.constant 0 : i32
    %dma_start3A_29 = tpu.memref_slice %arg9[%dma_start3A, %dma_start3A_27, %dma_start3A_28] : memref<2x64x128xf32, #tpu.memory_space<vmem>> -> memref<1x64x128xf32, #tpu.memory_space<vmem>>
    %dma_start3A_30 = tpu.memref_squeeze %dma_start3A_29 : memref<1x64x128xf32, #tpu.memory_space<vmem>> -> memref<64x128xf32, #tpu.memory_space<vmem>>
    %dma_start3A_31 = arith.constant 0 : i32
    %dma_start3A_32 = tpu.memref_slice %arg3[%mul3A_26, %dma_start3A_31] : memref<327680x128xf32, #tpu.memory_space<hbm>> -> memref<64x128xf32, #tpu.memory_space<hbm>>
    %dma_start3A_33 = arith.constant 0 : i32
    %dma_start3A_34 = arith.constant 0 : i32
    %dma_start3A_35 = tpu.memref_slice %arg9[%dma_start3A, %dma_start3A_33, %dma_start3A_34] : memref<2x64x128xf32, #tpu.memory_space<vmem>> -> memref<1x64x128xf32, #tpu.memory_space<vmem>>
    %dma_start3A_36 = tpu.memref_squeeze %dma_start3A_35 : memref<1x64x128xf32, #tpu.memory_space<vmem>> -> memref<64x128xf32, #tpu.memory_space<vmem>>
    %dma_start3A_37 = arith.constant 0 : i32
    %dma_start3A_38 = tpu.memref_slice %arg3[%mul3A_26, %dma_start3A_37] : memref<327680x128xf32, #tpu.memory_space<hbm>> -> memref<64x128xf32, #tpu.memory_space<hbm>>
    tpu.enqueue_dma source(%dma_start3A_38 : memref<64x128xf32, #tpu.memory_space<hbm>>) target(%dma_start3A_36 : memref<64x128xf32, #tpu.memory_space<vmem>>) target_semaphore(%arg13 : memref<!tpu.dma_semaphore, #tpu.memory_space<semaphore_mem>>)
    %dma_start3A_39 = arith.constant 0 : i32
    %dma_start3A_40 = arith.constant 0 : i32
    %dma_start3A_41 = arith.constant 0 : i32
    %dma_start3A_42 = tpu.memref_slice %arg10[%dma_start3A_39, %dma_start3A_40, %dma_start3A_41] : memref<2x64x128xf32, #tpu.memory_space<vmem>> -> memref<1x64x128xf32, #tpu.memory_space<vmem>>
    %dma_start3A_43 = tpu.memref_squeeze %dma_start3A_42 : memref<1x64x128xf32, #tpu.memory_space<vmem>> -> memref<64x128xf32, #tpu.memory_space<vmem>>
    %dma_start3A_44 = arith.constant 0 : i32
    %dma_start3A_45 = tpu.memref_slice %arg4[%mul3A_26, %dma_start3A_44] : memref<327680x128xf32, #tpu.memory_space<hbm>> -> memref<64x128xf32, #tpu.memory_space<hbm>>
    %dma_start3A_46 = arith.constant 0 : i32
    %dma_start3A_47 = arith.constant 0 : i32
    %dma_start3A_48 = tpu.memref_slice %arg10[%dma_start3A_39, %dma_start3A_46, %dma_start3A_47] : memref<2x64x128xf32, #tpu.memory_space<vmem>> -> memref<1x64x128xf32, #tpu.memory_space<vmem>>
    %dma_start3A_49 = tpu.memref_squeeze %dma_start3A_48 : memref<1x64x128xf32, #tpu.memory_space<vmem>> -> memref<64x128xf32, #tpu.memory_space<vmem>>
    %dma_start3A_50 = arith.constant 0 : i32
    %dma_start3A_51 = tpu.memref_slice %arg4[%mul3A_26, %dma_start3A_50] : memref<327680x128xf32, #tpu.memory_space<hbm>> -> memref<64x128xf32, #tpu.memory_space<hbm>>
    tpu.enqueue_dma source(%dma_start3A_51 : memref<64x128xf32, #tpu.memory_space<hbm>>) target(%dma_start3A_49 : memref<64x128xf32, #tpu.memory_space<vmem>>) target_semaphore(%arg15 : memref<!tpu.dma_semaphore, #tpu.memory_space<semaphore_mem>>)
    %dma_start3A_52 = arith.constant 0 : i32
    %dma_start3A_53 = arith.constant 0 : i32
    %dma_start3A_54 = tpu.memref_slice %arg12[%dma_start3A_52, %dma_start3A_53] : memref<2x64xi32, #tpu.memory_space<vmem>> -> memref<1x64xi32, #tpu.memory_space<vmem>>
    %dma_start3A_55 = tpu.memref_squeeze %dma_start3A_54 : memref<1x64xi32, #tpu.memory_space<vmem>> -> memref<64xi32, #tpu.memory_space<vmem>>
    %dma_start3A_56 = tpu.memref_slice %arg2[%mul3A_26] : memref<327936xi32, #tpu.memory_space<hbm>> -> memref<64xi32, #tpu.memory_space<hbm>>
    %dma_start3A_57 = arith.constant 0 : i32
    %dma_start3A_58 = tpu.memref_slice %arg12[%dma_start3A_52, %dma_start3A_57] : memref<2x64xi32, #tpu.memory_space<vmem>> -> memref<1x64xi32, #tpu.memory_space<vmem>>
    %dma_start3A_59 = tpu.memref_squeeze %dma_start3A_58 : memref<1x64xi32, #tpu.memory_space<vmem>> -> memref<64xi32, #tpu.memory_space<vmem>>
    %dma_start3A_60 = tpu.memref_slice %arg2[%mul3A_26] : memref<327936xi32, #tpu.memory_space<hbm>> -> memref<64xi32, #tpu.memory_space<hbm>>
    tpu.enqueue_dma source(%dma_start3A_60 : memref<64xi32, #tpu.memory_space<hbm>>) target(%dma_start3A_59 : memref<64xi32, #tpu.memory_space<vmem>>) target_semaphore(%arg17 : memref<!tpu.dma_semaphore, #tpu.memory_space<semaphore_mem>>)
    %scan3A_61 = arith.constant 0 : i32
    %scan3A_62 = arith.constant 80 : i32
    %scan3A_63 = arith.addi %scan3A_61, %scan3A_62 : i32
    %scan3A_64 = arith.constant 1 : i32
    scf.for %scan3A_121 = %scan3A_61 to %scan3A_63 step %scan3A_64  : i32 {
      %mul3A_122 = arith.constant 2 : i32
      %mul3A_123 = arith.muli %scan3A_121, %mul3A_122 : i32
      %add3A_124 = arith.constant 0 : i32
      %add3A_125 = arith.addi %add3A_124, %mul3A_123 : i32
      %dma_wait3A_126 = arith.constant 0 : i32
      %dma_wait3A_127 = arith.constant 0 : i32
      %dma_wait3A_128 = arith.constant 0 : i32
      %dma_wait3A_129 = tpu.memref_slice %arg9[%dma_wait3A_126, %dma_wait3A_127, %dma_wait3A_128] : memref<2x64x128xf32, #tpu.memory_space<vmem>> -> memref<1x64x128xf32, #tpu.memory_space<vmem>>
      %dma_wait3A_130 = tpu.memref_squeeze %dma_wait3A_129 : memref<1x64x128xf32, #tpu.memory_space<vmem>> -> memref<64x128xf32, #tpu.memory_space<vmem>>
      %dma_wait3A_131 = arith.constant 0 : i32
      %dma_wait3A_132 = arith.constant 0 : i32
      %dma_wait3A_133 = tpu.memref_slice %arg3[%dma_wait3A_131, %dma_wait3A_132] : memref<327680x128xf32, #tpu.memory_space<hbm>> -> memref<64x128xf32, #tpu.memory_space<hbm>>
      %dma_wait3A_134 = arith.constant 0 : i32
      %dma_wait3A_135 = arith.constant 0 : i32
      %dma_wait3A_136 = tpu.memref_slice %arg9[%dma_wait3A_126, %dma_wait3A_134, %dma_wait3A_135] : memref<2x64x128xf32, #tpu.memory_space<vmem>> -> memref<1x64x128xf32, #tpu.memory_space<vmem>>
      %dma_wait3A_137 = tpu.memref_squeeze %dma_wait3A_136 : memref<1x64x128xf32, #tpu.memory_space<vmem>> -> memref<64x128xf32, #tpu.memory_space<vmem>>
      %dma_wait3A_138 = arith.constant 0 : i32
      %dma_wait3A_139 = arith.constant 0 : i32
      %dma_wait3A_140 = tpu.memref_slice %arg3[%dma_wait3A_138, %dma_wait3A_139] : memref<327680x128xf32, #tpu.memory_space<hbm>> -> memref<64x128xf32, #tpu.memory_space<hbm>>
      tpu.wait_dma2 semaphore(%arg13 : memref<!tpu.dma_semaphore, #tpu.memory_space<semaphore_mem>>) src(%dma_wait3A_140 : memref<64x128xf32, #tpu.memory_space<hbm>>) dst(%dma_wait3A_137 : memref<64x128xf32, #tpu.memory_space<vmem>>)
      %dma_wait3A_141 = arith.constant 0 : i32
      %dma_wait3A_142 = arith.constant 0 : i32
      %dma_wait3A_143 = arith.constant 0 : i32
      %dma_wait3A_144 = tpu.memref_slice %arg10[%dma_wait3A_141, %dma_wait3A_142, %dma_wait3A_143] : memref<2x64x128xf32, #tpu.memory_space<vmem>> -> memref<1x64x128xf32, #tpu.memory_space<vmem>>
      %dma_wait3A_145 = tpu.memref_squeeze %dma_wait3A_144 : memref<1x64x128xf32, #tpu.memory_space<vmem>> -> memref<64x128xf32, #tpu.memory_space<vmem>>
      %dma_wait3A_146 = arith.constant 0 : i32
      %dma_wait3A_147 = arith.constant 0 : i32
      %dma_wait3A_148 = tpu.memref_slice %arg4[%dma_wait3A_146, %dma_wait3A_147] : memref<327680x128xf32, #tpu.memory_space<hbm>> -> memref<64x128xf32, #tpu.memory_space<hbm>>
      %dma_wait3A_149 = arith.constant 0 : i32
      %dma_wait3A_150 = arith.constant 0 : i32
      %dma_wait3A_151 = tpu.memref_slice %arg10[%dma_wait3A_141, %dma_wait3A_149, %dma_wait3A_150] : memref<2x64x128xf32, #tpu.memory_space<vmem>> -> memref<1x64x128xf32, #tpu.memory_space<vmem>>
      %dma_wait3A_152 = tpu.memref_squeeze %dma_wait3A_151 : memref<1x64x128xf32, #tpu.memory_space<vmem>> -> memref<64x128xf32, #tpu.memory_space<vmem>>
      %dma_wait3A_153 = arith.constant 0 : i32
      %dma_wait3A_154 = arith.constant 0 : i32
      %dma_wait3A_155 = tpu.memref_slice %arg4[%dma_wait3A_153, %dma_wait3A_154] : memref<327680x128xf32, #tpu.memory_space<hbm>> -> memref<64x128xf32, #tpu.memory_space<hbm>>
      tpu.wait_dma2 semaphore(%arg15 : memref<!tpu.dma_semaphore, #tpu.memory_space<semaphore_mem>>) src(%dma_wait3A_155 : memref<64x128xf32, #tpu.memory_space<hbm>>) dst(%dma_wait3A_152 : memref<64x128xf32, #tpu.memory_space<vmem>>)
      %dma_wait3A_156 = arith.constant 0 : i32
      %dma_wait3A_157 = arith.constant 0 : i32
      %dma_wait3A_158 = tpu.memref_slice %arg12[%dma_wait3A_156, %dma_wait3A_157] : memref<2x64xi32, #tpu.memory_space<vmem>> -> memref<1x64xi32, #tpu.memory_space<vmem>>
      %dma_wait3A_159 = tpu.memref_squeeze %dma_wait3A_158 : memref<1x64xi32, #tpu.memory_space<vmem>> -> memref<64xi32, #tpu.memory_space<vmem>>
      %dma_wait3A_160 = arith.constant 0 : i32
      %dma_wait3A_161 = tpu.memref_slice %arg2[%dma_wait3A_160] : memref<327936xi32, #tpu.memory_space<hbm>> -> memref<64xi32, #tpu.memory_space<hbm>>
      %dma_wait3A_162 = arith.constant 0 : i32
      %dma_wait3A_163 = tpu.memref_slice %arg12[%dma_wait3A_156, %dma_wait3A_162] : memref<2x64xi32, #tpu.memory_space<vmem>> -> memref<1x64xi32, #tpu.memory_space<vmem>>
      %dma_wait3A_164 = tpu.memref_squeeze %dma_wait3A_163 : memref<1x64xi32, #tpu.memory_space<vmem>> -> memref<64xi32, #tpu.memory_space<vmem>>
      %dma_wait3A_165 = arith.constant 0 : i32
      %dma_wait3A_166 = tpu.memref_slice %arg2[%dma_wait3A_165] : memref<327936xi32, #tpu.memory_space<hbm>> -> memref<64xi32, #tpu.memory_space<hbm>>
      tpu.wait_dma2 semaphore(%arg17 : memref<!tpu.dma_semaphore, #tpu.memory_space<semaphore_mem>>) src(%dma_wait3A_166 : memref<64xi32, #tpu.memory_space<hbm>>) dst(%dma_wait3A_164 : memref<64xi32, #tpu.memory_space<vmem>>)
      %add3A_167 = arith.constant 0 : i32
      %add3A_168 = arith.addi %add3A_125, %add3A_167 : i32
      %add3A_169 = arith.constant 1 : i32
      %add3A_170 = arith.addi %add3A_168, %add3A_169 : i32
      %min3A_171 = arith.constant 159 : i32
      %min3A_172 = arith.minsi %add3A_170, %min3A_171 : i32
      %add3A_173 = arith.addi %mul3A_2, %min3A_172 : i32
      %mul3A_174 = arith.constant 64 : i32
      %mul3A_175 = arith.muli %add3A_173, %mul3A_174 : i32
      %dma_start3A_176 = arith.constant 1 : i32
      %dma_start3A_177 = arith.constant 0 : i32
      %dma_start3A_178 = arith.constant 0 : i32
      %dma_start3A_179 = tpu.memref_slice %arg9[%dma_start3A_176, %dma_start3A_177, %dma_start3A_178] : memref<2x64x128xf32, #tpu.memory_space<vmem>> -> memref<1x64x128xf32, #tpu.memory_space<vmem>>
      %dma_start3A_180 = tpu.memref_squeeze %dma_start3A_179 : memref<1x64x128xf32, #tpu.memory_space<vmem>> -> memref<64x128xf32, #tpu.memory_space<vmem>>
      %dma_start3A_181 = arith.constant 0 : i32
      %dma_start3A_182 = tpu.memref_slice %arg3[%mul3A_175, %dma_start3A_181] : memref<327680x128xf32, #tpu.memory_space<hbm>> -> memref<64x128xf32, #tpu.memory_space<hbm>>
      %dma_start3A_183 = arith.constant 0 : i32
      %dma_start3A_184 = arith.constant 0 : i32
      %dma_start3A_185 = tpu.memref_slice %arg9[%dma_start3A_176, %dma_start3A_183, %dma_start3A_184] : memref<2x64x128xf32, #tpu.memory_space<vmem>> -> memref<1x64x128xf32, #tpu.memory_space<vmem>>
      %dma_start3A_186 = tpu.memref_squeeze %dma_start3A_185 : memref<1x64x128xf32, #tpu.memory_space<vmem>> -> memref<64x128xf32, #tpu.memory_space<vmem>>
      %dma_start3A_187 = arith.constant 0 : i32
      %dma_start3A_188 = tpu.memref_slice %arg3[%mul3A_175, %dma_start3A_187] : memref<327680x128xf32, #tpu.memory_space<hbm>> -> memref<64x128xf32, #tpu.memory_space<hbm>>
      tpu.enqueue_dma source(%dma_start3A_188 : memref<64x128xf32, #tpu.memory_space<hbm>>) target(%dma_start3A_186 : memref<64x128xf32, #tpu.memory_space<vmem>>) target_semaphore(%arg14 : memref<!tpu.dma_semaphore, #tpu.memory_space<semaphore_mem>>)
      %dma_start3A_189 = arith.constant 1 : i32
      %dma_start3A_190 = arith.constant 0 : i32
      %dma_start3A_191 = arith.constant 0 : i32
      %dma_start3A_192 = tpu.memref_slice %arg10[%dma_start3A_189, %dma_start3A_190, %dma_start3A_191] : memref<2x64x128xf32, #tpu.memory_space<vmem>> -> memref<1x64x128xf32, #tpu.memory_space<vmem>>
      %dma_start3A_193 = tpu.memref_squeeze %dma_start3A_192 : memref<1x64x128xf32, #tpu.memory_space<vmem>> -> memref<64x128xf32, #tpu.memory_space<vmem>>
      %dma_start3A_194 = arith.constant 0 : i32
      %dma_start3A_195 = tpu.memref_slice %arg4[%mul3A_175, %dma_start3A_194] : memref<327680x128xf32, #tpu.memory_space<hbm>> -> memref<64x128xf32, #tpu.memory_space<hbm>>
      %dma_start3A_196 = arith.constant 0 : i32
      %dma_start3A_197 = arith.constant 0 : i32
      %dma_start3A_198 = tpu.memref_slice %arg10[%dma_start3A_189, %dma_start3A_196, %dma_start3A_197] : memref<2x64x128xf32, #tpu.memory_space<vmem>> -> memref<1x64x128xf32, #tpu.memory_space<vmem>>
      %dma_start3A_199 = tpu.memref_squeeze %dma_start3A_198 : memref<1x64x128xf32, #tpu.memory_space<vmem>> -> memref<64x128xf32, #tpu.memory_space<vmem>>
      %dma_start3A_200 = arith.constant 0 : i32
      %dma_start3A_201 = tpu.memref_slice %arg4[%mul3A_175, %dma_start3A_200] : memref<327680x128xf32, #tpu.memory_space<hbm>> -> memref<64x128xf32, #tpu.memory_space<hbm>>
      tpu.enqueue_dma source(%dma_start3A_201 : memref<64x128xf32, #tpu.memory_space<hbm>>) target(%dma_start3A_199 : memref<64x128xf32, #tpu.memory_space<vmem>>) target_semaphore(%arg16 : memref<!tpu.dma_semaphore, #tpu.memory_space<semaphore_mem>>)
      %dma_start3A_202 = arith.constant 1 : i32
      %dma_start3A_203 = arith.constant 0 : i32
      %dma_start3A_204 = tpu.memref_slice %arg12[%dma_start3A_202, %dma_start3A_203] : memref<2x64xi32, #tpu.memory_space<vmem>> -> memref<1x64xi32, #tpu.memory_space<vmem>>
      %dma_start3A_205 = tpu.memref_squeeze %dma_start3A_204 : memref<1x64xi32, #tpu.memory_space<vmem>> -> memref<64xi32, #tpu.memory_space<vmem>>
      %dma_start3A_206 = tpu.memref_slice %arg2[%mul3A_175] : memref<327936xi32, #tpu.memory_space<hbm>> -> memref<64xi32, #tpu.memory_space<hbm>>
      %dma_start3A_207 = arith.constant 0 : i32
      %dma_start3A_208 = tpu.memref_slice %arg12[%dma_start3A_202, %dma_start3A_207] : memref<2x64xi32, #tpu.memory_space<vmem>> -> memref<1x64xi32, #tpu.memory_space<vmem>>
      %dma_start3A_209 = tpu.memref_squeeze %dma_start3A_208 : memref<1x64xi32, #tpu.memory_space<vmem>> -> memref<64xi32, #tpu.memory_space<vmem>>
      %dma_start3A_210 = tpu.memref_slice %arg2[%mul3A_175] : memref<327936xi32, #tpu.memory_space<hbm>> -> memref<64xi32, #tpu.memory_space<hbm>>
      tpu.enqueue_dma source(%dma_start3A_210 : memref<64xi32, #tpu.memory_space<hbm>>) target(%dma_start3A_209 : memref<64xi32, #tpu.memory_space<vmem>>) target_semaphore(%arg18 : memref<!tpu.dma_semaphore, #tpu.memory_space<semaphore_mem>>)
      %get3A = arith.constant 0 : i32
      %get3A_211 = arith.constant 0 : i32
      %get3A_212 = arith.index_cast %get3A : i32 to index
      %get3A_213 = arith.index_cast %get3A_211 : i32 to index
      %get3A_214 = arith.constant 0 : index
      %get3A_215 = tpu.vector_load %arg10[%get3A_212, %get3A_213, %get3A_214] {strides = array<i32>} : memref<2x64x128xf32, #tpu.memory_space<vmem>>, vector<16xf32>,
      %swap3A = arith.constant 0 : i32
      %swap3A_216 = arith.constant 0 : i32
      %swap3A_217 = arith.index_cast %swap3A : i32 to index
      %swap3A_218 = arith.index_cast %swap3A_216 : i32 to index
      %swap3A_219 = arith.constant 0 : index
      %swap3A_220 = tpu.vector_load %arg11[%swap3A_217, %swap3A_218, %swap3A_219] {strides = array<i32>} : memref<2x64x16xf32, #tpu.memory_space<vmem>>, vector<16xf32>,
      tpu.vector_store %arg11[%swap3A_217, %swap3A_218, %swap3A_219], %get3A_215 {strides = array<i32>} : memref<2x64x16xf32, #tpu.memory_space<vmem>>, vector<16xf32>,
      %get3A_221 = arith.constant 0 : i32
      %get3A_222 = arith.constant 1 : i32
      %get3A_223 = arith.index_cast %get3A_221 : i32 to index
      %get3A_224 = arith.index_cast %get3A_222 : i32 to index
      %get3A_225 = arith.constant 0 : index
      %get3A_226 = tpu.vector_load %arg10[%get3A_223, %get3A_224, %get3A_225] {strides = array<i32>} : memref<2x64x128xf32, #tpu.memory_space<vmem>>, vector<16xf32>,
      %swap3A_227 = arith.constant 0 : i32
      %swap3A_228 = arith.constant 1 : i32
      %swap3A_229 = arith.index_cast %swap3A_227 : i32 to index
      %swap3A_230 = arith.index_cast %swap3A_228 : i32 to index
      %swap3A_231 = arith.constant 0 : index
      %swap3A_232 = tpu.vector_load %arg11[%swap3A_229, %swap3A_230, %swap3A_231] {strides = array<i32>} : memref<2x64x16xf32, #tpu.memory_space<vmem>>, vector<16xf32>,
      tpu.vector_store %arg11[%swap3A_229, %swap3A_230, %swap3A_231], %get3A_226 {strides = array<i32>} : memref<2x64x16xf32, #tpu.memory_space<vmem>>, vector<16xf32>,
      %get3A_233 = arith.constant 0 : i32
      %get3A_234 = arith.constant 2 : i32
      %get3A_235 = arith.index_cast %get3A_233 : i32 to index
      %get3A_236 = arith.index_cast %get3A_234 : i32 to index
      %get3A_237 = arith.constant 0 : index
      %get3A_238 = tpu.vector_load %arg10[%get3A_235, %get3A_236, %get3A_237] {strides = array<i32>} : memref<2x64x128xf32, #tpu.memory_space<vmem>>, vector<16xf32>,
      %swap3A_239 = arith.constant 0 : i32
      %swap3A_240 = arith.constant 2 : i32
      %swap3A_241 = arith.index_cast %swap3A_239 : i32 to index
      %swap3A_242 = arith.index_cast %swap3A_240 : i32 to index
      %swap3A_243 = arith.constant 0 : index
      %swap3A_244 = tpu.vector_load %arg11[%swap3A_241, %swap3A_242, %swap3A_243] {strides = array<i32>} : memref<2x64x16xf32, #tpu.memory_space<vmem>>, vector<16xf32>,
      tpu.vector_store %arg11[%swap3A_241, %swap3A_242, %swap3A_243], %get3A_238 {strides = array<i32>} : memref<2x64x16xf32, #tpu.memory_space<vmem>>, vector<16xf32>,
      %get3A_245 = arith.constant 0 : i32
      %get3A_246 = arith.constant 3 : i32
      %get3A_247 = arith.index_cast %get3A_245 : i32 to index
      %get3A_248 = arith.index_cast %get3A_246 : i32 to index
      %get3A_249 = arith.constant 0 : index
      %get3A_250 = tpu.vector_load %arg10[%get3A_247, %get3A_248, %get3A_249] {strides = array<i32>} : memref<2x64x128xf32, #tpu.memory_space<vmem>>, vector<16xf32>,
      %swap3A_251 = arith.constant 0 : i32
      %swap3A_252 = arith.constant 3 : i32
      %swap3A_253 = arith.index_cast %swap3A_251 : i32 to index
      %swap3A_254 = arith.index_cast %swap3A_252 : i32 to index
      %swap3A_255 = arith.constant 0 : index
      %swap3A_256 = tpu.vector_load %arg11[%swap3A_253, %swap3A_254, %swap3A_255] {strides = array<i32>} : memref<2x64x16xf32, #tpu.memory_space<vmem>>, vector<16xf32>,
      tpu.vector_store %arg11[%swap3A_253, %swap3A_254, %swap3A_255], %get3A_250 {strides = array<i32>} : memref<2x64x16xf32, #tpu.memory_space<vmem>>, vector<16xf32>,
      %get3A_257 = arith.constant 0 : i32
      %get3A_258 = arith.constant 4 : i32
      %get3A_259 = arith.index_cast %get3A_257 : i32 to index
      %get3A_260 = arith.index_cast %get3A_258 : i32 to index
      %get3A_261 = arith.constant 0 : index
      %get3A_262 = tpu.vector_load %arg10[%get3A_259, %get3A_260, %get3A_261] {strides = array<i32>} : memref<2x64x128xf32, #tpu.memory_space<vmem>>, vector<16xf32>,
      %swap3A_263 = arith.constant 0 : i32
      %swap3A_264 = arith.constant 4 : i32
      %swap3A_265 = arith.index_cast %swap3A_263 : i32 to index
      %swap3A_266 = arith.index_cast %swap3A_264 : i32 to index
      %swap3A_267 = arith.constant 0 : index
      %swap3A_268 = tpu.vector_load %arg11[%swap3A_265, %swap3A_266, %swap3A_267] {strides = array<i32>} : memref<2x64x16xf32, #tpu.memory_space<vmem>>, vector<16xf32>,
      tpu.vector_store %arg11[%swap3A_265, %swap3A_266, %swap3A_267], %get3A_262 {strides = array<i32>} : memref<2x64x16xf32, #tpu.memory_space<vmem>>, vector<16xf32>,
      %get3A_269 = arith.constant 0 : i32
      %get3A_270 = arith.constant 5 : i32
      %get3A_271 = arith.index_cast %get3A_269 : i32 to index
      %get3A_272 = arith.index_cast %get3A_270 : i32 to index
      %get3A_273 = arith.constant 0 : index
      %get3A_274 = tpu.vector_load %arg10[%get3A_271, %get3A_272, %get3A_273] {strides = array<i32>} : memref<2x64x128xf32, #tpu.memory_space<vmem>>, vector<16xf32>,
      %swap3A_275 = arith.constant 0 : i32
      %swap3A_276 = arith.constant 5 : i32
      %swap3A_277 = arith.index_cast %swap3A_275 : i32 to index
      %swap3A_278 = arith.index_cast %swap3A_276 : i32 to index
      %swap3A_279 = arith.constant 0 : index
      %swap3A_280 = tpu.vector_load %arg11[%swap3A_277, %swap3A_278, %swap3A_279] {strides = array<i32>} : memref<2x64x16xf32, #tpu.memory_space<vmem>>, vector<16xf32>,
      tpu.vector_store %arg11[%swap3A_277, %swap3A_278, %swap3A_279], %get3A_274 {strides = array<i32>} : memref<2x64x16xf32, #tpu.memory_space<vmem>>, vector<16xf32>,
      %get3A_281 = arith.constant 0 : i32
      %get3A_282 = arith.constant 6 : i32
      %get3A_283 = arith.index_cast %get3A_281 : i32 to index
      %get3A_284 = arith.index_cast %get3A_282 : i32 to index
      %get3A_285 = arith.constant 0 : index
      %get3A_286 = tpu.vector_load %arg10[%get3A_283, %get3A_284, %get3A_285] {strides = array<i32>} : memref<2x64x128xf32, #tpu.memory_space<vmem>>, vector<16xf32>,
      %swap3A_287 = arith.constant 0 : i32
      %swap3A_288 = arith.constant 6 : i32
      %swap3A_289 = arith.index_cast %swap3A_287 : i32 to index
      %swap3A_290 = arith.index_cast %swap3A_288 : i32 to index
      %swap3A_291 = arith.constant 0 : index
      %swap3A_292 = tpu.vector_load %arg11[%swap3A_289, %swap3A_290, %swap3A_291] {strides = array<i32>} : memref<2x64x16xf32, #tpu.memory_space<vmem>>, vector<16xf32>,
      tpu.vector_store %arg11[%swap3A_289, %swap3A_290, %swap3A_291], %get3A_286 {strides = array<i32>} : memref<2x64x16xf32, #tpu.memory_space<vmem>>, vector<16xf32>,
      %get3A_293 = arith.constant 0 : i32
      %get3A_294 = arith.constant 7 : i32
      %get3A_295 = arith.index_cast %get3A_293 : i32 to index
      %get3A_296 = arith.index_cast %get3A_294 : i32 to index
      %get3A_297 = arith.constant 0 : index
      %get3A_298 = tpu.vector_load %arg10[%get3A_295, %get3A_296, %get3A_297] {strides = array<i32>} : memref<2x64x128xf32, #tpu.memory_space<vmem>>, vector<16xf32>,
      %swap3A_299 = arith.constant 0 : i32
      %swap3A_300 = arith.constant 7 : i32
      %swap3A_301 = arith.index_cast %swap3A_299 : i32 to index
      %swap3A_302 = arith.index_cast %swap3A_300 : i32 to index
      %swap3A_303 = arith.constant 0 : index
      %swap3A_304 = tpu.vector_load %arg11[%swap3A_301, %swap3A_302, %swap3A_303] {strides = array<i32>} : memref<2x64x16xf32, #tpu.memory_space<vmem>>, vector<16xf32>,
      tpu.vector_store %arg11[%swap3A_301, %swap3A_302, %swap3A_303], %get3A_298 {strides = array<i32>} : memref<2x64x16xf32, #tpu.memory_space<vmem>>, vector<16xf32>,
      %get3A_305 = arith.constant 0 : i32
      %get3A_306 = arith.constant 8 : i32
      %get3A_307 = arith.index_cast %get3A_305 : i32 to index
      %get3A_308 = arith.index_cast %get3A_306 : i32 to index
      %get3A_309 = arith.constant 0 : index
      %get3A_310 = tpu.vector_load %arg10[%get3A_307, %get3A_308, %get3A_309] {strides = array<i32>} : memref<2x64x128xf32, #tpu.memory_space<vmem>>, vector<16xf32>,
      %swap3A_311 = arith.constant 0 : i32
      %swap3A_312 = arith.constant 8 : i32
      %swap3A_313 = arith.index_cast %swap3A_311 : i32 to index
      %swap3A_314 = arith.index_cast %swap3A_312 : i32 to index
      %swap3A_315 = arith.constant 0 : index
      %swap3A_316 = tpu.vector_load %arg11[%swap3A_313, %swap3A_314, %swap3A_315] {strides = array<i32>} : memref<2x64x16xf32, #tpu.memory_space<vmem>>, vector<16xf32>,
      tpu.vector_store %arg11[%swap3A_313, %swap3A_314, %swap3A_315], %get3A_310 {strides = array<i32>} : memref<2x64x16xf32, #tpu.memory_space<vmem>>, vector<16xf32>,
      %get3A_317 = arith.constant 0 : i32
      %get3A_318 = arith.constant 9 : i32
      %get3A_319 = arith.index_cast %get3A_317 : i32 to index
      %get3A_320 = arith.index_cast %get3A_318 : i32 to index
      %get3A_321 = arith.constant 0 : index
      %get3A_322 = tpu.vector_load %arg10[%get3A_319, %get3A_320, %get3A_321] {strides = array<i32>} : memref<2x64x128xf32, #tpu.memory_space<vmem>>, vector<16xf32>,
      %swap3A_323 = arith.constant 0 : i32
      %swap3A_324 = arith.constant 9 : i32
      %swap3A_325 = arith.index_cast %swap3A_323 : i32 to index
      %swap3A_326 = arith.index_cast %swap3A_324 : i32 to index
      %swap3A_327 = arith.constant 0 : index
      %swap3A_328 = tpu.vector_load %arg11[%swap3A_325, %swap3A_326, %swap3A_327] {strides = array<i32>} : memref<2x64x16xf32, #tpu.memory_space<vmem>>, vector<16xf32>,
      tpu.vector_store %arg11[%swap3A_325, %swap3A_326, %swap3A_327], %get3A_322 {strides = array<i32>} : memref<2x64x16xf32, #tpu.memory_space<vmem>>, vector<16xf32>,
      %get3A_329 = arith.constant 0 : i32
      %get3A_330 = arith.constant 10 : i32
      %get3A_331 = arith.index_cast %get3A_329 : i32 to index
      %get3A_332 = arith.index_cast %get3A_330 : i32 to index
      %get3A_333 = arith.constant 0 : index
      %get3A_334 = tpu.vector_load %arg10[%get3A_331, %get3A_332, %get3A_333] {strides = array<i32>} : memref<2x64x128xf32, #tpu.memory_space<vmem>>, vector<16xf32>,
      %swap3A_335 = arith.constant 0 : i32
      %swap3A_336 = arith.constant 10 : i32
      %swap3A_337 = arith.index_cast %swap3A_335 : i32 to index
      %swap3A_338 = arith.index_cast %swap3A_336 : i32 to index
      %swap3A_339 = arith.constant 0 : index
      %swap3A_340 = tpu.vector_load %arg11[%swap3A_337, %swap3A_338, %swap3A_339] {strides = array<i32>} : memref<2x64x16xf32, #tpu.memory_space<vmem>>, vector<16xf32>,
      tpu.vector_store %arg11[%swap3A_337, %swap3A_338, %swap3A_339], %get3A_334 {strides = array<i32>} : memref<2x64x16xf32, #tpu.memory_space<vmem>>, vector<16xf32>,
      %get3A_341 = arith.constant 0 : i32
      %get3A_342 = arith.constant 11 : i32
      %get3A_343 = arith.index_cast %get3A_341 : i32 to index
      %get3A_344 = arith.index_cast %get3A_342 : i32 to index
      %get3A_345 = arith.constant 0 : index
      %get3A_346 = tpu.vector_load %arg10[%get3A_343, %get3A_344, %get3A_345] {strides = array<i32>} : memref<2x64x128xf32, #tpu.memory_space<vmem>>, vector<16xf32>,
      %swap3A_347 = arith.constant 0 : i32
      %swap3A_348 = arith.constant 11 : i32
      %swap3A_349 = arith.index_cast %swap3A_347 : i32 to index
      %swap3A_350 = arith.index_cast %swap3A_348 : i32 to index
      %swap3A_351 = arith.constant 0 : index
      %swap3A_352 = tpu.vector_load %arg11[%swap3A_349, %swap3A_350, %swap3A_351] {strides = array<i32>} : memref<2x64x16xf32, #tpu.memory_space<vmem>>, vector<16xf32>,
      tpu.vector_store %arg11[%swap3A_349, %swap3A_350, %swap3A_351], %get3A_346 {strides = array<i32>} : memref<2x64x16xf32, #tpu.memory_space<vmem>>, vector<16xf32>,
      %get3A_353 = arith.constant 0 : i32
      %get3A_354 = arith.constant 12 : i32
      %get3A_355 = arith.index_cast %get3A_353 : i32 to index
      %get3A_356 = arith.index_cast %get3A_354 : i32 to index
      %get3A_357 = arith.constant 0 : index
      %get3A_358 = tpu.vector_load %arg10[%get3A_355, %get3A_356, %get3A_357] {strides = array<i32>} : memref<2x64x128xf32, #tpu.memory_space<vmem>>, vector<16xf32>,
      %swap3A_359 = arith.constant 0 : i32
      %swap3A_360 = arith.constant 12 : i32
      %swap3A_361 = arith.index_cast %swap3A_359 : i32 to index
      %swap3A_362 = arith.index_cast %swap3A_360 : i32 to index
      %swap3A_363 = arith.constant 0 : index
      %swap3A_364 = tpu.vector_load %arg11[%swap3A_361, %swap3A_362, %swap3A_363] {strides = array<i32>} : memref<2x64x16xf32, #tpu.memory_space<vmem>>, vector<16xf32>,
      tpu.vector_store %arg11[%swap3A_361, %swap3A_362, %swap3A_363], %get3A_358 {strides = array<i32>} : memref<2x64x16xf32, #tpu.memory_space<vmem>>, vector<16xf32>,
      %get3A_365 = arith.constant 0 : i32
      %get3A_366 = arith.constant 13 : i32
      %get3A_367 = arith.index_cast %get3A_365 : i32 to index
      %get3A_368 = arith.index_cast %get3A_366 : i32 to index
      %get3A_369 = arith.constant 0 : index
      %get3A_370 = tpu.vector_load %arg10[%get3A_367, %get3A_368, %get3A_369] {strides = array<i32>} : memref<2x64x128xf32, #tpu.memory_space<vmem>>, vector<16xf32>,
      %swap3A_371 = arith.constant 0 : i32
      %swap3A_372 = arith.constant 13 : i32
      %swap3A_373 = arith.index_cast %swap3A_371 : i32 to index
      %swap3A_374 = arith.index_cast %swap3A_372 : i32 to index
      %swap3A_375 = arith.constant 0 : index
      %swap3A_376 = tpu.vector_load %arg11[%swap3A_373, %swap3A_374, %swap3A_375] {strides = array<i32>} : memref<2x64x16xf32, #tpu.memory_space<vmem>>, vector<16xf32>,
      tpu.vector_store %arg11[%swap3A_373, %swap3A_374, %swap3A_375], %get3A_370 {strides = array<i32>} : memref<2x64x16xf32, #tpu.memory_space<vmem>>, vector<16xf32>,
      %get3A_377 = arith.constant 0 : i32
      %get3A_378 = arith.constant 14 : i32
      %get3A_379 = arith.index_cast %get3A_377 : i32 to index
      %get3A_380 = arith.index_cast %get3A_378 : i32 to index
      %get3A_381 = arith.constant 0 : index
      %get3A_382 = tpu.vector_load %arg10[%get3A_379, %get3A_380, %get3A_381] {strides = array<i32>} : memref<2x64x128xf32, #tpu.memory_space<vmem>>, vector<16xf32>,
      %swap3A_383 = arith.constant 0 : i32
      %swap3A_384 = arith.constant 14 : i32
      %swap3A_385 = arith.index_cast %swap3A_383 : i32 to index
      %swap3A_386 = arith.index_cast %swap3A_384 : i32 to index
      %swap3A_387 = arith.constant 0 : index
      %swap3A_388 = tpu.vector_load %arg11[%swap3A_385, %swap3A_386, %swap3A_387] {strides = array<i32>} : memref<2x64x16xf32, #tpu.memory_space<vmem>>, vector<16xf32>,
      tpu.vector_store %arg11[%swap3A_385, %swap3A_386, %swap3A_387], %get3A_382 {strides = array<i32>} : memref<2x64x16xf32, #tpu.memory_space<vmem>>, vector<16xf32>,
      %get3A_389 = arith.constant 0 : i32
      %get3A_390 = arith.constant 15 : i32
      %get3A_391 = arith.index_cast %get3A_389 : i32 to index
      %get3A_392 = arith.index_cast %get3A_390 : i32 to index
      %get3A_393 = arith.constant 0 : index
      %get3A_394 = tpu.vector_load %arg10[%get3A_391, %get3A_392, %get3A_393] {strides = array<i32>} : memref<2x64x128xf32, #tpu.memory_space<vmem>>, vector<16xf32>,
      %swap3A_395 = arith.constant 0 : i32
      %swap3A_396 = arith.constant 15 : i32
      %swap3A_397 = arith.index_cast %swap3A_395 : i32 to index
      %swap3A_398 = arith.index_cast %swap3A_396 : i32 to index
      %swap3A_399 = arith.constant 0 : index
      %swap3A_400 = tpu.vector_load %arg11[%swap3A_397, %swap3A_398, %swap3A_399] {strides = array<i32>} : memref<2x64x16xf32, #tpu.memory_space<vmem>>, vector<16xf32>,
      tpu.vector_store %arg11[%swap3A_397, %swap3A_398, %swap3A_399], %get3A_394 {strides = array<i32>} : memref<2x64x16xf32, #tpu.memory_space<vmem>>, vector<16xf32>,
      %get3A_401 = arith.constant 0 : i32
      %get3A_402 = arith.constant 16 : i32
      %get3A_403 = arith.index_cast %get3A_401 : i32 to index
      %get3A_404 = arith.index_cast %get3A_402 : i32 to index
      %get3A_405 = arith.constant 0 : index
      %get3A_406 = tpu.vector_load %arg10[%get3A_403, %get3A_404, %get3A_405] {strides = array<i32>} : memref<2x64x128xf32, #tpu.memory_space<vmem>>, vector<16xf32>,
      %swap3A_407 = arith.constant 0 : i32
      %swap3A_408 = arith.constant 16 : i32
      %swap3A_409 = arith.index_cast %swap3A_407 : i32 to index
      %swap3A_410 = arith.index_cast %swap3A_408 : i32 to index
      %swap3A_411 = arith.constant 0 : index
      %swap3A_412 = tpu.vector_load %arg11[%swap3A_409, %swap3A_410, %swap3A_411] {strides = array<i32>} : memref<2x64x16xf32, #tpu.memory_space<vmem>>, vector<16xf32>,
      tpu.vector_store %arg11[%swap3A_409, %swap3A_410, %swap3A_411], %get3A_406 {strides = array<i32>} : memref<2x64x16xf32, #tpu.memory_space<vmem>>, vector<16xf32>,
      %get3A_413 = arith.constant 0 : i32
      %get3A_414 = arith.constant 17 : i32
      %get3A_415 = arith.index_cast %get3A_413 : i32 to index
      %get3A_416 = arith.index_cast %get3A_414 : i32 to index
      %get3A_417 = arith.constant 0 : index
      %get3A_418 = tpu.vector_load %arg10[%get3A_415, %get3A_416, %get3A_417] {strides = array<i32>} : memref<2x64x128xf32, #tpu.memory_space<vmem>>, vector<16xf32>,
      %swap3A_419 = arith.constant 0 : i32
      %swap3A_420 = arith.constant 17 : i32
      %swap3A_421 = arith.index_cast %swap3A_419 : i32 to index
      %swap3A_422 = arith.index_cast %swap3A_420 : i32 to index
      %swap3A_423 = arith.constant 0 : index
      %swap3A_424 = tpu.vector_load %arg11[%swap3A_421, %swap3A_422, %swap3A_423] {strides = array<i32>} : memref<2x64x16xf32, #tpu.memory_space<vmem>>, vector<16xf32>,
      tpu.vector_store %arg11[%swap3A_421, %swap3A_422, %swap3A_423], %get3A_418 {strides = array<i32>} : memref<2x64x16xf32, #tpu.memory_space<vmem>>, vector<16xf32>,
      %get3A_425 = arith.constant 0 : i32
      %get3A_426 = arith.constant 18 : i32
      %get3A_427 = arith.index_cast %get3A_425 : i32 to index
      %get3A_428 = arith.index_cast %get3A_426 : i32 to index
      %get3A_429 = arith.constant 0 : index
      %get3A_430 = tpu.vector_load %arg10[%get3A_427, %get3A_428, %get3A_429] {strides = array<i32>} : memref<2x64x128xf32, #tpu.memory_space<vmem>>, vector<16xf32>,
      %swap3A_431 = arith.constant 0 : i32
      %swap3A_432 = arith.constant 18 : i32
      %swap3A_433 = arith.index_cast %swap3A_431 : i32 to index
      %swap3A_434 = arith.index_cast %swap3A_432 : i32 to index
      %swap3A_435 = arith.constant 0 : index
      %swap3A_436 = tpu.vector_load %arg11[%swap3A_433, %swap3A_434, %swap3A_435] {strides = array<i32>} : memref<2x64x16xf32, #tpu.memory_space<vmem>>, vector<16xf32>,
      tpu.vector_store %arg11[%swap3A_433, %swap3A_434, %swap3A_435], %get3A_430 {strides = array<i32>} : memref<2x64x16xf32, #tpu.memory_space<vmem>>, vector<16xf32>,
      %get3A_437 = arith.constant 0 : i32
      %get3A_438 = arith.constant 19 : i32
      %get3A_439 = arith.index_cast %get3A_437 : i32 to index
      %get3A_440 = arith.index_cast %get3A_438 : i32 to index
      %get3A_441 = arith.constant 0 : index
      %get3A_442 = tpu.vector_load %arg10[%get3A_439, %get3A_440, %get3A_441] {strides = array<i32>} : memref<2x64x128xf32, #tpu.memory_space<vmem>>, vector<16xf32>,
      %swap3A_443 = arith.constant 0 : i32
      %swap3A_444 = arith.constant 19 : i32
      %swap3A_445 = arith.index_cast %swap3A_443 : i32 to index
      %swap3A_446 = arith.index_cast %swap3A_444 : i32 to index
      %swap3A_447 = arith.constant 0 : index
      %swap3A_448 = tpu.vector_load %arg11[%swap3A_445, %swap3A_446, %swap3A_447] {strides = array<i32>} : memref<2x64x16xf32, #tpu.memory_space<vmem>>, vector<16xf32>,
      tpu.vector_store %arg11[%swap3A_445, %swap3A_446, %swap3A_447], %get3A_442 {strides = array<i32>} : memref<2x64x16xf32, #tpu.memory_space<vmem>>, vector<16xf32>,
      %get3A_449 = arith.constant 0 : i32
      %get3A_450 = arith.constant 20 : i32
      %get3A_451 = arith.index_cast %get3A_449 : i32 to index
      %get3A_452 = arith.index_cast %get3A_450 : i32 to index
      %get3A_453 = arith.constant 0 : index
      %get3A_454 = tpu.vector_load %arg10[%get3A_451, %get3A_452, %get3A_453] {strides = array<i32>} : memref<2x64x128xf32, #tpu.memory_space<vmem>>, vector<16xf32>,
      %swap3A_455 = arith.constant 0 : i32
      %swap3A_456 = arith.constant 20 : i32
      %swap3A_457 = arith.index_cast %swap3A_455 : i32 to index
      %swap3A_458 = arith.index_cast %swap3A_456 : i32 to index
      %swap3A_459 = arith.constant 0 : index
      %swap3A_460 = tpu.vector_load %arg11[%swap3A_457, %swap3A_458, %swap3A_459] {strides = array<i32>} : memref<2x64x16xf32, #tpu.memory_space<vmem>>, vector<16xf32>,
      tpu.vector_store %arg11[%swap3A_457, %swap3A_458, %swap3A_459], %get3A_454 {strides = array<i32>} : memref<2x64x16xf32, #tpu.memory_space<vmem>>, vector<16xf32>,
      %get3A_461 = arith.constant 0 : i32
      %get3A_462 = arith.constant 21 : i32
      %get3A_463 = arith.index_cast %get3A_461 : i32 to index
      %get3A_464 = arith.index_cast %get3A_462 : i32 to index
      %get3A_465 = arith.constant 0 : index
      %get3A_466 = tpu.vector_load %arg10[%get3A_463, %get3A_464, %get3A_465] {strides = array<i32>} : memref<2x64x128xf32, #tpu.memory_space<vmem>>, vector<16xf32>,
      %swap3A_467 = arith.constant 0 : i32
      %swap3A_468 = arith.constant 21 : i32
      %swap3A_469 = arith.index_cast %swap3A_467 : i32 to index
      %swap3A_470 = arith.index_cast %swap3A_468 : i32 to index
      %swap3A_471 = arith.constant 0 : index
      %swap3A_472 = tpu.vector_load %arg11[%swap3A_469, %swap3A_470, %swap3A_471] {strides = array<i32>} : memref<2x64x16xf32, #tpu.memory_space<vmem>>, vector<16xf32>,
      tpu.vector_store %arg11[%swap3A_469, %swap3A_470, %swap3A_471], %get3A_466 {strides = array<i32>} : memref<2x64x16xf32, #tpu.memory_space<vmem>>, vector<16xf32>,
      %get3A_473 = arith.constant 0 : i32
      %get3A_474 = arith.constant 22 : i32
      %get3A_475 = arith.index_cast %get3A_473 : i32 to index
      %get3A_476 = arith.index_cast %get3A_474 : i32 to index
      %get3A_477 = arith.constant 0 : index
      %get3A_478 = tpu.vector_load %arg10[%get3A_475, %get3A_476, %get3A_477] {strides = array<i32>} : memref<2x64x128xf32, #tpu.memory_space<vmem>>, vector<16xf32>,
      %swap3A_479 = arith.constant 0 : i32
      %swap3A_480 = arith.constant 22 : i32
      %swap3A_481 = arith.index_cast %swap3A_479 : i32 to index
      %swap3A_482 = arith.index_cast %swap3A_480 : i32 to index
      %swap3A_483 = arith.constant 0 : index
      %swap3A_484 = tpu.vector_load %arg11[%swap3A_481, %swap3A_482, %swap3A_483] {strides = array<i32>} : memref<2x64x16xf32, #tpu.memory_space<vmem>>, vector<16xf32>,
      tpu.vector_store %arg11[%swap3A_481, %swap3A_482, %swap3A_483], %get3A_478 {strides = array<i32>} : memref<2x64x16xf32, #tpu.memory_space<vmem>>, vector<16xf32>,
      %get3A_485 = arith.constant 0 : i32
      %get3A_486 = arith.constant 23 : i32
      %get3A_487 = arith.index_cast %get3A_485 : i32 to index
      %get3A_488 = arith.index_cast %get3A_486 : i32 to index
      %get3A_489 = arith.constant 0 : index
      %get3A_490 = tpu.vector_load %arg10[%get3A_487, %get3A_488, %get3A_489] {strides = array<i32>} : memref<2x64x128xf32, #tpu.memory_space<vmem>>, vector<16xf32>,
      %swap3A_491 = arith.constant 0 : i32
      %swap3A_492 = arith.constant 23 : i32
      %swap3A_493 = arith.index_cast %swap3A_491 : i32 to index
      %swap3A_494 = arith.index_cast %swap3A_492 : i32 to index
      %swap3A_495 = arith.constant 0 : index
      %swap3A_496 = tpu.vector_load %arg11[%swap3A_493, %swap3A_494, %swap3A_495] {strides = array<i32>} : memref<2x64x16xf32, #tpu.memory_space<vmem>>, vector<16xf32>,
      tpu.vector_store %arg11[%swap3A_493, %swap3A_494, %swap3A_495], %get3A_490 {strides = array<i32>} : memref<2x64x16xf32, #tpu.memory_space<vmem>>, vector<16xf32>,
      %get3A_497 = arith.constant 0 : i32
      %get3A_498 = arith.constant 24 : i32
      %get3A_499 = arith.index_cast %get3A_497 : i32 to index
      %get3A_500 = arith.index_cast %get3A_498 : i32 to index
      %get3A_501 = arith.constant 0 : index
      %get3A_502 = tpu.vector_load %arg10[%get3A_499, %get3A_500, %get3A_501] {strides = array<i32>} : memref<2x64x128xf32, #tpu.memory_space<vmem>>, vector<16xf32>,
      %swap3A_503 = arith.constant 0 : i32
      %swap3A_504 = arith.constant 24 : i32
      %swap3A_505 = arith.index_cast %swap3A_503 : i32 to index
      %swap3A_506 = arith.index_cast %swap3A_504 : i32 to index
      %swap3A_507 = arith.constant 0 : index
      %swap3A_508 = tpu.vector_load %arg11[%swap3A_505, %swap3A_506, %swap3A_507] {strides = array<i32>} : memref<2x64x16xf32, #tpu.memory_space<vmem>>, vector<16xf32>,
      tpu.vector_store %arg11[%swap3A_505, %swap3A_506, %swap3A_507], %get3A_502 {strides = array<i32>} : memref<2x64x16xf32, #tpu.memory_space<vmem>>, vector<16xf32>,
      %get3A_509 = arith.constant 0 : i32
      %get3A_510 = arith.constant 25 : i32
      %get3A_511 = arith.index_cast %get3A_509 : i32 to index
      %get3A_512 = arith.index_cast %get3A_510 : i32 to index
      %get3A_513 = arith.constant 0 : index
      %get3A_514 = tpu.vector_load %arg10[%get3A_511, %get3A_512, %get3A_513] {strides = array<i32>} : memref<2x64x128xf32, #tpu.memory_space<vmem>>, vector<16xf32>,
      %swap3A_515 = arith.constant 0 : i32
      %swap3A_516 = arith.constant 25 : i32
      %swap3A_517 = arith.index_cast %swap3A_515 : i32 to index
      %swap3A_518 = arith.index_cast %swap3A_516 : i32 to index
      %swap3A_519 = arith.constant 0 : index
      %swap3A_520 = tpu.vector_load %arg11[%swap3A_517, %swap3A_518, %swap3A_519] {strides = array<i32>} : memref<2x64x16xf32, #tpu.memory_space<vmem>>, vector<16xf32>,
      tpu.vector_store %arg11[%swap3A_517, %swap3A_518, %swap3A_519], %get3A_514 {strides = array<i32>} : memref<2x64x16xf32, #tpu.memory_space<vmem>>, vector<16xf32>,
      %get3A_521 = arith.constant 0 : i32
      %get3A_522 = arith.constant 26 : i32
      %get3A_523 = arith.index_cast %get3A_521 : i32 to index
      %get3A_524 = arith.index_cast %get3A_522 : i32 to index
      %get3A_525 = arith.constant 0 : index
      %get3A_526 = tpu.vector_load %arg10[%get3A_523, %get3A_524, %get3A_525] {strides = array<i32>} : memref<2x64x128xf32, #tpu.memory_space<vmem>>, vector<16xf32>,
      %swap3A_527 = arith.constant 0 : i32
      %swap3A_528 = arith.constant 26 : i32
      %swap3A_529 = arith.index_cast %swap3A_527 : i32 to index
      %swap3A_530 = arith.index_cast %swap3A_528 : i32 to index
      %swap3A_531 = arith.constant 0 : index
      %swap3A_532 = tpu.vector_load %arg11[%swap3A_529, %swap3A_530, %swap3A_531] {strides = array<i32>} : memref<2x64x16xf32, #tpu.memory_space<vmem>>, vector<16xf32>,
      tpu.vector_store %arg11[%swap3A_529, %swap3A_530, %swap3A_531], %get3A_526 {strides = array<i32>} : memref<2x64x16xf32, #tpu.memory_space<vmem>>, vector<16xf32>,
      %get3A_533 = arith.constant 0 : i32
      %get3A_534 = arith.constant 27 : i32
      %get3A_535 = arith.index_cast %get3A_533 : i32 to index
      %get3A_536 = arith.index_cast %get3A_534 : i32 to index
      %get3A_537 = arith.constant 0 : index
      %get3A_538 = tpu.vector_load %arg10[%get3A_535, %get3A_536, %get3A_537] {strides = array<i32>} : memref<2x64x128xf32, #tpu.memory_space<vmem>>, vector<16xf32>,
      %swap3A_539 = arith.constant 0 : i32
      %swap3A_540 = arith.constant 27 : i32
      %swap3A_541 = arith.index_cast %swap3A_539 : i32 to index
      %swap3A_542 = arith.index_cast %swap3A_540 : i32 to index
      %swap3A_543 = arith.constant 0 : index
      %swap3A_544 = tpu.vector_load %arg11[%swap3A_541, %swap3A_542, %swap3A_543] {strides = array<i32>} : memref<2x64x16xf32, #tpu.memory_space<vmem>>, vector<16xf32>,
      tpu.vector_store %arg11[%swap3A_541, %swap3A_542, %swap3A_543], %get3A_538 {strides = array<i32>} : memref<2x64x16xf32, #tpu.memory_space<vmem>>, vector<16xf32>,
      %get3A_545 = arith.constant 0 : i32
      %get3A_546 = arith.constant 28 : i32
      %get3A_547 = arith.index_cast %get3A_545 : i32 to index
      %get3A_548 = arith.index_cast %get3A_546 : i32 to index
      %get3A_549 = arith.constant 0 : index
      %get3A_550 = tpu.vector_load %arg10[%get3A_547, %get3A_548, %get3A_549] {strides = array<i32>} : memref<2x64x128xf32, #tpu.memory_space<vmem>>, vector<16xf32>,
      %swap3A_551 = arith.constant 0 : i32
      %swap3A_552 = arith.constant 28 : i32
      %swap3A_553 = arith.index_cast %swap3A_551 : i32 to index
      %swap3A_554 = arith.index_cast %swap3A_552 : i32 to index
      %swap3A_555 = arith.constant 0 : index
      %swap3A_556 = tpu.vector_load %arg11[%swap3A_553, %swap3A_554, %swap3A_555] {strides = array<i32>} : memref<2x64x16xf32, #tpu.memory_space<vmem>>, vector<16xf32>,
      tpu.vector_store %arg11[%swap3A_553, %swap3A_554, %swap3A_555], %get3A_550 {strides = array<i32>} : memref<2x64x16xf32, #tpu.memory_space<vmem>>, vector<16xf32>,
      %get3A_557 = arith.constant 0 : i32
      %get3A_558 = arith.constant 29 : i32
      %get3A_559 = arith.index_cast %get3A_557 : i32 to index
      %get3A_560 = arith.index_cast %get3A_558 : i32 to index
      %get3A_561 = arith.constant 0 : index
      %get3A_562 = tpu.vector_load %arg10[%get3A_559, %get3A_560, %get3A_561] {strides = array<i32>} : memref<2x64x128xf32, #tpu.memory_space<vmem>>, vector<16xf32>,
      %swap3A_563 = arith.constant 0 : i32
      %swap3A_564 = arith.constant 29 : i32
      %swap3A_565 = arith.index_cast %swap3A_563 : i32 to index
      %swap3A_566 = arith.index_cast %swap3A_564 : i32 to index
      %swap3A_567 = arith.constant 0 : index
      %swap3A_568 = tpu.vector_load %arg11[%swap3A_565, %swap3A_566, %swap3A_567] {strides = array<i32>} : memref<2x64x16xf32, #tpu.memory_space<vmem>>, vector<16xf32>,
      tpu.vector_store %arg11[%swap3A_565, %swap3A_566, %swap3A_567], %get3A_562 {strides = array<i32>} : memref<2x64x16xf32, #tpu.memory_space<vmem>>, vector<16xf32>,
      %get3A_569 = arith.constant 0 : i32
      %get3A_570 = arith.constant 30 : i32
      %get3A_571 = arith.index_cast %get3A_569 : i32 to index
      %get3A_572 = arith.index_cast %get3A_570 : i32 to index
      %get3A_573 = arith.constant 0 : index
      %get3A_574 = tpu.vector_load %arg10[%get3A_571, %get3A_572, %get3A_573] {strides = array<i32>} : memref<2x64x128xf32, #tpu.memory_space<vmem>>, vector<16xf32>,
      %swap3A_575 = arith.constant 0 : i32
      %swap3A_576 = arith.constant 30 : i32
      %swap3A_577 = arith.index_cast %swap3A_575 : i32 to index
      %swap3A_578 = arith.index_cast %swap3A_576 : i32 to index
      %swap3A_579 = arith.constant 0 : index
      %swap3A_580 = tpu.vector_load %arg11[%swap3A_577, %swap3A_578, %swap3A_579] {strides = array<i32>} : memref<2x64x16xf32, #tpu.memory_space<vmem>>, vector<16xf32>,
      tpu.vector_store %arg11[%swap3A_577, %swap3A_578, %swap3A_579], %get3A_574 {strides = array<i32>} : memref<2x64x16xf32, #tpu.memory_space<vmem>>, vector<16xf32>,
      %get3A_581 = arith.constant 0 : i32
      %get3A_582 = arith.constant 31 : i32
      %get3A_583 = arith.index_cast %get3A_581 : i32 to index
      %get3A_584 = arith.index_cast %get3A_582 : i32 to index
      %get3A_585 = arith.constant 0 : index
      %get3A_586 = tpu.vector_load %arg10[%get3A_583, %get3A_584, %get3A_585] {strides = array<i32>} : memref<2x64x128xf32, #tpu.memory_space<vmem>>, vector<16xf32>,
      %swap3A_587 = arith.constant 0 : i32
      %swap3A_588 = arith.constant 31 : i32
      %swap3A_589 = arith.index_cast %swap3A_587 : i32 to index
      %swap3A_590 = arith.index_cast %swap3A_588 : i32 to index
      %swap3A_591 = arith.constant 0 : index
      %swap3A_592 = tpu.vector_load %arg11[%swap3A_589, %swap3A_590, %swap3A_591] {strides = array<i32>} : memref<2x64x16xf32, #tpu.memory_space<vmem>>, vector<16xf32>,
      tpu.vector_store %arg11[%swap3A_589, %swap3A_590, %swap3A_591], %get3A_586 {strides = array<i32>} : memref<2x64x16xf32, #tpu.memory_space<vmem>>, vector<16xf32>,
      %get3A_593 = arith.constant 0 : i32
      %get3A_594 = arith.constant 32 : i32
      %get3A_595 = arith.index_cast %get3A_593 : i32 to index
      %get3A_596 = arith.index_cast %get3A_594 : i32 to index
      %get3A_597 = arith.constant 0 : index
      %get3A_598 = tpu.vector_load %arg10[%get3A_595, %get3A_596, %get3A_597] {strides = array<i32>} : memref<2x64x128xf32, #tpu.memory_space<vmem>>, vector<16xf32>,
      %swap3A_599 = arith.constant 0 : i32
      %swap3A_600 = arith.constant 32 : i32
      %swap3A_601 = arith.index_cast %swap3A_599 : i32 to index
      %swap3A_602 = arith.index_cast %swap3A_600 : i32 to index
      %swap3A_603 = arith.constant 0 : index
      %swap3A_604 = tpu.vector_load %arg11[%swap3A_601, %swap3A_602, %swap3A_603] {strides = array<i32>} : memref<2x64x16xf32, #tpu.memory_space<vmem>>, vector<16xf32>,
      tpu.vector_store %arg11[%swap3A_601, %swap3A_602, %swap3A_603], %get3A_598 {strides = array<i32>} : memref<2x64x16xf32, #tpu.memory_space<vmem>>, vector<16xf32>,
      %get3A_605 = arith.constant 0 : i32
      %get3A_606 = arith.constant 33 : i32
      %get3A_607 = arith.index_cast %get3A_605 : i32 to index
      %get3A_608 = arith.index_cast %get3A_606 : i32 to index
      %get3A_609 = arith.constant 0 : index
      %get3A_610 = tpu.vector_load %arg10[%get3A_607, %get3A_608, %get3A_609] {strides = array<i32>} : memref<2x64x128xf32, #tpu.memory_space<vmem>>, vector<16xf32>,
      %swap3A_611 = arith.constant 0 : i32
      %swap3A_612 = arith.constant 33 : i32
      %swap3A_613 = arith.index_cast %swap3A_611 : i32 to index
      %swap3A_614 = arith.index_cast %swap3A_612 : i32 to index
      %swap3A_615 = arith.constant 0 : index
      %swap3A_616 = tpu.vector_load %arg11[%swap3A_613, %swap3A_614, %swap3A_615] {strides = array<i32>} : memref<2x64x16xf32, #tpu.memory_space<vmem>>, vector<16xf32>,
      tpu.vector_store %arg11[%swap3A_613, %swap3A_614, %swap3A_615], %get3A_610 {strides = array<i32>} : memref<2x64x16xf32, #tpu.memory_space<vmem>>, vector<16xf32>,
      %get3A_617 = arith.constant 0 : i32
      %get3A_618 = arith.constant 34 : i32
      %get3A_619 = arith.index_cast %get3A_617 : i32 to index
      %get3A_620 = arith.index_cast %get3A_618 : i32 to index
      %get3A_621 = arith.constant 0 : index
      %get3A_622 = tpu.vector_load %arg10[%get3A_619, %get3A_620, %get3A_621] {strides = array<i32>} : memref<2x64x128xf32, #tpu.memory_space<vmem>>, vector<16xf32>,
      %swap3A_623 = arith.constant 0 : i32
      %swap3A_624 = arith.constant 34 : i32
      %swap3A_625 = arith.index_cast %swap3A_623 : i32 to index
      %swap3A_626 = arith.index_cast %swap3A_624 : i32 to index
      %swap3A_627 = arith.constant 0 : index
      %swap3A_628 = tpu.vector_load %arg11[%swap3A_625, %swap3A_626, %swap3A_627] {strides = array<i32>} : memref<2x64x16xf32, #tpu.memory_space<vmem>>, vector<16xf32>,
      tpu.vector_store %arg11[%swap3A_625, %swap3A_626, %swap3A_627], %get3A_622 {strides = array<i32>} : memref<2x64x16xf32, #tpu.memory_space<vmem>>, vector<16xf32>,
      %get3A_629 = arith.constant 0 : i32
      %get3A_630 = arith.constant 35 : i32
      %get3A_631 = arith.index_cast %get3A_629 : i32 to index
      %get3A_632 = arith.index_cast %get3A_630 : i32 to index
      %get3A_633 = arith.constant 0 : index
      %get3A_634 = tpu.vector_load %arg10[%get3A_631, %get3A_632, %get3A_633] {strides = array<i32>} : memref<2x64x128xf32, #tpu.memory_space<vmem>>, vector<16xf32>,
      %swap3A_635 = arith.constant 0 : i32
      %swap3A_636 = arith.constant 35 : i32
      %swap3A_637 = arith.index_cast %swap3A_635 : i32 to index
      %swap3A_638 = arith.index_cast %swap3A_636 : i32 to index
      %swap3A_639 = arith.constant 0 : index
      %swap3A_640 = tpu.vector_load %arg11[%swap3A_637, %swap3A_638, %swap3A_639] {strides = array<i32>} : memref<2x64x16xf32, #tpu.memory_space<vmem>>, vector<16xf32>,
      tpu.vector_store %arg11[%swap3A_637, %swap3A_638, %swap3A_639], %get3A_634 {strides = array<i32>} : memref<2x64x16xf32, #tpu.memory_space<vmem>>, vector<16xf32>,
      %get3A_641 = arith.constant 0 : i32
      %get3A_642 = arith.constant 36 : i32
      %get3A_643 = arith.index_cast %get3A_641 : i32 to index
      %get3A_644 = arith.index_cast %get3A_642 : i32 to index
      %get3A_645 = arith.constant 0 : index
      %get3A_646 = tpu.vector_load %arg10[%get3A_643, %get3A_644, %get3A_645] {strides = array<i32>} : memref<2x64x128xf32, #tpu.memory_space<vmem>>, vector<16xf32>,
      %swap3A_647 = arith.constant 0 : i32
      %swap3A_648 = arith.constant 36 : i32
      %swap3A_649 = arith.index_cast %swap3A_647 : i32 to index
      %swap3A_650 = arith.index_cast %swap3A_648 : i32 to index
      %swap3A_651 = arith.constant 0 : index
      %swap3A_652 = tpu.vector_load %arg11[%swap3A_649, %swap3A_650, %swap3A_651] {strides = array<i32>} : memref<2x64x16xf32, #tpu.memory_space<vmem>>, vector<16xf32>,
      tpu.vector_store %arg11[%swap3A_649, %swap3A_650, %swap3A_651], %get3A_646 {strides = array<i32>} : memref<2x64x16xf32, #tpu.memory_space<vmem>>, vector<16xf32>,
      %get3A_653 = arith.constant 0 : i32
      %get3A_654 = arith.constant 37 : i32
      %get3A_655 = arith.index_cast %get3A_653 : i32 to index
      %get3A_656 = arith.index_cast %get3A_654 : i32 to index
      %get3A_657 = arith.constant 0 : index
      %get3A_658 = tpu.vector_load %arg10[%get3A_655, %get3A_656, %get3A_657] {strides = array<i32>} : memref<2x64x128xf32, #tpu.memory_space<vmem>>, vector<16xf32>,
      %swap3A_659 = arith.constant 0 : i32
      %swap3A_660 = arith.constant 37 : i32
      %swap3A_661 = arith.index_cast %swap3A_659 : i32 to index
      %swap3A_662 = arith.index_cast %swap3A_660 : i32 to index
      %swap3A_663 = arith.constant 0 : index
      %swap3A_664 = tpu.vector_load %arg11[%swap3A_661, %swap3A_662, %swap3A_663] {strides = array<i32>} : memref<2x64x16xf32, #tpu.memory_space<vmem>>, vector<16xf32>,
      tpu.vector_store %arg11[%swap3A_661, %swap3A_662, %swap3A_663], %get3A_658 {strides = array<i32>} : memref<2x64x16xf32, #tpu.memory_space<vmem>>, vector<16xf32>,
      %get3A_665 = arith.constant 0 : i32
      %get3A_666 = arith.constant 38 : i32
      %get3A_667 = arith.index_cast %get3A_665 : i32 to index
      %get3A_668 = arith.index_cast %get3A_666 : i32 to index
      %get3A_669 = arith.constant 0 : index
      %get3A_670 = tpu.vector_load %arg10[%get3A_667, %get3A_668, %get3A_669] {strides = array<i32>} : memref<2x64x128xf32, #tpu.memory_space<vmem>>, vector<16xf32>,
      %swap3A_671 = arith.constant 0 : i32
      %swap3A_672 = arith.constant 38 : i32
      %swap3A_673 = arith.index_cast %swap3A_671 : i32 to index
      %swap3A_674 = arith.index_cast %swap3A_672 : i32 to index
      %swap3A_675 = arith.constant 0 : index
      %swap3A_676 = tpu.vector_load %arg11[%swap3A_673, %swap3A_674, %swap3A_675] {strides = array<i32>} : memref<2x64x16xf32, #tpu.memory_space<vmem>>, vector<16xf32>,
      tpu.vector_store %arg11[%swap3A_673, %swap3A_674, %swap3A_675], %get3A_670 {strides = array<i32>} : memref<2x64x16xf32, #tpu.memory_space<vmem>>, vector<16xf32>,
      %get3A_677 = arith.constant 0 : i32
      %get3A_678 = arith.constant 39 : i32
      %get3A_679 = arith.index_cast %get3A_677 : i32 to index
      %get3A_680 = arith.index_cast %get3A_678 : i32 to index
      %get3A_681 = arith.constant 0 : index
      %get3A_682 = tpu.vector_load %arg10[%get3A_679, %get3A_680, %get3A_681] {strides = array<i32>} : memref<2x64x128xf32, #tpu.memory_space<vmem>>, vector<16xf32>,
      %swap3A_683 = arith.constant 0 : i32
      %swap3A_684 = arith.constant 39 : i32
      %swap3A_685 = arith.index_cast %swap3A_683 : i32 to index
      %swap3A_686 = arith.index_cast %swap3A_684 : i32 to index
      %swap3A_687 = arith.constant 0 : index
      %swap3A_688 = tpu.vector_load %arg11[%swap3A_685, %swap3A_686, %swap3A_687] {strides = array<i32>} : memref<2x64x16xf32, #tpu.memory_space<vmem>>, vector<16xf32>,
      tpu.vector_store %arg11[%swap3A_685, %swap3A_686, %swap3A_687], %get3A_682 {strides = array<i32>} : memref<2x64x16xf32, #tpu.memory_space<vmem>>, vector<16xf32>,
      %get3A_689 = arith.constant 0 : i32
      %get3A_690 = arith.constant 40 : i32
      %get3A_691 = arith.index_cast %get3A_689 : i32 to index
      %get3A_692 = arith.index_cast %get3A_690 : i32 to index
      %get3A_693 = arith.constant 0 : index
      %get3A_694 = tpu.vector_load %arg10[%get3A_691, %get3A_692, %get3A_693] {strides = array<i32>} : memref<2x64x128xf32, #tpu.memory_space<vmem>>, vector<16xf32>,
      %swap3A_695 = arith.constant 0 : i32
      %swap3A_696 = arith.constant 40 : i32
      %swap3A_697 = arith.index_cast %swap3A_695 : i32 to index
      %swap3A_698 = arith.index_cast %swap3A_696 : i32 to index
      %swap3A_699 = arith.constant 0 : index
      %swap3A_700 = tpu.vector_load %arg11[%swap3A_697, %swap3A_698, %swap3A_699] {strides = array<i32>} : memref<2x64x16xf32, #tpu.memory_space<vmem>>, vector<16xf32>,
      tpu.vector_store %arg11[%swap3A_697, %swap3A_698, %swap3A_699], %get3A_694 {strides = array<i32>} : memref<2x64x16xf32, #tpu.memory_space<vmem>>, vector<16xf32>,
      %get3A_701 = arith.constant 0 : i32
      %get3A_702 = arith.constant 41 : i32
      %get3A_703 = arith.index_cast %get3A_701 : i32 to index
      %get3A_704 = arith.index_cast %get3A_702 : i32 to index
      %get3A_705 = arith.constant 0 : index
      %get3A_706 = tpu.vector_load %arg10[%get3A_703, %get3A_704, %get3A_705] {strides = array<i32>} : memref<2x64x128xf32, #tpu.memory_space<vmem>>, vector<16xf32>,
      %swap3A_707 = arith.constant 0 : i32
      %swap3A_708 = arith.constant 41 : i32
      %swap3A_709 = arith.index_cast %swap3A_707 : i32 to index
      %swap3A_710 = arith.index_cast %swap3A_708 : i32 to index
      %swap3A_711 = arith.constant 0 : index
      %swap3A_712 = tpu.vector_load %arg11[%swap3A_709, %swap3A_710, %swap3A_711] {strides = array<i32>} : memref<2x64x16xf32, #tpu.memory_space<vmem>>, vector<16xf32>,
      tpu.vector_store %arg11[%swap3A_709, %swap3A_710, %swap3A_711], %get3A_706 {strides = array<i32>} : memref<2x64x16xf32, #tpu.memory_space<vmem>>, vector<16xf32>,
      %get3A_713 = arith.constant 0 : i32
      %get3A_714 = arith.constant 42 : i32
      %get3A_715 = arith.index_cast %get3A_713 : i32 to index
      %get3A_716 = arith.index_cast %get3A_714 : i32 to index
      %get3A_717 = arith.constant 0 : index
      %get3A_718 = tpu.vector_load %arg10[%get3A_715, %get3A_716, %get3A_717] {strides = array<i32>} : memref<2x64x128xf32, #tpu.memory_space<vmem>>, vector<16xf32>,
      %swap3A_719 = arith.constant 0 : i32
      %swap3A_720 = arith.constant 42 : i32
      %swap3A_721 = arith.index_cast %swap3A_719 : i32 to index
      %swap3A_722 = arith.index_cast %swap3A_720 : i32 to index
      %swap3A_723 = arith.constant 0 : index
      %swap3A_724 = tpu.vector_load %arg11[%swap3A_721, %swap3A_722, %swap3A_723] {strides = array<i32>} : memref<2x64x16xf32, #tpu.memory_space<vmem>>, vector<16xf32>,
      tpu.vector_store %arg11[%swap3A_721, %swap3A_722, %swap3A_723], %get3A_718 {strides = array<i32>} : memref<2x64x16xf32, #tpu.memory_space<vmem>>, vector<16xf32>,
      %get3A_725 = arith.constant 0 : i32
      %get3A_726 = arith.constant 43 : i32
      %get3A_727 = arith.index_cast %get3A_725 : i32 to index
      %get3A_728 = arith.index_cast %get3A_726 : i32 to index
      %get3A_729 = arith.constant 0 : index
      %get3A_730 = tpu.vector_load %arg10[%get3A_727, %get3A_728, %get3A_729] {strides = array<i32>} : memref<2x64x128xf32, #tpu.memory_space<vmem>>, vector<16xf32>,
      %swap3A_731 = arith.constant 0 : i32
      %swap3A_732 = arith.constant 43 : i32
      %swap3A_733 = arith.index_cast %swap3A_731 : i32 to index
      %swap3A_734 = arith.index_cast %swap3A_732 : i32 to index
      %swap3A_735 = arith.constant 0 : index
      %swap3A_736 = tpu.vector_load %arg11[%swap3A_733, %swap3A_734, %swap3A_735] {strides = array<i32>} : memref<2x64x16xf32, #tpu.memory_space<vmem>>, vector<16xf32>,
      tpu.vector_store %arg11[%swap3A_733, %swap3A_734, %swap3A_735], %get3A_730 {strides = array<i32>} : memref<2x64x16xf32, #tpu.memory_space<vmem>>, vector<16xf32>,
      %get3A_737 = arith.constant 0 : i32
      %get3A_738 = arith.constant 44 : i32
      %get3A_739 = arith.index_cast %get3A_737 : i32 to index
      %get3A_740 = arith.index_cast %get3A_738 : i32 to index
      %get3A_741 = arith.constant 0 : index
      %get3A_742 = tpu.vector_load %arg10[%get3A_739, %get3A_740, %get3A_741] {strides = array<i32>} : memref<2x64x128xf32, #tpu.memory_space<vmem>>, vector<16xf32>,
      %swap3A_743 = arith.constant 0 : i32
      %swap3A_744 = arith.constant 44 : i32
      %swap3A_745 = arith.index_cast %swap3A_743 : i32 to index
      %swap3A_746 = arith.index_cast %swap3A_744 : i32 to index
      %swap3A_747 = arith.constant 0 : index
      %swap3A_748 = tpu.vector_load %arg11[%swap3A_745, %swap3A_746, %swap3A_747] {strides = array<i32>} : memref<2x64x16xf32, #tpu.memory_space<vmem>>, vector<16xf32>,
      tpu.vector_store %arg11[%swap3A_745, %swap3A_746, %swap3A_747], %get3A_742 {strides = array<i32>} : memref<2x64x16xf32, #tpu.memory_space<vmem>>, vector<16xf32>,
      %get3A_749 = arith.constant 0 : i32
      %get3A_750 = arith.constant 45 : i32
      %get3A_751 = arith.index_cast %get3A_749 : i32 to index
      %get3A_752 = arith.index_cast %get3A_750 : i32 to index
      %get3A_753 = arith.constant 0 : index
      %get3A_754 = tpu.vector_load %arg10[%get3A_751, %get3A_752, %get3A_753] {strides = array<i32>} : memref<2x64x128xf32, #tpu.memory_space<vmem>>, vector<16xf32>,
      %swap3A_755 = arith.constant 0 : i32
      %swap3A_756 = arith.constant 45 : i32
      %swap3A_757 = arith.index_cast %swap3A_755 : i32 to index
      %swap3A_758 = arith.index_cast %swap3A_756 : i32 to index
      %swap3A_759 = arith.constant 0 : index
      %swap3A_760 = tpu.vector_load %arg11[%swap3A_757, %swap3A_758, %swap3A_759] {strides = array<i32>} : memref<2x64x16xf32, #tpu.memory_space<vmem>>, vector<16xf32>,
      tpu.vector_store %arg11[%swap3A_757, %swap3A_758, %swap3A_759], %get3A_754 {strides = array<i32>} : memref<2x64x16xf32, #tpu.memory_space<vmem>>, vector<16xf32>,
      %get3A_761 = arith.constant 0 : i32
      %get3A_762 = arith.constant 46 : i32
      %get3A_763 = arith.index_cast %get3A_761 : i32 to index
      %get3A_764 = arith.index_cast %get3A_762 : i32 to index
      %get3A_765 = arith.constant 0 : index
      %get3A_766 = tpu.vector_load %arg10[%get3A_763, %get3A_764, %get3A_765] {strides = array<i32>} : memref<2x64x128xf32, #tpu.memory_space<vmem>>, vector<16xf32>,
      %swap3A_767 = arith.constant 0 : i32
      %swap3A_768 = arith.constant 46 : i32
      %swap3A_769 = arith.index_cast %swap3A_767 : i32 to index
      %swap3A_770 = arith.index_cast %swap3A_768 : i32 to index
      %swap3A_771 = arith.constant 0 : index
      %swap3A_772 = tpu.vector_load %arg11[%swap3A_769, %swap3A_770, %swap3A_771] {strides = array<i32>} : memref<2x64x16xf32, #tpu.memory_space<vmem>>, vector<16xf32>,
      tpu.vector_store %arg11[%swap3A_769, %swap3A_770, %swap3A_771], %get3A_766 {strides = array<i32>} : memref<2x64x16xf32, #tpu.memory_space<vmem>>, vector<16xf32>,
      %get3A_773 = arith.constant 0 : i32
      %get3A_774 = arith.constant 47 : i32
      %get3A_775 = arith.index_cast %get3A_773 : i32 to index
      %get3A_776 = arith.index_cast %get3A_774 : i32 to index
      %get3A_777 = arith.constant 0 : index
      %get3A_778 = tpu.vector_load %arg10[%get3A_775, %get3A_776, %get3A_777] {strides = array<i32>} : memref<2x64x128xf32, #tpu.memory_space<vmem>>, vector<16xf32>,
      %swap3A_779 = arith.constant 0 : i32
      %swap3A_780 = arith.constant 47 : i32
      %swap3A_781 = arith.index_cast %swap3A_779 : i32 to index
      %swap3A_782 = arith.index_cast %swap3A_780 : i32 to index
      %swap3A_783 = arith.constant 0 : index
      %swap3A_784 = tpu.vector_load %arg11[%swap3A_781, %swap3A_782, %swap3A_783] {strides = array<i32>} : memref<2x64x16xf32, #tpu.memory_space<vmem>>, vector<16xf32>,
      tpu.vector_store %arg11[%swap3A_781, %swap3A_782, %swap3A_783], %get3A_778 {strides = array<i32>} : memref<2x64x16xf32, #tpu.memory_space<vmem>>, vector<16xf32>,
      %get3A_785 = arith.constant 0 : i32
      %get3A_786 = arith.constant 48 : i32
      %get3A_787 = arith.index_cast %get3A_785 : i32 to index
      %get3A_788 = arith.index_cast %get3A_786 : i32 to index
      %get3A_789 = arith.constant 0 : index
      %get3A_790 = tpu.vector_load %arg10[%get3A_787, %get3A_788, %get3A_789] {strides = array<i32>} : memref<2x64x128xf32, #tpu.memory_space<vmem>>, vector<16xf32>,
      %swap3A_791 = arith.constant 0 : i32
      %swap3A_792 = arith.constant 48 : i32
      %swap3A_793 = arith.index_cast %swap3A_791 : i32 to index
      %swap3A_794 = arith.index_cast %swap3A_792 : i32 to index
      %swap3A_795 = arith.constant 0 : index
      %swap3A_796 = tpu.vector_load %arg11[%swap3A_793, %swap3A_794, %swap3A_795] {strides = array<i32>} : memref<2x64x16xf32, #tpu.memory_space<vmem>>, vector<16xf32>,
      tpu.vector_store %arg11[%swap3A_793, %swap3A_794, %swap3A_795], %get3A_790 {strides = array<i32>} : memref<2x64x16xf32, #tpu.memory_space<vmem>>, vector<16xf32>,
      %get3A_797 = arith.constant 0 : i32
      %get3A_798 = arith.constant 49 : i32
      %get3A_799 = arith.index_cast %get3A_797 : i32 to index
      %get3A_800 = arith.index_cast %get3A_798 : i32 to index
      %get3A_801 = arith.constant 0 : index
      %get3A_802 = tpu.vector_load %arg10[%get3A_799, %get3A_800, %get3A_801] {strides = array<i32>} : memref<2x64x128xf32, #tpu.memory_space<vmem>>, vector<16xf32>,
      %swap3A_803 = arith.constant 0 : i32
      %swap3A_804 = arith.constant 49 : i32
      %swap3A_805 = arith.index_cast %swap3A_803 : i32 to index
      %swap3A_806 = arith.index_cast %swap3A_804 : i32 to index
      %swap3A_807 = arith.constant 0 : index
      %swap3A_808 = tpu.vector_load %arg11[%swap3A_805, %swap3A_806, %swap3A_807] {strides = array<i32>} : memref<2x64x16xf32, #tpu.memory_space<vmem>>, vector<16xf32>,
      tpu.vector_store %arg11[%swap3A_805, %swap3A_806, %swap3A_807], %get3A_802 {strides = array<i32>} : memref<2x64x16xf32, #tpu.memory_space<vmem>>, vector<16xf32>,
      %get3A_809 = arith.constant 0 : i32
      %get3A_810 = arith.constant 50 : i32
      %get3A_811 = arith.index_cast %get3A_809 : i32 to index
      %get3A_812 = arith.index_cast %get3A_810 : i32 to index
      %get3A_813 = arith.constant 0 : index
      %get3A_814 = tpu.vector_load %arg10[%get3A_811, %get3A_812, %get3A_813] {strides = array<i32>} : memref<2x64x128xf32, #tpu.memory_space<vmem>>, vector<16xf32>,
      %swap3A_815 = arith.constant 0 : i32
      %swap3A_816 = arith.constant 50 : i32
      %swap3A_817 = arith.index_cast %swap3A_815 : i32 to index
      %swap3A_818 = arith.index_cast %swap3A_816 : i32 to index
      %swap3A_819 = arith.constant 0 : index
      %swap3A_820 = tpu.vector_load %arg11[%swap3A_817, %swap3A_818, %swap3A_819] {strides = array<i32>} : memref<2x64x16xf32, #tpu.memory_space<vmem>>, vector<16xf32>,
      tpu.vector_store %arg11[%swap3A_817, %swap3A_818, %swap3A_819], %get3A_814 {strides = array<i32>} : memref<2x64x16xf32, #tpu.memory_space<vmem>>, vector<16xf32>,
      %get3A_821 = arith.constant 0 : i32
      %get3A_822 = arith.constant 51 : i32
      %get3A_823 = arith.index_cast %get3A_821 : i32 to index
      %get3A_824 = arith.index_cast %get3A_822 : i32 to index
      %get3A_825 = arith.constant 0 : index
      %get3A_826 = tpu.vector_load %arg10[%get3A_823, %get3A_824, %get3A_825] {strides = array<i32>} : memref<2x64x128xf32, #tpu.memory_space<vmem>>, vector<16xf32>,
      %swap3A_827 = arith.constant 0 : i32
      %swap3A_828 = arith.constant 51 : i32
      %swap3A_829 = arith.index_cast %swap3A_827 : i32 to index
      %swap3A_830 = arith.index_cast %swap3A_828 : i32 to index
      %swap3A_831 = arith.constant 0 : index
      %swap3A_832 = tpu.vector_load %arg11[%swap3A_829, %swap3A_830, %swap3A_831] {strides = array<i32>} : memref<2x64x16xf32, #tpu.memory_space<vmem>>, vector<16xf32>,
      tpu.vector_store %arg11[%swap3A_829, %swap3A_830, %swap3A_831], %get3A_826 {strides = array<i32>} : memref<2x64x16xf32, #tpu.memory_space<vmem>>, vector<16xf32>,
      %get3A_833 = arith.constant 0 : i32
      %get3A_834 = arith.constant 52 : i32
      %get3A_835 = arith.index_cast %get3A_833 : i32 to index
      %get3A_836 = arith.index_cast %get3A_834 : i32 to index
      %get3A_837 = arith.constant 0 : index
      %get3A_838 = tpu.vector_load %arg10[%get3A_835, %get3A_836, %get3A_837] {strides = array<i32>} : memref<2x64x128xf32, #tpu.memory_space<vmem>>, vector<16xf32>,
      %swap3A_839 = arith.constant 0 : i32
      %swap3A_840 = arith.constant 52 : i32
      %swap3A_841 = arith.index_cast %swap3A_839 : i32 to index
      %swap3A_842 = arith.index_cast %swap3A_840 : i32 to index
      %swap3A_843 = arith.constant 0 : index
      %swap3A_844 = tpu.vector_load %arg11[%swap3A_841, %swap3A_842, %swap3A_843] {strides = array<i32>} : memref<2x64x16xf32, #tpu.memory_space<vmem>>, vector<16xf32>,
      tpu.vector_store %arg11[%swap3A_841, %swap3A_842, %swap3A_843], %get3A_838 {strides = array<i32>} : memref<2x64x16xf32, #tpu.memory_space<vmem>>, vector<16xf32>,
      %get3A_845 = arith.constant 0 : i32
      %get3A_846 = arith.constant 53 : i32
      %get3A_847 = arith.index_cast %get3A_845 : i32 to index
      %get3A_848 = arith.index_cast %get3A_846 : i32 to index
      %get3A_849 = arith.constant 0 : index
      %get3A_850 = tpu.vector_load %arg10[%get3A_847, %get3A_848, %get3A_849] {strides = array<i32>} : memref<2x64x128xf32, #tpu.memory_space<vmem>>, vector<16xf32>,
      %swap3A_851 = arith.constant 0 : i32
      %swap3A_852 = arith.constant 53 : i32
      %swap3A_853 = arith.index_cast %swap3A_851 : i32 to index
      %swap3A_854 = arith.index_cast %swap3A_852 : i32 to index
      %swap3A_855 = arith.constant 0 : index
      %swap3A_856 = tpu.vector_load %arg11[%swap3A_853, %swap3A_854, %swap3A_855] {strides = array<i32>} : memref<2x64x16xf32, #tpu.memory_space<vmem>>, vector<16xf32>,
      tpu.vector_store %arg11[%swap3A_853, %swap3A_854, %swap3A_855], %get3A_850 {strides = array<i32>} : memref<2x64x16xf32, #tpu.memory_space<vmem>>, vector<16xf32>,
      %get3A_857 = arith.constant 0 : i32
      %get3A_858 = arith.constant 54 : i32
      %get3A_859 = arith.index_cast %get3A_857 : i32 to index
      %get3A_860 = arith.index_cast %get3A_858 : i32 to index
      %get3A_861 = arith.constant 0 : index
      %get3A_862 = tpu.vector_load %arg10[%get3A_859, %get3A_860, %get3A_861] {strides = array<i32>} : memref<2x64x128xf32, #tpu.memory_space<vmem>>, vector<16xf32>,
      %swap3A_863 = arith.constant 0 : i32
      %swap3A_864 = arith.constant 54 : i32
      %swap3A_865 = arith.index_cast %swap3A_863 : i32 to index
      %swap3A_866 = arith.index_cast %swap3A_864 : i32 to index
      %swap3A_867 = arith.constant 0 : index
      %swap3A_868 = tpu.vector_load %arg11[%swap3A_865, %swap3A_866, %swap3A_867] {strides = array<i32>} : memref<2x64x16xf32, #tpu.memory_space<vmem>>, vector<16xf32>,
      tpu.vector_store %arg11[%swap3A_865, %swap3A_866, %swap3A_867], %get3A_862 {strides = array<i32>} : memref<2x64x16xf32, #tpu.memory_space<vmem>>, vector<16xf32>,
      %get3A_869 = arith.constant 0 : i32
      %get3A_870 = arith.constant 55 : i32
      %get3A_871 = arith.index_cast %get3A_869 : i32 to index
      %get3A_872 = arith.index_cast %get3A_870 : i32 to index
      %get3A_873 = arith.constant 0 : index
      %get3A_874 = tpu.vector_load %arg10[%get3A_871, %get3A_872, %get3A_873] {strides = array<i32>} : memref<2x64x128xf32, #tpu.memory_space<vmem>>, vector<16xf32>,
      %swap3A_875 = arith.constant 0 : i32
      %swap3A_876 = arith.constant 55 : i32
      %swap3A_877 = arith.index_cast %swap3A_875 : i32 to index
      %swap3A_878 = arith.index_cast %swap3A_876 : i32 to index
      %swap3A_879 = arith.constant 0 : index
      %swap3A_880 = tpu.vector_load %arg11[%swap3A_877, %swap3A_878, %swap3A_879] {strides = array<i32>} : memref<2x64x16xf32, #tpu.memory_space<vmem>>, vector<16xf32>,
      tpu.vector_store %arg11[%swap3A_877, %swap3A_878, %swap3A_879], %get3A_874 {strides = array<i32>} : memref<2x64x16xf32, #tpu.memory_space<vmem>>, vector<16xf32>,
      %get3A_881 = arith.constant 0 : i32
      %get3A_882 = arith.constant 56 : i32
      %get3A_883 = arith.index_cast %get3A_881 : i32 to index
      %get3A_884 = arith.index_cast %get3A_882 : i32 to index
      %get3A_885 = arith.constant 0 : index
      %get3A_886 = tpu.vector_load %arg10[%get3A_883, %get3A_884, %get3A_885] {strides = array<i32>} : memref<2x64x128xf32, #tpu.memory_space<vmem>>, vector<16xf32>,
      %swap3A_887 = arith.constant 0 : i32
      %swap3A_888 = arith.constant 56 : i32
      %swap3A_889 = arith.index_cast %swap3A_887 : i32 to index
      %swap3A_890 = arith.index_cast %swap3A_888 : i32 to index
      %swap3A_891 = arith.constant 0 : index
      %swap3A_892 = tpu.vector_load %arg11[%swap3A_889, %swap3A_890, %swap3A_891] {strides = array<i32>} : memref<2x64x16xf32, #tpu.memory_space<vmem>>, vector<16xf32>,
      tpu.vector_store %arg11[%swap3A_889, %swap3A_890, %swap3A_891], %get3A_886 {strides = array<i32>} : memref<2x64x16xf32, #tpu.memory_space<vmem>>, vector<16xf32>,
      %get3A_893 = arith.constant 0 : i32
      %get3A_894 = arith.constant 57 : i32
      %get3A_895 = arith.index_cast %get3A_893 : i32 to index
      %get3A_896 = arith.index_cast %get3A_894 : i32 to index
      %get3A_897 = arith.constant 0 : index
      %get3A_898 = tpu.vector_load %arg10[%get3A_895, %get3A_896, %get3A_897] {strides = array<i32>} : memref<2x64x128xf32, #tpu.memory_space<vmem>>, vector<16xf32>,
      %swap3A_899 = arith.constant 0 : i32
      %swap3A_900 = arith.constant 57 : i32
      %swap3A_901 = arith.index_cast %swap3A_899 : i32 to index
      %swap3A_902 = arith.index_cast %swap3A_900 : i32 to index
      %swap3A_903 = arith.constant 0 : index
      %swap3A_904 = tpu.vector_load %arg11[%swap3A_901, %swap3A_902, %swap3A_903] {strides = array<i32>} : memref<2x64x16xf32, #tpu.memory_space<vmem>>, vector<16xf32>,
      tpu.vector_store %arg11[%swap3A_901, %swap3A_902, %swap3A_903], %get3A_898 {strides = array<i32>} : memref<2x64x16xf32, #tpu.memory_space<vmem>>, vector<16xf32>,
      %get3A_905 = arith.constant 0 : i32
      %get3A_906 = arith.constant 58 : i32
      %get3A_907 = arith.index_cast %get3A_905 : i32 to index
      %get3A_908 = arith.index_cast %get3A_906 : i32 to index
      %get3A_909 = arith.constant 0 : index
      %get3A_910 = tpu.vector_load %arg10[%get3A_907, %get3A_908, %get3A_909] {strides = array<i32>} : memref<2x64x128xf32, #tpu.memory_space<vmem>>, vector<16xf32>,
      %swap3A_911 = arith.constant 0 : i32
      %swap3A_912 = arith.constant 58 : i32
      %swap3A_913 = arith.index_cast %swap3A_911 : i32 to index
      %swap3A_914 = arith.index_cast %swap3A_912 : i32 to index
      %swap3A_915 = arith.constant 0 : index
      %swap3A_916 = tpu.vector_load %arg11[%swap3A_913, %swap3A_914, %swap3A_915] {strides = array<i32>} : memref<2x64x16xf32, #tpu.memory_space<vmem>>, vector<16xf32>,
      tpu.vector_store %arg11[%swap3A_913, %swap3A_914, %swap3A_915], %get3A_910 {strides = array<i32>} : memref<2x64x16xf32, #tpu.memory_space<vmem>>, vector<16xf32>,
      %get3A_917 = arith.constant 0 : i32
      %get3A_918 = arith.constant 59 : i32
      %get3A_919 = arith.index_cast %get3A_917 : i32 to index
      %get3A_920 = arith.index_cast %get3A_918 : i32 to index
      %get3A_921 = arith.constant 0 : index
      %get3A_922 = tpu.vector_load %arg10[%get3A_919, %get3A_920, %get3A_921] {strides = array<i32>} : memref<2x64x128xf32, #tpu.memory_space<vmem>>, vector<16xf32>,
      %swap3A_923 = arith.constant 0 : i32
      %swap3A_924 = arith.constant 59 : i32
      %swap3A_925 = arith.index_cast %swap3A_923 : i32 to index
      %swap3A_926 = arith.index_cast %swap3A_924 : i32 to index
      %swap3A_927 = arith.constant 0 : index
      %swap3A_928 = tpu.vector_load %arg11[%swap3A_925, %swap3A_926, %swap3A_927] {strides = array<i32>} : memref<2x64x16xf32, #tpu.memory_space<vmem>>, vector<16xf32>,
      tpu.vector_store %arg11[%swap3A_925, %swap3A_926, %swap3A_927], %get3A_922 {strides = array<i32>} : memref<2x64x16xf32, #tpu.memory_space<vmem>>, vector<16xf32>,
      %get3A_929 = arith.constant 0 : i32
      %get3A_930 = arith.constant 60 : i32
      %get3A_931 = arith.index_cast %get3A_929 : i32 to index
      %get3A_932 = arith.index_cast %get3A_930 : i32 to index
      %get3A_933 = arith.constant 0 : index
      %get3A_934 = tpu.vector_load %arg10[%get3A_931, %get3A_932, %get3A_933] {strides = array<i32>} : memref<2x64x128xf32, #tpu.memory_space<vmem>>, vector<16xf32>,
      %swap3A_935 = arith.constant 0 : i32
      %swap3A_936 = arith.constant 60 : i32
      %swap3A_937 = arith.index_cast %swap3A_935 : i32 to index
      %swap3A_938 = arith.index_cast %swap3A_936 : i32 to index
      %swap3A_939 = arith.constant 0 : index
      %swap3A_940 = tpu.vector_load %arg11[%swap3A_937, %swap3A_938, %swap3A_939] {strides = array<i32>} : memref<2x64x16xf32, #tpu.memory_space<vmem>>, vector<16xf32>,
      tpu.vector_store %arg11[%swap3A_937, %swap3A_938, %swap3A_939], %get3A_934 {strides = array<i32>} : memref<2x64x16xf32, #tpu.memory_space<vmem>>, vector<16xf32>,
      %get3A_941 = arith.constant 0 : i32
      %get3A_942 = arith.constant 61 : i32
      %get3A_943 = arith.index_cast %get3A_941 : i32 to index
      %get3A_944 = arith.index_cast %get3A_942 : i32 to index
      %get3A_945 = arith.constant 0 : index
      %get3A_946 = tpu.vector_load %arg10[%get3A_943, %get3A_944, %get3A_945] {strides = array<i32>} : memref<2x64x128xf32, #tpu.memory_space<vmem>>, vector<16xf32>,
      %swap3A_947 = arith.constant 0 : i32
      %swap3A_948 = arith.constant 61 : i32
      %swap3A_949 = arith.index_cast %swap3A_947 : i32 to index
      %swap3A_950 = arith.index_cast %swap3A_948 : i32 to index
      %swap3A_951 = arith.constant 0 : index
      %swap3A_952 = tpu.vector_load %arg11[%swap3A_949, %swap3A_950, %swap3A_951] {strides = array<i32>} : memref<2x64x16xf32, #tpu.memory_space<vmem>>, vector<16xf32>,
      tpu.vector_store %arg11[%swap3A_949, %swap3A_950, %swap3A_951], %get3A_946 {strides = array<i32>} : memref<2x64x16xf32, #tpu.memory_space<vmem>>, vector<16xf32>,
      %get3A_953 = arith.constant 0 : i32
      %get3A_954 = arith.constant 62 : i32
      %get3A_955 = arith.index_cast %get3A_953 : i32 to index
      %get3A_956 = arith.index_cast %get3A_954 : i32 to index
      %get3A_957 = arith.constant 0 : index
      %get3A_958 = tpu.vector_load %arg10[%get3A_955, %get3A_956, %get3A_957] {strides = array<i32>} : memref<2x64x128xf32, #tpu.memory_space<vmem>>, vector<16xf32>,
      %swap3A_959 = arith.constant 0 : i32
      %swap3A_960 = arith.constant 62 : i32
      %swap3A_961 = arith.index_cast %swap3A_959 : i32 to index
      %swap3A_962 = arith.index_cast %swap3A_960 : i32 to index
      %swap3A_963 = arith.constant 0 : index
      %swap3A_964 = tpu.vector_load %arg11[%swap3A_961, %swap3A_962, %swap3A_963] {strides = array<i32>} : memref<2x64x16xf32, #tpu.memory_space<vmem>>, vector<16xf32>,
      tpu.vector_store %arg11[%swap3A_961, %swap3A_962, %swap3A_963], %get3A_958 {strides = array<i32>} : memref<2x64x16xf32, #tpu.memory_space<vmem>>, vector<16xf32>,
      %get3A_965 = arith.constant 0 : i32
      %get3A_966 = arith.constant 63 : i32
      %get3A_967 = arith.index_cast %get3A_965 : i32 to index
      %get3A_968 = arith.index_cast %get3A_966 : i32 to index
      %get3A_969 = arith.constant 0 : index
      %get3A_970 = tpu.vector_load %arg10[%get3A_967, %get3A_968, %get3A_969] {strides = array<i32>} : memref<2x64x128xf32, #tpu.memory_space<vmem>>, vector<16xf32>,
      %swap3A_971 = arith.constant 0 : i32
      %swap3A_972 = arith.constant 63 : i32
      %swap3A_973 = arith.index_cast %swap3A_971 : i32 to index
      %swap3A_974 = arith.index_cast %swap3A_972 : i32 to index
      %swap3A_975 = arith.constant 0 : index
      %swap3A_976 = tpu.vector_load %arg11[%swap3A_973, %swap3A_974, %swap3A_975] {strides = array<i32>} : memref<2x64x16xf32, #tpu.memory_space<vmem>>, vector<16xf32>,
      tpu.vector_store %arg11[%swap3A_973, %swap3A_974, %swap3A_975], %get3A_970 {strides = array<i32>} : memref<2x64x16xf32, #tpu.memory_space<vmem>>, vector<16xf32>,
      %run_scoped3A_977 = arith.constant 0 : i32
      %run_scoped3A_978 = arith.constant 0 : i32
      "tpu.region"() ({
        %run_scoped3A_1838 = tpu.sem_alloc : memref<!tpu.dma_semaphore, #tpu.memory_space<semaphore_mem>>
        %dma_start3A_1839 = arith.constant 0 : i32
        %dma_start3A_1840 = arith.constant 0 : i32
        %dma_start3A_1841 = tpu.memref_slice %arg9[%run_scoped3A_977, %dma_start3A_1839, %dma_start3A_1840] : memref<2x64x128xf32, #tpu.memory_space<vmem>> -> memref<1x64x128xf32, #tpu.memory_space<vmem>>
        %dma_start3A_1842 = tpu.memref_squeeze %dma_start3A_1841 : memref<1x64x128xf32, #tpu.memory_space<vmem>> -> memref<64x128xf32, #tpu.memory_space<vmem>>
        %dma_start3A_1843 = arith.constant 0 : i32
        %dma_start3A_1844 = tpu.memref_slice %arg12[%run_scoped3A_978, %dma_start3A_1843] : memref<2x64xi32, #tpu.memory_space<vmem>> -> memref<1x64xi32, #tpu.memory_space<vmem>>
        %dma_start3A_1845 = tpu.memref_squeeze %dma_start3A_1844 : memref<1x64xi32, #tpu.memory_space<vmem>> -> memref<64xi32, #tpu.memory_space<vmem>>
        %dma_start3A_1846 = arith.constant 0 : i32
        %dma_start3A_1847 = arith.constant 0 : i32
        %dma_start3A_1848 = tpu.memref_slice %arg7[%dma_start3A_1846, %dma_start3A_1847] : memref<10016x128xf32, #tpu.memory_space<vmem_shared>> -> memref<10016x128xf32, #tpu.memory_space<vmem_shared>>
        tpu.enqueue_indirect_dma source(%dma_start3A_1842 : memref<64x128xf32, #tpu.memory_space<vmem>>) target(%dma_start3A_1848 : memref<10016x128xf32, #tpu.memory_space<vmem_shared>>) offsets(%dma_start3A_1845 : memref<64xi32, #tpu.memory_space<vmem>>) semaphore(%run_scoped3A_1838 : memref<!tpu.dma_semaphore, #tpu.memory_space<semaphore_mem>>) {add = true}
        %dma_wait3A_1849 = arith.constant 0 : i32
        %dma_wait3A_1850 = arith.constant 0 : i32
        %dma_wait3A_1851 = tpu.memref_slice %arg9[%run_scoped3A_977, %dma_wait3A_1849, %dma_wait3A_1850] : memref<2x64x128xf32, #tpu.memory_space<vmem>> -> memref<1x64x128xf32, #tpu.memory_space<vmem>>
        %dma_wait3A_1852 = tpu.memref_squeeze %dma_wait3A_1851 : memref<1x64x128xf32, #tpu.memory_space<vmem>> -> memref<64x128xf32, #tpu.memory_space<vmem>>
        %dma_wait3A_1853 = arith.constant 0 : i32
        %dma_wait3A_1854 = tpu.memref_slice %arg12[%run_scoped3A_978, %dma_wait3A_1853] : memref<2x64xi32, #tpu.memory_space<vmem>> -> memref<1x64xi32, #tpu.memory_space<vmem>>
        %dma_wait3A_1855 = tpu.memref_squeeze %dma_wait3A_1854 : memref<1x64xi32, #tpu.memory_space<vmem>> -> memref<64xi32, #tpu.memory_space<vmem>>
        %dma_wait3A_1856 = arith.constant 0 : i32
        %dma_wait3A_1857 = arith.constant 0 : i32
        %dma_wait3A_1858 = tpu.memref_slice %arg7[%dma_wait3A_1856, %dma_wait3A_1857] : memref<10016x128xf32, #tpu.memory_space<vmem_shared>> -> memref<10016x128xf32, #tpu.memory_space<vmem_shared>>
        tpu.wait_indirect_dma semaphore(%run_scoped3A_1838 : memref<!tpu.dma_semaphore, #tpu.memory_space<semaphore_mem>>) src(%dma_wait3A_1852 : memref<64x128xf32, #tpu.memory_space<vmem>>) dst(%dma_wait3A_1858 : memref<10016x128xf32, #tpu.memory_space<vmem_shared>>)
        tpu.yield
      }) : () -> ()
      %run_scoped3A_979 = arith.constant 0 : i32
      %run_scoped3A_980 = arith.constant 0 : i32
      "tpu.region"() ({
        %run_scoped3A_1838 = tpu.sem_alloc : memref<!tpu.dma_semaphore, #tpu.memory_space<semaphore_mem>>
        %dma_start3A_1839 = arith.constant 0 : i32
        %dma_start3A_1840 = arith.constant 0 : i32
        %dma_start3A_1841 = tpu.memref_slice %arg11[%run_scoped3A_979, %dma_start3A_1839, %dma_start3A_1840] : memref<2x64x16xf32, #tpu.memory_space<vmem>> -> memref<1x64x16xf32, #tpu.memory_space<vmem>>
        %dma_start3A_1842 = tpu.memref_squeeze %dma_start3A_1841 : memref<1x64x16xf32, #tpu.memory_space<vmem>> -> memref<64x16xf32, #tpu.memory_space<vmem>>
        %dma_start3A_1843 = arith.constant 0 : i32
        %dma_start3A_1844 = tpu.memref_slice %arg12[%run_scoped3A_980, %dma_start3A_1843] : memref<2x64xi32, #tpu.memory_space<vmem>> -> memref<1x64xi32, #tpu.memory_space<vmem>>
        %dma_start3A_1845 = tpu.memref_squeeze %dma_start3A_1844 : memref<1x64xi32, #tpu.memory_space<vmem>> -> memref<64xi32, #tpu.memory_space<vmem>>
        %dma_start3A_1846 = arith.constant 0 : i32
        %dma_start3A_1847 = arith.constant 0 : i32
        %dma_start3A_1848 = tpu.memref_slice %arg8[%dma_start3A_1846, %dma_start3A_1847] : memref<10016x16xf32, #tpu.memory_space<vmem_shared>> -> memref<10016x16xf32, #tpu.memory_space<vmem_shared>>
        tpu.enqueue_indirect_dma source(%dma_start3A_1842 : memref<64x16xf32, #tpu.memory_space<vmem>>) target(%dma_start3A_1848 : memref<10016x16xf32, #tpu.memory_space<vmem_shared>>) offsets(%dma_start3A_1845 : memref<64xi32, #tpu.memory_space<vmem>>) semaphore(%run_scoped3A_1838 : memref<!tpu.dma_semaphore, #tpu.memory_space<semaphore_mem>>) {add = true}
        %dma_wait3A_1849 = arith.constant 0 : i32
        %dma_wait3A_1850 = arith.constant 0 : i32
        %dma_wait3A_1851 = tpu.memref_slice %arg11[%run_scoped3A_979, %dma_wait3A_1849, %dma_wait3A_1850] : memref<2x64x16xf32, #tpu.memory_space<vmem>> -> memref<1x64x16xf32, #tpu.memory_space<vmem>>
        %dma_wait3A_1852 = tpu.memref_squeeze %dma_wait3A_1851 : memref<1x64x16xf32, #tpu.memory_space<vmem>> -> memref<64x16xf32, #tpu.memory_space<vmem>>
        %dma_wait3A_1853 = arith.constant 0 : i32
        %dma_wait3A_1854 = tpu.memref_slice %arg12[%run_scoped3A_980, %dma_wait3A_1853] : memref<2x64xi32, #tpu.memory_space<vmem>> -> memref<1x64xi32, #tpu.memory_space<vmem>>
        %dma_wait3A_1855 = tpu.memref_squeeze %dma_wait3A_1854 : memref<1x64xi32, #tpu.memory_space<vmem>> -> memref<64xi32, #tpu.memory_space<vmem>>
        %dma_wait3A_1856 = arith.constant 0 : i32
        %dma_wait3A_1857 = arith.constant 0 : i32
        %dma_wait3A_1858 = tpu.memref_slice %arg8[%dma_wait3A_1856, %dma_wait3A_1857] : memref<10016x16xf32, #tpu.memory_space<vmem_shared>> -> memref<10016x16xf32, #tpu.memory_space<vmem_shared>>
        tpu.wait_indirect_dma semaphore(%run_scoped3A_1838 : memref<!tpu.dma_semaphore, #tpu.memory_space<semaphore_mem>>) src(%dma_wait3A_1852 : memref<64x16xf32, #tpu.memory_space<vmem>>) dst(%dma_wait3A_1858 : memref<10016x16xf32, #tpu.memory_space<vmem_shared>>)
        tpu.yield
      }) : () -> ()
      %dma_wait3A_981 = arith.constant 1 : i32
      %dma_wait3A_982 = arith.constant 0 : i32
      %dma_wait3A_983 = arith.constant 0 : i32
      %dma_wait3A_984 = tpu.memref_slice %arg9[%dma_wait3A_981, %dma_wait3A_982, %dma_wait3A_983] : memref<2x64x128xf32, #tpu.memory_space<vmem>> -> memref<1x64x128xf32, #tpu.memory_space<vmem>>
      %dma_wait3A_985 = tpu.memref_squeeze %dma_wait3A_984 : memref<1x64x128xf32, #tpu.memory_space<vmem>> -> memref<64x128xf32, #tpu.memory_space<vmem>>
      %dma_wait3A_986 = arith.constant 0 : i32
      %dma_wait3A_987 = arith.constant 0 : i32
      %dma_wait3A_988 = tpu.memref_slice %arg3[%dma_wait3A_986, %dma_wait3A_987] : memref<327680x128xf32, #tpu.memory_space<hbm>> -> memref<64x128xf32, #tpu.memory_space<hbm>>
      %dma_wait3A_989 = arith.constant 0 : i32
      %dma_wait3A_990 = arith.constant 0 : i32
      %dma_wait3A_991 = tpu.memref_slice %arg9[%dma_wait3A_981, %dma_wait3A_989, %dma_wait3A_990] : memref<2x64x128xf32, #tpu.memory_space<vmem>> -> memref<1x64x128xf32, #tpu.memory_space<vmem>>
      %dma_wait3A_992 = tpu.memref_squeeze %dma_wait3A_991 : memref<1x64x128xf32, #tpu.memory_space<vmem>> -> memref<64x128xf32, #tpu.memory_space<vmem>>
      %dma_wait3A_993 = arith.constant 0 : i32
      %dma_wait3A_994 = arith.constant 0 : i32
      %dma_wait3A_995 = tpu.memref_slice %arg3[%dma_wait3A_993, %dma_wait3A_994] : memref<327680x128xf32, #tpu.memory_space<hbm>> -> memref<64x128xf32, #tpu.memory_space<hbm>>
      tpu.wait_dma2 semaphore(%arg14 : memref<!tpu.dma_semaphore, #tpu.memory_space<semaphore_mem>>) src(%dma_wait3A_995 : memref<64x128xf32, #tpu.memory_space<hbm>>) dst(%dma_wait3A_992 : memref<64x128xf32, #tpu.memory_space<vmem>>)
      %dma_wait3A_996 = arith.constant 1 : i32
      %dma_wait3A_997 = arith.constant 0 : i32
      %dma_wait3A_998 = arith.constant 0 : i32
      %dma_wait3A_999 = tpu.memref_slice %arg10[%dma_wait3A_996, %dma_wait3A_997, %dma_wait3A_998] : memref<2x64x128xf32, #tpu.memory_space<vmem>> -> memref<1x64x128xf32, #tpu.memory_space<vmem>>
      %dma_wait3A_1000 = tpu.memref_squeeze %dma_wait3A_999 : memref<1x64x128xf32, #tpu.memory_space<vmem>> -> memref<64x128xf32, #tpu.memory_space<vmem>>
      %dma_wait3A_1001 = arith.constant 0 : i32
      %dma_wait3A_1002 = arith.constant 0 : i32
      %dma_wait3A_1003 = tpu.memref_slice %arg4[%dma_wait3A_1001, %dma_wait3A_1002] : memref<327680x128xf32, #tpu.memory_space<hbm>> -> memref<64x128xf32, #tpu.memory_space<hbm>>
      %dma_wait3A_1004 = arith.constant 0 : i32
      %dma_wait3A_1005 = arith.constant 0 : i32
      %dma_wait3A_1006 = tpu.memref_slice %arg10[%dma_wait3A_996, %dma_wait3A_1004, %dma_wait3A_1005] : memref<2x64x128xf32, #tpu.memory_space<vmem>> -> memref<1x64x128xf32, #tpu.memory_space<vmem>>
      %dma_wait3A_1007 = tpu.memref_squeeze %dma_wait3A_1006 : memref<1x64x128xf32, #tpu.memory_space<vmem>> -> memref<64x128xf32, #tpu.memory_space<vmem>>
      %dma_wait3A_1008 = arith.constant 0 : i32
      %dma_wait3A_1009 = arith.constant 0 : i32
      %dma_wait3A_1010 = tpu.memref_slice %arg4[%dma_wait3A_1008, %dma_wait3A_1009] : memref<327680x128xf32, #tpu.memory_space<hbm>> -> memref<64x128xf32, #tpu.memory_space<hbm>>
      tpu.wait_dma2 semaphore(%arg16 : memref<!tpu.dma_semaphore, #tpu.memory_space<semaphore_mem>>) src(%dma_wait3A_1010 : memref<64x128xf32, #tpu.memory_space<hbm>>) dst(%dma_wait3A_1007 : memref<64x128xf32, #tpu.memory_space<vmem>>)
      %dma_wait3A_1011 = arith.constant 1 : i32
      %dma_wait3A_1012 = arith.constant 0 : i32
      %dma_wait3A_1013 = tpu.memref_slice %arg12[%dma_wait3A_1011, %dma_wait3A_1012] : memref<2x64xi32, #tpu.memory_space<vmem>> -> memref<1x64xi32, #tpu.memory_space<vmem>>
      %dma_wait3A_1014 = tpu.memref_squeeze %dma_wait3A_1013 : memref<1x64xi32, #tpu.memory_space<vmem>> -> memref<64xi32, #tpu.memory_space<vmem>>
      %dma_wait3A_1015 = arith.constant 0 : i32
      %dma_wait3A_1016 = tpu.memref_slice %arg2[%dma_wait3A_1015] : memref<327936xi32, #tpu.memory_space<hbm>> -> memref<64xi32, #tpu.memory_space<hbm>>
      %dma_wait3A_1017 = arith.constant 0 : i32
      %dma_wait3A_1018 = tpu.memref_slice %arg12[%dma_wait3A_1011, %dma_wait3A_1017] : memref<2x64xi32, #tpu.memory_space<vmem>> -> memref<1x64xi32, #tpu.memory_space<vmem>>
      %dma_wait3A_1019 = tpu.memref_squeeze %dma_wait3A_1018 : memref<1x64xi32, #tpu.memory_space<vmem>> -> memref<64xi32, #tpu.memory_space<vmem>>
      %dma_wait3A_1020 = arith.constant 0 : i32
      %dma_wait3A_1021 = tpu.memref_slice %arg2[%dma_wait3A_1020] : memref<327936xi32, #tpu.memory_space<hbm>> -> memref<64xi32, #tpu.memory_space<hbm>>
      tpu.wait_dma2 semaphore(%arg18 : memref<!tpu.dma_semaphore, #tpu.memory_space<semaphore_mem>>) src(%dma_wait3A_1021 : memref<64xi32, #tpu.memory_space<hbm>>) dst(%dma_wait3A_1019 : memref<64xi32, #tpu.memory_space<vmem>>)
      %add3A_1022 = arith.constant 1 : i32
      %add3A_1023 = arith.addi %add3A_125, %add3A_1022 : i32
      %add3A_1024 = arith.constant 1 : i32
      %add3A_1025 = arith.addi %add3A_1023, %add3A_1024 : i32
      %min3A_1026 = arith.constant 159 : i32
      %min3A_1027 = arith.minsi %add3A_1025, %min3A_1026 : i32
      %add3A_1028 = arith.addi %mul3A_2, %min3A_1027 : i32
      %mul3A_1029 = arith.constant 64 : i32
      %mul3A_1030 = arith.muli %add3A_1028, %mul3A_1029 : i32
      %dma_start3A_1031 = arith.constant 0 : i32
      %dma_start3A_1032 = arith.constant 0 : i32
      %dma_start3A_1033 = arith.constant 0 : i32
      %dma_start3A_1034 = tpu.memref_slice %arg9[%dma_start3A_1031, %dma_start3A_1032, %dma_start3A_1033] : memref<2x64x128xf32, #tpu.memory_space<vmem>> -> memref<1x64x128xf32, #tpu.memory_space<vmem>>
      %dma_start3A_1035 = tpu.memref_squeeze %dma_start3A_1034 : memref<1x64x128xf32, #tpu.memory_space<vmem>> -> memref<64x128xf32, #tpu.memory_space<vmem>>
      %dma_start3A_1036 = arith.constant 0 : i32
      %dma_start3A_1037 = tpu.memref_slice %arg3[%mul3A_1030, %dma_start3A_1036] : memref<327680x128xf32, #tpu.memory_space<hbm>> -> memref<64x128xf32, #tpu.memory_space<hbm>>
      %dma_start3A_1038 = arith.constant 0 : i32
      %dma_start3A_1039 = arith.constant 0 : i32
      %dma_start3A_1040 = tpu.memref_slice %arg9[%dma_start3A_1031, %dma_start3A_1038, %dma_start3A_1039] : memref<2x64x128xf32, #tpu.memory_space<vmem>> -> memref<1x64x128xf32, #tpu.memory_space<vmem>>
      %dma_start3A_1041 = tpu.memref_squeeze %dma_start3A_1040 : memref<1x64x128xf32, #tpu.memory_space<vmem>> -> memref<64x128xf32, #tpu.memory_space<vmem>>
      %dma_start3A_1042 = arith.constant 0 : i32
      %dma_start3A_1043 = tpu.memref_slice %arg3[%mul3A_1030, %dma_start3A_1042] : memref<327680x128xf32, #tpu.memory_space<hbm>> -> memref<64x128xf32, #tpu.memory_space<hbm>>
      tpu.enqueue_dma source(%dma_start3A_1043 : memref<64x128xf32, #tpu.memory_space<hbm>>) target(%dma_start3A_1041 : memref<64x128xf32, #tpu.memory_space<vmem>>) target_semaphore(%arg13 : memref<!tpu.dma_semaphore, #tpu.memory_space<semaphore_mem>>)
      %dma_start3A_1044 = arith.constant 0 : i32
      %dma_start3A_1045 = arith.constant 0 : i32
      %dma_start3A_1046 = arith.constant 0 : i32
      %dma_start3A_1047 = tpu.memref_slice %arg10[%dma_start3A_1044, %dma_start3A_1045, %dma_start3A_1046] : memref<2x64x128xf32, #tpu.memory_space<vmem>> -> memref<1x64x128xf32, #tpu.memory_space<vmem>>
      %dma_start3A_1048 = tpu.memref_squeeze %dma_start3A_1047 : memref<1x64x128xf32, #tpu.memory_space<vmem>> -> memref<64x128xf32, #tpu.memory_space<vmem>>
      %dma_start3A_1049 = arith.constant 0 : i32
      %dma_start3A_1050 = tpu.memref_slice %arg4[%mul3A_1030, %dma_start3A_1049] : memref<327680x128xf32, #tpu.memory_space<hbm>> -> memref<64x128xf32, #tpu.memory_space<hbm>>
      %dma_start3A_1051 = arith.constant 0 : i32
      %dma_start3A_1052 = arith.constant 0 : i32
      %dma_start3A_1053 = tpu.memref_slice %arg10[%dma_start3A_1044, %dma_start3A_1051, %dma_start3A_1052] : memref<2x64x128xf32, #tpu.memory_space<vmem>> -> memref<1x64x128xf32, #tpu.memory_space<vmem>>
      %dma_start3A_1054 = tpu.memref_squeeze %dma_start3A_1053 : memref<1x64x128xf32, #tpu.memory_space<vmem>> -> memref<64x128xf32, #tpu.memory_space<vmem>>
      %dma_start3A_1055 = arith.constant 0 : i32
      %dma_start3A_1056 = tpu.memref_slice %arg4[%mul3A_1030, %dma_start3A_1055] : memref<327680x128xf32, #tpu.memory_space<hbm>> -> memref<64x128xf32, #tpu.memory_space<hbm>>
      tpu.enqueue_dma source(%dma_start3A_1056 : memref<64x128xf32, #tpu.memory_space<hbm>>) target(%dma_start3A_1054 : memref<64x128xf32, #tpu.memory_space<vmem>>) target_semaphore(%arg15 : memref<!tpu.dma_semaphore, #tpu.memory_space<semaphore_mem>>)
      %dma_start3A_1057 = arith.constant 0 : i32
      %dma_start3A_1058 = arith.constant 0 : i32
      %dma_start3A_1059 = tpu.memref_slice %arg12[%dma_start3A_1057, %dma_start3A_1058] : memref<2x64xi32, #tpu.memory_space<vmem>> -> memref<1x64xi32, #tpu.memory_space<vmem>>
      %dma_start3A_1060 = tpu.memref_squeeze %dma_start3A_1059 : memref<1x64xi32, #tpu.memory_space<vmem>> -> memref<64xi32, #tpu.memory_space<vmem>>
      %dma_start3A_1061 = tpu.memref_slice %arg2[%mul3A_1030] : memref<327936xi32, #tpu.memory_space<hbm>> -> memref<64xi32, #tpu.memory_space<hbm>>
      %dma_start3A_1062 = arith.constant 0 : i32
      %dma_start3A_1063 = tpu.memref_slice %arg12[%dma_start3A_1057, %dma_start3A_1062] : memref<2x64xi32, #tpu.memory_space<vmem>> -> memref<1x64xi32, #tpu.memory_space<vmem>>
      %dma_start3A_1064 = tpu.memref_squeeze %dma_start3A_1063 : memref<1x64xi32, #tpu.memory_space<vmem>> -> memref<64xi32, #tpu.memory_space<vmem>>
      %dma_start3A_1065 = tpu.memref_slice %arg2[%mul3A_1030] : memref<327936xi32, #tpu.memory_space<hbm>> -> memref<64xi32, #tpu.memory_space<hbm>>
      tpu.enqueue_dma source(%dma_start3A_1065 : memref<64xi32, #tpu.memory_space<hbm>>) target(%dma_start3A_1064 : memref<64xi32, #tpu.memory_space<vmem>>) target_semaphore(%arg17 : memref<!tpu.dma_semaphore, #tpu.memory_space<semaphore_mem>>)
      %get3A_1066 = arith.constant 1 : i32
      %get3A_1067 = arith.constant 0 : i32
      %get3A_1068 = arith.index_cast %get3A_1066 : i32 to index
      %get3A_1069 = arith.index_cast %get3A_1067 : i32 to index
      %get3A_1070 = arith.constant 0 : index
      %get3A_1071 = tpu.vector_load %arg10[%get3A_1068, %get3A_1069, %get3A_1070] {strides = array<i32>} : memref<2x64x128xf32, #tpu.memory_space<vmem>>, vector<16xf32>,
      %swap3A_1072 = arith.constant 1 : i32
      %swap3A_1073 = arith.constant 0 : i32
      %swap3A_1074 = arith.index_cast %swap3A_1072 : i32 to index
      %swap3A_1075 = arith.index_cast %swap3A_1073 : i32 to index
      %swap3A_1076 = arith.constant 0 : index
      %swap3A_1077 = tpu.vector_load %arg11[%swap3A_1074, %swap3A_1075, %swap3A_1076] {strides = array<i32>} : memref<2x64x16xf32, #tpu.memory_space<vmem>>, vector<16xf32>,
      tpu.vector_store %arg11[%swap3A_1074, %swap3A_1075, %swap3A_1076], %get3A_1071 {strides = array<i32>} : memref<2x64x16xf32, #tpu.memory_space<vmem>>, vector<16xf32>,
      %get3A_1078 = arith.constant 1 : i32
      %get3A_1079 = arith.constant 1 : i32
      %get3A_1080 = arith.index_cast %get3A_1078 : i32 to index
      %get3A_1081 = arith.index_cast %get3A_1079 : i32 to index
      %get3A_1082 = arith.constant 0 : index
      %get3A_1083 = tpu.vector_load %arg10[%get3A_1080, %get3A_1081, %get3A_1082] {strides = array<i32>} : memref<2x64x128xf32, #tpu.memory_space<vmem>>, vector<16xf32>,
      %swap3A_1084 = arith.constant 1 : i32
      %swap3A_1085 = arith.constant 1 : i32
      %swap3A_1086 = arith.index_cast %swap3A_1084 : i32 to index
      %swap3A_1087 = arith.index_cast %swap3A_1085 : i32 to index
      %swap3A_1088 = arith.constant 0 : index
      %swap3A_1089 = tpu.vector_load %arg11[%swap3A_1086, %swap3A_1087, %swap3A_1088] {strides = array<i32>} : memref<2x64x16xf32, #tpu.memory_space<vmem>>, vector<16xf32>,
      tpu.vector_store %arg11[%swap3A_1086, %swap3A_1087, %swap3A_1088], %get3A_1083 {strides = array<i32>} : memref<2x64x16xf32, #tpu.memory_space<vmem>>, vector<16xf32>,
      %get3A_1090 = arith.constant 1 : i32
      %get3A_1091 = arith.constant 2 : i32
      %get3A_1092 = arith.index_cast %get3A_1090 : i32 to index
      %get3A_1093 = arith.index_cast %get3A_1091 : i32 to index
      %get3A_1094 = arith.constant 0 : index
      %get3A_1095 = tpu.vector_load %arg10[%get3A_1092, %get3A_1093, %get3A_1094] {strides = array<i32>} : memref<2x64x128xf32, #tpu.memory_space<vmem>>, vector<16xf32>,
      %swap3A_1096 = arith.constant 1 : i32
      %swap3A_1097 = arith.constant 2 : i32
      %swap3A_1098 = arith.index_cast %swap3A_1096 : i32 to index
      %swap3A_1099 = arith.index_cast %swap3A_1097 : i32 to index
      %swap3A_1100 = arith.constant 0 : index
      %swap3A_1101 = tpu.vector_load %arg11[%swap3A_1098, %swap3A_1099, %swap3A_1100] {strides = array<i32>} : memref<2x64x16xf32, #tpu.memory_space<vmem>>, vector<16xf32>,
      tpu.vector_store %arg11[%swap3A_1098, %swap3A_1099, %swap3A_1100], %get3A_1095 {strides = array<i32>} : memref<2x64x16xf32, #tpu.memory_space<vmem>>, vector<16xf32>,
      %get3A_1102 = arith.constant 1 : i32
      %get3A_1103 = arith.constant 3 : i32
      %get3A_1104 = arith.index_cast %get3A_1102 : i32 to index
      %get3A_1105 = arith.index_cast %get3A_1103 : i32 to index
      %get3A_1106 = arith.constant 0 : index
      %get3A_1107 = tpu.vector_load %arg10[%get3A_1104, %get3A_1105, %get3A_1106] {strides = array<i32>} : memref<2x64x128xf32, #tpu.memory_space<vmem>>, vector<16xf32>,
      %swap3A_1108 = arith.constant 1 : i32
      %swap3A_1109 = arith.constant 3 : i32
      %swap3A_1110 = arith.index_cast %swap3A_1108 : i32 to index
      %swap3A_1111 = arith.index_cast %swap3A_1109 : i32 to index
      %swap3A_1112 = arith.constant 0 : index
      %swap3A_1113 = tpu.vector_load %arg11[%swap3A_1110, %swap3A_1111, %swap3A_1112] {strides = array<i32>} : memref<2x64x16xf32, #tpu.memory_space<vmem>>, vector<16xf32>,
      tpu.vector_store %arg11[%swap3A_1110, %swap3A_1111, %swap3A_1112], %get3A_1107 {strides = array<i32>} : memref<2x64x16xf32, #tpu.memory_space<vmem>>, vector<16xf32>,
      %get3A_1114 = arith.constant 1 : i32
      %get3A_1115 = arith.constant 4 : i32
      %get3A_1116 = arith.index_cast %get3A_1114 : i32 to index
      %get3A_1117 = arith.index_cast %get3A_1115 : i32 to index
      %get3A_1118 = arith.constant 0 : index
      %get3A_1119 = tpu.vector_load %arg10[%get3A_1116, %get3A_1117, %get3A_1118] {strides = array<i32>} : memref<2x64x128xf32, #tpu.memory_space<vmem>>, vector<16xf32>,
      %swap3A_1120 = arith.constant 1 : i32
      %swap3A_1121 = arith.constant 4 : i32
      %swap3A_1122 = arith.index_cast %swap3A_1120 : i32 to index
      %swap3A_1123 = arith.index_cast %swap3A_1121 : i32 to index
      %swap3A_1124 = arith.constant 0 : index
      %swap3A_1125 = tpu.vector_load %arg11[%swap3A_1122, %swap3A_1123, %swap3A_1124] {strides = array<i32>} : memref<2x64x16xf32, #tpu.memory_space<vmem>>, vector<16xf32>,
      tpu.vector_store %arg11[%swap3A_1122, %swap3A_1123, %swap3A_1124], %get3A_1119 {strides = array<i32>} : memref<2x64x16xf32, #tpu.memory_space<vmem>>, vector<16xf32>,
      %get3A_1126 = arith.constant 1 : i32
      %get3A_1127 = arith.constant 5 : i32
      %get3A_1128 = arith.index_cast %get3A_1126 : i32 to index
      %get3A_1129 = arith.index_cast %get3A_1127 : i32 to index
      %get3A_1130 = arith.constant 0 : index
      %get3A_1131 = tpu.vector_load %arg10[%get3A_1128, %get3A_1129, %get3A_1130] {strides = array<i32>} : memref<2x64x128xf32, #tpu.memory_space<vmem>>, vector<16xf32>,
      %swap3A_1132 = arith.constant 1 : i32
      %swap3A_1133 = arith.constant 5 : i32
      %swap3A_1134 = arith.index_cast %swap3A_1132 : i32 to index
      %swap3A_1135 = arith.index_cast %swap3A_1133 : i32 to index
      %swap3A_1136 = arith.constant 0 : index
      %swap3A_1137 = tpu.vector_load %arg11[%swap3A_1134, %swap3A_1135, %swap3A_1136] {strides = array<i32>} : memref<2x64x16xf32, #tpu.memory_space<vmem>>, vector<16xf32>,
      tpu.vector_store %arg11[%swap3A_1134, %swap3A_1135, %swap3A_1136], %get3A_1131 {strides = array<i32>} : memref<2x64x16xf32, #tpu.memory_space<vmem>>, vector<16xf32>,
      %get3A_1138 = arith.constant 1 : i32
      %get3A_1139 = arith.constant 6 : i32
      %get3A_1140 = arith.index_cast %get3A_1138 : i32 to index
      %get3A_1141 = arith.index_cast %get3A_1139 : i32 to index
      %get3A_1142 = arith.constant 0 : index
      %get3A_1143 = tpu.vector_load %arg10[%get3A_1140, %get3A_1141, %get3A_1142] {strides = array<i32>} : memref<2x64x128xf32, #tpu.memory_space<vmem>>, vector<16xf32>,
      %swap3A_1144 = arith.constant 1 : i32
      %swap3A_1145 = arith.constant 6 : i32
      %swap3A_1146 = arith.index_cast %swap3A_1144 : i32 to index
      %swap3A_1147 = arith.index_cast %swap3A_1145 : i32 to index
      %swap3A_1148 = arith.constant 0 : index
      %swap3A_1149 = tpu.vector_load %arg11[%swap3A_1146, %swap3A_1147, %swap3A_1148] {strides = array<i32>} : memref<2x64x16xf32, #tpu.memory_space<vmem>>, vector<16xf32>,
      tpu.vector_store %arg11[%swap3A_1146, %swap3A_1147, %swap3A_1148], %get3A_1143 {strides = array<i32>} : memref<2x64x16xf32, #tpu.memory_space<vmem>>, vector<16xf32>,
      %get3A_1150 = arith.constant 1 : i32
      %get3A_1151 = arith.constant 7 : i32
      %get3A_1152 = arith.index_cast %get3A_1150 : i32 to index
      %get3A_1153 = arith.index_cast %get3A_1151 : i32 to index
      %get3A_1154 = arith.constant 0 : index
      %get3A_1155 = tpu.vector_load %arg10[%get3A_1152, %get3A_1153, %get3A_1154] {strides = array<i32>} : memref<2x64x128xf32, #tpu.memory_space<vmem>>, vector<16xf32>,
      %swap3A_1156 = arith.constant 1 : i32
      %swap3A_1157 = arith.constant 7 : i32
      %swap3A_1158 = arith.index_cast %swap3A_1156 : i32 to index
      %swap3A_1159 = arith.index_cast %swap3A_1157 : i32 to index
      %swap3A_1160 = arith.constant 0 : index
      %swap3A_1161 = tpu.vector_load %arg11[%swap3A_1158, %swap3A_1159, %swap3A_1160] {strides = array<i32>} : memref<2x64x16xf32, #tpu.memory_space<vmem>>, vector<16xf32>,
      tpu.vector_store %arg11[%swap3A_1158, %swap3A_1159, %swap3A_1160], %get3A_1155 {strides = array<i32>} : memref<2x64x16xf32, #tpu.memory_space<vmem>>, vector<16xf32>,
      %get3A_1162 = arith.constant 1 : i32
      %get3A_1163 = arith.constant 8 : i32
      %get3A_1164 = arith.index_cast %get3A_1162 : i32 to index
      %get3A_1165 = arith.index_cast %get3A_1163 : i32 to index
      %get3A_1166 = arith.constant 0 : index
      %get3A_1167 = tpu.vector_load %arg10[%get3A_1164, %get3A_1165, %get3A_1166] {strides = array<i32>} : memref<2x64x128xf32, #tpu.memory_space<vmem>>, vector<16xf32>,
      %swap3A_1168 = arith.constant 1 : i32
      %swap3A_1169 = arith.constant 8 : i32
      %swap3A_1170 = arith.index_cast %swap3A_1168 : i32 to index
      %swap3A_1171 = arith.index_cast %swap3A_1169 : i32 to index
      %swap3A_1172 = arith.constant 0 : index
      %swap3A_1173 = tpu.vector_load %arg11[%swap3A_1170, %swap3A_1171, %swap3A_1172] {strides = array<i32>} : memref<2x64x16xf32, #tpu.memory_space<vmem>>, vector<16xf32>,
      tpu.vector_store %arg11[%swap3A_1170, %swap3A_1171, %swap3A_1172], %get3A_1167 {strides = array<i32>} : memref<2x64x16xf32, #tpu.memory_space<vmem>>, vector<16xf32>,
      %get3A_1174 = arith.constant 1 : i32
      %get3A_1175 = arith.constant 9 : i32
      %get3A_1176 = arith.index_cast %get3A_1174 : i32 to index
      %get3A_1177 = arith.index_cast %get3A_1175 : i32 to index
      %get3A_1178 = arith.constant 0 : index
      %get3A_1179 = tpu.vector_load %arg10[%get3A_1176, %get3A_1177, %get3A_1178] {strides = array<i32>} : memref<2x64x128xf32, #tpu.memory_space<vmem>>, vector<16xf32>,
      %swap3A_1180 = arith.constant 1 : i32
      %swap3A_1181 = arith.constant 9 : i32
      %swap3A_1182 = arith.index_cast %swap3A_1180 : i32 to index
      %swap3A_1183 = arith.index_cast %swap3A_1181 : i32 to index
      %swap3A_1184 = arith.constant 0 : index
      %swap3A_1185 = tpu.vector_load %arg11[%swap3A_1182, %swap3A_1183, %swap3A_1184] {strides = array<i32>} : memref<2x64x16xf32, #tpu.memory_space<vmem>>, vector<16xf32>,
      tpu.vector_store %arg11[%swap3A_1182, %swap3A_1183, %swap3A_1184], %get3A_1179 {strides = array<i32>} : memref<2x64x16xf32, #tpu.memory_space<vmem>>, vector<16xf32>,
      %get3A_1186 = arith.constant 1 : i32
      %get3A_1187 = arith.constant 10 : i32
      %get3A_1188 = arith.index_cast %get3A_1186 : i32 to index
      %get3A_1189 = arith.index_cast %get3A_1187 : i32 to index
      %get3A_1190 = arith.constant 0 : index
      %get3A_1191 = tpu.vector_load %arg10[%get3A_1188, %get3A_1189, %get3A_1190] {strides = array<i32>} : memref<2x64x128xf32, #tpu.memory_space<vmem>>, vector<16xf32>,
      %swap3A_1192 = arith.constant 1 : i32
      %swap3A_1193 = arith.constant 10 : i32
      %swap3A_1194 = arith.index_cast %swap3A_1192 : i32 to index
      %swap3A_1195 = arith.index_cast %swap3A_1193 : i32 to index
      %swap3A_1196 = arith.constant 0 : index
      %swap3A_1197 = tpu.vector_load %arg11[%swap3A_1194, %swap3A_1195, %swap3A_1196] {strides = array<i32>} : memref<2x64x16xf32, #tpu.memory_space<vmem>>, vector<16xf32>,
      tpu.vector_store %arg11[%swap3A_1194, %swap3A_1195, %swap3A_1196], %get3A_1191 {strides = array<i32>} : memref<2x64x16xf32, #tpu.memory_space<vmem>>, vector<16xf32>,
      %get3A_1198 = arith.constant 1 : i32
      %get3A_1199 = arith.constant 11 : i32
      %get3A_1200 = arith.index_cast %get3A_1198 : i32 to index
      %get3A_1201 = arith.index_cast %get3A_1199 : i32 to index
      %get3A_1202 = arith.constant 0 : index
      %get3A_1203 = tpu.vector_load %arg10[%get3A_1200, %get3A_1201, %get3A_1202] {strides = array<i32>} : memref<2x64x128xf32, #tpu.memory_space<vmem>>, vector<16xf32>,
      %swap3A_1204 = arith.constant 1 : i32
      %swap3A_1205 = arith.constant 11 : i32
      %swap3A_1206 = arith.index_cast %swap3A_1204 : i32 to index
      %swap3A_1207 = arith.index_cast %swap3A_1205 : i32 to index
      %swap3A_1208 = arith.constant 0 : index
      %swap3A_1209 = tpu.vector_load %arg11[%swap3A_1206, %swap3A_1207, %swap3A_1208] {strides = array<i32>} : memref<2x64x16xf32, #tpu.memory_space<vmem>>, vector<16xf32>,
      tpu.vector_store %arg11[%swap3A_1206, %swap3A_1207, %swap3A_1208], %get3A_1203 {strides = array<i32>} : memref<2x64x16xf32, #tpu.memory_space<vmem>>, vector<16xf32>,
      %get3A_1210 = arith.constant 1 : i32
      %get3A_1211 = arith.constant 12 : i32
      %get3A_1212 = arith.index_cast %get3A_1210 : i32 to index
      %get3A_1213 = arith.index_cast %get3A_1211 : i32 to index
      %get3A_1214 = arith.constant 0 : index
      %get3A_1215 = tpu.vector_load %arg10[%get3A_1212, %get3A_1213, %get3A_1214] {strides = array<i32>} : memref<2x64x128xf32, #tpu.memory_space<vmem>>, vector<16xf32>,
      %swap3A_1216 = arith.constant 1 : i32
      %swap3A_1217 = arith.constant 12 : i32
      %swap3A_1218 = arith.index_cast %swap3A_1216 : i32 to index
      %swap3A_1219 = arith.index_cast %swap3A_1217 : i32 to index
      %swap3A_1220 = arith.constant 0 : index
      %swap3A_1221 = tpu.vector_load %arg11[%swap3A_1218, %swap3A_1219, %swap3A_1220] {strides = array<i32>} : memref<2x64x16xf32, #tpu.memory_space<vmem>>, vector<16xf32>,
      tpu.vector_store %arg11[%swap3A_1218, %swap3A_1219, %swap3A_1220], %get3A_1215 {strides = array<i32>} : memref<2x64x16xf32, #tpu.memory_space<vmem>>, vector<16xf32>,
      %get3A_1222 = arith.constant 1 : i32
      %get3A_1223 = arith.constant 13 : i32
      %get3A_1224 = arith.index_cast %get3A_1222 : i32 to index
      %get3A_1225 = arith.index_cast %get3A_1223 : i32 to index
      %get3A_1226 = arith.constant 0 : index
      %get3A_1227 = tpu.vector_load %arg10[%get3A_1224, %get3A_1225, %get3A_1226] {strides = array<i32>} : memref<2x64x128xf32, #tpu.memory_space<vmem>>, vector<16xf32>,
      %swap3A_1228 = arith.constant 1 : i32
      %swap3A_1229 = arith.constant 13 : i32
      %swap3A_1230 = arith.index_cast %swap3A_1228 : i32 to index
      %swap3A_1231 = arith.index_cast %swap3A_1229 : i32 to index
      %swap3A_1232 = arith.constant 0 : index
      %swap3A_1233 = tpu.vector_load %arg11[%swap3A_1230, %swap3A_1231, %swap3A_1232] {strides = array<i32>} : memref<2x64x16xf32, #tpu.memory_space<vmem>>, vector<16xf32>,
      tpu.vector_store %arg11[%swap3A_1230, %swap3A_1231, %swap3A_1232], %get3A_1227 {strides = array<i32>} : memref<2x64x16xf32, #tpu.memory_space<vmem>>, vector<16xf32>,
      %get3A_1234 = arith.constant 1 : i32
      %get3A_1235 = arith.constant 14 : i32
      %get3A_1236 = arith.index_cast %get3A_1234 : i32 to index
      %get3A_1237 = arith.index_cast %get3A_1235 : i32 to index
      %get3A_1238 = arith.constant 0 : index
      %get3A_1239 = tpu.vector_load %arg10[%get3A_1236, %get3A_1237, %get3A_1238] {strides = array<i32>} : memref<2x64x128xf32, #tpu.memory_space<vmem>>, vector<16xf32>,
      %swap3A_1240 = arith.constant 1 : i32
      %swap3A_1241 = arith.constant 14 : i32
      %swap3A_1242 = arith.index_cast %swap3A_1240 : i32 to index
      %swap3A_1243 = arith.index_cast %swap3A_1241 : i32 to index
      %swap3A_1244 = arith.constant 0 : index
      %swap3A_1245 = tpu.vector_load %arg11[%swap3A_1242, %swap3A_1243, %swap3A_1244] {strides = array<i32>} : memref<2x64x16xf32, #tpu.memory_space<vmem>>, vector<16xf32>,
      tpu.vector_store %arg11[%swap3A_1242, %swap3A_1243, %swap3A_1244], %get3A_1239 {strides = array<i32>} : memref<2x64x16xf32, #tpu.memory_space<vmem>>, vector<16xf32>,
      %get3A_1246 = arith.constant 1 : i32
      %get3A_1247 = arith.constant 15 : i32
      %get3A_1248 = arith.index_cast %get3A_1246 : i32 to index
      %get3A_1249 = arith.index_cast %get3A_1247 : i32 to index
      %get3A_1250 = arith.constant 0 : index
      %get3A_1251 = tpu.vector_load %arg10[%get3A_1248, %get3A_1249, %get3A_1250] {strides = array<i32>} : memref<2x64x128xf32, #tpu.memory_space<vmem>>, vector<16xf32>,
      %swap3A_1252 = arith.constant 1 : i32
      %swap3A_1253 = arith.constant 15 : i32
      %swap3A_1254 = arith.index_cast %swap3A_1252 : i32 to index
      %swap3A_1255 = arith.index_cast %swap3A_1253 : i32 to index
      %swap3A_1256 = arith.constant 0 : index
      %swap3A_1257 = tpu.vector_load %arg11[%swap3A_1254, %swap3A_1255, %swap3A_1256] {strides = array<i32>} : memref<2x64x16xf32, #tpu.memory_space<vmem>>, vector<16xf32>,
      tpu.vector_store %arg11[%swap3A_1254, %swap3A_1255, %swap3A_1256], %get3A_1251 {strides = array<i32>} : memref<2x64x16xf32, #tpu.memory_space<vmem>>, vector<16xf32>,
      %get3A_1258 = arith.constant 1 : i32
      %get3A_1259 = arith.constant 16 : i32
      %get3A_1260 = arith.index_cast %get3A_1258 : i32 to index
      %get3A_1261 = arith.index_cast %get3A_1259 : i32 to index
      %get3A_1262 = arith.constant 0 : index
      %get3A_1263 = tpu.vector_load %arg10[%get3A_1260, %get3A_1261, %get3A_1262] {strides = array<i32>} : memref<2x64x128xf32, #tpu.memory_space<vmem>>, vector<16xf32>,
      %swap3A_1264 = arith.constant 1 : i32
      %swap3A_1265 = arith.constant 16 : i32
      %swap3A_1266 = arith.index_cast %swap3A_1264 : i32 to index
      %swap3A_1267 = arith.index_cast %swap3A_1265 : i32 to index
      %swap3A_1268 = arith.constant 0 : index
      %swap3A_1269 = tpu.vector_load %arg11[%swap3A_1266, %swap3A_1267, %swap3A_1268] {strides = array<i32>} : memref<2x64x16xf32, #tpu.memory_space<vmem>>, vector<16xf32>,
      tpu.vector_store %arg11[%swap3A_1266, %swap3A_1267, %swap3A_1268], %get3A_1263 {strides = array<i32>} : memref<2x64x16xf32, #tpu.memory_space<vmem>>, vector<16xf32>,
      %get3A_1270 = arith.constant 1 : i32
      %get3A_1271 = arith.constant 17 : i32
      %get3A_1272 = arith.index_cast %get3A_1270 : i32 to index
      %get3A_1273 = arith.index_cast %get3A_1271 : i32 to index
      %get3A_1274 = arith.constant 0 : index
      %get3A_1275 = tpu.vector_load %arg10[%get3A_1272, %get3A_1273, %get3A_1274] {strides = array<i32>} : memref<2x64x128xf32, #tpu.memory_space<vmem>>, vector<16xf32>,
      %swap3A_1276 = arith.constant 1 : i32
      %swap3A_1277 = arith.constant 17 : i32
      %swap3A_1278 = arith.index_cast %swap3A_1276 : i32 to index
      %swap3A_1279 = arith.index_cast %swap3A_1277 : i32 to index
      %swap3A_1280 = arith.constant 0 : index
      %swap3A_1281 = tpu.vector_load %arg11[%swap3A_1278, %swap3A_1279, %swap3A_1280] {strides = array<i32>} : memref<2x64x16xf32, #tpu.memory_space<vmem>>, vector<16xf32>,
      tpu.vector_store %arg11[%swap3A_1278, %swap3A_1279, %swap3A_1280], %get3A_1275 {strides = array<i32>} : memref<2x64x16xf32, #tpu.memory_space<vmem>>, vector<16xf32>,
      %get3A_1282 = arith.constant 1 : i32
      %get3A_1283 = arith.constant 18 : i32
      %get3A_1284 = arith.index_cast %get3A_1282 : i32 to index
      %get3A_1285 = arith.index_cast %get3A_1283 : i32 to index
      %get3A_1286 = arith.constant 0 : index
      %get3A_1287 = tpu.vector_load %arg10[%get3A_1284, %get3A_1285, %get3A_1286] {strides = array<i32>} : memref<2x64x128xf32, #tpu.memory_space<vmem>>, vector<16xf32>,
      %swap3A_1288 = arith.constant 1 : i32
      %swap3A_1289 = arith.constant 18 : i32
      %swap3A_1290 = arith.index_cast %swap3A_1288 : i32 to index
      %swap3A_1291 = arith.index_cast %swap3A_1289 : i32 to index
      %swap3A_1292 = arith.constant 0 : index
      %swap3A_1293 = tpu.vector_load %arg11[%swap3A_1290, %swap3A_1291, %swap3A_1292] {strides = array<i32>} : memref<2x64x16xf32, #tpu.memory_space<vmem>>, vector<16xf32>,
      tpu.vector_store %arg11[%swap3A_1290, %swap3A_1291, %swap3A_1292], %get3A_1287 {strides = array<i32>} : memref<2x64x16xf32, #tpu.memory_space<vmem>>, vector<16xf32>,
      %get3A_1294 = arith.constant 1 : i32
      %get3A_1295 = arith.constant 19 : i32
      %get3A_1296 = arith.index_cast %get3A_1294 : i32 to index
      %get3A_1297 = arith.index_cast %get3A_1295 : i32 to index
      %get3A_1298 = arith.constant 0 : index
      %get3A_1299 = tpu.vector_load %arg10[%get3A_1296, %get3A_1297, %get3A_1298] {strides = array<i32>} : memref<2x64x128xf32, #tpu.memory_space<vmem>>, vector<16xf32>,
      %swap3A_1300 = arith.constant 1 : i32
      %swap3A_1301 = arith.constant 19 : i32
      %swap3A_1302 = arith.index_cast %swap3A_1300 : i32 to index
      %swap3A_1303 = arith.index_cast %swap3A_1301 : i32 to index
      %swap3A_1304 = arith.constant 0 : index
      %swap3A_1305 = tpu.vector_load %arg11[%swap3A_1302, %swap3A_1303, %swap3A_1304] {strides = array<i32>} : memref<2x64x16xf32, #tpu.memory_space<vmem>>, vector<16xf32>,
      tpu.vector_store %arg11[%swap3A_1302, %swap3A_1303, %swap3A_1304], %get3A_1299 {strides = array<i32>} : memref<2x64x16xf32, #tpu.memory_space<vmem>>, vector<16xf32>,
      %get3A_1306 = arith.constant 1 : i32
      %get3A_1307 = arith.constant 20 : i32
      %get3A_1308 = arith.index_cast %get3A_1306 : i32 to index
      %get3A_1309 = arith.index_cast %get3A_1307 : i32 to index
      %get3A_1310 = arith.constant 0 : index
      %get3A_1311 = tpu.vector_load %arg10[%get3A_1308, %get3A_1309, %get3A_1310] {strides = array<i32>} : memref<2x64x128xf32, #tpu.memory_space<vmem>>, vector<16xf32>,
      %swap3A_1312 = arith.constant 1 : i32
      %swap3A_1313 = arith.constant 20 : i32
      %swap3A_1314 = arith.index_cast %swap3A_1312 : i32 to index
      %swap3A_1315 = arith.index_cast %swap3A_1313 : i32 to index
      %swap3A_1316 = arith.constant 0 : index
      %swap3A_1317 = tpu.vector_load %arg11[%swap3A_1314, %swap3A_1315, %swap3A_1316] {strides = array<i32>} : memref<2x64x16xf32, #tpu.memory_space<vmem>>, vector<16xf32>,
      tpu.vector_store %arg11[%swap3A_1314, %swap3A_1315, %swap3A_1316], %get3A_1311 {strides = array<i32>} : memref<2x64x16xf32, #tpu.memory_space<vmem>>, vector<16xf32>,
      %get3A_1318 = arith.constant 1 : i32
      %get3A_1319 = arith.constant 21 : i32
      %get3A_1320 = arith.index_cast %get3A_1318 : i32 to index
      %get3A_1321 = arith.index_cast %get3A_1319 : i32 to index
      %get3A_1322 = arith.constant 0 : index
      %get3A_1323 = tpu.vector_load %arg10[%get3A_1320, %get3A_1321, %get3A_1322] {strides = array<i32>} : memref<2x64x128xf32, #tpu.memory_space<vmem>>, vector<16xf32>,
      %swap3A_1324 = arith.constant 1 : i32
      %swap3A_1325 = arith.constant 21 : i32
      %swap3A_1326 = arith.index_cast %swap3A_1324 : i32 to index
      %swap3A_1327 = arith.index_cast %swap3A_1325 : i32 to index
      %swap3A_1328 = arith.constant 0 : index
      %swap3A_1329 = tpu.vector_load %arg11[%swap3A_1326, %swap3A_1327, %swap3A_1328] {strides = array<i32>} : memref<2x64x16xf32, #tpu.memory_space<vmem>>, vector<16xf32>,
      tpu.vector_store %arg11[%swap3A_1326, %swap3A_1327, %swap3A_1328], %get3A_1323 {strides = array<i32>} : memref<2x64x16xf32, #tpu.memory_space<vmem>>, vector<16xf32>,
      %get3A_1330 = arith.constant 1 : i32
      %get3A_1331 = arith.constant 22 : i32
      %get3A_1332 = arith.index_cast %get3A_1330 : i32 to index
      %get3A_1333 = arith.index_cast %get3A_1331 : i32 to index
      %get3A_1334 = arith.constant 0 : index
      %get3A_1335 = tpu.vector_load %arg10[%get3A_1332, %get3A_1333, %get3A_1334] {strides = array<i32>} : memref<2x64x128xf32, #tpu.memory_space<vmem>>, vector<16xf32>,
      %swap3A_1336 = arith.constant 1 : i32
      %swap3A_1337 = arith.constant 22 : i32
      %swap3A_1338 = arith.index_cast %swap3A_1336 : i32 to index
      %swap3A_1339 = arith.index_cast %swap3A_1337 : i32 to index
      %swap3A_1340 = arith.constant 0 : index
      %swap3A_1341 = tpu.vector_load %arg11[%swap3A_1338, %swap3A_1339, %swap3A_1340] {strides = array<i32>} : memref<2x64x16xf32, #tpu.memory_space<vmem>>, vector<16xf32>,
      tpu.vector_store %arg11[%swap3A_1338, %swap3A_1339, %swap3A_1340], %get3A_1335 {strides = array<i32>} : memref<2x64x16xf32, #tpu.memory_space<vmem>>, vector<16xf32>,
      %get3A_1342 = arith.constant 1 : i32
      %get3A_1343 = arith.constant 23 : i32
      %get3A_1344 = arith.index_cast %get3A_1342 : i32 to index
      %get3A_1345 = arith.index_cast %get3A_1343 : i32 to index
      %get3A_1346 = arith.constant 0 : index
      %get3A_1347 = tpu.vector_load %arg10[%get3A_1344, %get3A_1345, %get3A_1346] {strides = array<i32>} : memref<2x64x128xf32, #tpu.memory_space<vmem>>, vector<16xf32>,
      %swap3A_1348 = arith.constant 1 : i32
      %swap3A_1349 = arith.constant 23 : i32
      %swap3A_1350 = arith.index_cast %swap3A_1348 : i32 to index
      %swap3A_1351 = arith.index_cast %swap3A_1349 : i32 to index
      %swap3A_1352 = arith.constant 0 : index
      %swap3A_1353 = tpu.vector_load %arg11[%swap3A_1350, %swap3A_1351, %swap3A_1352] {strides = array<i32>} : memref<2x64x16xf32, #tpu.memory_space<vmem>>, vector<16xf32>,
      tpu.vector_store %arg11[%swap3A_1350, %swap3A_1351, %swap3A_1352], %get3A_1347 {strides = array<i32>} : memref<2x64x16xf32, #tpu.memory_space<vmem>>, vector<16xf32>,
      %get3A_1354 = arith.constant 1 : i32
      %get3A_1355 = arith.constant 24 : i32
      %get3A_1356 = arith.index_cast %get3A_1354 : i32 to index
      %get3A_1357 = arith.index_cast %get3A_1355 : i32 to index
      %get3A_1358 = arith.constant 0 : index
      %get3A_1359 = tpu.vector_load %arg10[%get3A_1356, %get3A_1357, %get3A_1358] {strides = array<i32>} : memref<2x64x128xf32, #tpu.memory_space<vmem>>, vector<16xf32>,
      %swap3A_1360 = arith.constant 1 : i32
      %swap3A_1361 = arith.constant 24 : i32
      %swap3A_1362 = arith.index_cast %swap3A_1360 : i32 to index
      %swap3A_1363 = arith.index_cast %swap3A_1361 : i32 to index
      %swap3A_1364 = arith.constant 0 : index
      %swap3A_1365 = tpu.vector_load %arg11[%swap3A_1362, %swap3A_1363, %swap3A_1364] {strides = array<i32>} : memref<2x64x16xf32, #tpu.memory_space<vmem>>, vector<16xf32>,
      tpu.vector_store %arg11[%swap3A_1362, %swap3A_1363, %swap3A_1364], %get3A_1359 {strides = array<i32>} : memref<2x64x16xf32, #tpu.memory_space<vmem>>, vector<16xf32>,
      %get3A_1366 = arith.constant 1 : i32
      %get3A_1367 = arith.constant 25 : i32
      %get3A_1368 = arith.index_cast %get3A_1366 : i32 to index
      %get3A_1369 = arith.index_cast %get3A_1367 : i32 to index
      %get3A_1370 = arith.constant 0 : index
      %get3A_1371 = tpu.vector_load %arg10[%get3A_1368, %get3A_1369, %get3A_1370] {strides = array<i32>} : memref<2x64x128xf32, #tpu.memory_space<vmem>>, vector<16xf32>,
      %swap3A_1372 = arith.constant 1 : i32
      %swap3A_1373 = arith.constant 25 : i32
      %swap3A_1374 = arith.index_cast %swap3A_1372 : i32 to index
      %swap3A_1375 = arith.index_cast %swap3A_1373 : i32 to index
      %swap3A_1376 = arith.constant 0 : index
      %swap3A_1377 = tpu.vector_load %arg11[%swap3A_1374, %swap3A_1375, %swap3A_1376] {strides = array<i32>} : memref<2x64x16xf32, #tpu.memory_space<vmem>>, vector<16xf32>,
      tpu.vector_store %arg11[%swap3A_1374, %swap3A_1375, %swap3A_1376], %get3A_1371 {strides = array<i32>} : memref<2x64x16xf32, #tpu.memory_space<vmem>>, vector<16xf32>,
      %get3A_1378 = arith.constant 1 : i32
      %get3A_1379 = arith.constant 26 : i32
      %get3A_1380 = arith.index_cast %get3A_1378 : i32 to index
      %get3A_1381 = arith.index_cast %get3A_1379 : i32 to index
      %get3A_1382 = arith.constant 0 : index
      %get3A_1383 = tpu.vector_load %arg10[%get3A_1380, %get3A_1381, %get3A_1382] {strides = array<i32>} : memref<2x64x128xf32, #tpu.memory_space<vmem>>, vector<16xf32>,
      %swap3A_1384 = arith.constant 1 : i32
      %swap3A_1385 = arith.constant 26 : i32
      %swap3A_1386 = arith.index_cast %swap3A_1384 : i32 to index
      %swap3A_1387 = arith.index_cast %swap3A_1385 : i32 to index
      %swap3A_1388 = arith.constant 0 : index
      %swap3A_1389 = tpu.vector_load %arg11[%swap3A_1386, %swap3A_1387, %swap3A_1388] {strides = array<i32>} : memref<2x64x16xf32, #tpu.memory_space<vmem>>, vector<16xf32>,
      tpu.vector_store %arg11[%swap3A_1386, %swap3A_1387, %swap3A_1388], %get3A_1383 {strides = array<i32>} : memref<2x64x16xf32, #tpu.memory_space<vmem>>, vector<16xf32>,
      %get3A_1390 = arith.constant 1 : i32
      %get3A_1391 = arith.constant 27 : i32
      %get3A_1392 = arith.index_cast %get3A_1390 : i32 to index
      %get3A_1393 = arith.index_cast %get3A_1391 : i32 to index
      %get3A_1394 = arith.constant 0 : index
      %get3A_1395 = tpu.vector_load %arg10[%get3A_1392, %get3A_1393, %get3A_1394] {strides = array<i32>} : memref<2x64x128xf32, #tpu.memory_space<vmem>>, vector<16xf32>,
      %swap3A_1396 = arith.constant 1 : i32
      %swap3A_1397 = arith.constant 27 : i32
      %swap3A_1398 = arith.index_cast %swap3A_1396 : i32 to index
      %swap3A_1399 = arith.index_cast %swap3A_1397 : i32 to index
      %swap3A_1400 = arith.constant 0 : index
      %swap3A_1401 = tpu.vector_load %arg11[%swap3A_1398, %swap3A_1399, %swap3A_1400] {strides = array<i32>} : memref<2x64x16xf32, #tpu.memory_space<vmem>>, vector<16xf32>,
      tpu.vector_store %arg11[%swap3A_1398, %swap3A_1399, %swap3A_1400], %get3A_1395 {strides = array<i32>} : memref<2x64x16xf32, #tpu.memory_space<vmem>>, vector<16xf32>,
      %get3A_1402 = arith.constant 1 : i32
      %get3A_1403 = arith.constant 28 : i32
      %get3A_1404 = arith.index_cast %get3A_1402 : i32 to index
      %get3A_1405 = arith.index_cast %get3A_1403 : i32 to index
      %get3A_1406 = arith.constant 0 : index
      %get3A_1407 = tpu.vector_load %arg10[%get3A_1404, %get3A_1405, %get3A_1406] {strides = array<i32>} : memref<2x64x128xf32, #tpu.memory_space<vmem>>, vector<16xf32>,
      %swap3A_1408 = arith.constant 1 : i32
      %swap3A_1409 = arith.constant 28 : i32
      %swap3A_1410 = arith.index_cast %swap3A_1408 : i32 to index
      %swap3A_1411 = arith.index_cast %swap3A_1409 : i32 to index
      %swap3A_1412 = arith.constant 0 : index
      %swap3A_1413 = tpu.vector_load %arg11[%swap3A_1410, %swap3A_1411, %swap3A_1412] {strides = array<i32>} : memref<2x64x16xf32, #tpu.memory_space<vmem>>, vector<16xf32>,
      tpu.vector_store %arg11[%swap3A_1410, %swap3A_1411, %swap3A_1412], %get3A_1407 {strides = array<i32>} : memref<2x64x16xf32, #tpu.memory_space<vmem>>, vector<16xf32>,
      %get3A_1414 = arith.constant 1 : i32
      %get3A_1415 = arith.constant 29 : i32
      %get3A_1416 = arith.index_cast %get3A_1414 : i32 to index
      %get3A_1417 = arith.index_cast %get3A_1415 : i32 to index
      %get3A_1418 = arith.constant 0 : index
      %get3A_1419 = tpu.vector_load %arg10[%get3A_1416, %get3A_1417, %get3A_1418] {strides = array<i32>} : memref<2x64x128xf32, #tpu.memory_space<vmem>>, vector<16xf32>,
      %swap3A_1420 = arith.constant 1 : i32
      %swap3A_1421 = arith.constant 29 : i32
      %swap3A_1422 = arith.index_cast %swap3A_1420 : i32 to index
      %swap3A_1423 = arith.index_cast %swap3A_1421 : i32 to index
      %swap3A_1424 = arith.constant 0 : index
      %swap3A_1425 = tpu.vector_load %arg11[%swap3A_1422, %swap3A_1423, %swap3A_1424] {strides = array<i32>} : memref<2x64x16xf32, #tpu.memory_space<vmem>>, vector<16xf32>,
      tpu.vector_store %arg11[%swap3A_1422, %swap3A_1423, %swap3A_1424], %get3A_1419 {strides = array<i32>} : memref<2x64x16xf32, #tpu.memory_space<vmem>>, vector<16xf32>,
      %get3A_1426 = arith.constant 1 : i32
      %get3A_1427 = arith.constant 30 : i32
      %get3A_1428 = arith.index_cast %get3A_1426 : i32 to index
      %get3A_1429 = arith.index_cast %get3A_1427 : i32 to index
      %get3A_1430 = arith.constant 0 : index
      %get3A_1431 = tpu.vector_load %arg10[%get3A_1428, %get3A_1429, %get3A_1430] {strides = array<i32>} : memref<2x64x128xf32, #tpu.memory_space<vmem>>, vector<16xf32>,
      %swap3A_1432 = arith.constant 1 : i32
      %swap3A_1433 = arith.constant 30 : i32
      %swap3A_1434 = arith.index_cast %swap3A_1432 : i32 to index
      %swap3A_1435 = arith.index_cast %swap3A_1433 : i32 to index
      %swap3A_1436 = arith.constant 0 : index
      %swap3A_1437 = tpu.vector_load %arg11[%swap3A_1434, %swap3A_1435, %swap3A_1436] {strides = array<i32>} : memref<2x64x16xf32, #tpu.memory_space<vmem>>, vector<16xf32>,
      tpu.vector_store %arg11[%swap3A_1434, %swap3A_1435, %swap3A_1436], %get3A_1431 {strides = array<i32>} : memref<2x64x16xf32, #tpu.memory_space<vmem>>, vector<16xf32>,
      %get3A_1438 = arith.constant 1 : i32
      %get3A_1439 = arith.constant 31 : i32
      %get3A_1440 = arith.index_cast %get3A_1438 : i32 to index
      %get3A_1441 = arith.index_cast %get3A_1439 : i32 to index
      %get3A_1442 = arith.constant 0 : index
      %get3A_1443 = tpu.vector_load %arg10[%get3A_1440, %get3A_1441, %get3A_1442] {strides = array<i32>} : memref<2x64x128xf32, #tpu.memory_space<vmem>>, vector<16xf32>,
      %swap3A_1444 = arith.constant 1 : i32
      %swap3A_1445 = arith.constant 31 : i32
      %swap3A_1446 = arith.index_cast %swap3A_1444 : i32 to index
      %swap3A_1447 = arith.index_cast %swap3A_1445 : i32 to index
      %swap3A_1448 = arith.constant 0 : index
      %swap3A_1449 = tpu.vector_load %arg11[%swap3A_1446, %swap3A_1447, %swap3A_1448] {strides = array<i32>} : memref<2x64x16xf32, #tpu.memory_space<vmem>>, vector<16xf32>,
      tpu.vector_store %arg11[%swap3A_1446, %swap3A_1447, %swap3A_1448], %get3A_1443 {strides = array<i32>} : memref<2x64x16xf32, #tpu.memory_space<vmem>>, vector<16xf32>,
      %get3A_1450 = arith.constant 1 : i32
      %get3A_1451 = arith.constant 32 : i32
      %get3A_1452 = arith.index_cast %get3A_1450 : i32 to index
      %get3A_1453 = arith.index_cast %get3A_1451 : i32 to index
      %get3A_1454 = arith.constant 0 : index
      %get3A_1455 = tpu.vector_load %arg10[%get3A_1452, %get3A_1453, %get3A_1454] {strides = array<i32>} : memref<2x64x128xf32, #tpu.memory_space<vmem>>, vector<16xf32>,
      %swap3A_1456 = arith.constant 1 : i32
      %swap3A_1457 = arith.constant 32 : i32
      %swap3A_1458 = arith.index_cast %swap3A_1456 : i32 to index
      %swap3A_1459 = arith.index_cast %swap3A_1457 : i32 to index
      %swap3A_1460 = arith.constant 0 : index
      %swap3A_1461 = tpu.vector_load %arg11[%swap3A_1458, %swap3A_1459, %swap3A_1460] {strides = array<i32>} : memref<2x64x16xf32, #tpu.memory_space<vmem>>, vector<16xf32>,
      tpu.vector_store %arg11[%swap3A_1458, %swap3A_1459, %swap3A_1460], %get3A_1455 {strides = array<i32>} : memref<2x64x16xf32, #tpu.memory_space<vmem>>, vector<16xf32>,
      %get3A_1462 = arith.constant 1 : i32
      %get3A_1463 = arith.constant 33 : i32
      %get3A_1464 = arith.index_cast %get3A_1462 : i32 to index
      %get3A_1465 = arith.index_cast %get3A_1463 : i32 to index
      %get3A_1466 = arith.constant 0 : index
      %get3A_1467 = tpu.vector_load %arg10[%get3A_1464, %get3A_1465, %get3A_1466] {strides = array<i32>} : memref<2x64x128xf32, #tpu.memory_space<vmem>>, vector<16xf32>,
      %swap3A_1468 = arith.constant 1 : i32
      %swap3A_1469 = arith.constant 33 : i32
      %swap3A_1470 = arith.index_cast %swap3A_1468 : i32 to index
      %swap3A_1471 = arith.index_cast %swap3A_1469 : i32 to index
      %swap3A_1472 = arith.constant 0 : index
      %swap3A_1473 = tpu.vector_load %arg11[%swap3A_1470, %swap3A_1471, %swap3A_1472] {strides = array<i32>} : memref<2x64x16xf32, #tpu.memory_space<vmem>>, vector<16xf32>,
      tpu.vector_store %arg11[%swap3A_1470, %swap3A_1471, %swap3A_1472], %get3A_1467 {strides = array<i32>} : memref<2x64x16xf32, #tpu.memory_space<vmem>>, vector<16xf32>,
      %get3A_1474 = arith.constant 1 : i32
      %get3A_1475 = arith.constant 34 : i32
      %get3A_1476 = arith.index_cast %get3A_1474 : i32 to index
      %get3A_1477 = arith.index_cast %get3A_1475 : i32 to index
      %get3A_1478 = arith.constant 0 : index
      %get3A_1479 = tpu.vector_load %arg10[%get3A_1476, %get3A_1477, %get3A_1478] {strides = array<i32>} : memref<2x64x128xf32, #tpu.memory_space<vmem>>, vector<16xf32>,
      %swap3A_1480 = arith.constant 1 : i32
      %swap3A_1481 = arith.constant 34 : i32
      %swap3A_1482 = arith.index_cast %swap3A_1480 : i32 to index
      %swap3A_1483 = arith.index_cast %swap3A_1481 : i32 to index
      %swap3A_1484 = arith.constant 0 : index
      %swap3A_1485 = tpu.vector_load %arg11[%swap3A_1482, %swap3A_1483, %swap3A_1484] {strides = array<i32>} : memref<2x64x16xf32, #tpu.memory_space<vmem>>, vector<16xf32>,
      tpu.vector_store %arg11[%swap3A_1482, %swap3A_1483, %swap3A_1484], %get3A_1479 {strides = array<i32>} : memref<2x64x16xf32, #tpu.memory_space<vmem>>, vector<16xf32>,
      %get3A_1486 = arith.constant 1 : i32
      %get3A_1487 = arith.constant 35 : i32
      %get3A_1488 = arith.index_cast %get3A_1486 : i32 to index
      %get3A_1489 = arith.index_cast %get3A_1487 : i32 to index
      %get3A_1490 = arith.constant 0 : index
      %get3A_1491 = tpu.vector_load %arg10[%get3A_1488, %get3A_1489, %get3A_1490] {strides = array<i32>} : memref<2x64x128xf32, #tpu.memory_space<vmem>>, vector<16xf32>,
      %swap3A_1492 = arith.constant 1 : i32
      %swap3A_1493 = arith.constant 35 : i32
      %swap3A_1494 = arith.index_cast %swap3A_1492 : i32 to index
      %swap3A_1495 = arith.index_cast %swap3A_1493 : i32 to index
      %swap3A_1496 = arith.constant 0 : index
      %swap3A_1497 = tpu.vector_load %arg11[%swap3A_1494, %swap3A_1495, %swap3A_1496] {strides = array<i32>} : memref<2x64x16xf32, #tpu.memory_space<vmem>>, vector<16xf32>,
      tpu.vector_store %arg11[%swap3A_1494, %swap3A_1495, %swap3A_1496], %get3A_1491 {strides = array<i32>} : memref<2x64x16xf32, #tpu.memory_space<vmem>>, vector<16xf32>,
      %get3A_1498 = arith.constant 1 : i32
      %get3A_1499 = arith.constant 36 : i32
      %get3A_1500 = arith.index_cast %get3A_1498 : i32 to index
      %get3A_1501 = arith.index_cast %get3A_1499 : i32 to index
      %get3A_1502 = arith.constant 0 : index
      %get3A_1503 = tpu.vector_load %arg10[%get3A_1500, %get3A_1501, %get3A_1502] {strides = array<i32>} : memref<2x64x128xf32, #tpu.memory_space<vmem>>, vector<16xf32>,
      %swap3A_1504 = arith.constant 1 : i32
      %swap3A_1505 = arith.constant 36 : i32
      %swap3A_1506 = arith.index_cast %swap3A_1504 : i32 to index
      %swap3A_1507 = arith.index_cast %swap3A_1505 : i32 to index
      %swap3A_1508 = arith.constant 0 : index
      %swap3A_1509 = tpu.vector_load %arg11[%swap3A_1506, %swap3A_1507, %swap3A_1508] {strides = array<i32>} : memref<2x64x16xf32, #tpu.memory_space<vmem>>, vector<16xf32>,
      tpu.vector_store %arg11[%swap3A_1506, %swap3A_1507, %swap3A_1508], %get3A_1503 {strides = array<i32>} : memref<2x64x16xf32, #tpu.memory_space<vmem>>, vector<16xf32>,
      %get3A_1510 = arith.constant 1 : i32
      %get3A_1511 = arith.constant 37 : i32
      %get3A_1512 = arith.index_cast %get3A_1510 : i32 to index
      %get3A_1513 = arith.index_cast %get3A_1511 : i32 to index
      %get3A_1514 = arith.constant 0 : index
      %get3A_1515 = tpu.vector_load %arg10[%get3A_1512, %get3A_1513, %get3A_1514] {strides = array<i32>} : memref<2x64x128xf32, #tpu.memory_space<vmem>>, vector<16xf32>,
      %swap3A_1516 = arith.constant 1 : i32
      %swap3A_1517 = arith.constant 37 : i32
      %swap3A_1518 = arith.index_cast %swap3A_1516 : i32 to index
      %swap3A_1519 = arith.index_cast %swap3A_1517 : i32 to index
      %swap3A_1520 = arith.constant 0 : index
      %swap3A_1521 = tpu.vector_load %arg11[%swap3A_1518, %swap3A_1519, %swap3A_1520] {strides = array<i32>} : memref<2x64x16xf32, #tpu.memory_space<vmem>>, vector<16xf32>,
      tpu.vector_store %arg11[%swap3A_1518, %swap3A_1519, %swap3A_1520], %get3A_1515 {strides = array<i32>} : memref<2x64x16xf32, #tpu.memory_space<vmem>>, vector<16xf32>,
      %get3A_1522 = arith.constant 1 : i32
      %get3A_1523 = arith.constant 38 : i32
      %get3A_1524 = arith.index_cast %get3A_1522 : i32 to index
      %get3A_1525 = arith.index_cast %get3A_1523 : i32 to index
      %get3A_1526 = arith.constant 0 : index
      %get3A_1527 = tpu.vector_load %arg10[%get3A_1524, %get3A_1525, %get3A_1526] {strides = array<i32>} : memref<2x64x128xf32, #tpu.memory_space<vmem>>, vector<16xf32>,
      %swap3A_1528 = arith.constant 1 : i32
      %swap3A_1529 = arith.constant 38 : i32
      %swap3A_1530 = arith.index_cast %swap3A_1528 : i32 to index
      %swap3A_1531 = arith.index_cast %swap3A_1529 : i32 to index
      %swap3A_1532 = arith.constant 0 : index
      %swap3A_1533 = tpu.vector_load %arg11[%swap3A_1530, %swap3A_1531, %swap3A_1532] {strides = array<i32>} : memref<2x64x16xf32, #tpu.memory_space<vmem>>, vector<16xf32>,
      tpu.vector_store %arg11[%swap3A_1530, %swap3A_1531, %swap3A_1532], %get3A_1527 {strides = array<i32>} : memref<2x64x16xf32, #tpu.memory_space<vmem>>, vector<16xf32>,
      %get3A_1534 = arith.constant 1 : i32
      %get3A_1535 = arith.constant 39 : i32
      %get3A_1536 = arith.index_cast %get3A_1534 : i32 to index
      %get3A_1537 = arith.index_cast %get3A_1535 : i32 to index
      %get3A_1538 = arith.constant 0 : index
      %get3A_1539 = tpu.vector_load %arg10[%get3A_1536, %get3A_1537, %get3A_1538] {strides = array<i32>} : memref<2x64x128xf32, #tpu.memory_space<vmem>>, vector<16xf32>,
      %swap3A_1540 = arith.constant 1 : i32
      %swap3A_1541 = arith.constant 39 : i32
      %swap3A_1542 = arith.index_cast %swap3A_1540 : i32 to index
      %swap3A_1543 = arith.index_cast %swap3A_1541 : i32 to index
      %swap3A_1544 = arith.constant 0 : index
      %swap3A_1545 = tpu.vector_load %arg11[%swap3A_1542, %swap3A_1543, %swap3A_1544] {strides = array<i32>} : memref<2x64x16xf32, #tpu.memory_space<vmem>>, vector<16xf32>,
      tpu.vector_store %arg11[%swap3A_1542, %swap3A_1543, %swap3A_1544], %get3A_1539 {strides = array<i32>} : memref<2x64x16xf32, #tpu.memory_space<vmem>>, vector<16xf32>,
      %get3A_1546 = arith.constant 1 : i32
      %get3A_1547 = arith.constant 40 : i32
      %get3A_1548 = arith.index_cast %get3A_1546 : i32 to index
      %get3A_1549 = arith.index_cast %get3A_1547 : i32 to index
      %get3A_1550 = arith.constant 0 : index
      %get3A_1551 = tpu.vector_load %arg10[%get3A_1548, %get3A_1549, %get3A_1550] {strides = array<i32>} : memref<2x64x128xf32, #tpu.memory_space<vmem>>, vector<16xf32>,
      %swap3A_1552 = arith.constant 1 : i32
      %swap3A_1553 = arith.constant 40 : i32
      %swap3A_1554 = arith.index_cast %swap3A_1552 : i32 to index
      %swap3A_1555 = arith.index_cast %swap3A_1553 : i32 to index
      %swap3A_1556 = arith.constant 0 : index
      %swap3A_1557 = tpu.vector_load %arg11[%swap3A_1554, %swap3A_1555, %swap3A_1556] {strides = array<i32>} : memref<2x64x16xf32, #tpu.memory_space<vmem>>, vector<16xf32>,
      tpu.vector_store %arg11[%swap3A_1554, %swap3A_1555, %swap3A_1556], %get3A_1551 {strides = array<i32>} : memref<2x64x16xf32, #tpu.memory_space<vmem>>, vector<16xf32>,
      %get3A_1558 = arith.constant 1 : i32
      %get3A_1559 = arith.constant 41 : i32
      %get3A_1560 = arith.index_cast %get3A_1558 : i32 to index
      %get3A_1561 = arith.index_cast %get3A_1559 : i32 to index
      %get3A_1562 = arith.constant 0 : index
      %get3A_1563 = tpu.vector_load %arg10[%get3A_1560, %get3A_1561, %get3A_1562] {strides = array<i32>} : memref<2x64x128xf32, #tpu.memory_space<vmem>>, vector<16xf32>,
      %swap3A_1564 = arith.constant 1 : i32
      %swap3A_1565 = arith.constant 41 : i32
      %swap3A_1566 = arith.index_cast %swap3A_1564 : i32 to index
      %swap3A_1567 = arith.index_cast %swap3A_1565 : i32 to index
      %swap3A_1568 = arith.constant 0 : index
      %swap3A_1569 = tpu.vector_load %arg11[%swap3A_1566, %swap3A_1567, %swap3A_1568] {strides = array<i32>} : memref<2x64x16xf32, #tpu.memory_space<vmem>>, vector<16xf32>,
      tpu.vector_store %arg11[%swap3A_1566, %swap3A_1567, %swap3A_1568], %get3A_1563 {strides = array<i32>} : memref<2x64x16xf32, #tpu.memory_space<vmem>>, vector<16xf32>,
      %get3A_1570 = arith.constant 1 : i32
      %get3A_1571 = arith.constant 42 : i32
      %get3A_1572 = arith.index_cast %get3A_1570 : i32 to index
      %get3A_1573 = arith.index_cast %get3A_1571 : i32 to index
      %get3A_1574 = arith.constant 0 : index
      %get3A_1575 = tpu.vector_load %arg10[%get3A_1572, %get3A_1573, %get3A_1574] {strides = array<i32>} : memref<2x64x128xf32, #tpu.memory_space<vmem>>, vector<16xf32>,
      %swap3A_1576 = arith.constant 1 : i32
      %swap3A_1577 = arith.constant 42 : i32
      %swap3A_1578 = arith.index_cast %swap3A_1576 : i32 to index
      %swap3A_1579 = arith.index_cast %swap3A_1577 : i32 to index
      %swap3A_1580 = arith.constant 0 : index
      %swap3A_1581 = tpu.vector_load %arg11[%swap3A_1578, %swap3A_1579, %swap3A_1580] {strides = array<i32>} : memref<2x64x16xf32, #tpu.memory_space<vmem>>, vector<16xf32>,
      tpu.vector_store %arg11[%swap3A_1578, %swap3A_1579, %swap3A_1580], %get3A_1575 {strides = array<i32>} : memref<2x64x16xf32, #tpu.memory_space<vmem>>, vector<16xf32>,
      %get3A_1582 = arith.constant 1 : i32
      %get3A_1583 = arith.constant 43 : i32
      %get3A_1584 = arith.index_cast %get3A_1582 : i32 to index
      %get3A_1585 = arith.index_cast %get3A_1583 : i32 to index
      %get3A_1586 = arith.constant 0 : index
      %get3A_1587 = tpu.vector_load %arg10[%get3A_1584, %get3A_1585, %get3A_1586] {strides = array<i32>} : memref<2x64x128xf32, #tpu.memory_space<vmem>>, vector<16xf32>,
      %swap3A_1588 = arith.constant 1 : i32
      %swap3A_1589 = arith.constant 43 : i32
      %swap3A_1590 = arith.index_cast %swap3A_1588 : i32 to index
      %swap3A_1591 = arith.index_cast %swap3A_1589 : i32 to index
      %swap3A_1592 = arith.constant 0 : index
      %swap3A_1593 = tpu.vector_load %arg11[%swap3A_1590, %swap3A_1591, %swap3A_1592] {strides = array<i32>} : memref<2x64x16xf32, #tpu.memory_space<vmem>>, vector<16xf32>,
      tpu.vector_store %arg11[%swap3A_1590, %swap3A_1591, %swap3A_1592], %get3A_1587 {strides = array<i32>} : memref<2x64x16xf32, #tpu.memory_space<vmem>>, vector<16xf32>,
      %get3A_1594 = arith.constant 1 : i32
      %get3A_1595 = arith.constant 44 : i32
      %get3A_1596 = arith.index_cast %get3A_1594 : i32 to index
      %get3A_1597 = arith.index_cast %get3A_1595 : i32 to index
      %get3A_1598 = arith.constant 0 : index
      %get3A_1599 = tpu.vector_load %arg10[%get3A_1596, %get3A_1597, %get3A_1598] {strides = array<i32>} : memref<2x64x128xf32, #tpu.memory_space<vmem>>, vector<16xf32>,
      %swap3A_1600 = arith.constant 1 : i32
      %swap3A_1601 = arith.constant 44 : i32
      %swap3A_1602 = arith.index_cast %swap3A_1600 : i32 to index
      %swap3A_1603 = arith.index_cast %swap3A_1601 : i32 to index
      %swap3A_1604 = arith.constant 0 : index
      %swap3A_1605 = tpu.vector_load %arg11[%swap3A_1602, %swap3A_1603, %swap3A_1604] {strides = array<i32>} : memref<2x64x16xf32, #tpu.memory_space<vmem>>, vector<16xf32>,
      tpu.vector_store %arg11[%swap3A_1602, %swap3A_1603, %swap3A_1604], %get3A_1599 {strides = array<i32>} : memref<2x64x16xf32, #tpu.memory_space<vmem>>, vector<16xf32>,
      %get3A_1606 = arith.constant 1 : i32
      %get3A_1607 = arith.constant 45 : i32
      %get3A_1608 = arith.index_cast %get3A_1606 : i32 to index
      %get3A_1609 = arith.index_cast %get3A_1607 : i32 to index
      %get3A_1610 = arith.constant 0 : index
      %get3A_1611 = tpu.vector_load %arg10[%get3A_1608, %get3A_1609, %get3A_1610] {strides = array<i32>} : memref<2x64x128xf32, #tpu.memory_space<vmem>>, vector<16xf32>,
      %swap3A_1612 = arith.constant 1 : i32
      %swap3A_1613 = arith.constant 45 : i32
      %swap3A_1614 = arith.index_cast %swap3A_1612 : i32 to index
      %swap3A_1615 = arith.index_cast %swap3A_1613 : i32 to index
      %swap3A_1616 = arith.constant 0 : index
      %swap3A_1617 = tpu.vector_load %arg11[%swap3A_1614, %swap3A_1615, %swap3A_1616] {strides = array<i32>} : memref<2x64x16xf32, #tpu.memory_space<vmem>>, vector<16xf32>,
      tpu.vector_store %arg11[%swap3A_1614, %swap3A_1615, %swap3A_1616], %get3A_1611 {strides = array<i32>} : memref<2x64x16xf32, #tpu.memory_space<vmem>>, vector<16xf32>,
      %get3A_1618 = arith.constant 1 : i32
      %get3A_1619 = arith.constant 46 : i32
      %get3A_1620 = arith.index_cast %get3A_1618 : i32 to index
      %get3A_1621 = arith.index_cast %get3A_1619 : i32 to index
      %get3A_1622 = arith.constant 0 : index
      %get3A_1623 = tpu.vector_load %arg10[%get3A_1620, %get3A_1621, %get3A_1622] {strides = array<i32>} : memref<2x64x128xf32, #tpu.memory_space<vmem>>, vector<16xf32>,
      %swap3A_1624 = arith.constant 1 : i32
      %swap3A_1625 = arith.constant 46 : i32
      %swap3A_1626 = arith.index_cast %swap3A_1624 : i32 to index
      %swap3A_1627 = arith.index_cast %swap3A_1625 : i32 to index
      %swap3A_1628 = arith.constant 0 : index
      %swap3A_1629 = tpu.vector_load %arg11[%swap3A_1626, %swap3A_1627, %swap3A_1628] {strides = array<i32>} : memref<2x64x16xf32, #tpu.memory_space<vmem>>, vector<16xf32>,
      tpu.vector_store %arg11[%swap3A_1626, %swap3A_1627, %swap3A_1628], %get3A_1623 {strides = array<i32>} : memref<2x64x16xf32, #tpu.memory_space<vmem>>, vector<16xf32>,
      %get3A_1630 = arith.constant 1 : i32
      %get3A_1631 = arith.constant 47 : i32
      %get3A_1632 = arith.index_cast %get3A_1630 : i32 to index
      %get3A_1633 = arith.index_cast %get3A_1631 : i32 to index
      %get3A_1634 = arith.constant 0 : index
      %get3A_1635 = tpu.vector_load %arg10[%get3A_1632, %get3A_1633, %get3A_1634] {strides = array<i32>} : memref<2x64x128xf32, #tpu.memory_space<vmem>>, vector<16xf32>,
      %swap3A_1636 = arith.constant 1 : i32
      %swap3A_1637 = arith.constant 47 : i32
      %swap3A_1638 = arith.index_cast %swap3A_1636 : i32 to index
      %swap3A_1639 = arith.index_cast %swap3A_1637 : i32 to index
      %swap3A_1640 = arith.constant 0 : index
      %swap3A_1641 = tpu.vector_load %arg11[%swap3A_1638, %swap3A_1639, %swap3A_1640] {strides = array<i32>} : memref<2x64x16xf32, #tpu.memory_space<vmem>>, vector<16xf32>,
      tpu.vector_store %arg11[%swap3A_1638, %swap3A_1639, %swap3A_1640], %get3A_1635 {strides = array<i32>} : memref<2x64x16xf32, #tpu.memory_space<vmem>>, vector<16xf32>,
      %get3A_1642 = arith.constant 1 : i32
      %get3A_1643 = arith.constant 48 : i32
      %get3A_1644 = arith.index_cast %get3A_1642 : i32 to index
      %get3A_1645 = arith.index_cast %get3A_1643 : i32 to index
      %get3A_1646 = arith.constant 0 : index
      %get3A_1647 = tpu.vector_load %arg10[%get3A_1644, %get3A_1645, %get3A_1646] {strides = array<i32>} : memref<2x64x128xf32, #tpu.memory_space<vmem>>, vector<16xf32>,
      %swap3A_1648 = arith.constant 1 : i32
      %swap3A_1649 = arith.constant 48 : i32
      %swap3A_1650 = arith.index_cast %swap3A_1648 : i32 to index
      %swap3A_1651 = arith.index_cast %swap3A_1649 : i32 to index
      %swap3A_1652 = arith.constant 0 : index
      %swap3A_1653 = tpu.vector_load %arg11[%swap3A_1650, %swap3A_1651, %swap3A_1652] {strides = array<i32>} : memref<2x64x16xf32, #tpu.memory_space<vmem>>, vector<16xf32>,
      tpu.vector_store %arg11[%swap3A_1650, %swap3A_1651, %swap3A_1652], %get3A_1647 {strides = array<i32>} : memref<2x64x16xf32, #tpu.memory_space<vmem>>, vector<16xf32>,
      %get3A_1654 = arith.constant 1 : i32
      %get3A_1655 = arith.constant 49 : i32
      %get3A_1656 = arith.index_cast %get3A_1654 : i32 to index
      %get3A_1657 = arith.index_cast %get3A_1655 : i32 to index
      %get3A_1658 = arith.constant 0 : index
      %get3A_1659 = tpu.vector_load %arg10[%get3A_1656, %get3A_1657, %get3A_1658] {strides = array<i32>} : memref<2x64x128xf32, #tpu.memory_space<vmem>>, vector<16xf32>,
      %swap3A_1660 = arith.constant 1 : i32
      %swap3A_1661 = arith.constant 49 : i32
      %swap3A_1662 = arith.index_cast %swap3A_1660 : i32 to index
      %swap3A_1663 = arith.index_cast %swap3A_1661 : i32 to index
      %swap3A_1664 = arith.constant 0 : index
      %swap3A_1665 = tpu.vector_load %arg11[%swap3A_1662, %swap3A_1663, %swap3A_1664] {strides = array<i32>} : memref<2x64x16xf32, #tpu.memory_space<vmem>>, vector<16xf32>,
      tpu.vector_store %arg11[%swap3A_1662, %swap3A_1663, %swap3A_1664], %get3A_1659 {strides = array<i32>} : memref<2x64x16xf32, #tpu.memory_space<vmem>>, vector<16xf32>,
      %get3A_1666 = arith.constant 1 : i32
      %get3A_1667 = arith.constant 50 : i32
      %get3A_1668 = arith.index_cast %get3A_1666 : i32 to index
      %get3A_1669 = arith.index_cast %get3A_1667 : i32 to index
      %get3A_1670 = arith.constant 0 : index
      %get3A_1671 = tpu.vector_load %arg10[%get3A_1668, %get3A_1669, %get3A_1670] {strides = array<i32>} : memref<2x64x128xf32, #tpu.memory_space<vmem>>, vector<16xf32>,
      %swap3A_1672 = arith.constant 1 : i32
      %swap3A_1673 = arith.constant 50 : i32
      %swap3A_1674 = arith.index_cast %swap3A_1672 : i32 to index
      %swap3A_1675 = arith.index_cast %swap3A_1673 : i32 to index
      %swap3A_1676 = arith.constant 0 : index
      %swap3A_1677 = tpu.vector_load %arg11[%swap3A_1674, %swap3A_1675, %swap3A_1676] {strides = array<i32>} : memref<2x64x16xf32, #tpu.memory_space<vmem>>, vector<16xf32>,
      tpu.vector_store %arg11[%swap3A_1674, %swap3A_1675, %swap3A_1676], %get3A_1671 {strides = array<i32>} : memref<2x64x16xf32, #tpu.memory_space<vmem>>, vector<16xf32>,
      %get3A_1678 = arith.constant 1 : i32
      %get3A_1679 = arith.constant 51 : i32
      %get3A_1680 = arith.index_cast %get3A_1678 : i32 to index
      %get3A_1681 = arith.index_cast %get3A_1679 : i32 to index
      %get3A_1682 = arith.constant 0 : index
      %get3A_1683 = tpu.vector_load %arg10[%get3A_1680, %get3A_1681, %get3A_1682] {strides = array<i32>} : memref<2x64x128xf32, #tpu.memory_space<vmem>>, vector<16xf32>,
      %swap3A_1684 = arith.constant 1 : i32
      %swap3A_1685 = arith.constant 51 : i32
      %swap3A_1686 = arith.index_cast %swap3A_1684 : i32 to index
      %swap3A_1687 = arith.index_cast %swap3A_1685 : i32 to index
      %swap3A_1688 = arith.constant 0 : index
      %swap3A_1689 = tpu.vector_load %arg11[%swap3A_1686, %swap3A_1687, %swap3A_1688] {strides = array<i32>} : memref<2x64x16xf32, #tpu.memory_space<vmem>>, vector<16xf32>,
      tpu.vector_store %arg11[%swap3A_1686, %swap3A_1687, %swap3A_1688], %get3A_1683 {strides = array<i32>} : memref<2x64x16xf32, #tpu.memory_space<vmem>>, vector<16xf32>,
      %get3A_1690 = arith.constant 1 : i32
      %get3A_1691 = arith.constant 52 : i32
      %get3A_1692 = arith.index_cast %get3A_1690 : i32 to index
      %get3A_1693 = arith.index_cast %get3A_1691 : i32 to index
      %get3A_1694 = arith.constant 0 : index
      %get3A_1695 = tpu.vector_load %arg10[%get3A_1692, %get3A_1693, %get3A_1694] {strides = array<i32>} : memref<2x64x128xf32, #tpu.memory_space<vmem>>, vector<16xf32>,
      %swap3A_1696 = arith.constant 1 : i32
      %swap3A_1697 = arith.constant 52 : i32
      %swap3A_1698 = arith.index_cast %swap3A_1696 : i32 to index
      %swap3A_1699 = arith.index_cast %swap3A_1697 : i32 to index
      %swap3A_1700 = arith.constant 0 : index
      %swap3A_1701 = tpu.vector_load %arg11[%swap3A_1698, %swap3A_1699, %swap3A_1700] {strides = array<i32>} : memref<2x64x16xf32, #tpu.memory_space<vmem>>, vector<16xf32>,
      tpu.vector_store %arg11[%swap3A_1698, %swap3A_1699, %swap3A_1700], %get3A_1695 {strides = array<i32>} : memref<2x64x16xf32, #tpu.memory_space<vmem>>, vector<16xf32>,
      %get3A_1702 = arith.constant 1 : i32
      %get3A_1703 = arith.constant 53 : i32
      %get3A_1704 = arith.index_cast %get3A_1702 : i32 to index
      %get3A_1705 = arith.index_cast %get3A_1703 : i32 to index
      %get3A_1706 = arith.constant 0 : index
      %get3A_1707 = tpu.vector_load %arg10[%get3A_1704, %get3A_1705, %get3A_1706] {strides = array<i32>} : memref<2x64x128xf32, #tpu.memory_space<vmem>>, vector<16xf32>,
      %swap3A_1708 = arith.constant 1 : i32
      %swap3A_1709 = arith.constant 53 : i32
      %swap3A_1710 = arith.index_cast %swap3A_1708 : i32 to index
      %swap3A_1711 = arith.index_cast %swap3A_1709 : i32 to index
      %swap3A_1712 = arith.constant 0 : index
      %swap3A_1713 = tpu.vector_load %arg11[%swap3A_1710, %swap3A_1711, %swap3A_1712] {strides = array<i32>} : memref<2x64x16xf32, #tpu.memory_space<vmem>>, vector<16xf32>,
      tpu.vector_store %arg11[%swap3A_1710, %swap3A_1711, %swap3A_1712], %get3A_1707 {strides = array<i32>} : memref<2x64x16xf32, #tpu.memory_space<vmem>>, vector<16xf32>,
      %get3A_1714 = arith.constant 1 : i32
      %get3A_1715 = arith.constant 54 : i32
      %get3A_1716 = arith.index_cast %get3A_1714 : i32 to index
      %get3A_1717 = arith.index_cast %get3A_1715 : i32 to index
      %get3A_1718 = arith.constant 0 : index
      %get3A_1719 = tpu.vector_load %arg10[%get3A_1716, %get3A_1717, %get3A_1718] {strides = array<i32>} : memref<2x64x128xf32, #tpu.memory_space<vmem>>, vector<16xf32>,
      %swap3A_1720 = arith.constant 1 : i32
      %swap3A_1721 = arith.constant 54 : i32
      %swap3A_1722 = arith.index_cast %swap3A_1720 : i32 to index
      %swap3A_1723 = arith.index_cast %swap3A_1721 : i32 to index
      %swap3A_1724 = arith.constant 0 : index
      %swap3A_1725 = tpu.vector_load %arg11[%swap3A_1722, %swap3A_1723, %swap3A_1724] {strides = array<i32>} : memref<2x64x16xf32, #tpu.memory_space<vmem>>, vector<16xf32>,
      tpu.vector_store %arg11[%swap3A_1722, %swap3A_1723, %swap3A_1724], %get3A_1719 {strides = array<i32>} : memref<2x64x16xf32, #tpu.memory_space<vmem>>, vector<16xf32>,
      %get3A_1726 = arith.constant 1 : i32
      %get3A_1727 = arith.constant 55 : i32
      %get3A_1728 = arith.index_cast %get3A_1726 : i32 to index
      %get3A_1729 = arith.index_cast %get3A_1727 : i32 to index
      %get3A_1730 = arith.constant 0 : index
      %get3A_1731 = tpu.vector_load %arg10[%get3A_1728, %get3A_1729, %get3A_1730] {strides = array<i32>} : memref<2x64x128xf32, #tpu.memory_space<vmem>>, vector<16xf32>,
      %swap3A_1732 = arith.constant 1 : i32
      %swap3A_1733 = arith.constant 55 : i32
      %swap3A_1734 = arith.index_cast %swap3A_1732 : i32 to index
      %swap3A_1735 = arith.index_cast %swap3A_1733 : i32 to index
      %swap3A_1736 = arith.constant 0 : index
      %swap3A_1737 = tpu.vector_load %arg11[%swap3A_1734, %swap3A_1735, %swap3A_1736] {strides = array<i32>} : memref<2x64x16xf32, #tpu.memory_space<vmem>>, vector<16xf32>,
      tpu.vector_store %arg11[%swap3A_1734, %swap3A_1735, %swap3A_1736], %get3A_1731 {strides = array<i32>} : memref<2x64x16xf32, #tpu.memory_space<vmem>>, vector<16xf32>,
      %get3A_1738 = arith.constant 1 : i32
      %get3A_1739 = arith.constant 56 : i32
      %get3A_1740 = arith.index_cast %get3A_1738 : i32 to index
      %get3A_1741 = arith.index_cast %get3A_1739 : i32 to index
      %get3A_1742 = arith.constant 0 : index
      %get3A_1743 = tpu.vector_load %arg10[%get3A_1740, %get3A_1741, %get3A_1742] {strides = array<i32>} : memref<2x64x128xf32, #tpu.memory_space<vmem>>, vector<16xf32>,
      %swap3A_1744 = arith.constant 1 : i32
      %swap3A_1745 = arith.constant 56 : i32
      %swap3A_1746 = arith.index_cast %swap3A_1744 : i32 to index
      %swap3A_1747 = arith.index_cast %swap3A_1745 : i32 to index
      %swap3A_1748 = arith.constant 0 : index
      %swap3A_1749 = tpu.vector_load %arg11[%swap3A_1746, %swap3A_1747, %swap3A_1748] {strides = array<i32>} : memref<2x64x16xf32, #tpu.memory_space<vmem>>, vector<16xf32>,
      tpu.vector_store %arg11[%swap3A_1746, %swap3A_1747, %swap3A_1748], %get3A_1743 {strides = array<i32>} : memref<2x64x16xf32, #tpu.memory_space<vmem>>, vector<16xf32>,
      %get3A_1750 = arith.constant 1 : i32
      %get3A_1751 = arith.constant 57 : i32
      %get3A_1752 = arith.index_cast %get3A_1750 : i32 to index
      %get3A_1753 = arith.index_cast %get3A_1751 : i32 to index
      %get3A_1754 = arith.constant 0 : index
      %get3A_1755 = tpu.vector_load %arg10[%get3A_1752, %get3A_1753, %get3A_1754] {strides = array<i32>} : memref<2x64x128xf32, #tpu.memory_space<vmem>>, vector<16xf32>,
      %swap3A_1756 = arith.constant 1 : i32
      %swap3A_1757 = arith.constant 57 : i32
      %swap3A_1758 = arith.index_cast %swap3A_1756 : i32 to index
      %swap3A_1759 = arith.index_cast %swap3A_1757 : i32 to index
      %swap3A_1760 = arith.constant 0 : index
      %swap3A_1761 = tpu.vector_load %arg11[%swap3A_1758, %swap3A_1759, %swap3A_1760] {strides = array<i32>} : memref<2x64x16xf32, #tpu.memory_space<vmem>>, vector<16xf32>,
      tpu.vector_store %arg11[%swap3A_1758, %swap3A_1759, %swap3A_1760], %get3A_1755 {strides = array<i32>} : memref<2x64x16xf32, #tpu.memory_space<vmem>>, vector<16xf32>,
      %get3A_1762 = arith.constant 1 : i32
      %get3A_1763 = arith.constant 58 : i32
      %get3A_1764 = arith.index_cast %get3A_1762 : i32 to index
      %get3A_1765 = arith.index_cast %get3A_1763 : i32 to index
      %get3A_1766 = arith.constant 0 : index
      %get3A_1767 = tpu.vector_load %arg10[%get3A_1764, %get3A_1765, %get3A_1766] {strides = array<i32>} : memref<2x64x128xf32, #tpu.memory_space<vmem>>, vector<16xf32>,
      %swap3A_1768 = arith.constant 1 : i32
      %swap3A_1769 = arith.constant 58 : i32
      %swap3A_1770 = arith.index_cast %swap3A_1768 : i32 to index
      %swap3A_1771 = arith.index_cast %swap3A_1769 : i32 to index
      %swap3A_1772 = arith.constant 0 : index
      %swap3A_1773 = tpu.vector_load %arg11[%swap3A_1770, %swap3A_1771, %swap3A_1772] {strides = array<i32>} : memref<2x64x16xf32, #tpu.memory_space<vmem>>, vector<16xf32>,
      tpu.vector_store %arg11[%swap3A_1770, %swap3A_1771, %swap3A_1772], %get3A_1767 {strides = array<i32>} : memref<2x64x16xf32, #tpu.memory_space<vmem>>, vector<16xf32>,
      %get3A_1774 = arith.constant 1 : i32
      %get3A_1775 = arith.constant 59 : i32
      %get3A_1776 = arith.index_cast %get3A_1774 : i32 to index
      %get3A_1777 = arith.index_cast %get3A_1775 : i32 to index
      %get3A_1778 = arith.constant 0 : index
      %get3A_1779 = tpu.vector_load %arg10[%get3A_1776, %get3A_1777, %get3A_1778] {strides = array<i32>} : memref<2x64x128xf32, #tpu.memory_space<vmem>>, vector<16xf32>,
      %swap3A_1780 = arith.constant 1 : i32
      %swap3A_1781 = arith.constant 59 : i32
      %swap3A_1782 = arith.index_cast %swap3A_1780 : i32 to index
      %swap3A_1783 = arith.index_cast %swap3A_1781 : i32 to index
      %swap3A_1784 = arith.constant 0 : index
      %swap3A_1785 = tpu.vector_load %arg11[%swap3A_1782, %swap3A_1783, %swap3A_1784] {strides = array<i32>} : memref<2x64x16xf32, #tpu.memory_space<vmem>>, vector<16xf32>,
      tpu.vector_store %arg11[%swap3A_1782, %swap3A_1783, %swap3A_1784], %get3A_1779 {strides = array<i32>} : memref<2x64x16xf32, #tpu.memory_space<vmem>>, vector<16xf32>,
      %get3A_1786 = arith.constant 1 : i32
      %get3A_1787 = arith.constant 60 : i32
      %get3A_1788 = arith.index_cast %get3A_1786 : i32 to index
      %get3A_1789 = arith.index_cast %get3A_1787 : i32 to index
      %get3A_1790 = arith.constant 0 : index
      %get3A_1791 = tpu.vector_load %arg10[%get3A_1788, %get3A_1789, %get3A_1790] {strides = array<i32>} : memref<2x64x128xf32, #tpu.memory_space<vmem>>, vector<16xf32>,
      %swap3A_1792 = arith.constant 1 : i32
      %swap3A_1793 = arith.constant 60 : i32
      %swap3A_1794 = arith.index_cast %swap3A_1792 : i32 to index
      %swap3A_1795 = arith.index_cast %swap3A_1793 : i32 to index
      %swap3A_1796 = arith.constant 0 : index
      %swap3A_1797 = tpu.vector_load %arg11[%swap3A_1794, %swap3A_1795, %swap3A_1796] {strides = array<i32>} : memref<2x64x16xf32, #tpu.memory_space<vmem>>, vector<16xf32>,
      tpu.vector_store %arg11[%swap3A_1794, %swap3A_1795, %swap3A_1796], %get3A_1791 {strides = array<i32>} : memref<2x64x16xf32, #tpu.memory_space<vmem>>, vector<16xf32>,
      %get3A_1798 = arith.constant 1 : i32
      %get3A_1799 = arith.constant 61 : i32
      %get3A_1800 = arith.index_cast %get3A_1798 : i32 to index
      %get3A_1801 = arith.index_cast %get3A_1799 : i32 to index
      %get3A_1802 = arith.constant 0 : index
      %get3A_1803 = tpu.vector_load %arg10[%get3A_1800, %get3A_1801, %get3A_1802] {strides = array<i32>} : memref<2x64x128xf32, #tpu.memory_space<vmem>>, vector<16xf32>,
      %swap3A_1804 = arith.constant 1 : i32
      %swap3A_1805 = arith.constant 61 : i32
      %swap3A_1806 = arith.index_cast %swap3A_1804 : i32 to index
      %swap3A_1807 = arith.index_cast %swap3A_1805 : i32 to index
      %swap3A_1808 = arith.constant 0 : index
      %swap3A_1809 = tpu.vector_load %arg11[%swap3A_1806, %swap3A_1807, %swap3A_1808] {strides = array<i32>} : memref<2x64x16xf32, #tpu.memory_space<vmem>>, vector<16xf32>,
      tpu.vector_store %arg11[%swap3A_1806, %swap3A_1807, %swap3A_1808], %get3A_1803 {strides = array<i32>} : memref<2x64x16xf32, #tpu.memory_space<vmem>>, vector<16xf32>,
      %get3A_1810 = arith.constant 1 : i32
      %get3A_1811 = arith.constant 62 : i32
      %get3A_1812 = arith.index_cast %get3A_1810 : i32 to index
      %get3A_1813 = arith.index_cast %get3A_1811 : i32 to index
      %get3A_1814 = arith.constant 0 : index
      %get3A_1815 = tpu.vector_load %arg10[%get3A_1812, %get3A_1813, %get3A_1814] {strides = array<i32>} : memref<2x64x128xf32, #tpu.memory_space<vmem>>, vector<16xf32>,
      %swap3A_1816 = arith.constant 1 : i32
      %swap3A_1817 = arith.constant 62 : i32
      %swap3A_1818 = arith.index_cast %swap3A_1816 : i32 to index
      %swap3A_1819 = arith.index_cast %swap3A_1817 : i32 to index
      %swap3A_1820 = arith.constant 0 : index
      %swap3A_1821 = tpu.vector_load %arg11[%swap3A_1818, %swap3A_1819, %swap3A_1820] {strides = array<i32>} : memref<2x64x16xf32, #tpu.memory_space<vmem>>, vector<16xf32>,
      tpu.vector_store %arg11[%swap3A_1818, %swap3A_1819, %swap3A_1820], %get3A_1815 {strides = array<i32>} : memref<2x64x16xf32, #tpu.memory_space<vmem>>, vector<16xf32>,
      %get3A_1822 = arith.constant 1 : i32
      %get3A_1823 = arith.constant 63 : i32
      %get3A_1824 = arith.index_cast %get3A_1822 : i32 to index
      %get3A_1825 = arith.index_cast %get3A_1823 : i32 to index
      %get3A_1826 = arith.constant 0 : index
      %get3A_1827 = tpu.vector_load %arg10[%get3A_1824, %get3A_1825, %get3A_1826] {strides = array<i32>} : memref<2x64x128xf32, #tpu.memory_space<vmem>>, vector<16xf32>,
      %swap3A_1828 = arith.constant 1 : i32
      %swap3A_1829 = arith.constant 63 : i32
      %swap3A_1830 = arith.index_cast %swap3A_1828 : i32 to index
      %swap3A_1831 = arith.index_cast %swap3A_1829 : i32 to index
      %swap3A_1832 = arith.constant 0 : index
      %swap3A_1833 = tpu.vector_load %arg11[%swap3A_1830, %swap3A_1831, %swap3A_1832] {strides = array<i32>} : memref<2x64x16xf32, #tpu.memory_space<vmem>>, vector<16xf32>,
      tpu.vector_store %arg11[%swap3A_1830, %swap3A_1831, %swap3A_1832], %get3A_1827 {strides = array<i32>} : memref<2x64x16xf32, #tpu.memory_space<vmem>>, vector<16xf32>,
      %run_scoped3A_1834 = arith.constant 1 : i32
      %run_scoped3A_1835 = arith.constant 1 : i32
      "tpu.region"() ({
        %run_scoped3A_1838 = tpu.sem_alloc : memref<!tpu.dma_semaphore, #tpu.memory_space<semaphore_mem>>
        %dma_start3A_1839 = arith.constant 0 : i32
        %dma_start3A_1840 = arith.constant 0 : i32
        %dma_start3A_1841 = tpu.memref_slice %arg9[%run_scoped3A_1834, %dma_start3A_1839, %dma_start3A_1840] : memref<2x64x128xf32, #tpu.memory_space<vmem>> -> memref<1x64x128xf32, #tpu.memory_space<vmem>>
        %dma_start3A_1842 = tpu.memref_squeeze %dma_start3A_1841 : memref<1x64x128xf32, #tpu.memory_space<vmem>> -> memref<64x128xf32, #tpu.memory_space<vmem>>
        %dma_start3A_1843 = arith.constant 0 : i32
        %dma_start3A_1844 = tpu.memref_slice %arg12[%run_scoped3A_1835, %dma_start3A_1843] : memref<2x64xi32, #tpu.memory_space<vmem>> -> memref<1x64xi32, #tpu.memory_space<vmem>>
        %dma_start3A_1845 = tpu.memref_squeeze %dma_start3A_1844 : memref<1x64xi32, #tpu.memory_space<vmem>> -> memref<64xi32, #tpu.memory_space<vmem>>
        %dma_start3A_1846 = arith.constant 0 : i32
        %dma_start3A_1847 = arith.constant 0 : i32
        %dma_start3A_1848 = tpu.memref_slice %arg7[%dma_start3A_1846, %dma_start3A_1847] : memref<10016x128xf32, #tpu.memory_space<vmem_shared>> -> memref<10016x128xf32, #tpu.memory_space<vmem_shared>>
        tpu.enqueue_indirect_dma source(%dma_start3A_1842 : memref<64x128xf32, #tpu.memory_space<vmem>>) target(%dma_start3A_1848 : memref<10016x128xf32, #tpu.memory_space<vmem_shared>>) offsets(%dma_start3A_1845 : memref<64xi32, #tpu.memory_space<vmem>>) semaphore(%run_scoped3A_1838 : memref<!tpu.dma_semaphore, #tpu.memory_space<semaphore_mem>>) {add = true}
        %dma_wait3A_1849 = arith.constant 0 : i32
        %dma_wait3A_1850 = arith.constant 0 : i32
        %dma_wait3A_1851 = tpu.memref_slice %arg9[%run_scoped3A_1834, %dma_wait3A_1849, %dma_wait3A_1850] : memref<2x64x128xf32, #tpu.memory_space<vmem>> -> memref<1x64x128xf32, #tpu.memory_space<vmem>>
        %dma_wait3A_1852 = tpu.memref_squeeze %dma_wait3A_1851 : memref<1x64x128xf32, #tpu.memory_space<vmem>> -> memref<64x128xf32, #tpu.memory_space<vmem>>
        %dma_wait3A_1853 = arith.constant 0 : i32
        %dma_wait3A_1854 = tpu.memref_slice %arg12[%run_scoped3A_1835, %dma_wait3A_1853] : memref<2x64xi32, #tpu.memory_space<vmem>> -> memref<1x64xi32, #tpu.memory_space<vmem>>
        %dma_wait3A_1855 = tpu.memref_squeeze %dma_wait3A_1854 : memref<1x64xi32, #tpu.memory_space<vmem>> -> memref<64xi32, #tpu.memory_space<vmem>>
        %dma_wait3A_1856 = arith.constant 0 : i32
        %dma_wait3A_1857 = arith.constant 0 : i32
        %dma_wait3A_1858 = tpu.memref_slice %arg7[%dma_wait3A_1856, %dma_wait3A_1857] : memref<10016x128xf32, #tpu.memory_space<vmem_shared>> -> memref<10016x128xf32, #tpu.memory_space<vmem_shared>>
        tpu.wait_indirect_dma semaphore(%run_scoped3A_1838 : memref<!tpu.dma_semaphore, #tpu.memory_space<semaphore_mem>>) src(%dma_wait3A_1852 : memref<64x128xf32, #tpu.memory_space<vmem>>) dst(%dma_wait3A_1858 : memref<10016x128xf32, #tpu.memory_space<vmem_shared>>)
        tpu.yield
      }) : () -> ()
      %run_scoped3A_1836 = arith.constant 1 : i32
      %run_scoped3A_1837 = arith.constant 1 : i32
      "tpu.region"() ({
        %run_scoped3A_1838 = tpu.sem_alloc : memref<!tpu.dma_semaphore, #tpu.memory_space<semaphore_mem>>
        %dma_start3A_1839 = arith.constant 0 : i32
        %dma_start3A_1840 = arith.constant 0 : i32
        %dma_start3A_1841 = tpu.memref_slice %arg11[%run_scoped3A_1836, %dma_start3A_1839, %dma_start3A_1840] : memref<2x64x16xf32, #tpu.memory_space<vmem>> -> memref<1x64x16xf32, #tpu.memory_space<vmem>>
        %dma_start3A_1842 = tpu.memref_squeeze %dma_start3A_1841 : memref<1x64x16xf32, #tpu.memory_space<vmem>> -> memref<64x16xf32, #tpu.memory_space<vmem>>
        %dma_start3A_1843 = arith.constant 0 : i32
        %dma_start3A_1844 = tpu.memref_slice %arg12[%run_scoped3A_1837, %dma_start3A_1843] : memref<2x64xi32, #tpu.memory_space<vmem>> -> memref<1x64xi32, #tpu.memory_space<vmem>>
        %dma_start3A_1845 = tpu.memref_squeeze %dma_start3A_1844 : memref<1x64xi32, #tpu.memory_space<vmem>> -> memref<64xi32, #tpu.memory_space<vmem>>
        %dma_start3A_1846 = arith.constant 0 : i32
        %dma_start3A_1847 = arith.constant 0 : i32
        %dma_start3A_1848 = tpu.memref_slice %arg8[%dma_start3A_1846, %dma_start3A_1847] : memref<10016x16xf32, #tpu.memory_space<vmem_shared>> -> memref<10016x16xf32, #tpu.memory_space<vmem_shared>>
        tpu.enqueue_indirect_dma source(%dma_start3A_1842 : memref<64x16xf32, #tpu.memory_space<vmem>>) target(%dma_start3A_1848 : memref<10016x16xf32, #tpu.memory_space<vmem_shared>>) offsets(%dma_start3A_1845 : memref<64xi32, #tpu.memory_space<vmem>>) semaphore(%run_scoped3A_1838 : memref<!tpu.dma_semaphore, #tpu.memory_space<semaphore_mem>>) {add = true}
        %dma_wait3A_1849 = arith.constant 0 : i32
        %dma_wait3A_1850 = arith.constant 0 : i32
        %dma_wait3A_1851 = tpu.memref_slice %arg11[%run_scoped3A_1836, %dma_wait3A_1849, %dma_wait3A_1850] : memref<2x64x16xf32, #tpu.memory_space<vmem>> -> memref<1x64x16xf32, #tpu.memory_space<vmem>>
        %dma_wait3A_1852 = tpu.memref_squeeze %dma_wait3A_1851 : memref<1x64x16xf32, #tpu.memory_space<vmem>> -> memref<64x16xf32, #tpu.memory_space<vmem>>
        %dma_wait3A_1853 = arith.constant 0 : i32
        %dma_wait3A_1854 = tpu.memref_slice %arg12[%run_scoped3A_1837, %dma_wait3A_1853] : memref<2x64xi32, #tpu.memory_space<vmem>> -> memref<1x64xi32, #tpu.memory_space<vmem>>
        %dma_wait3A_1855 = tpu.memref_squeeze %dma_wait3A_1854 : memref<1x64xi32, #tpu.memory_space<vmem>> -> memref<64xi32, #tpu.memory_space<vmem>>
        %dma_wait3A_1856 = arith.constant 0 : i32
        %dma_wait3A_1857 = arith.constant 0 : i32
        %dma_wait3A_1858 = tpu.memref_slice %arg8[%dma_wait3A_1856, %dma_wait3A_1857] : memref<10016x16xf32, #tpu.memory_space<vmem_shared>> -> memref<10016x16xf32, #tpu.memory_space<vmem_shared>>
        tpu.wait_indirect_dma semaphore(%run_scoped3A_1838 : memref<!tpu.dma_semaphore, #tpu.memory_space<semaphore_mem>>) src(%dma_wait3A_1852 : memref<64x16xf32, #tpu.memory_space<vmem>>) dst(%dma_wait3A_1858 : memref<10016x16xf32, #tpu.memory_space<vmem_shared>>)
        tpu.yield
      }) : () -> ()
    }
    %scan3A_65 = arith.constant 80 : i32
    %dma_wait3A = arith.constant 0 : i32
    %dma_wait3A_66 = arith.constant 0 : i32
    %dma_wait3A_67 = arith.constant 0 : i32
    %dma_wait3A_68 = tpu.memref_slice %arg9[%dma_wait3A, %dma_wait3A_66, %dma_wait3A_67] : memref<2x64x128xf32, #tpu.memory_space<vmem>> -> memref<1x64x128xf32, #tpu.memory_space<vmem>>
    %dma_wait3A_69 = tpu.memref_squeeze %dma_wait3A_68 : memref<1x64x128xf32, #tpu.memory_space<vmem>> -> memref<64x128xf32, #tpu.memory_space<vmem>>
    %dma_wait3A_70 = arith.constant 0 : i32
    %dma_wait3A_71 = arith.constant 0 : i32
    %dma_wait3A_72 = tpu.memref_slice %arg3[%dma_wait3A_70, %dma_wait3A_71] : memref<327680x128xf32, #tpu.memory_space<hbm>> -> memref<64x128xf32, #tpu.memory_space<hbm>>
    %dma_wait3A_73 = arith.constant 0 : i32
    %dma_wait3A_74 = arith.constant 0 : i32
    %dma_wait3A_75 = tpu.memref_slice %arg9[%dma_wait3A, %dma_wait3A_73, %dma_wait3A_74] : memref<2x64x128xf32, #tpu.memory_space<vmem>> -> memref<1x64x128xf32, #tpu.memory_space<vmem>>
    %dma_wait3A_76 = tpu.memref_squeeze %dma_wait3A_75 : memref<1x64x128xf32, #tpu.memory_space<vmem>> -> memref<64x128xf32, #tpu.memory_space<vmem>>
    %dma_wait3A_77 = arith.constant 0 : i32
    %dma_wait3A_78 = arith.constant 0 : i32
    %dma_wait3A_79 = tpu.memref_slice %arg3[%dma_wait3A_77, %dma_wait3A_78] : memref<327680x128xf32, #tpu.memory_space<hbm>> -> memref<64x128xf32, #tpu.memory_space<hbm>>
    tpu.wait_dma2 semaphore(%arg13 : memref<!tpu.dma_semaphore, #tpu.memory_space<semaphore_mem>>) src(%dma_wait3A_79 : memref<64x128xf32, #tpu.memory_space<hbm>>) dst(%dma_wait3A_76 : memref<64x128xf32, #tpu.memory_space<vmem>>)
    %dma_wait3A_80 = arith.constant 0 : i32
    %dma_wait3A_81 = arith.constant 0 : i32
    %dma_wait3A_82 = arith.constant 0 : i32
    %dma_wait3A_83 = tpu.memref_slice %arg10[%dma_wait3A_80, %dma_wait3A_81, %dma_wait3A_82] : memref<2x64x128xf32, #tpu.memory_space<vmem>> -> memref<1x64x128xf32, #tpu.memory_space<vmem>>
    %dma_wait3A_84 = tpu.memref_squeeze %dma_wait3A_83 : memref<1x64x128xf32, #tpu.memory_space<vmem>> -> memref<64x128xf32, #tpu.memory_space<vmem>>
    %dma_wait3A_85 = arith.constant 0 : i32
    %dma_wait3A_86 = arith.constant 0 : i32
    %dma_wait3A_87 = tpu.memref_slice %arg4[%dma_wait3A_85, %dma_wait3A_86] : memref<327680x128xf32, #tpu.memory_space<hbm>> -> memref<64x128xf32, #tpu.memory_space<hbm>>
    %dma_wait3A_88 = arith.constant 0 : i32
    %dma_wait3A_89 = arith.constant 0 : i32
    %dma_wait3A_90 = tpu.memref_slice %arg10[%dma_wait3A_80, %dma_wait3A_88, %dma_wait3A_89] : memref<2x64x128xf32, #tpu.memory_space<vmem>> -> memref<1x64x128xf32, #tpu.memory_space<vmem>>
    %dma_wait3A_91 = tpu.memref_squeeze %dma_wait3A_90 : memref<1x64x128xf32, #tpu.memory_space<vmem>> -> memref<64x128xf32, #tpu.memory_space<vmem>>
    %dma_wait3A_92 = arith.constant 0 : i32
    %dma_wait3A_93 = arith.constant 0 : i32
    %dma_wait3A_94 = tpu.memref_slice %arg4[%dma_wait3A_92, %dma_wait3A_93] : memref<327680x128xf32, #tpu.memory_space<hbm>> -> memref<64x128xf32, #tpu.memory_space<hbm>>
    tpu.wait_dma2 semaphore(%arg15 : memref<!tpu.dma_semaphore, #tpu.memory_space<semaphore_mem>>) src(%dma_wait3A_94 : memref<64x128xf32, #tpu.memory_space<hbm>>) dst(%dma_wait3A_91 : memref<64x128xf32, #tpu.memory_space<vmem>>)
    %dma_wait3A_95 = arith.constant 0 : i32
    %dma_wait3A_96 = arith.constant 0 : i32
    %dma_wait3A_97 = tpu.memref_slice %arg12[%dma_wait3A_95, %dma_wait3A_96] : memref<2x64xi32, #tpu.memory_space<vmem>> -> memref<1x64xi32, #tpu.memory_space<vmem>>
    %dma_wait3A_98 = tpu.memref_squeeze %dma_wait3A_97 : memref<1x64xi32, #tpu.memory_space<vmem>> -> memref<64xi32, #tpu.memory_space<vmem>>
    %dma_wait3A_99 = arith.constant 0 : i32
    %dma_wait3A_100 = tpu.memref_slice %arg2[%dma_wait3A_99] : memref<327936xi32, #tpu.memory_space<hbm>> -> memref<64xi32, #tpu.memory_space<hbm>>
    %dma_wait3A_101 = arith.constant 0 : i32
    %dma_wait3A_102 = tpu.memref_slice %arg12[%dma_wait3A_95, %dma_wait3A_101] : memref<2x64xi32, #tpu.memory_space<vmem>> -> memref<1x64xi32, #tpu.memory_space<vmem>>
    %dma_wait3A_103 = tpu.memref_squeeze %dma_wait3A_102 : memref<1x64xi32, #tpu.memory_space<vmem>> -> memref<64xi32, #tpu.memory_space<vmem>>
    %dma_wait3A_104 = arith.constant 0 : i32
    %dma_wait3A_105 = tpu.memref_slice %arg2[%dma_wait3A_104] : memref<327936xi32, #tpu.memory_space<hbm>> -> memref<64xi32, #tpu.memory_space<hbm>>
    tpu.wait_dma2 semaphore(%arg17 : memref<!tpu.dma_semaphore, #tpu.memory_space<semaphore_mem>>) src(%dma_wait3A_105 : memref<64xi32, #tpu.memory_space<hbm>>) dst(%dma_wait3A_103 : memref<64xi32, #tpu.memory_space<vmem>>)
    %barrier3A_106 = arith.constant 0 : index
    tpu.barrier barrier_id(%barrier3A_106)
    %mul3A_107 = arith.constant 625 : i32
    %mul3A_108 = arith.muli %arg1, %mul3A_107 : i32
    %mul3A_109 = arith.constant 10000 : i32
    %mul3A_110 = arith.muli %arg0, %mul3A_109 : i32
    %mul3A_111 = arith.constant 625 : i32
    %mul3A_112 = arith.muli %arg1, %mul3A_111 : i32
    %add3A_113 = arith.addi %mul3A_110, %mul3A_112 : i32
    "tpu.region"() ({
      %run_scoped3A_121 = tpu.sem_alloc : memref<!tpu.dma_semaphore, #tpu.memory_space<semaphore_mem>>
      %dma_start3A_122 = arith.constant 0 : i32
      %dma_start3A_123 = tpu.memref_slice %arg5[%add3A_113, %dma_start3A_122] : memref<20000x128xf32, #tpu.memory_space<hbm>> -> memref<625x128xf32, #tpu.memory_space<hbm>>
      %dma_start3A_124 = arith.constant 0 : i32
      %dma_start3A_125 = tpu.memref_slice %arg7[%mul3A_108, %dma_start3A_124] : memref<10016x128xf32, #tpu.memory_space<vmem_shared>> -> memref<625x128xf32, #tpu.memory_space<vmem_shared>>
      tpu.enqueue_dma source(%dma_start3A_125 : memref<625x128xf32, #tpu.memory_space<vmem_shared>>) target(%dma_start3A_123 : memref<625x128xf32, #tpu.memory_space<hbm>>) target_semaphore(%run_scoped3A_121 : memref<!tpu.dma_semaphore, #tpu.memory_space<semaphore_mem>>)
      %dma_wait3A_126 = arith.constant 0 : i32
      %dma_wait3A_127 = tpu.memref_slice %arg5[%add3A_113, %dma_wait3A_126] : memref<20000x128xf32, #tpu.memory_space<hbm>> -> memref<625x128xf32, #tpu.memory_space<hbm>>
      %dma_wait3A_128 = arith.constant 0 : i32
      %dma_wait3A_129 = tpu.memref_slice %arg7[%mul3A_108, %dma_wait3A_128] : memref<10016x128xf32, #tpu.memory_space<vmem_shared>> -> memref<625x128xf32, #tpu.memory_space<vmem_shared>>
      tpu.wait_dma2 semaphore(%run_scoped3A_121 : memref<!tpu.dma_semaphore, #tpu.memory_space<semaphore_mem>>) src(%dma_wait3A_129 : memref<625x128xf32, #tpu.memory_space<vmem_shared>>) dst(%dma_wait3A_127 : memref<625x128xf32, #tpu.memory_space<hbm>>)
      tpu.yield
    }) : () -> ()
    %mul3A_114 = arith.constant 625 : i32
    %mul3A_115 = arith.muli %arg1, %mul3A_114 : i32
    %mul3A_116 = arith.constant 10000 : i32
    %mul3A_117 = arith.muli %arg0, %mul3A_116 : i32
    %mul3A_118 = arith.constant 625 : i32
    %mul3A_119 = arith.muli %arg1, %mul3A_118 : i32
    %add3A_120 = arith.addi %mul3A_117, %mul3A_119 : i32
    "tpu.region"() ({
      %run_scoped3A_121 = tpu.sem_alloc : memref<!tpu.dma_semaphore, #tpu.memory_space<semaphore_mem>>
      %dma_start3A_122 = arith.constant 0 : i32
      %dma_start3A_123 = tpu.memref_slice %arg6[%add3A_120, %dma_start3A_122] : memref<20000x16xf32, #tpu.memory_space<hbm>> -> memref<625x16xf32, #tpu.memory_space<hbm>>
      %dma_start3A_124 = arith.constant 0 : i32
      %dma_start3A_125 = tpu.memref_slice %arg8[%mul3A_115, %dma_start3A_124] : memref<10016x16xf32, #tpu.memory_space<vmem_shared>> -> memref<625x16xf32, #tpu.memory_space<vmem_shared>>
      tpu.enqueue_dma source(%dma_start3A_125 : memref<625x16xf32, #tpu.memory_space<vmem_shared>>) target(%dma_start3A_123 : memref<625x16xf32, #tpu.memory_space<hbm>>) target_semaphore(%run_scoped3A_121 : memref<!tpu.dma_semaphore, #tpu.memory_space<semaphore_mem>>)
      %dma_wait3A_126 = arith.constant 0 : i32
      %dma_wait3A_127 = tpu.memref_slice %arg6[%add3A_120, %dma_wait3A_126] : memref<20000x16xf32, #tpu.memory_space<hbm>> -> memref<625x16xf32, #tpu.memory_space<hbm>>
      %dma_wait3A_128 = arith.constant 0 : i32
      %dma_wait3A_129 = tpu.memref_slice %arg8[%mul3A_115, %dma_wait3A_128] : memref<10016x16xf32, #tpu.memory_space<vmem_shared>> -> memref<625x16xf32, #tpu.memory_space<vmem_shared>>
      tpu.wait_dma2 semaphore(%run_scoped3A_121 : memref<!tpu.dma_semaphore, #tpu.memory_space<semaphore_mem>>) src(%dma_wait3A_129 : memref<625x16xf32, #tpu.memory_space<vmem_shared>>) dst(%dma_wait3A_127 : memref<625x16xf32, #tpu.memory_space<hbm>>)
      tpu.yield
    }) : () -> ()
    return
  }
}

module attributes {stable_mosaic.version = 14 : i64} {
  func.func @_proj_body(%arg0: i32, %arg1: memref<1000x128xf32, #tpu.memory_space<vmem>>, %arg2: memref<1000x1xi32, #tpu.memory_space<vmem>>, %arg3: memref<4x128x128xf32, #tpu.memory_space<vmem>>, %arg4: memref<4x128xf32, #tpu.memory_space<vmem>>, %arg5: memref<4x128x128xf32, #tpu.memory_space<vmem>>, %arg6: memref<4x128xf32, #tpu.memory_space<vmem>>, %arg7: memref<4x128x128xf32, #tpu.memory_space<vmem>>, %arg8: memref<4x128xf32, #tpu.memory_space<vmem>>, %arg9: memref<1000x128xf32, #tpu.memory_space<vmem>>, %arg10: memref<1000x128xf32, #tpu.memory_space<vmem>>, %arg11: memref<1000x128xf32, #tpu.memory_space<vmem>>) attributes {dimension_semantics = [#tpu.dimension_semantics<arbitrary>], iteration_bounds = array<i64: 10>, scalar_prefetch = 0 : i64, scratch_operands = 0 : i64, tpu.core_type = #tpu.core_type<tc>, window_params = [{transform_indices = @transform_0, window_bounds = array<i64: 1000, 128>}, {transform_indices = @transform_1, window_bounds = array<i64: 1000, 1>}, {pipeline_mode = #tpu.pipeline_mode<synchronous>, transform_indices = @transform_2, window_bounds = array<i64: 4, 128, 128>}, {pipeline_mode = #tpu.pipeline_mode<synchronous>, transform_indices = @transform_3, window_bounds = array<i64: 4, 128>}, {pipeline_mode = #tpu.pipeline_mode<synchronous>, transform_indices = @transform_4, window_bounds = array<i64: 4, 128, 128>}, {pipeline_mode = #tpu.pipeline_mode<synchronous>, transform_indices = @transform_5, window_bounds = array<i64: 4, 128>}, {pipeline_mode = #tpu.pipeline_mode<synchronous>, transform_indices = @transform_6, window_bounds = array<i64: 4, 128, 128>}, {pipeline_mode = #tpu.pipeline_mode<synchronous>, transform_indices = @transform_7, window_bounds = array<i64: 4, 128>}, {transform_indices = @transform_8, window_bounds = array<i64: 1000, 128>}, {transform_indices = @transform_9, window_bounds = array<i64: 1000, 128>}, {transform_indices = @transform_10, window_bounds = array<i64: 1000, 128>}]} {
    %get3A = arith.constant 0 : index
    %get3A_0 = arith.constant 0 : index
    %get3A_1 = vector.load %arg1[%get3A, %get3A_0] : memref<1000x128xf32, #tpu.memory_space<vmem>>, vector<1000x128xf32>
    %get3A_2 = arith.constant 0 : index
    %get3A_3 = arith.constant 0 : index
    %get3A_4 = vector.load %arg2[%get3A_2, %get3A_3] : memref<1000x1xi32, #tpu.memory_space<vmem>>, vector<1000x1xi32>
    %broadcast_in_dim3A = arith.constant 0.000000e+00 : f32
    %broadcast_in_dim3A_5 = vector.broadcast %broadcast_in_dim3A : f32 to vector<1000x128xf32>
    %eq3A = arith.constant 0 : i32
    %eq3A_6 = vector.broadcast %eq3A : i32 to vector<1000x1xi32>
    %eq3A_7 = arith.cmpi eq, %get3A_4, %eq3A_6 : vector<1000x1xi32>
    %convert_element_type3A = arith.extui %eq3A_7 : vector<1000x1xi1> to vector<1000x1xi32>
    %convert_element_type3A_8 = arith.sitofp %convert_element_type3A : vector<1000x1xi32> to vector<1000x1xf32>
    %get3A_9 = arith.constant 0 : index
    %get3A_10 = arith.constant 0 : index
    %get3A_11 = arith.constant 0 : index
    %get3A_12 = vector.load %arg3[%get3A_9, %get3A_10, %get3A_11] : memref<4x128x128xf32, #tpu.memory_space<vmem>>, vector<1x128x128xf32>
    %get3A_13 = vector.shape_cast %get3A_12 : vector<1x128x128xf32> to vector<128x128xf32>
    %dot_general3A = arith.constant dense<0.000000e+00> : vector<1000x128xf32>
    %dot_general3A_14 = tpu.matmul %get3A_1, %get3A_13, %dot_general3A {dimension_numbers = #tpu.dot_dimension_numbers<[1], [0], [0], [1], [0, 0, 1, 1], [], []>, transpose_lhs_hint = false} : vector<1000x128xf32>, vector<128x128xf32>, vector<1000x128xf32> -> vector<1000x128xf32>
    %get3A_15 = arith.constant 0 : index
    %get3A_16 = arith.constant 0 : index
    %get3A_17 = vector.load %arg4[%get3A_15, %get3A_16] : memref<4x128xf32, #tpu.memory_space<vmem>>, vector<1x128xf32>
    %add3A = vector.broadcast %get3A_17 : vector<1x128xf32> to vector<1000x128xf32>
    %add3A_18 = arith.addf %dot_general3A_14, %add3A : vector<1000x128xf32>
    %mul3A = vector.broadcast %convert_element_type3A_8 : vector<1000x1xf32> to vector<1000x128xf32>
    %mul3A_19 = arith.mulf %mul3A, %add3A_18 : vector<1000x128xf32>
    %add3A_20 = arith.addf %broadcast_in_dim3A_5, %mul3A_19 : vector<1000x128xf32>
    %eq3A_21 = arith.constant 1 : i32
    %eq3A_22 = vector.broadcast %eq3A_21 : i32 to vector<1000x1xi32>
    %eq3A_23 = arith.cmpi eq, %get3A_4, %eq3A_22 : vector<1000x1xi32>
    %convert_element_type3A_24 = arith.extui %eq3A_23 : vector<1000x1xi1> to vector<1000x1xi32>
    %convert_element_type3A_25 = arith.sitofp %convert_element_type3A_24 : vector<1000x1xi32> to vector<1000x1xf32>
    %get3A_26 = arith.constant 1 : index
    %get3A_27 = arith.constant 0 : index
    %get3A_28 = arith.constant 0 : index
    %get3A_29 = vector.load %arg3[%get3A_26, %get3A_27, %get3A_28] : memref<4x128x128xf32, #tpu.memory_space<vmem>>, vector<1x128x128xf32>
    %get3A_30 = vector.shape_cast %get3A_29 : vector<1x128x128xf32> to vector<128x128xf32>
    %dot_general3A_31 = arith.constant dense<0.000000e+00> : vector<1000x128xf32>
    %dot_general3A_32 = tpu.matmul %get3A_1, %get3A_30, %dot_general3A_31 {dimension_numbers = #tpu.dot_dimension_numbers<[1], [0], [0], [1], [0, 0, 1, 1], [], []>, transpose_lhs_hint = false} : vector<1000x128xf32>, vector<128x128xf32>, vector<1000x128xf32> -> vector<1000x128xf32>
    %get3A_33 = arith.constant 1 : index
    %get3A_34 = arith.constant 0 : index
    %get3A_35 = vector.load %arg4[%get3A_33, %get3A_34] : memref<4x128xf32, #tpu.memory_space<vmem>>, vector<1x128xf32>
    %add3A_36 = vector.broadcast %get3A_35 : vector<1x128xf32> to vector<1000x128xf32>
    %add3A_37 = arith.addf %dot_general3A_32, %add3A_36 : vector<1000x128xf32>
    %mul3A_38 = vector.broadcast %convert_element_type3A_25 : vector<1000x1xf32> to vector<1000x128xf32>
    %mul3A_39 = arith.mulf %mul3A_38, %add3A_37 : vector<1000x128xf32>
    %add3A_40 = arith.addf %add3A_20, %mul3A_39 : vector<1000x128xf32>
    %eq3A_41 = arith.constant 2 : i32
    %eq3A_42 = vector.broadcast %eq3A_41 : i32 to vector<1000x1xi32>
    %eq3A_43 = arith.cmpi eq, %get3A_4, %eq3A_42 : vector<1000x1xi32>
    %convert_element_type3A_44 = arith.extui %eq3A_43 : vector<1000x1xi1> to vector<1000x1xi32>
    %convert_element_type3A_45 = arith.sitofp %convert_element_type3A_44 : vector<1000x1xi32> to vector<1000x1xf32>
    %get3A_46 = arith.constant 2 : index
    %get3A_47 = arith.constant 0 : index
    %get3A_48 = arith.constant 0 : index
    %get3A_49 = vector.load %arg3[%get3A_46, %get3A_47, %get3A_48] : memref<4x128x128xf32, #tpu.memory_space<vmem>>, vector<1x128x128xf32>
    %get3A_50 = vector.shape_cast %get3A_49 : vector<1x128x128xf32> to vector<128x128xf32>
    %dot_general3A_51 = arith.constant dense<0.000000e+00> : vector<1000x128xf32>
    %dot_general3A_52 = tpu.matmul %get3A_1, %get3A_50, %dot_general3A_51 {dimension_numbers = #tpu.dot_dimension_numbers<[1], [0], [0], [1], [0, 0, 1, 1], [], []>, transpose_lhs_hint = false} : vector<1000x128xf32>, vector<128x128xf32>, vector<1000x128xf32> -> vector<1000x128xf32>
    %get3A_53 = arith.constant 2 : index
    %get3A_54 = arith.constant 0 : index
    %get3A_55 = vector.load %arg4[%get3A_53, %get3A_54] : memref<4x128xf32, #tpu.memory_space<vmem>>, vector<1x128xf32>
    %add3A_56 = vector.broadcast %get3A_55 : vector<1x128xf32> to vector<1000x128xf32>
    %add3A_57 = arith.addf %dot_general3A_52, %add3A_56 : vector<1000x128xf32>
    %mul3A_58 = vector.broadcast %convert_element_type3A_45 : vector<1000x1xf32> to vector<1000x128xf32>
    %mul3A_59 = arith.mulf %mul3A_58, %add3A_57 : vector<1000x128xf32>
    %add3A_60 = arith.addf %add3A_40, %mul3A_59 : vector<1000x128xf32>
    %eq3A_61 = arith.constant 3 : i32
    %eq3A_62 = vector.broadcast %eq3A_61 : i32 to vector<1000x1xi32>
    %eq3A_63 = arith.cmpi eq, %get3A_4, %eq3A_62 : vector<1000x1xi32>
    %convert_element_type3A_64 = arith.extui %eq3A_63 : vector<1000x1xi1> to vector<1000x1xi32>
    %convert_element_type3A_65 = arith.sitofp %convert_element_type3A_64 : vector<1000x1xi32> to vector<1000x1xf32>
    %get3A_66 = arith.constant 3 : index
    %get3A_67 = arith.constant 0 : index
    %get3A_68 = arith.constant 0 : index
    %get3A_69 = vector.load %arg3[%get3A_66, %get3A_67, %get3A_68] : memref<4x128x128xf32, #tpu.memory_space<vmem>>, vector<1x128x128xf32>
    %get3A_70 = vector.shape_cast %get3A_69 : vector<1x128x128xf32> to vector<128x128xf32>
    %dot_general3A_71 = arith.constant dense<0.000000e+00> : vector<1000x128xf32>
    %dot_general3A_72 = tpu.matmul %get3A_1, %get3A_70, %dot_general3A_71 {dimension_numbers = #tpu.dot_dimension_numbers<[1], [0], [0], [1], [0, 0, 1, 1], [], []>, transpose_lhs_hint = false} : vector<1000x128xf32>, vector<128x128xf32>, vector<1000x128xf32> -> vector<1000x128xf32>
    %get3A_73 = arith.constant 3 : index
    %get3A_74 = arith.constant 0 : index
    %get3A_75 = vector.load %arg4[%get3A_73, %get3A_74] : memref<4x128xf32, #tpu.memory_space<vmem>>, vector<1x128xf32>
    %add3A_76 = vector.broadcast %get3A_75 : vector<1x128xf32> to vector<1000x128xf32>
    %add3A_77 = arith.addf %dot_general3A_72, %add3A_76 : vector<1000x128xf32>
    %mul3A_78 = vector.broadcast %convert_element_type3A_65 : vector<1000x1xf32> to vector<1000x128xf32>
    %mul3A_79 = arith.mulf %mul3A_78, %add3A_77 : vector<1000x128xf32>
    %add3A_80 = arith.addf %add3A_60, %mul3A_79 : vector<1000x128xf32>
    %swap3A = arith.constant 0 : index
    %swap3A_81 = arith.constant 0 : index
    %swap3A_82 = vector.load %arg9[%swap3A, %swap3A_81] : memref<1000x128xf32, #tpu.memory_space<vmem>>, vector<1000x128xf32>
    tpu.vector_store %arg9[%swap3A, %swap3A_81], %add3A_80 {strides = array<i32>} : memref<1000x128xf32, #tpu.memory_space<vmem>>, vector<1000x128xf32>,
    %broadcast_in_dim3A_83 = arith.constant 0.000000e+00 : f32
    %broadcast_in_dim3A_84 = vector.broadcast %broadcast_in_dim3A_83 : f32 to vector<1000x128xf32>
    %eq3A_85 = arith.constant 0 : i32
    %eq3A_86 = vector.broadcast %eq3A_85 : i32 to vector<1000x1xi32>
    %eq3A_87 = arith.cmpi eq, %get3A_4, %eq3A_86 : vector<1000x1xi32>
    %convert_element_type3A_88 = arith.extui %eq3A_87 : vector<1000x1xi1> to vector<1000x1xi32>
    %convert_element_type3A_89 = arith.sitofp %convert_element_type3A_88 : vector<1000x1xi32> to vector<1000x1xf32>
    %get3A_90 = arith.constant 0 : index
    %get3A_91 = arith.constant 0 : index
    %get3A_92 = arith.constant 0 : index
    %get3A_93 = vector.load %arg5[%get3A_90, %get3A_91, %get3A_92] : memref<4x128x128xf32, #tpu.memory_space<vmem>>, vector<1x128x128xf32>
    %get3A_94 = vector.shape_cast %get3A_93 : vector<1x128x128xf32> to vector<128x128xf32>
    %dot_general3A_95 = arith.constant dense<0.000000e+00> : vector<1000x128xf32>
    %dot_general3A_96 = tpu.matmul %get3A_1, %get3A_94, %dot_general3A_95 {dimension_numbers = #tpu.dot_dimension_numbers<[1], [0], [0], [1], [0, 0, 1, 1], [], []>, transpose_lhs_hint = false} : vector<1000x128xf32>, vector<128x128xf32>, vector<1000x128xf32> -> vector<1000x128xf32>
    %get3A_97 = arith.constant 0 : index
    %get3A_98 = arith.constant 0 : index
    %get3A_99 = vector.load %arg6[%get3A_97, %get3A_98] : memref<4x128xf32, #tpu.memory_space<vmem>>, vector<1x128xf32>
    %add3A_100 = vector.broadcast %get3A_99 : vector<1x128xf32> to vector<1000x128xf32>
    %add3A_101 = arith.addf %dot_general3A_96, %add3A_100 : vector<1000x128xf32>
    %mul3A_102 = vector.broadcast %convert_element_type3A_89 : vector<1000x1xf32> to vector<1000x128xf32>
    %mul3A_103 = arith.mulf %mul3A_102, %add3A_101 : vector<1000x128xf32>
    %add3A_104 = arith.addf %broadcast_in_dim3A_84, %mul3A_103 : vector<1000x128xf32>
    %eq3A_105 = arith.constant 1 : i32
    %eq3A_106 = vector.broadcast %eq3A_105 : i32 to vector<1000x1xi32>
    %eq3A_107 = arith.cmpi eq, %get3A_4, %eq3A_106 : vector<1000x1xi32>
    %convert_element_type3A_108 = arith.extui %eq3A_107 : vector<1000x1xi1> to vector<1000x1xi32>
    %convert_element_type3A_109 = arith.sitofp %convert_element_type3A_108 : vector<1000x1xi32> to vector<1000x1xf32>
    %get3A_110 = arith.constant 1 : index
    %get3A_111 = arith.constant 0 : index
    %get3A_112 = arith.constant 0 : index
    %get3A_113 = vector.load %arg5[%get3A_110, %get3A_111, %get3A_112] : memref<4x128x128xf32, #tpu.memory_space<vmem>>, vector<1x128x128xf32>
    %get3A_114 = vector.shape_cast %get3A_113 : vector<1x128x128xf32> to vector<128x128xf32>
    %dot_general3A_115 = arith.constant dense<0.000000e+00> : vector<1000x128xf32>
    %dot_general3A_116 = tpu.matmul %get3A_1, %get3A_114, %dot_general3A_115 {dimension_numbers = #tpu.dot_dimension_numbers<[1], [0], [0], [1], [0, 0, 1, 1], [], []>, transpose_lhs_hint = false} : vector<1000x128xf32>, vector<128x128xf32>, vector<1000x128xf32> -> vector<1000x128xf32>
    %get3A_117 = arith.constant 1 : index
    %get3A_118 = arith.constant 0 : index
    %get3A_119 = vector.load %arg6[%get3A_117, %get3A_118] : memref<4x128xf32, #tpu.memory_space<vmem>>, vector<1x128xf32>
    %add3A_120 = vector.broadcast %get3A_119 : vector<1x128xf32> to vector<1000x128xf32>
    %add3A_121 = arith.addf %dot_general3A_116, %add3A_120 : vector<1000x128xf32>
    %mul3A_122 = vector.broadcast %convert_element_type3A_109 : vector<1000x1xf32> to vector<1000x128xf32>
    %mul3A_123 = arith.mulf %mul3A_122, %add3A_121 : vector<1000x128xf32>
    %add3A_124 = arith.addf %add3A_104, %mul3A_123 : vector<1000x128xf32>
    %eq3A_125 = arith.constant 2 : i32
    %eq3A_126 = vector.broadcast %eq3A_125 : i32 to vector<1000x1xi32>
    %eq3A_127 = arith.cmpi eq, %get3A_4, %eq3A_126 : vector<1000x1xi32>
    %convert_element_type3A_128 = arith.extui %eq3A_127 : vector<1000x1xi1> to vector<1000x1xi32>
    %convert_element_type3A_129 = arith.sitofp %convert_element_type3A_128 : vector<1000x1xi32> to vector<1000x1xf32>
    %get3A_130 = arith.constant 2 : index
    %get3A_131 = arith.constant 0 : index
    %get3A_132 = arith.constant 0 : index
    %get3A_133 = vector.load %arg5[%get3A_130, %get3A_131, %get3A_132] : memref<4x128x128xf32, #tpu.memory_space<vmem>>, vector<1x128x128xf32>
    %get3A_134 = vector.shape_cast %get3A_133 : vector<1x128x128xf32> to vector<128x128xf32>
    %dot_general3A_135 = arith.constant dense<0.000000e+00> : vector<1000x128xf32>
    %dot_general3A_136 = tpu.matmul %get3A_1, %get3A_134, %dot_general3A_135 {dimension_numbers = #tpu.dot_dimension_numbers<[1], [0], [0], [1], [0, 0, 1, 1], [], []>, transpose_lhs_hint = false} : vector<1000x128xf32>, vector<128x128xf32>, vector<1000x128xf32> -> vector<1000x128xf32>
    %get3A_137 = arith.constant 2 : index
    %get3A_138 = arith.constant 0 : index
    %get3A_139 = vector.load %arg6[%get3A_137, %get3A_138] : memref<4x128xf32, #tpu.memory_space<vmem>>, vector<1x128xf32>
    %add3A_140 = vector.broadcast %get3A_139 : vector<1x128xf32> to vector<1000x128xf32>
    %add3A_141 = arith.addf %dot_general3A_136, %add3A_140 : vector<1000x128xf32>
    %mul3A_142 = vector.broadcast %convert_element_type3A_129 : vector<1000x1xf32> to vector<1000x128xf32>
    %mul3A_143 = arith.mulf %mul3A_142, %add3A_141 : vector<1000x128xf32>
    %add3A_144 = arith.addf %add3A_124, %mul3A_143 : vector<1000x128xf32>
    %eq3A_145 = arith.constant 3 : i32
    %eq3A_146 = vector.broadcast %eq3A_145 : i32 to vector<1000x1xi32>
    %eq3A_147 = arith.cmpi eq, %get3A_4, %eq3A_146 : vector<1000x1xi32>
    %convert_element_type3A_148 = arith.extui %eq3A_147 : vector<1000x1xi1> to vector<1000x1xi32>
    %convert_element_type3A_149 = arith.sitofp %convert_element_type3A_148 : vector<1000x1xi32> to vector<1000x1xf32>
    %get3A_150 = arith.constant 3 : index
    %get3A_151 = arith.constant 0 : index
    %get3A_152 = arith.constant 0 : index
    %get3A_153 = vector.load %arg5[%get3A_150, %get3A_151, %get3A_152] : memref<4x128x128xf32, #tpu.memory_space<vmem>>, vector<1x128x128xf32>
    %get3A_154 = vector.shape_cast %get3A_153 : vector<1x128x128xf32> to vector<128x128xf32>
    %dot_general3A_155 = arith.constant dense<0.000000e+00> : vector<1000x128xf32>
    %dot_general3A_156 = tpu.matmul %get3A_1, %get3A_154, %dot_general3A_155 {dimension_numbers = #tpu.dot_dimension_numbers<[1], [0], [0], [1], [0, 0, 1, 1], [], []>, transpose_lhs_hint = false} : vector<1000x128xf32>, vector<128x128xf32>, vector<1000x128xf32> -> vector<1000x128xf32>
    %get3A_157 = arith.constant 3 : index
    %get3A_158 = arith.constant 0 : index
    %get3A_159 = vector.load %arg6[%get3A_157, %get3A_158] : memref<4x128xf32, #tpu.memory_space<vmem>>, vector<1x128xf32>
    %add3A_160 = vector.broadcast %get3A_159 : vector<1x128xf32> to vector<1000x128xf32>
    %add3A_161 = arith.addf %dot_general3A_156, %add3A_160 : vector<1000x128xf32>
    %mul3A_162 = vector.broadcast %convert_element_type3A_149 : vector<1000x1xf32> to vector<1000x128xf32>
    %mul3A_163 = arith.mulf %mul3A_162, %add3A_161 : vector<1000x128xf32>
    %add3A_164 = arith.addf %add3A_144, %mul3A_163 : vector<1000x128xf32>
    %swap3A_165 = arith.constant 0 : index
    %swap3A_166 = arith.constant 0 : index
    %swap3A_167 = vector.load %arg10[%swap3A_165, %swap3A_166] : memref<1000x128xf32, #tpu.memory_space<vmem>>, vector<1000x128xf32>
    tpu.vector_store %arg10[%swap3A_165, %swap3A_166], %add3A_164 {strides = array<i32>} : memref<1000x128xf32, #tpu.memory_space<vmem>>, vector<1000x128xf32>,
    %broadcast_in_dim3A_168 = arith.constant 0.000000e+00 : f32
    %broadcast_in_dim3A_169 = vector.broadcast %broadcast_in_dim3A_168 : f32 to vector<1000x128xf32>
    %eq3A_170 = arith.constant 0 : i32
    %eq3A_171 = vector.broadcast %eq3A_170 : i32 to vector<1000x1xi32>
    %eq3A_172 = arith.cmpi eq, %get3A_4, %eq3A_171 : vector<1000x1xi32>
    %convert_element_type3A_173 = arith.extui %eq3A_172 : vector<1000x1xi1> to vector<1000x1xi32>
    %convert_element_type3A_174 = arith.sitofp %convert_element_type3A_173 : vector<1000x1xi32> to vector<1000x1xf32>
    %get3A_175 = arith.constant 0 : index
    %get3A_176 = arith.constant 0 : index
    %get3A_177 = arith.constant 0 : index
    %get3A_178 = vector.load %arg7[%get3A_175, %get3A_176, %get3A_177] : memref<4x128x128xf32, #tpu.memory_space<vmem>>, vector<1x128x128xf32>
    %get3A_179 = vector.shape_cast %get3A_178 : vector<1x128x128xf32> to vector<128x128xf32>
    %dot_general3A_180 = arith.constant dense<0.000000e+00> : vector<1000x128xf32>
    %dot_general3A_181 = tpu.matmul %get3A_1, %get3A_179, %dot_general3A_180 {dimension_numbers = #tpu.dot_dimension_numbers<[1], [0], [0], [1], [0, 0, 1, 1], [], []>, transpose_lhs_hint = false} : vector<1000x128xf32>, vector<128x128xf32>, vector<1000x128xf32> -> vector<1000x128xf32>
    %get3A_182 = arith.constant 0 : index
    %get3A_183 = arith.constant 0 : index
    %get3A_184 = vector.load %arg8[%get3A_182, %get3A_183] : memref<4x128xf32, #tpu.memory_space<vmem>>, vector<1x128xf32>
    %add3A_185 = vector.broadcast %get3A_184 : vector<1x128xf32> to vector<1000x128xf32>
    %add3A_186 = arith.addf %dot_general3A_181, %add3A_185 : vector<1000x128xf32>
    %mul3A_187 = vector.broadcast %convert_element_type3A_174 : vector<1000x1xf32> to vector<1000x128xf32>
    %mul3A_188 = arith.mulf %mul3A_187, %add3A_186 : vector<1000x128xf32>
    %add3A_189 = arith.addf %broadcast_in_dim3A_169, %mul3A_188 : vector<1000x128xf32>
    %eq3A_190 = arith.constant 1 : i32
    %eq3A_191 = vector.broadcast %eq3A_190 : i32 to vector<1000x1xi32>
    %eq3A_192 = arith.cmpi eq, %get3A_4, %eq3A_191 : vector<1000x1xi32>
    %convert_element_type3A_193 = arith.extui %eq3A_192 : vector<1000x1xi1> to vector<1000x1xi32>
    %convert_element_type3A_194 = arith.sitofp %convert_element_type3A_193 : vector<1000x1xi32> to vector<1000x1xf32>
    %get3A_195 = arith.constant 1 : index
    %get3A_196 = arith.constant 0 : index
    %get3A_197 = arith.constant 0 : index
    %get3A_198 = vector.load %arg7[%get3A_195, %get3A_196, %get3A_197] : memref<4x128x128xf32, #tpu.memory_space<vmem>>, vector<1x128x128xf32>
    %get3A_199 = vector.shape_cast %get3A_198 : vector<1x128x128xf32> to vector<128x128xf32>
    %dot_general3A_200 = arith.constant dense<0.000000e+00> : vector<1000x128xf32>
    %dot_general3A_201 = tpu.matmul %get3A_1, %get3A_199, %dot_general3A_200 {dimension_numbers = #tpu.dot_dimension_numbers<[1], [0], [0], [1], [0, 0, 1, 1], [], []>, transpose_lhs_hint = false} : vector<1000x128xf32>, vector<128x128xf32>, vector<1000x128xf32> -> vector<1000x128xf32>
    %get3A_202 = arith.constant 1 : index
    %get3A_203 = arith.constant 0 : index
    %get3A_204 = vector.load %arg8[%get3A_202, %get3A_203] : memref<4x128xf32, #tpu.memory_space<vmem>>, vector<1x128xf32>
    %add3A_205 = vector.broadcast %get3A_204 : vector<1x128xf32> to vector<1000x128xf32>
    %add3A_206 = arith.addf %dot_general3A_201, %add3A_205 : vector<1000x128xf32>
    %mul3A_207 = vector.broadcast %convert_element_type3A_194 : vector<1000x1xf32> to vector<1000x128xf32>
    %mul3A_208 = arith.mulf %mul3A_207, %add3A_206 : vector<1000x128xf32>
    %add3A_209 = arith.addf %add3A_189, %mul3A_208 : vector<1000x128xf32>
    %eq3A_210 = arith.constant 2 : i32
    %eq3A_211 = vector.broadcast %eq3A_210 : i32 to vector<1000x1xi32>
    %eq3A_212 = arith.cmpi eq, %get3A_4, %eq3A_211 : vector<1000x1xi32>
    %convert_element_type3A_213 = arith.extui %eq3A_212 : vector<1000x1xi1> to vector<1000x1xi32>
    %convert_element_type3A_214 = arith.sitofp %convert_element_type3A_213 : vector<1000x1xi32> to vector<1000x1xf32>
    %get3A_215 = arith.constant 2 : index
    %get3A_216 = arith.constant 0 : index
    %get3A_217 = arith.constant 0 : index
    %get3A_218 = vector.load %arg7[%get3A_215, %get3A_216, %get3A_217] : memref<4x128x128xf32, #tpu.memory_space<vmem>>, vector<1x128x128xf32>
    %get3A_219 = vector.shape_cast %get3A_218 : vector<1x128x128xf32> to vector<128x128xf32>
    %dot_general3A_220 = arith.constant dense<0.000000e+00> : vector<1000x128xf32>
    %dot_general3A_221 = tpu.matmul %get3A_1, %get3A_219, %dot_general3A_220 {dimension_numbers = #tpu.dot_dimension_numbers<[1], [0], [0], [1], [0, 0, 1, 1], [], []>, transpose_lhs_hint = false} : vector<1000x128xf32>, vector<128x128xf32>, vector<1000x128xf32> -> vector<1000x128xf32>
    %get3A_222 = arith.constant 2 : index
    %get3A_223 = arith.constant 0 : index
    %get3A_224 = vector.load %arg8[%get3A_222, %get3A_223] : memref<4x128xf32, #tpu.memory_space<vmem>>, vector<1x128xf32>
    %add3A_225 = vector.broadcast %get3A_224 : vector<1x128xf32> to vector<1000x128xf32>
    %add3A_226 = arith.addf %dot_general3A_221, %add3A_225 : vector<1000x128xf32>
    %mul3A_227 = vector.broadcast %convert_element_type3A_214 : vector<1000x1xf32> to vector<1000x128xf32>
    %mul3A_228 = arith.mulf %mul3A_227, %add3A_226 : vector<1000x128xf32>
    %add3A_229 = arith.addf %add3A_209, %mul3A_228 : vector<1000x128xf32>
    %eq3A_230 = arith.constant 3 : i32
    %eq3A_231 = vector.broadcast %eq3A_230 : i32 to vector<1000x1xi32>
    %eq3A_232 = arith.cmpi eq, %get3A_4, %eq3A_231 : vector<1000x1xi32>
    %convert_element_type3A_233 = arith.extui %eq3A_232 : vector<1000x1xi1> to vector<1000x1xi32>
    %convert_element_type3A_234 = arith.sitofp %convert_element_type3A_233 : vector<1000x1xi32> to vector<1000x1xf32>
    %get3A_235 = arith.constant 3 : index
    %get3A_236 = arith.constant 0 : index
    %get3A_237 = arith.constant 0 : index
    %get3A_238 = vector.load %arg7[%get3A_235, %get3A_236, %get3A_237] : memref<4x128x128xf32, #tpu.memory_space<vmem>>, vector<1x128x128xf32>
    %get3A_239 = vector.shape_cast %get3A_238 : vector<1x128x128xf32> to vector<128x128xf32>
    %dot_general3A_240 = arith.constant dense<0.000000e+00> : vector<1000x128xf32>
    %dot_general3A_241 = tpu.matmul %get3A_1, %get3A_239, %dot_general3A_240 {dimension_numbers = #tpu.dot_dimension_numbers<[1], [0], [0], [1], [0, 0, 1, 1], [], []>, transpose_lhs_hint = false} : vector<1000x128xf32>, vector<128x128xf32>, vector<1000x128xf32> -> vector<1000x128xf32>
    %get3A_242 = arith.constant 3 : index
    %get3A_243 = arith.constant 0 : index
    %get3A_244 = vector.load %arg8[%get3A_242, %get3A_243] : memref<4x128xf32, #tpu.memory_space<vmem>>, vector<1x128xf32>
    %add3A_245 = vector.broadcast %get3A_244 : vector<1x128xf32> to vector<1000x128xf32>
    %add3A_246 = arith.addf %dot_general3A_241, %add3A_245 : vector<1000x128xf32>
    %mul3A_247 = vector.broadcast %convert_element_type3A_234 : vector<1000x1xf32> to vector<1000x128xf32>
    %mul3A_248 = arith.mulf %mul3A_247, %add3A_246 : vector<1000x128xf32>
    %add3A_249 = arith.addf %add3A_229, %mul3A_248 : vector<1000x128xf32>
    %swap3A_250 = arith.constant 0 : index
    %swap3A_251 = arith.constant 0 : index
    %swap3A_252 = vector.load %arg11[%swap3A_250, %swap3A_251] : memref<1000x128xf32, #tpu.memory_space<vmem>>, vector<1000x128xf32>
    tpu.vector_store %arg11[%swap3A_250, %swap3A_251], %add3A_249 {strides = array<i32>} : memref<1000x128xf32, #tpu.memory_space<vmem>>, vector<1000x128xf32>,
    return
  }
  func.func @transform_0(%arg0: i32) -> (i32, i32) {
    %c0_i32 = arith.constant 0 : i32
    %c0_i32_0 = arith.constant 0 : i32
    return %arg0, %c0_i32 : i32, i32
  }
  func.func @transform_1(%arg0: i32) -> (i32, i32) {
    %c0_i32 = arith.constant 0 : i32
    %c0_i32_0 = arith.constant 0 : i32
    return %arg0, %c0_i32 : i32, i32
  }
  func.func @transform_2(%arg0: i32) -> (i32, i32, i32) {
    %c0_i32 = arith.constant 0 : i32
    %c0_i32_0 = arith.constant 0 : i32
    %c0_i32_1 = arith.constant 0 : i32
    %c0_i32_2 = arith.constant 0 : i32
    return %c0_i32, %c0_i32_0, %c0_i32_1 : i32, i32, i32
  }
  func.func @transform_3(%arg0: i32) -> (i32, i32) {
    %c0_i32 = arith.constant 0 : i32
    %c0_i32_0 = arith.constant 0 : i32
    %c0_i32_1 = arith.constant 0 : i32
    return %c0_i32, %c0_i32_0 : i32, i32
  }
  func.func @transform_4(%arg0: i32) -> (i32, i32, i32) {
    %c0_i32 = arith.constant 0 : i32
    %c0_i32_0 = arith.constant 0 : i32
    %c0_i32_1 = arith.constant 0 : i32
    %c0_i32_2 = arith.constant 0 : i32
    return %c0_i32, %c0_i32_0, %c0_i32_1 : i32, i32, i32
  }
  func.func @transform_5(%arg0: i32) -> (i32, i32) {
    %c0_i32 = arith.constant 0 : i32
    %c0_i32_0 = arith.constant 0 : i32
    %c0_i32_1 = arith.constant 0 : i32
    return %c0_i32, %c0_i32_0 : i32, i32
  }
  func.func @transform_6(%arg0: i32) -> (i32, i32, i32) {
    %c0_i32 = arith.constant 0 : i32
    %c0_i32_0 = arith.constant 0 : i32
    %c0_i32_1 = arith.constant 0 : i32
    %c0_i32_2 = arith.constant 0 : i32
    return %c0_i32, %c0_i32_0, %c0_i32_1 : i32, i32, i32
  }
  func.func @transform_7(%arg0: i32) -> (i32, i32) {
    %c0_i32 = arith.constant 0 : i32
    %c0_i32_0 = arith.constant 0 : i32
    %c0_i32_1 = arith.constant 0 : i32
    return %c0_i32, %c0_i32_0 : i32, i32
  }
  func.func @transform_8(%arg0: i32) -> (i32, i32) {
    %c0_i32 = arith.constant 0 : i32
    %c0_i32_0 = arith.constant 0 : i32
    return %arg0, %c0_i32 : i32, i32
  }
  func.func @transform_9(%arg0: i32) -> (i32, i32) {
    %c0_i32 = arith.constant 0 : i32
    %c0_i32_0 = arith.constant 0 : i32
    return %arg0, %c0_i32 : i32, i32
  }
  func.func @transform_10(%arg0: i32) -> (i32, i32) {
    %c0_i32 = arith.constant 0 : i32
    %c0_i32_0 = arith.constant 0 : i32
    return %arg0, %c0_i32 : i32, i32
  }
}

module attributes {stable_mosaic.version = 14 : i64} {
  func.func @_edge_body(%arg0: i32, %arg1: memref<2048x128xf32, #tpu.memory_space<vmem>>, %arg2: memref<2048x128xf32, #tpu.memory_space<vmem>>, %arg3: memref<2048x128xf32, #tpu.memory_space<vmem>>, %arg4: memref<2048x1xi32, #tpu.memory_space<vmem>>, %arg5: memref<2048x1xi32, #tpu.memory_space<vmem>>, %arg6: memref<24x128xf32, #tpu.memory_space<vmem>>, %arg7: memref<24x128xf32, #tpu.memory_space<vmem>>, %arg8: memref<24x8xf32, #tpu.memory_space<vmem>>, %arg9: memref<128x8xf32, #tpu.memory_space<vmem>>, %arg10: memref<8x128xf32, #tpu.memory_space<vmem>>, %arg11: memref<2048x128xf32, #tpu.memory_space<vmem>>, %arg12: memref<2048x128xf32, #tpu.memory_space<vmem>>) attributes {dimension_semantics = [#tpu.dimension_semantics<arbitrary>], iteration_bounds = array<i64: 160>, scalar_prefetch = 0 : i64, scratch_operands = 0 : i64, tpu.core_type = #tpu.core_type<tc>, window_params = [{transform_indices = @transform_0, window_bounds = array<i64: 2048, 128>}, {transform_indices = @transform_1, window_bounds = array<i64: 2048, 128>}, {transform_indices = @transform_2, window_bounds = array<i64: 2048, 128>}, {transform_indices = @transform_3, window_bounds = array<i64: 2048, 1>}, {transform_indices = @transform_4, window_bounds = array<i64: 2048, 1>}, {pipeline_mode = #tpu.pipeline_mode<synchronous>, transform_indices = @transform_5, window_bounds = array<i64: 24, 128>}, {pipeline_mode = #tpu.pipeline_mode<synchronous>, transform_indices = @transform_6, window_bounds = array<i64: 24, 128>}, {pipeline_mode = #tpu.pipeline_mode<synchronous>, transform_indices = @transform_7, window_bounds = array<i64: 24, 8>}, {pipeline_mode = #tpu.pipeline_mode<synchronous>, transform_indices = @transform_8, window_bounds = array<i64: 128, 8>}, {pipeline_mode = #tpu.pipeline_mode<synchronous>, transform_indices = @transform_9, window_bounds = array<i64: 8, 128>}, {transform_indices = @transform_10, window_bounds = array<i64: 2048, 128>}, {transform_indices = @transform_11, window_bounds = array<i64: 2048, 128>}]} {
    %get3A = arith.constant 0 : index
    %get3A_0 = arith.constant 0 : index
    %get3A_1 = vector.load %arg1[%get3A, %get3A_0] : memref<2048x128xf32, #tpu.memory_space<vmem>>, vector<2048x128xf32>
    %get3A_2 = arith.constant 0 : index
    %get3A_3 = arith.constant 0 : index
    %get3A_4 = vector.load %arg2[%get3A_2, %get3A_3] : memref<2048x128xf32, #tpu.memory_space<vmem>>, vector<2048x128xf32>
    %get3A_5 = arith.constant 0 : index
    %get3A_6 = arith.constant 0 : index
    %get3A_7 = vector.load %arg3[%get3A_5, %get3A_6] : memref<2048x128xf32, #tpu.memory_space<vmem>>, vector<2048x128xf32>
    %get3A_8 = arith.constant 0 : index
    %get3A_9 = arith.constant 0 : index
    %get3A_10 = vector.load %arg4[%get3A_8, %get3A_9] : memref<2048x1xi32, #tpu.memory_space<vmem>>, vector<2048x1xi32>
    %get3A_11 = arith.constant 0 : index
    %get3A_12 = arith.constant 0 : index
    %get3A_13 = vector.load %arg5[%get3A_11, %get3A_12] : memref<2048x1xi32, #tpu.memory_space<vmem>>, vector<2048x1xi32>
    %eq3A = arith.constant -1 : i32
    %eq3A_14 = vector.broadcast %eq3A : i32 to vector<2048x1xi32>
    %eq3A_15 = arith.cmpi eq, %get3A_13, %eq3A_14 : vector<2048x1xi32>
    %eq3A_16 = arith.constant 1 : i32
    %eq3A_17 = vector.broadcast %eq3A_16 : i32 to vector<2048x1xi32>
    %eq3A_18 = arith.cmpi eq, %get3A_13, %eq3A_17 : vector<2048x1xi32>
    %jit3A = arith.constant 1 : i32
    %jit3A_19 = arith.constant 2 : i32
    %broadcast_in_dim3A = vector.broadcast %jit3A : i32 to vector<2048x1xi32>
    %broadcast_in_dim3A_20 = vector.broadcast %jit3A_19 : i32 to vector<2048x1xi32>
    %select_n3A = arith.select %eq3A_18, %broadcast_in_dim3A, %broadcast_in_dim3A_20 : vector<2048x1xi1>, vector<2048x1xi32>
    %jit3A_21 = arith.constant 0 : i32
    %broadcast_in_dim3A_22 = vector.broadcast %jit3A_21 : i32 to vector<2048x1xi32>
    %select_n3A_23 = arith.select %eq3A_15, %broadcast_in_dim3A_22, %select_n3A : vector<2048x1xi1>, vector<2048x1xi32>
    %mul3A = arith.constant 3 : i32
    %mul3A_24 = vector.broadcast %mul3A : i32 to vector<2048x1xi32>
    %mul3A_25 = arith.muli %get3A_10, %mul3A_24 : vector<2048x1xi32>
    %add3A = arith.addi %mul3A_25, %select_n3A_23 : vector<2048x1xi32>
    %iota3A = tpu.iota {dimensions = array<i32: 1>} : vector<2048x24xi32>
    %eq3A_26 = vector.broadcast %add3A : vector<2048x1xi32> to vector<2048x24xi32>
    %eq3A_27 = arith.cmpi eq, %eq3A_26, %iota3A : vector<2048x24xi32>
    %convert_element_type3A = arith.extui %eq3A_27 : vector<2048x24xi1> to vector<2048x24xi32>
    %convert_element_type3A_28 = arith.sitofp %convert_element_type3A : vector<2048x24xi32> to vector<2048x24xf32>
    %get3A_29 = arith.constant 0 : index
    %get3A_30 = arith.constant 0 : index
    %get3A_31 = vector.load %arg6[%get3A_29, %get3A_30] : memref<24x128xf32, #tpu.memory_space<vmem>>, vector<24x128xf32>
    %dot_general3A = arith.constant dense<0.000000e+00> : vector<2048x128xf32>
    %dot_general3A_32 = tpu.matmul %convert_element_type3A_28, %get3A_31, %dot_general3A {dimension_numbers = #tpu.dot_dimension_numbers<[1], [0], [0], [1], [0, 0, 1, 1], [], []>, transpose_lhs_hint = false} : vector<2048x24xf32>, vector<24x128xf32>, vector<2048x128xf32> -> vector<2048x128xf32>
    %get3A_33 = arith.constant 0 : index
    %get3A_34 = arith.constant 0 : index
    %get3A_35 = vector.load %arg7[%get3A_33, %get3A_34] : memref<24x128xf32, #tpu.memory_space<vmem>>, vector<24x128xf32>
    %dot_general3A_36 = arith.constant dense<0.000000e+00> : vector<2048x128xf32>
    %dot_general3A_37 = tpu.matmul %convert_element_type3A_28, %get3A_35, %dot_general3A_36 {dimension_numbers = #tpu.dot_dimension_numbers<[1], [0], [0], [1], [0, 0, 1, 1], [], []>, transpose_lhs_hint = false} : vector<2048x24xf32>, vector<24x128xf32>, vector<2048x128xf32> -> vector<2048x128xf32>
    %get3A_38 = arith.constant 0 : index
    %get3A_39 = arith.constant 0 : index
    %get3A_40 = vector.load %arg8[%get3A_38, %get3A_39] : memref<24x8xf32, #tpu.memory_space<vmem>>, vector<24x8xf32>
    %dot_general3A_41 = arith.constant dense<0.000000e+00> : vector<2048x8xf32>
    %dot_general3A_42 = tpu.matmul %convert_element_type3A_28, %get3A_40, %dot_general3A_41 {dimension_numbers = #tpu.dot_dimension_numbers<[1], [0], [0], [1], [0, 0, 1, 1], [], []>, transpose_lhs_hint = false} : vector<2048x24xf32>, vector<24x8xf32>, vector<2048x8xf32> -> vector<2048x8xf32>
    %mul3A_43 = arith.mulf %get3A_1, %get3A_4 : vector<2048x128xf32>
    %mul3A_44 = arith.mulf %mul3A_43, %dot_general3A_32 : vector<2048x128xf32>
    %get3A_45 = arith.constant 0 : index
    %get3A_46 = arith.constant 0 : index
    %get3A_47 = vector.load %arg9[%get3A_45, %get3A_46] : memref<128x8xf32, #tpu.memory_space<vmem>>, vector<128x8xf32>
    %dot_general3A_48 = arith.constant dense<0.000000e+00> : vector<2048x8xf32>
    %dot_general3A_49 = tpu.matmul %mul3A_44, %get3A_47, %dot_general3A_48 {dimension_numbers = #tpu.dot_dimension_numbers<[1], [0], [0], [1], [0, 0, 1, 1], [], []>, transpose_lhs_hint = false} : vector<2048x128xf32>, vector<128x8xf32>, vector<2048x8xf32> -> vector<2048x8xf32>
    %exp3A = math.exp %dot_general3A_49 : vector<2048x8xf32>
    %get3A_50 = arith.constant 0 : index
    %get3A_51 = arith.constant 0 : index
    %get3A_52 = vector.load %arg10[%get3A_50, %get3A_51] : memref<8x128xf32, #tpu.memory_space<vmem>>, vector<8x128xf32>
    %dot_general3A_53 = arith.constant dense<0.000000e+00> : vector<2048x128xf32>
    %dot_general3A_54 = tpu.matmul %exp3A, %get3A_52, %dot_general3A_53 {dimension_numbers = #tpu.dot_dimension_numbers<[1], [0], [0], [1], [0, 0, 1, 1], [], []>, transpose_lhs_hint = false} : vector<2048x8xf32>, vector<8x128xf32>, vector<2048x128xf32> -> vector<2048x128xf32>
    %mul3A_55 = arith.mulf %get3A_7, %dot_general3A_37 : vector<2048x128xf32>
    %mul3A_56 = arith.mulf %mul3A_55, %dot_general3A_54 : vector<2048x128xf32>
    %swap3A = arith.constant 0 : index
    %swap3A_57 = arith.constant 0 : index
    %swap3A_58 = vector.load %arg11[%swap3A, %swap3A_57] : memref<2048x128xf32, #tpu.memory_space<vmem>>, vector<2048x128xf32>
    tpu.vector_store %arg11[%swap3A, %swap3A_57], %mul3A_56 {strides = array<i32>} : memref<2048x128xf32, #tpu.memory_space<vmem>>, vector<2048x128xf32>,
    %mul3A_59 = arith.mulf %exp3A, %dot_general3A_42 : vector<2048x8xf32>
    %broadcast_in_dim3A_60 = arith.constant 0.000000e+00 : f32
    %broadcast_in_dim3A_61 = vector.broadcast %broadcast_in_dim3A_60 : f32 to vector<2048x120xf32>
    %concatenate3A = tpu.concatenate %mul3A_59, %broadcast_in_dim3A_61 in 1 : vector<2048x8xf32>, vector<2048x120xf32> -> vector<2048x128xf32>
    %swap3A_62 = arith.constant 0 : index
    %swap3A_63 = arith.constant 0 : index
    %swap3A_64 = vector.load %arg12[%swap3A_62, %swap3A_63] : memref<2048x128xf32, #tpu.memory_space<vmem>>, vector<2048x128xf32>
    tpu.vector_store %arg12[%swap3A_62, %swap3A_63], %concatenate3A {strides = array<i32>} : memref<2048x128xf32, #tpu.memory_space<vmem>>, vector<2048x128xf32>,
    return
  }
  func.func @transform_0(%arg0: i32) -> (i32, i32) {
    %c0_i32 = arith.constant 0 : i32
    %c0_i32_0 = arith.constant 0 : i32
    return %arg0, %c0_i32 : i32, i32
  }
  func.func @transform_1(%arg0: i32) -> (i32, i32) {
    %c0_i32 = arith.constant 0 : i32
    %c0_i32_0 = arith.constant 0 : i32
    return %arg0, %c0_i32 : i32, i32
  }
  func.func @transform_2(%arg0: i32) -> (i32, i32) {
    %c0_i32 = arith.constant 0 : i32
    %c0_i32_0 = arith.constant 0 : i32
    return %arg0, %c0_i32 : i32, i32
  }
  func.func @transform_3(%arg0: i32) -> (i32, i32) {
    %c0_i32 = arith.constant 0 : i32
    %c0_i32_0 = arith.constant 0 : i32
    return %arg0, %c0_i32 : i32, i32
  }
  func.func @transform_4(%arg0: i32) -> (i32, i32) {
    %c0_i32 = arith.constant 0 : i32
    %c0_i32_0 = arith.constant 0 : i32
    return %arg0, %c0_i32 : i32, i32
  }
  func.func @transform_5(%arg0: i32) -> (i32, i32) {
    %c0_i32 = arith.constant 0 : i32
    %c0_i32_0 = arith.constant 0 : i32
    %c0_i32_1 = arith.constant 0 : i32
    return %c0_i32, %c0_i32_0 : i32, i32
  }
  func.func @transform_6(%arg0: i32) -> (i32, i32) {
    %c0_i32 = arith.constant 0 : i32
    %c0_i32_0 = arith.constant 0 : i32
    %c0_i32_1 = arith.constant 0 : i32
    return %c0_i32, %c0_i32_0 : i32, i32
  }
  func.func @transform_7(%arg0: i32) -> (i32, i32) {
    %c0_i32 = arith.constant 0 : i32
    %c0_i32_0 = arith.constant 0 : i32
    %c0_i32_1 = arith.constant 0 : i32
    return %c0_i32, %c0_i32_0 : i32, i32
  }
  func.func @transform_8(%arg0: i32) -> (i32, i32) {
    %c0_i32 = arith.constant 0 : i32
    %c0_i32_0 = arith.constant 0 : i32
    %c0_i32_1 = arith.constant 0 : i32
    return %c0_i32, %c0_i32_0 : i32, i32
  }
  func.func @transform_9(%arg0: i32) -> (i32, i32) {
    %c0_i32 = arith.constant 0 : i32
    %c0_i32_0 = arith.constant 0 : i32
    %c0_i32_1 = arith.constant 0 : i32
    return %c0_i32, %c0_i32_0 : i32, i32
  }
  func.func @transform_10(%arg0: i32) -> (i32, i32) {
    %c0_i32 = arith.constant 0 : i32
    %c0_i32_0 = arith.constant 0 : i32
    return %arg0, %c0_i32 : i32, i32
  }
  func.func @transform_11(%arg0: i32) -> (i32, i32) {
    %c0_i32 = arith.constant 0 : i32
    %c0_i32_0 = arith.constant 0 : i32
    return %arg0, %c0_i32 : i32, i32
  }
}

module attributes {stable_mosaic.version = 14 : i64} {
  func.func @_final_body(%arg0: i32, %arg1: memref<1000x128xf32, #tpu.memory_space<vmem>>, %arg2: memref<1000x128xf32, #tpu.memory_space<vmem>>, %arg3: memref<1000x16xf32, #tpu.memory_space<vmem>>, %arg4: memref<1000x16xf32, #tpu.memory_space<vmem>>, %arg5: memref<1000x128xf32, #tpu.memory_space<vmem>>, %arg6: memref<1000x1xi32, #tpu.memory_space<vmem>>, %arg7: memref<8x128xf32, #tpu.memory_space<vmem>>, %arg8: memref<4x128xf32, #tpu.memory_space<vmem>>, %arg9: memref<4x128xf32, #tpu.memory_space<vmem>>, %arg10: memref<4x128xf32, #tpu.memory_space<vmem>>, %arg11: memref<1000x128xf32, #tpu.memory_space<vmem>>) attributes {dimension_semantics = [#tpu.dimension_semantics<arbitrary>], iteration_bounds = array<i64: 10>, scalar_prefetch = 0 : i64, scratch_operands = 0 : i64, tpu.core_type = #tpu.core_type<tc>, window_params = [{transform_indices = @transform_0, window_bounds = array<i64: 1000, 128>}, {transform_indices = @transform_1, window_bounds = array<i64: 1000, 128>}, {transform_indices = @transform_2, window_bounds = array<i64: 1000, 16>}, {transform_indices = @transform_3, window_bounds = array<i64: 1000, 16>}, {transform_indices = @transform_4, window_bounds = array<i64: 1000, 128>}, {transform_indices = @transform_5, window_bounds = array<i64: 1000, 1>}, {pipeline_mode = #tpu.pipeline_mode<synchronous>, transform_indices = @transform_6, window_bounds = array<i64: 8, 128>}, {pipeline_mode = #tpu.pipeline_mode<synchronous>, transform_indices = @transform_7, window_bounds = array<i64: 4, 128>}, {pipeline_mode = #tpu.pipeline_mode<synchronous>, transform_indices = @transform_8, window_bounds = array<i64: 4, 128>}, {pipeline_mode = #tpu.pipeline_mode<synchronous>, transform_indices = @transform_9, window_bounds = array<i64: 4, 128>}, {transform_indices = @transform_10, window_bounds = array<i64: 1000, 128>}]} {
    %get3A = arith.constant 0 : index
    %get3A_0 = arith.constant 0 : index
    %get3A_1 = vector.load %arg1[%get3A, %get3A_0] : memref<1000x128xf32, #tpu.memory_space<vmem>>, vector<1000x128xf32>
    %get3A_2 = arith.constant 0 : index
    %get3A_3 = arith.constant 0 : index
    %get3A_4 = vector.load %arg2[%get3A_2, %get3A_3] : memref<1000x128xf32, #tpu.memory_space<vmem>>, vector<1000x128xf32>
    %add3A = arith.addf %get3A_1, %get3A_4 : vector<1000x128xf32>
    %get3A_5 = arith.constant 0 : index
    %get3A_6 = arith.constant 0 : index
    %get3A_7 = vector.load %arg3[%get3A_5, %get3A_6] : memref<1000x16xf32, #tpu.memory_space<vmem>>, vector<1000x8xf32>
    %get3A_8 = arith.constant 0 : index
    %get3A_9 = arith.constant 0 : index
    %get3A_10 = vector.load %arg4[%get3A_8, %get3A_9] : memref<1000x16xf32, #tpu.memory_space<vmem>>, vector<1000x8xf32>
    %add3A_11 = arith.addf %get3A_7, %get3A_10 : vector<1000x8xf32>
    %get3A_12 = arith.constant 0 : index
    %get3A_13 = arith.constant 0 : index
    %get3A_14 = vector.load %arg7[%get3A_12, %get3A_13] : memref<8x128xf32, #tpu.memory_space<vmem>>, vector<8x128xf32>
    %dot_general3A = arith.constant dense<0.000000e+00> : vector<1000x128xf32>
    %dot_general3A_15 = tpu.matmul %add3A_11, %get3A_14, %dot_general3A {dimension_numbers = #tpu.dot_dimension_numbers<[1], [0], [0], [1], [0, 0, 1, 1], [], []>, transpose_lhs_hint = false} : vector<1000x8xf32>, vector<8x128xf32>, vector<1000x128xf32> -> vector<1000x128xf32>
    %max3A = arith.constant 1.000000e-16 : f32
    %max3A_16 = vector.broadcast %max3A : f32 to vector<1000x128xf32>
    %max3A_17 = arith.maximumf %dot_general3A_15, %max3A_16 : vector<1000x128xf32>
    %div3A = arith.divf %add3A, %max3A_17 : vector<1000x128xf32>
    %get3A_18 = arith.constant 0 : index
    %get3A_19 = arith.constant 0 : index
    %get3A_20 = vector.load %arg5[%get3A_18, %get3A_19] : memref<1000x128xf32, #tpu.memory_space<vmem>>, vector<1000x128xf32>
    %get3A_21 = arith.constant 0 : index
    %get3A_22 = arith.constant 0 : index
    %get3A_23 = vector.load %arg6[%get3A_21, %get3A_22] : memref<1000x1xi32, #tpu.memory_space<vmem>>, vector<1000x1xi32>
    %iota3A = tpu.iota {dimensions = array<i32: 1>} : vector<1000x4xi32>
    %eq3A = vector.broadcast %get3A_23 : vector<1000x1xi32> to vector<1000x4xi32>
    %eq3A_24 = arith.cmpi eq, %eq3A, %iota3A : vector<1000x4xi32>
    %convert_element_type3A = arith.extui %eq3A_24 : vector<1000x4xi1> to vector<1000x4xi32>
    %convert_element_type3A_25 = arith.sitofp %convert_element_type3A : vector<1000x4xi32> to vector<1000x4xf32>
    %get3A_26 = arith.constant 0 : index
    %get3A_27 = arith.constant 0 : index
    %get3A_28 = vector.load %arg8[%get3A_26, %get3A_27] : memref<4x128xf32, #tpu.memory_space<vmem>>, vector<4x128xf32>
    %dot_general3A_29 = arith.constant dense<0.000000e+00> : vector<1000x128xf32>
    %dot_general3A_30 = tpu.matmul %convert_element_type3A_25, %get3A_28, %dot_general3A_29 {dimension_numbers = #tpu.dot_dimension_numbers<[1], [0], [0], [1], [0, 0, 1, 1], [], []>, transpose_lhs_hint = false} : vector<1000x4xf32>, vector<4x128xf32>, vector<1000x128xf32> -> vector<1000x128xf32>
    %get3A_31 = arith.constant 0 : index
    %get3A_32 = arith.constant 0 : index
    %get3A_33 = vector.load %arg9[%get3A_31, %get3A_32] : memref<4x128xf32, #tpu.memory_space<vmem>>, vector<4x128xf32>
    %dot_general3A_34 = arith.constant dense<0.000000e+00> : vector<1000x128xf32>
    %dot_general3A_35 = tpu.matmul %convert_element_type3A_25, %get3A_33, %dot_general3A_34 {dimension_numbers = #tpu.dot_dimension_numbers<[1], [0], [0], [1], [0, 0, 1, 1], [], []>, transpose_lhs_hint = false} : vector<1000x4xf32>, vector<4x128xf32>, vector<1000x128xf32> -> vector<1000x128xf32>
    %get3A_36 = arith.constant 0 : index
    %get3A_37 = arith.constant 0 : index
    %get3A_38 = vector.load %arg10[%get3A_36, %get3A_37] : memref<4x128xf32, #tpu.memory_space<vmem>>, vector<4x128xf32>
    %dot_general3A_39 = arith.constant dense<0.000000e+00> : vector<1000x128xf32>
    %dot_general3A_40 = tpu.matmul %convert_element_type3A_25, %get3A_38, %dot_general3A_39 {dimension_numbers = #tpu.dot_dimension_numbers<[1], [0], [0], [1], [0, 0, 1, 1], [], []>, transpose_lhs_hint = false} : vector<1000x4xf32>, vector<4x128xf32>, vector<1000x128xf32> -> vector<1000x128xf32>
    %mul3A = arith.mulf %dot_general3A_30, %div3A : vector<1000x128xf32>
    %sub3A = arith.constant 1.000000e+00 : f32
    %sub3A_41 = vector.broadcast %sub3A : f32 to vector<1000x128xf32>
    %sub3A_42 = arith.subf %sub3A_41, %dot_general3A_30 : vector<1000x128xf32>
    %mul3A_43 = arith.mulf %sub3A_42, %get3A_20 : vector<1000x128xf32>
    %add3A_44 = arith.addf %mul3A, %mul3A_43 : vector<1000x128xf32>
    %reduce_sum3A = arith.constant dense<0.000000e+00> : vector<1000xf32>
    %reduce_sum3A_45 = vector.multi_reduction <add>, %add3A_44, %reduce_sum3A [1] : vector<1000x128xf32> to vector<1000xf32>
    %broadcast_in_dim3A = vector.shape_cast %reduce_sum3A_45 : vector<1000xf32> to vector<1000x1xf32>
    %div3A_46 = arith.constant 1.280000e+02 : f32
    %div3A_47 = vector.broadcast %div3A_46 : f32 to vector<1000x1xf32>
    %div3A_48 = arith.divf %broadcast_in_dim3A, %div3A_47 : vector<1000x1xf32>
    %sub3A_49 = vector.broadcast %div3A_48 : vector<1000x1xf32> to vector<1000x128xf32>
    %sub3A_50 = arith.subf %add3A_44, %sub3A_49 : vector<1000x128xf32>
    %integer_pow3A = arith.mulf %sub3A_50, %sub3A_50 : vector<1000x128xf32>
    %reduce_sum3A_51 = arith.constant dense<0.000000e+00> : vector<1000xf32>
    %reduce_sum3A_52 = vector.multi_reduction <add>, %integer_pow3A, %reduce_sum3A_51 [1] : vector<1000x128xf32> to vector<1000xf32>
    %broadcast_in_dim3A_53 = vector.shape_cast %reduce_sum3A_52 : vector<1000xf32> to vector<1000x1xf32>
    %div3A_54 = arith.constant 1.280000e+02 : f32
    %div3A_55 = vector.broadcast %div3A_54 : f32 to vector<1000x1xf32>
    %div3A_56 = arith.divf %broadcast_in_dim3A_53, %div3A_55 : vector<1000x1xf32>
    %sub3A_57 = vector.broadcast %div3A_48 : vector<1000x1xf32> to vector<1000x128xf32>
    %sub3A_58 = arith.subf %add3A_44, %sub3A_57 : vector<1000x128xf32>
    %add3A_59 = arith.constant 9.99999974E-6 : f32
    %add3A_60 = vector.broadcast %add3A_59 : f32 to vector<1000x1xf32>
    %add3A_61 = arith.addf %div3A_56, %add3A_60 : vector<1000x1xf32>
    %rsqrt3A = math.rsqrt %add3A_61 : vector<1000x1xf32>
    %mul3A_62 = vector.broadcast %rsqrt3A : vector<1000x1xf32> to vector<1000x128xf32>
    %mul3A_63 = arith.mulf %sub3A_58, %mul3A_62 : vector<1000x128xf32>
    %mul3A_64 = arith.mulf %mul3A_63, %dot_general3A_35 : vector<1000x128xf32>
    %add3A_65 = arith.addf %mul3A_64, %dot_general3A_40 : vector<1000x128xf32>
    %swap3A = arith.constant 0 : index
    %swap3A_66 = arith.constant 0 : index
    %swap3A_67 = vector.load %arg11[%swap3A, %swap3A_66] : memref<1000x128xf32, #tpu.memory_space<vmem>>, vector<1000x128xf32>
    tpu.vector_store %arg11[%swap3A, %swap3A_66], %add3A_65 {strides = array<i32>} : memref<1000x128xf32, #tpu.memory_space<vmem>>, vector<1000x128xf32>,
    return
  }
  func.func @transform_0(%arg0: i32) -> (i32, i32) {
    %c0_i32 = arith.constant 0 : i32
    %c0_i32_0 = arith.constant 0 : i32
    return %arg0, %c0_i32 : i32, i32
  }
  func.func @transform_1(%arg0: i32) -> (i32, i32) {
    %c0_i32 = arith.constant 0 : i32
    %c0_i32_0 = arith.constant 0 : i32
    return %arg0, %c0_i32 : i32, i32
  }
  func.func @transform_2(%arg0: i32) -> (i32, i32) {
    %c0_i32 = arith.constant 0 : i32
    %c0_i32_0 = arith.constant 0 : i32
    return %arg0, %c0_i32 : i32, i32
  }
  func.func @transform_3(%arg0: i32) -> (i32, i32) {
    %c0_i32 = arith.constant 0 : i32
    %c0_i32_0 = arith.constant 0 : i32
    return %arg0, %c0_i32 : i32, i32
  }
  func.func @transform_4(%arg0: i32) -> (i32, i32) {
    %c0_i32 = arith.constant 0 : i32
    %c0_i32_0 = arith.constant 0 : i32
    return %arg0, %c0_i32 : i32, i32
  }
  func.func @transform_5(%arg0: i32) -> (i32, i32) {
    %c0_i32 = arith.constant 0 : i32
    %c0_i32_0 = arith.constant 0 : i32
    return %arg0, %c0_i32 : i32, i32
  }
  func.func @transform_6(%arg0: i32) -> (i32, i32) {
    %c0_i32 = arith.constant 0 : i32
    %c0_i32_0 = arith.constant 0 : i32
    %c0_i32_1 = arith.constant 0 : i32
    return %c0_i32, %c0_i32_0 : i32, i32
  }
  func.func @transform_7(%arg0: i32) -> (i32, i32) {
    %c0_i32 = arith.constant 0 : i32
    %c0_i32_0 = arith.constant 0 : i32
    %c0_i32_1 = arith.constant 0 : i32
    return %c0_i32, %c0_i32_0 : i32, i32
  }
  func.func @transform_8(%arg0: i32) -> (i32, i32) {
    %c0_i32 = arith.constant 0 : i32
    %c0_i32_0 = arith.constant 0 : i32
    %c0_i32_1 = arith.constant 0 : i32
    return %c0_i32, %c0_i32_0 : i32, i32
  }
  func.func @transform_9(%arg0: i32) -> (i32, i32) {
    %c0_i32 = arith.constant 0 : i32
    %c0_i32_0 = arith.constant 0 : i32
    %c0_i32_1 = arith.constant 0 : i32
    return %c0_i32, %c0_i32_0 : i32, i32
  }
  func.func @transform_10(%arg0: i32) -> (i32, i32) {
    %c0_i32 = arith.constant 0 : i32
    %c0_i32_0 = arith.constant 0 : i32
    return %arg0, %c0_i32 : i32, i32
  }
}

</mosaic_0001>

<sc_bundles>
// kernel: kernel.10.cloned.1.call-start
scs
__scs_entry_jumppad:
0x0: {  	(pc) =	sbr.rel $0x88, $3  }
0x1: {  	(tag) =	ssettag $0x0;
	lr =	simm.s32 $0x1  }
0x2: {  	[smem:$0x3F8B] =	sst lr;
	_ =	strace $0xD0000000  }
0x3: {  	_ = 	snop  }
0x4: {  	_ = 	snop  }
0x5: {  	_ = 	snop  }
0x6: {  	_ = 	snop  }
0x7: {  	_ = 	snop  }
__scs_overlays_trampoline_lowered:
0x8: {  	[smem:$0x3F9A] =	sst s0  }
0x9: {  	[smem:$0x3F9B] =	sst s1  }
0xa: {  	[smem:$0x3F9C] =	sst s2  }
0xb: {  	[smem:$0x3F9D] =	sst s3  }
0xc: {  	[smem:$0x3F9E] =	sst s4  }
0xd: {  	[smem:$0x3F9F] =	sst s5  }
0xe: {  	[smem:$0x3FA0] =	sst s6  }
0xf: {  	[smem:$0x3FA1] =	sst s7  }
0x10: {  	[smem:$0x3FA2] =	sst s8  }
0x11: {  	[smem:$0x3FA3] =	sst s9;
	s0 =	simm.s32 @!p0 $0x0  }
0x12: {  	s1 =	sld [smem:$0x3F89];
	s0 =	simm.s32 @p0 $0x1  }
0x13: {  	[smem:$0x3FA4] =	sst s0;
	s0 =	simm.s32 @!p1 $0x0  }
0x14: {  	s2 =	sld [smem:$0x3F88];
	s0 =	simm.s32 @p1 $0x1  }
0x15: {  	[smem:$0x3FA5] =	sst s0;
	s0 =	simm.s32 @!p2 $0x0  }
0x16: {  	s3 =	sld [smem:$0x3FDB];
	s0 =	simm.s32 @p2 $0x1  }
0x17: {  	s4 =	simm.s32 $0x1BF5;
	[smem:$0x3FA7] =	sst s0  }
0x18: {  	s0 =	sld [smem:$0x3F8A];
	_ =	swait.ge [sflag:s4], $0x0  }
0x19: {  	s7 =	sld [smem:$0x3F8B]  }
0x1a: {  	s8 =	sadd.s32 $0xFFFFE003, lr  }
0x1b: {  	s9 =	sadd.s32 $0xFFFFFEF7, lr;
	s5 =	simm.s32 $0xFFFFFFFF;
	p2 =	slt.u32 s8, $0xFFFFF086  }
0x1c: {  	p1 =	slt.u32 s9, $0xF7A;
	s5 =	simm.s32 @!p2 $0x0  }
0x1d: {  	s5 =	simm.s32 @p1 $0x1;
	p0 =	seq.s32 s7, s2  }
0x1e: {  	s7 =	smul.u32 @!p0 $0xF7A, s2;
	p2 =	seq.s32 @!p0 s5, $0x0  }
0x1f: {  	s9 =	smul.u32 $0xF7A, s1;
	s8 =	simm.s32 @!p0 $0x1BF5;
	p2 =	por !p2, p0  }
0x20: {  	[sflag:s8] =	ssyncset.s32 @!p0 $0xFFFFF086;
	s6 =	sadd.s32 @!p0 s3, s7;
	s7 =	simm.s32 @!p0 $0x108  }
0x21: {  	s3 =	sadd.s32 s3, s9;
	s6 =	sadd.s32 @!p0 $0x88, s6;
	s7 =	simm.s32 @p2 $0x1082  }
0x22: {  	[simem:s7], [sflag:s8] =	dma.local @!p0 [hbm:s6], $0xF7A  }
0x23: {  	s9 =	sor.u32 $0xD0000000, s2;
	s6 =	simm.s32 $0x108;
	_ =	swait.ge @!p0 [sflag:s8], $0x0  }
0x24: {  	s3 =	sadd.s32 $0x88, s3;
	s6 =	simm.s32 @!p1 $0x1082;
	[sflag:s4] =	ssyncset.s32 $0xFFFFF086  }
0x25: {  	[simem:s6], [sflag:s4] =	dma.local [hbm:s3], $0xF7A  }
0x26: {  	[smem:$0x3F8B] =	sst s1;
	(tag) =	ssettag s2;
	_ =	strace s9  }
0x27: {  	s1 =	sld [smem:$0x3F9B]  }
0x28: {  	s2 =	sld [smem:$0x3F9C]  }
0x29: {  	s4 =	sld [smem:$0x3F9E]  }
0x2a: {  	p0 =	seq.s32 s5, $0x0;
	s5 =	sld [smem:$0x3F9F]  }
0x2b: {  	s6 =	sld [smem:$0x3FA0]  }
0x2c: {  	s7 =	sld [smem:$0x3FA1]  }
0x2d: {  	s3 =	simm.s32 $0x108;
	s8 =	sld [smem:$0x3FA2]  }
0x2e: {  	s3 =	simm.s32 @!p0 $0x1082;
	s9 =	sld [smem:$0x3FA3]  }
0x2f: {  	lr =	sadd.s32 s0, s3;
	s0 =	sld [smem:$0x3F9A]  }
0x30: {  	s3 =	sld [smem:$0x3F9D]  }
0x31: {  	[smem:$0x3FA6] =	sst s10  }
0x32: {  	s10 =	sld [smem:$0x3FA4];
	_ =	sdelay $0x3  }
0x33: {  	p0 =	seq.s32 s10, $0x1;
	s10 =	sld [smem:$0x3FA6];
	_ =	sdelay $0x3  }
0x34: {  	[smem:$0x3FA6] =	sst s10  }
0x35: {  	s10 =	sld [smem:$0x3FA5];
	_ =	sdelay $0x3  }
0x36: {  	p1 =	seq.s32 s10, $0x1;
	s10 =	sld [smem:$0x3FA6];
	_ =	sdelay $0x3  }
0x37: {  	[smem:$0x3FA6] =	sst s10  }
0x38: {  	s10 =	sld [smem:$0x3FA7]  }
0x39: {  	_ = 	snop;
	(pc) =	sbr.ind lr, $3  }
0x3a: {  	_ = 	snop  }
0x3b: {  	_ = 	snop  }
0x3c: {  	p2 =	seq.s32 s10, $0x1;
	s10 =	sld [smem:$0x3FA6]  }
0x3d: {  	_ =	shalt  }
0x3e: {  	_ =	shalt  }
0x3f: {  	_ =	shalt  }
0x40: {  	_ =	shalt  }
0x41: {  	_ =	shalt  }
0x42: {  	_ =	shalt  }
0x43: {  	_ =	shalt  }
0x44: {  	_ =	shalt  }
0x45: {  	_ =	shalt  }
0x46: {  	_ =	shalt  }
0x47: {  	_ =	shalt  }
0x48: {  	_ =	shalt  }
0x49: {  	_ =	shalt  }
0x4a: {  	_ =	shalt  }
0x4b: {  	_ =	shalt  }
0x4c: {  	_ =	shalt  }
0x4d: {  	_ =	shalt  }
0x4e: {  	_ =	shalt  }
0x4f: {  	_ =	shalt  }
0x50: {  	_ =	shalt  }
0x51: {  	_ =	shalt  }
0x52: {  	_ =	shalt  }
0x53: {  	_ =	shalt  }
0x54: {  	_ =	shalt  }
0x55: {  	_ =	shalt  }
0x56: {  	_ =	shalt  }
0x57: {  	_ =	shalt  }
0x58: {  	_ =	shalt  }
0x59: {  	_ =	shalt  }
0x5a: {  	_ =	shalt  }
0x5b: {  	_ =	shalt  }
0x5c: {  	_ =	shalt  }
0x5d: {  	_ =	shalt  }
0x5e: {  	_ =	shalt  }
0x5f: {  	_ =	shalt  }
0x60: {  	_ =	shalt  }
0x61: {  	_ =	shalt  }
0x62: {  	_ =	shalt  }
0x63: {  	_ =	shalt  }
0x64: {  	_ =	shalt  }
0x65: {  	_ =	shalt  }
0x66: {  	_ =	shalt  }
0x67: {  	_ =	shalt  }
0x68: {  	_ =	shalt  }
0x69: {  	_ =	shalt  }
0x6a: {  	_ =	shalt  }
0x6b: {  	_ =	shalt  }
0x6c: {  	_ =	shalt  }
0x6d: {  	_ =	shalt  }
0x6e: {  	_ =	shalt  }
0x6f: {  	_ =	shalt  }
0x70: {  	_ =	shalt  }
0x71: {  	_ =	shalt  }
0x72: {  	_ =	shalt  }
0x73: {  	_ =	shalt  }
0x74: {  	_ =	shalt  }
0x75: {  	_ =	shalt  }
0x76: {  	_ =	shalt  }
0x77: {  	_ =	shalt  }
0x78: {  	_ =	shalt  }
0x79: {  	_ =	shalt  }
0x7a: {  	_ =	shalt  }
0x7b: {  	_ =	shalt  }
0x7c: {  	_ =	shalt  }
0x7d: {  	_ =	shalt  }
0x7e: {  	_ =	shalt  }
0x7f: {  	_ =	shalt  }
0x80: {  	_ =	shalt  }
0x81: {  	_ =	shalt  }
0x82: {  	_ =	shalt  }
0x83: {  	_ =	shalt  }
0x84: {  	_ =	shalt  }
0x85: {  	_ =	shalt  }
0x86: {  	_ =	shalt  }
0x87: {  	_ =	shalt  }
.Lfunc_end0:
.L_simem_size_0:
called_computation.1_lowered:
.L_overlay_start_0:
0x88: {  	s2 =	sld [smem:$0x3FD9]  }
0x89: {  	s3 =	sld [smem:$0x3FFE];
	_ =	sdelay $0x1  }
0x8a: {  	s1 =	srdreg.scid  }
0x8b: {  	s0 =	sand.u32 $0x1, s1  }
0x8c: {  	s17 =	sshll.u32 s0, $0xA;
	s2 =	sadd.s32 s3, s2  }
0x8d: {  	s2 =	sadd.s32 s2, s17  }
0x8e: {  	[smem:$0x3FB2] =	sst s2  }
0x8f: {  	_ = 	snop  }
0x90: {  	s2 =	sld [smem:$0x3FD0];
	(tm) =	ssettm $0x1  }
0x91: {  	s18 =	sld [smem:$0x3FFB];
	_ =	sdelay $0x3  }
0x92: {  	_ =	strace s18  }
0x93: {  	s3 =	sld [smem:$0x3FFC];
	_ =	sdelay $0x3  }
0x94: {  	_ =	strace s3  }
0x95: {  	s3 =	sld [smem:$0x3FFD];
	_ =	sdelay $0x3  }
0x96: {  	_ =	strace s3  }
0x97: {  	_ =	strace $0x8FFFFFFF  }
0x98: {  	s19 =	sld [smem:$0x3FDB];
	_ =	sdelay $0x1  }
0x99: {  	s4 =	simm.s32 $_scs_section_size  }
0x9a: {  	s5 =	simm.s32 $_size__tile_overlayer_lowered;
	s6 =	simm.s32 $_tile_overlayer_lowered  }
0x9b: {  	s22 =	simm.s32 $0x1BFF;
	s21 =	sshll.u32 s6, $0x1;
	s3 =	sadd.s32 s4, s19  }
0x9c: {  	s7 =	simm.s32 $0x0;
	s20 =	sshll.u32 s5, $0x1;
	s5 =	sadd.s32 s21, s3  }
0x9d: {  	[timem:s7], [sflag:s22] =	dma.local [hbm:s5], s20  }
0x9e: {  	_ =	swait.ge [sflag:s22], s20  }
0x9f: {  	s4 =	ssub.s32 $0x0, s20;
	[sflag:s22] =	ssyncset.done $0x0  }
0xa0: {  	[sflag:s22] =	ssyncadd.s32 s4;
	_ =	sdelay $0x1  }
0xa1: {  	s23 =	simm.s32 $0x1B8B  }
0xa2: {  	_ =	swait.ge [sflag:s23], $0x1  }
0xa3: {  	[sflag:s23] =	ssyncset.done $0x0  }
0xa4: {  	s25 =	simm.s32 $0x1B8E;
	s24 =	sld [smem:$0x3FFE];
	[sflag:s23] =	ssyncadd.s32 $0xFFFFFFFF  }
0xa5: {  	s26 =	simm.s32 $execute0_lowered;
	[smem:$0x3FD2] =	sst s25  }
0xa6: {  	s5 =	sshll.u32 s26, $0x1;
	_ =	strace $0x80000049;
	[dreg:$0x1] =	wrdreg $0xFFFFFFFF  }
0xa7: {  	s28 =	simm.s32 $_size_execute0_lowered;
	s3 =	sadd.s32 s3, s5;
	[dreg:$0x0] =	wrdreg $0x0  }
0xa8: {  	s5 =	sshll.u32 s28, $0x1;
	[dreg:$0x2] =	wrdreg s3  }
0xa9: {  	[dreg:$0x3] =	wrdreg s5  }
0xaa: {  	[dreg:$0x4] =	wrdreg $0xC0  }
0xab: {  	_ =	task [dreg:s7], $0x5FFFF  }
0xac: {  	[dreg:$0x1] =	wrdreg $0xFFFFFFFF  }
0xad: {  	[dreg:$0x0] =	wrdreg $0x60  }
0xae: {  	[dreg:$0x2] =	wrdreg s24  }
0xaf: {  	[dreg:$0x3] =	wrdreg s2  }
0xb0: {  	[dreg:$0x4] =	wrdreg $0x0  }
0xb1: {  	[dreg:$0x5] =	wrdreg $0x139000  }
0xb2: {  	[dreg:$0x6] =	wrdreg $0x9  }
0xb3: {  	_ =	task.clear_ibuf [dreg:s7], $0x7FFFF;
	_ =	strace $0x90000049  }
0xb4: {  	s29 =	simm.s32 $0x9;
	_ =	strace $0x8000004B  }
0xb5: {  	_ =	swait.ge [sflag:s29], $0x1  }
0xb6: {  	[sflag:s29] =	ssyncadd.s32 $0xFFFFFFFF  }
0xb7: {  	_ =	strace $0x9000004B  }
0xb8: {  	_ =	sfence  }
0xb9: {  	s30 =	sld [smem:$0x0];
	_ =	sdelay $0x2  }
0xba: {  	s31 =	sshll.u32 s1, $0xD;
	s1 =	sshrl.u32 s1, $0x2  }
0xbb: {  	s3 =	sand.u32 $0x4000, s31;
	s1 =	sadd.s32 s1, s30  }
0xbc: {  	s0 =	sor.u32 s3, s0;
	s1 =	sshll.u32 s1, $0x11  }
0xbd: {  	s0 =	sor.u32 s1, s0  }
0xbe: {  	s0 =	sadd.s32 $0x8F2B, s0  }
0xbf: {  	[sflag:s0] =	ssyncadd.remote.s32 $0x1  }
0xc0: {  	_ =	sfence.sel $0xFFFF  }
0xc1: {  	[dreg:$0x0] =	wrdreg $0xFFFFFFFF;
	(pc) =	sbr.abs _section_cstart, $3  }
0xc2: {  	[dreg:$0x1] =	wrdreg $0xFFFFFFFF  }
0xc3: {  	_ =	task.clear_ibuf [dreg:s7], $0x2FFFF;
	_ =	strace $0x9FFFFFFF  }
0xc4: {  	(tm) =	ssettm $0x7FFFFFFF  }
0xc5: {  	_ =	shalt  }
tec
execute0_lowered:
.L_overlay_start_1:
0x0: {  	(tag) =	ssettag $0x1  }
0x1: {  	s1 =	rddreg [dreg:$0x0]  }
0x2: {  	s8 =	rddreg [dreg:$0x1]  }
0x3: {  	s0 =	srdreg.scid;
	s17 =	stileid.u32  }
0x4: {  	s2 =	rddreg [dreg:$0x2];
	s9 =	sand.u32 $0x1, s0;
	s0 =	smul.u32 $0x271, s17  }
0x5: {  	s3 =	rddreg [dreg:$0x3];
	s4 =	simm.s32 $0x0;
	s25 =	smul.u32 $0x4E200, s17  }
0x6: {  	s28 =	simm.s32 $0x6;
	s29 =	simm.s32 $0x0;
	s26 =	smul.u32 $0x9C40, s17  }
0x7: {  	[smem:$0x7FF] =	sst s4;
	s7 =	sadd.s32 $0x1EAAE00, s1;
	s18 =	smul.u32 $0xA0, s17  }
0x8: {  	s5 =	sadd.s32 $0xA0A00, s1;
	s6 =	smul.u32 $0x2710, s9;
	_ =	strace $0x8000004A  }
0x9: {  	s19 =	ssub.s32 $0x2, s9;
	s12 =	sshll.u32 s9, $0x4;
	s9 =	smul.u32 $0xA00, s9  }
0xa: {  	s13 =	sshrl.u32 s19, $0x1;
	s12 =	sor.u32 s17, s12;
	s14 =	sadd.s32 $0x240, s0  }
0xb: {  	s30 =	sshrl.u32 s25, $0x2;
	s10 =	sadd.s32 s0, s6;
	s15 =	smul.u32 $0x28000, s12  }
0xc: {  	s6 =	sadd.s32 $0x19AAE00, s1;
	s20 =	sshll.u32 s14, $0x7;
	s16 =	smul.u32 $0xA0, s12  }
0xd: {  	s21 =	sshll.u32 s14, $0x4;
	s12 =	smul.u32 $0x500, s12;
	s14 =	sadd.s32 s30, s2  }
0xe: {  	s9 =	sadd.s32 s18, s9;
	s30 =	sadd.s32 $0x100, s0;
	s11 =	sshll.u32 s10, $0x4  }
0xf: {  	s1 =	sadd.s32 s11, s1;
	s11 =	ssub.s32 s19, s13;
	s13 =	sadd.s32 s20, s2  }
0x10: {  	s10 =	sshll.u32 s10, $0x1;
	s22 =	sadd.s32 s6, s15;
	[dreg:$0x8] =	wrdreg s13  }
0x11: {  	s23 =	sadd.s32 s7, s15;
	s24 =	sor.u32 $0x2, s16;
	[dreg:$0xa] =	wrdreg s22  }
0x12: {  	s12 =	sadd.s32 s5, s12;
	s8 =	sadd.s32 s8, s10;
	[dreg:$0xb] =	wrdreg s23  }
0x13: {  	s10 =	sshrl.u32 s26, $0x2;
	s15 =	sadd.s32 $0x80, s0;
	[dreg:$0xc] =	wrdreg s12  }
0x14: {  	s13 =	sadd.s32 s21, s3;
	[dreg:$0x5] =	wrdreg s24;
	s1 =	sadd.s32 $0x2B400, s1  }
0x15: {  	[dreg:$0xe] =	wrdreg s8;
	s16 =	sadd.s32 s10, s3;
	s11 =	smax.u32 s11, $0x1  }
0x16: {  	s12 =	sadd.s32 $0x40, s0;
	s19 =	sshll.u32 s15, $0x7;
	s21 =	sshll.u32 s15, $0x4  }
0x17: {  	s22 =	simm.s32 $0x1C020;
	s23 =	sadd.s32 $0xC0, s0;
	[dreg:$0x9] =	wrdreg s13  }
0x18: {  	s24 =	simm.s32 $0x1E420;
	s10 =	sshll.u32 s30, $0x7;
	[dreg:$0xd] =	wrdreg s1  }
0x19: {  	s15 =	sadd.s32 $0x180, s0;
	[dreg:$0xf] =	wrdreg s11;
	s13 =	sshll.u32 s12, $0x7  }
0x1a: {  	s1 =	sshll.u32 s12, $0x4;
	s20 =	sadd.s32 s19, s2;
	[dreg:$0x6] =	wrdreg s22  }
0x1b: {  	[dreg:$0x7] =	wrdreg s24;
	s25 =	sshll.u32 s23, $0x7;
	s26 =	sshll.u32 s23, $0x4  }
0x1c: {  	s12 =	sadd.s32 $0x140, s0;
	s17 =	sshll.u32 s15, $0x7;
	s18 =	sshll.u32 s15, $0x4  }
0x1d: {  	s19 =	sadd.s32 $0x1C0, s0;
	s0 =	sadd.s32 $0x200, s0;
	s24 =	sshll.u32 s9, $0x3  }
0x1e: {  	s15 =	simm.s32 $0x1E020;
	s8 =	sadd.s32 s13, s2;
	s1 =	sadd.s32 s1, s3  }
0x1f: {  	[dreg:$0x12] =	wrdreg s20;
	s13 =	sshll.u32 s12, $0x7;
	s20 =	sshll.u32 s19, $0x7  }
0x20: {  	s22 =	sshll.u32 s0, $0x7;
	s0 =	sshll.u32 s0, $0x4;
	[dreg:$0x10] =	wrdreg s8  }
0x21: {  	[dreg:$0x11] =	wrdreg s1;
	s1 =	sadd.s32 s21, s3;
	s8 =	sshll.u32 s30, $0x4  }
0x22: {  	s21 =	sshll.u32 s19, $0x4;
	s23 =	sadd.s32 s22, s2;
	s0 =	sadd.s32 s0, s3  }
0x23: {  	s19 =	simm.s32 $0x1;
	s22 =	simm.s32 $0x18020;
	[dreg:$0x13] =	wrdreg s1  }
0x24: {  	s1 =	sadd.s32 s25, s2;
	s11 =	sadd.s32 s8, s3;
	[dreg:$0x1e] =	wrdreg s23  }
0x25: {  	s8 =	sadd.s32 s13, s2;
	[dreg:$0x1f] =	wrdreg s0;
	s25 =	sshll.u32 s9, $0xA  }
0x26: {  	s0 =	sadd.s32 s24, s5;
	s13 =	simm.s32 $0x7;
	[dreg:$0x14] =	wrdreg s1  }
0x27: {  	s23 =	simm.s32 $0x1E860;
	s24 =	simm.s32 $0x40;
	[dreg:$0x17] =	wrdreg s11  }
0x28: {  	s1 =	sadd.s32 s26, s3;
	[dreg:$0x18] =	wrdreg s8;
	s9 =	sadd.s32 s25, s6  }
0x29: {  	s26 =	sadd.s32 s25, s7;
	s0 =	sadd.s32 $0x8, s0;
	[dreg:$0x15] =	wrdreg s1  }
0x2a: {  	s25 =	simm.s32 $0x2;
	s1 =	sadd.s32 s10, s2;
	[smem:$0x7FC] =	sst s0  }
0x2b: {  	s30 =	sadd.s32 $0x400, s9;
	[dreg:$0x16] =	wrdreg s1;
	s1 =	sshll.u32 s12, $0x4  }
0x2c: {  	s31 =	sadd.s32 $0x400, s26;
	[smem:$0x7FD] =	sst s30;
	s1 =	sadd.s32 s1, s3  }
0x2d: {  	s26 =	simm.s32 $0x4;
	[dreg:$0x19] =	wrdreg s1;
	s1 =	sadd.s32 s17, s2  }
0x2e: {  	s12 =	simm.s32 $0x16020;
	[dreg:$0x1a] =	wrdreg s1;
	s1 =	sadd.s32 s18, s3  }
0x2f: {  	s17 =	simm.s32 $0x1A020;
	[dreg:$0x1b] =	wrdreg s1;
	s1 =	sadd.s32 s20, s2  }
0x30: {  	s18 =	simm.s32 $0x1E820;
	[dreg:$0x1c] =	wrdreg s1;
	s1 =	sadd.s32 s21, s3  }
0x31: {  	v0 =	vimm.f32 $0.0e+00;
	s20 =	simm.s32 $0x3;
	s21 =	simm.s32 $0x5;
	[dreg:$0x1d] =	wrdreg s1  }
.LBB2_1:
0x32: {  	s9 =	simm.s32 $0x16060  }
0x33: {  	[tilespmem:s9+$0xFFFFFFD0] =	vst v0  }
0x34: {  	[tilespmem:s9+$0xFFFFFFE0] =	vst v0  }
0x35: {  	[tilespmem:s9+$0xFFFFFFF0] =	vst v0  }
0x36: {  	[tilespmem:s9+$0x0] =	vst v0  }
0x37: {  	[tilespmem:s9+$0x10] =	vst v0  }
0x38: {  	[tilespmem:s9+$0x20] =	vst v0  }
0x39: {  	[tilespmem:s9+$0x30] =	vst v0  }
0x3a: {  	s11 =	simm.s32 $0x0;
	s10 =	simm.s32 $0x40;
	[tilespmem:s9+$0xFFFFFFC0] =	vst v0  }
.LBB2_2:
0x3b: {  	p0 =	sne.s32 s10, $0xFC0;
	[tilespmem:s11+$0x1E020] =	vst v0;
	s9 =	sadd.s32 $0x80, s9  }
0x3c: {  	[tilespmem:s9+$0xFFFFFFD0] =	vst v0  }
0x3d: {  	[tilespmem:s9+$0xFFFFFFE0] =	vst v0  }
0x3e: {  	[tilespmem:s9+$0xFFFFFFF0] =	vst v0  }
.Ltmp0:
0x3f: {  	[tilespmem:s9+$0x0] =	vst v0;
	(pc) =	sbr.rel @p0 .LBB2_2-.Ltmp0, $4  }
0x40: {  	[tilespmem:s9+$0x10] =	vst v0  }
0x41: {  	[tilespmem:s9+$0x20] =	vst v0  }
0x42: {  	[tilespmem:s9+$0x30] =	vst v0  }
0x43: {  	s11 =	sshra.s32 s10, $0x2;
	s10 =	sadd.s32 $0x40, s10;
	[tilespmem:s9+$0xFFFFFFC0] =	vst v0  }
0x44: {  	[tilespmem:s11+$0x1E020] =	vst v0  }
0x45: {  	[spmem:s14] =	stream.linear.scatter [tilespmem:s12], [sflag:$0x7], $0x2000, $0x38;
	[tilespmem:$0x1E8A0] =	vst v63  }
0x46: {  	_ =	swait.ge [sflag:s13], $0x2000  }
0x47: {  	[sflag:s13] =	ssyncset.done $0x0  }
0x48: {  	[sflag:s13] =	ssyncadd.s32 $0xFFFFE000  }
0x49: {  	[spmem:s16] =	stream.linear.scatter [tilespmem:s15], [sflag:$0x7], $0x400, $0x38;
	[tilespmem:$0x1E8A0] =	vst v63  }
0x4a: {  	_ =	swait.ge [sflag:s13], $0x400  }
0x4b: {  	[sflag:s13] =	ssyncset.done $0x0  }
0x4c: {  	s0 =	rddreg [dreg:$0x10];
	[sflag:s13] =	ssyncadd.s32 $0xFFFFFC00  }
0x4d: {  	[spmem:s0] =	stream.linear.scatter [tilespmem:s12], [sflag:$0x7], $0x2000, $0x38;
	[tilespmem:$0x1E8A0] =	vst v63  }
0x4e: {  	_ =	swait.ge [sflag:s13], $0x2000  }
0x4f: {  	[sflag:s13] =	ssyncset.done $0x0  }
0x50: {  	s1 =	rddreg [dreg:$0x11];
	[sflag:s13] =	ssyncadd.s32 $0xFFFFE000  }
0x51: {  	[spmem:s1] =	stream.linear.scatter [tilespmem:s15], [sflag:$0x7], $0x400, $0x38;
	[tilespmem:$0x1E8A0] =	vst v63  }
0x52: {  	_ =	swait.ge [sflag:s13], $0x400  }
0x53: {  	[sflag:s13] =	ssyncset.done $0x0  }
0x54: {  	s8 =	rddreg [dreg:$0x12];
	[sflag:s13] =	ssyncadd.s32 $0xFFFFFC00  }
0x55: {  	[spmem:s8] =	stream.linear.scatter [tilespmem:s12], [sflag:$0x7], $0x2000, $0x38;
	[tilespmem:$0x1E8A0] =	vst v63  }
0x56: {  	_ =	swait.ge [sflag:s13], $0x2000  }
0x57: {  	[sflag:s13] =	ssyncset.done $0x0  }
0x58: {  	s9 =	rddreg [dreg:$0x13];
	[sflag:s13] =	ssyncadd.s32 $0xFFFFE000  }
0x59: {  	[spmem:s9] =	stream.linear.scatter [tilespmem:s15], [sflag:$0x7], $0x400, $0x38;
	[tilespmem:$0x1E8A0] =	vst v63  }
0x5a: {  	_ =	swait.ge [sflag:s13], $0x400  }
0x5b: {  	[sflag:s13] =	ssyncset.done $0x0  }
0x5c: {  	s10 =	rddreg [dreg:$0x14];
	[sflag:s13] =	ssyncadd.s32 $0xFFFFFC00  }
0x5d: {  	[spmem:s10] =	stream.linear.scatter [tilespmem:s12], [sflag:$0x7], $0x2000, $0x38;
	[tilespmem:$0x1E8A0] =	vst v63  }
0x5e: {  	_ =	swait.ge [sflag:s13], $0x2000  }
0x5f: {  	[sflag:s13] =	ssyncset.done $0x0  }
0x60: {  	s11 =	rddreg [dreg:$0x15];
	[sflag:s13] =	ssyncadd.s32 $0xFFFFE000  }
0x61: {  	[spmem:s11] =	stream.linear.scatter [tilespmem:s15], [sflag:$0x7], $0x400, $0x38;
	[tilespmem:$0x1E8A0] =	vst v63  }
0x62: {  	_ =	swait.ge [sflag:s13], $0x400  }
0x63: {  	[sflag:s13] =	ssyncset.done $0x0  }
0x64: {  	s1 =	rddreg [dreg:$0x16];
	[sflag:s13] =	ssyncadd.s32 $0xFFFFFC00  }
0x65: {  	[spmem:s1] =	stream.linear.scatter [tilespmem:s12], [sflag:$0x7], $0x2000, $0x38;
	[tilespmem:$0x1E8A0] =	vst v63  }
0x66: {  	_ =	swait.ge [sflag:s13], $0x2000  }
0x67: {  	[sflag:s13] =	ssyncset.done $0x0  }
0x68: {  	s8 =	rddreg [dreg:$0x17];
	[sflag:s13] =	ssyncadd.s32 $0xFFFFE000  }
0x69: {  	[spmem:s8] =	stream.linear.scatter [tilespmem:s15], [sflag:$0x7], $0x400, $0x38;
	[tilespmem:$0x1E8A0] =	vst v63  }
0x6a: {  	_ =	swait.ge [sflag:s13], $0x400  }
0x6b: {  	[sflag:s13] =	ssyncset.done $0x0  }
0x6c: {  	s9 =	rddreg [dreg:$0x18];
	[sflag:s13] =	ssyncadd.s32 $0xFFFFFC00  }
0x6d: {  	[spmem:s9] =	stream.linear.scatter [tilespmem:s12], [sflag:$0x7], $0x2000, $0x38;
	[tilespmem:$0x1E8A0] =	vst v63  }
0x6e: {  	_ =	swait.ge [sflag:s13], $0x2000  }
0x6f: {  	[sflag:s13] =	ssyncset.done $0x0  }
0x70: {  	s10 =	rddreg [dreg:$0x19];
	[sflag:s13] =	ssyncadd.s32 $0xFFFFE000  }
0x71: {  	[spmem:s10] =	stream.linear.scatter [tilespmem:s15], [sflag:$0x7], $0x400, $0x38;
	[tilespmem:$0x1E8A0] =	vst v63  }
0x72: {  	_ =	swait.ge [sflag:s13], $0x400  }
0x73: {  	[sflag:s13] =	ssyncset.done $0x0  }
0x74: {  	s11 =	rddreg [dreg:$0x1a];
	[sflag:s13] =	ssyncadd.s32 $0xFFFFFC00  }
0x75: {  	[spmem:s11] =	stream.linear.scatter [tilespmem:s12], [sflag:$0x7], $0x2000, $0x38;
	[tilespmem:$0x1E8A0] =	vst v63  }
0x76: {  	_ =	swait.ge [sflag:s13], $0x2000  }
0x77: {  	[sflag:s13] =	ssyncset.done $0x0  }
0x78: {  	s1 =	rddreg [dreg:$0x1b];
	[sflag:s13] =	ssyncadd.s32 $0xFFFFE000  }
0x79: {  	[spmem:s1] =	stream.linear.scatter [tilespmem:s15], [sflag:$0x7], $0x400, $0x38;
	[tilespmem:$0x1E8A0] =	vst v63  }
0x7a: {  	_ =	swait.ge [sflag:s13], $0x400  }
0x7b: {  	[sflag:s13] =	ssyncset.done $0x0  }
0x7c: {  	s8 =	rddreg [dreg:$0x1c];
	[sflag:s13] =	ssyncadd.s32 $0xFFFFFC00  }
0x7d: {  	[spmem:s8] =	stream.linear.scatter [tilespmem:s12], [sflag:$0x7], $0x2000, $0x38;
	[tilespmem:$0x1E8A0] =	vst v63  }
0x7e: {  	_ =	swait.ge [sflag:s13], $0x2000  }
0x7f: {  	[sflag:s13] =	ssyncset.done $0x0  }
0x80: {  	s9 =	rddreg [dreg:$0x1d];
	[sflag:s13] =	ssyncadd.s32 $0xFFFFE000  }
0x81: {  	[spmem:s9] =	stream.linear.scatter [tilespmem:s15], [sflag:$0x7], $0x400, $0x38;
	[tilespmem:$0x1E8A0] =	vst v63  }
0x82: {  	_ =	swait.ge [sflag:s13], $0x400  }
0x83: {  	[sflag:s13] =	ssyncset.done $0x0  }
0x84: {  	s10 =	rddreg [dreg:$0x1e];
	[sflag:s13] =	ssyncadd.s32 $0xFFFFFC00  }
0x85: {  	[spmem:s10] =	stream.linear.scatter [tilespmem:s12], [sflag:$0x7], $0x2000, $0x38;
	[tilespmem:$0x1E8A0] =	vst v63  }
0x86: {  	_ =	swait.ge [sflag:s13], $0x2000  }
0x87: {  	[sflag:s13] =	ssyncset.done $0x0  }
0x88: {  	s11 =	rddreg [dreg:$0x1f];
	[sflag:s13] =	ssyncadd.s32 $0xFFFFE000  }
0x89: {  	[spmem:s11] =	stream.linear.scatter [tilespmem:s15], [sflag:$0x7], $0x400, $0x38;
	[tilespmem:$0x1E8A0] =	vst v63  }
0x8a: {  	_ =	swait.ge [sflag:s13], $0x400  }
0x8b: {  	[sflag:s13] =	ssyncset.done $0x0  }
0x8c: {  	s1 =	rddreg [dreg:$0x8];
	[sflag:s13] =	ssyncadd.s32 $0xFFFFFC00  }
0x8d: {  	[spmem:s1] =	stream.linear.scatter [tilespmem:s12], [sflag:$0x7], $0x1880, $0x38;
	[tilespmem:$0x1E8A0] =	vst v63  }
0x8e: {  	_ =	swait.ge [sflag:s13], $0x1880  }
0x8f: {  	[sflag:s13] =	ssyncset.done $0x0  }
0x90: {  	s8 =	rddreg [dreg:$0x9];
	[sflag:s13] =	ssyncadd.s32 $0xFFFFE780  }
0x91: {  	[spmem:s8] =	stream.linear.scatter [tilespmem:s15], [sflag:$0x7], $0x310, $0x38;
	[tilespmem:$0x1E8A0] =	vst v63  }
0x92: {  	_ =	swait.ge [sflag:s13], $0x310  }
0x93: {  	[sflag:s13] =	ssyncset.done $0x0  }
0x94: {  	[sflag:s13] =	ssyncadd.s32 $0xFFFFFCF0  }
0x95: {  	[bflag:$0x0] =	sbarrier.arrive $0xFFFF  }
0x96: {  	s9 =	rddreg [dreg:$0xa]  }
0x97: {  	s30 =	simm.s32 $0x0;
	s10 =	rddreg [dreg:$0xb]  }
0x98: {  	[tilespmem:s12], [sflag:$0x1] =	stream.linear.gather [hbm4b:s9+s30], $0x2000, $0x38;
	[tilespmem:$0x1E8A0] =	vst v63  }
0x99: {  	s11 =	rddreg [dreg:$0xc]  }
0x9a: {  	[tilespmem:s17], [sflag:$0x3] =	stream.linear.gather [hbm4b:s10+s30], $0x2000, $0x38;
	[tilespmem:$0x1E8A0] =	vst v63  }
0x9b: {  	s9 =	sld [smem:$0x7FC]  }
0x9c: {  	[tilespmem:s18], [sflag:$0x5] =	stream.linear.gather [hbm4b:s11+s30], $0x40, $0x38;
	[tilespmem:$0x1E8A0] =	vst v63  }
0x9d: {  	s10 =	sld [smem:$0x7FD];
	s11 =	smov.u32 s31  }
.LBB2_4:
0x9e: {  	_ =	swait.ge [sflag:s19], $0x2000  }
0x9f: {  	[sflag:s19] =	ssyncset.done $0x0  }
0xa0: {  	[sflag:s19] =	ssyncadd.s32 $0xFFFFE000  }
0xa1: {  	_ =	swait.ge [sflag:s20], $0x2000  }
0xa2: {  	[sflag:s20] =	ssyncset.done $0x0  }
0xa3: {  	[sflag:s20] =	ssyncadd.s32 $0xFFFFE000  }
0xa4: {  	_ =	swait.ge [sflag:s21], $0x40  }
0xa5: {  	[sflag:s21] =	ssyncset.done $0x0  }
0xa6: {  	[sflag:s21] =	ssyncadd.s32 $0xFFFFFFC0  }
0xa7: {  	[tilespmem:s22], [sflag:$0x2] =	stream.linear.gather [hbm4b:s10+s4], $0x2000, $0x38;
	[tilespmem:$0x1E8A0] =	vst v63  }
0xa8: {  	s8 =	rddreg [dreg:$0x6]  }
0xa9: {  	[tilespmem:s8], [sflag:$0x4] =	stream.linear.gather [hbm4b:s11+s4], $0x2000, $0x38;
	[tilespmem:$0x1E8A0] =	vst v63  }
0xaa: {  	_ = 	snop  }
0xab: {  	[tilespmem:s23], [sflag:$0x6] =	stream.linear.gather [hbm4b:s9+s4], $0x40, $0x38;
	[tilespmem:$0x1E8A0] =	vst v63  }
0xac: {  	v1 =	vld [tilespmem:$0x1A020]  }
0xad: {  	v2 =	vld [tilespmem:$0x1A0A0]  }
0xae: {  	v3 =	vld [tilespmem:$0x1A120]  }
0xaf: {  	v4 =	vld [tilespmem:$0x1A1A0]  }
0xb0: {  	v5 =	vld [tilespmem:$0x1A220]  }
0xb1: {  	v16 =	vld [tilespmem:$0x1A420];
	[tilespmem:$0x1E020] =	vst v1  }
0xb2: {  	v1 =	vld [tilespmem:$0x1A2A0];
	[tilespmem:$0x1E030] =	vst v2  }
0xb3: {  	v2 =	vld [tilespmem:$0x1A320];
	[tilespmem:$0x1E040] =	vst v3  }
0xb4: {  	v3 =	vld [tilespmem:$0x1A3A0];
	[tilespmem:$0x1E050] =	vst v4  }
0xb5: {  	v17 =	vld [tilespmem:$0x1A4A0];
	[tilespmem:$0x1E060] =	vst v5  }
0xb6: {  	v18 =	vld [tilespmem:$0x1A6A0];
	[tilespmem:$0x1E0A0] =	vst v16  }
0xb7: {  	[tilespmem:$0x1E070] =	vst v1;
	v1 =	vld [tilespmem:$0x1A520]  }
0xb8: {  	[tilespmem:$0x1E080] =	vst v2;
	v2 =	vld [tilespmem:$0x1A5A0]  }
0xb9: {  	[tilespmem:$0x1E090] =	vst v3;
	v3 =	vld [tilespmem:$0x1A620]  }
0xba: {  	v19 =	vld [tilespmem:$0x1A720];
	[tilespmem:$0x1E0B0] =	vst v17  }
0xbb: {  	v20 =	vld [tilespmem:$0x1A920];
	[tilespmem:$0x1E0F0] =	vst v18  }
0xbc: {  	[tilespmem:$0x1E0C0] =	vst v1;
	v1 =	vld [tilespmem:$0x1A7A0]  }
0xbd: {  	[tilespmem:$0x1E0D0] =	vst v2;
	v2 =	vld [tilespmem:$0x1A820]  }
0xbe: {  	[tilespmem:$0x1E0E0] =	vst v3;
	v3 =	vld [tilespmem:$0x1A8A0]  }
0xbf: {  	v21 =	vld [tilespmem:$0x1A9A0];
	[tilespmem:$0x1E100] =	vst v19  }
0xc0: {  	v22 =	vld [tilespmem:$0x1ABA0];
	[tilespmem:$0x1E140] =	vst v20  }
0xc1: {  	[tilespmem:$0x1E110] =	vst v1;
	v1 =	vld [tilespmem:$0x1AA20]  }
0xc2: {  	[tilespmem:$0x1E120] =	vst v2;
	v2 =	vld [tilespmem:$0x1AAA0]  }
0xc3: {  	[tilespmem:$0x1E130] =	vst v3;
	v3 =	vld [tilespmem:$0x1AB20]  }
0xc4: {  	v23 =	vld [tilespmem:$0x1AC20];
	[tilespmem:$0x1E150] =	vst v21  }
0xc5: {  	v24 =	vld [tilespmem:$0x1AE20];
	[tilespmem:$0x1E190] =	vst v22  }
0xc6: {  	[tilespmem:$0x1E160] =	vst v1;
	v1 =	vld [tilespmem:$0x1ACA0]  }
0xc7: {  	[tilespmem:$0x1E170] =	vst v2;
	v2 =	vld [tilespmem:$0x1AD20]  }
0xc8: {  	[tilespmem:$0x1E180] =	vst v3;
	v3 =	vld [tilespmem:$0x1ADA0]  }
0xc9: {  	v25 =	vld [tilespmem:$0x1AEA0];
	[tilespmem:$0x1E1A0] =	vst v23  }
0xca: {  	v26 =	vld [tilespmem:$0x1B0A0];
	[tilespmem:$0x1E1E0] =	vst v24  }
0xcb: {  	[tilespmem:$0x1E1B0] =	vst v1;
	v1 =	vld [tilespmem:$0x1AF20]  }
0xcc: {  	[tilespmem:$0x1E1C0] =	vst v2;
	v2 =	vld [tilespmem:$0x1AFA0]  }
0xcd: {  	[tilespmem:$0x1E1D0] =	vst v3;
	v3 =	vld [tilespmem:$0x1B020]  }
0xce: {  	v27 =	vld [tilespmem:$0x1B120];
	[tilespmem:$0x1E1F0] =	vst v25  }
0xcf: {  	v28 =	vld [tilespmem:$0x1B320];
	[tilespmem:$0x1E230] =	vst v26  }
0xd0: {  	[tilespmem:$0x1E200] =	vst v1;
	v1 =	vld [tilespmem:$0x1B1A0]  }
0xd1: {  	[tilespmem:$0x1E210] =	vst v2;
	v2 =	vld [tilespmem:$0x1B220]  }
0xd2: {  	[tilespmem:$0x1E220] =	vst v3;
	v3 =	vld [tilespmem:$0x1B2A0]  }
0xd3: {  	v29 =	vld [tilespmem:$0x1B3A0];
	[tilespmem:$0x1E240] =	vst v27  }
0xd4: {  	v30 =	vld [tilespmem:$0x1B5A0];
	[tilespmem:$0x1E280] =	vst v28  }
0xd5: {  	[tilespmem:$0x1E250] =	vst v1;
	v1 =	vld [tilespmem:$0x1B420]  }
0xd6: {  	[tilespmem:$0x1E260] =	vst v2;
	v2 =	vld [tilespmem:$0x1B4A0]  }
0xd7: {  	[tilespmem:$0x1E270] =	vst v3;
	v3 =	vld [tilespmem:$0x1B520]  }
0xd8: {  	v31 =	vld [tilespmem:$0x1B620];
	[tilespmem:$0x1E290] =	vst v29  }
0xd9: {  	v32 =	vld [tilespmem:$0x1B820];
	[tilespmem:$0x1E2D0] =	vst v30  }
0xda: {  	[tilespmem:$0x1E2A0] =	vst v1;
	v1 =	vld [tilespmem:$0x1B6A0]  }
0xdb: {  	[tilespmem:$0x1E2B0] =	vst v2;
	v2 =	vld [tilespmem:$0x1B720]  }
0xdc: {  	[tilespmem:$0x1E2C0] =	vst v3;
	v3 =	vld [tilespmem:$0x1B7A0]  }
0xdd: {  	v33 =	vld [tilespmem:$0x1B8A0];
	[tilespmem:$0x1E2E0] =	vst v31  }
0xde: {  	v34 =	vld [tilespmem:$0x1BAA0];
	[tilespmem:$0x1E320] =	vst v32  }
0xdf: {  	[tilespmem:$0x1E2F0] =	vst v1;
	v1 =	vld [tilespmem:$0x1B920]  }
0xe0: {  	[tilespmem:$0x1E300] =	vst v2;
	v2 =	vld [tilespmem:$0x1B9A0]  }
0xe1: {  	[tilespmem:$0x1E310] =	vst v3;
	v3 =	vld [tilespmem:$0x1BA20]  }
0xe2: {  	v35 =	vld [tilespmem:$0x1BB20];
	[tilespmem:$0x1E330] =	vst v33  }
0xe3: {  	v36 =	vld [tilespmem:$0x1BD20];
	[tilespmem:$0x1E370] =	vst v34  }
0xe4: {  	[tilespmem:$0x1E340] =	vst v1;
	v1 =	vld [tilespmem:$0x1BBA0]  }
0xe5: {  	[tilespmem:$0x1E350] =	vst v2;
	v2 =	vld [tilespmem:$0x1BC20]  }
0xe6: {  	[tilespmem:$0x1E360] =	vst v3;
	v3 =	vld [tilespmem:$0x1BCA0]  }
0xe7: {  	v37 =	vld [tilespmem:$0x1BDA0];
	[tilespmem:$0x1E380] =	vst v35  }
0xe8: {  	v38 =	vld [tilespmem:$0x1BFA0];
	[tilespmem:$0x1E3C0] =	vst v36  }
0xe9: {  	[tilespmem:$0x1E390] =	vst v1;
	v1 =	vld [tilespmem:$0x1BE20]  }
0xea: {  	[tilespmem:$0x1E3A0] =	vst v2;
	v2 =	vld [tilespmem:$0x1BEA0]  }
0xeb: {  	[tilespmem:$0x1E3B0] =	vst v3;
	v3 =	vld [tilespmem:$0x1BF20]  }
0xec: {  	[tilespmem:$0x1E3D0] =	vst v37  }
0xed: {  	[tilespmem:$0x1E410] =	vst v38  }
0xee: {  	[tilespmem:$0x1E3E0] =	vst v1  }
0xef: {  	[tilespmem:$0x1E3F0] =	vst v2  }
0xf0: {  	[tilespmem:$0x1E400] =	vst v3  }
0xf1: {  	[spmem:s2] =	stream.indirect.scatter.add.f32 [tilespmem:s12], [sflag:$0x7], $0x80, s18, s24, $0xb8;
	[tilespmem:$0x1E8A0] =	vst v63  }
0xf2: {  	_ =	swait.ge [sflag:s13], $0x2000  }
0xf3: {  	[sflag:s13] =	ssyncset.done $0x0  }
0xf4: {  	[sflag:s13] =	ssyncadd.s32 $0xFFFFE000  }
0xf5: {  	[spmem:s3] =	stream.indirect.scatter.add.f32 [tilespmem:s15], [sflag:$0x7], $0x10, s18, s24, $0xb8;
	[tilespmem:$0x1E8A0] =	vst v63  }
0xf6: {  	_ =	swait.ge [sflag:s13], $0x400  }
0xf7: {  	[sflag:s13] =	ssyncset.done $0x0  }
0xf8: {  	[sflag:s13] =	ssyncadd.s32 $0xFFFFFC00  }
0xf9: {  	_ =	swait.ge [sflag:s25], $0x2000  }
0xfa: {  	[sflag:s25] =	ssyncset.done $0x0  }
0xfb: {  	[sflag:s25] =	ssyncadd.s32 $0xFFFFE000  }
0xfc: {  	_ =	swait.ge [sflag:s26], $0x2000  }
0xfd: {  	[sflag:s26] =	ssyncset.done $0x0  }
0xfe: {  	[sflag:s26] =	ssyncadd.s32 $0xFFFFE000  }
0xff: {  	_ =	swait.ge [sflag:s28], $0x40  }
0x100: {  	s0 =	smin.u32 s30, $0x9D;
	s1 =	rddreg [dreg:$0x5]  }
0x101: {  	s0 =	sadd.s32 s0, s1  }
0x102: {  	[sflag:s28] =	ssyncset.done $0x0;
	s8 =	sshll.u32 s0, $0xA  }
0x103: {  	[sflag:s28] =	ssyncadd.s32 $0xFFFFFFC0;
	s1 =	sadd.s32 s6, s8  }
0x104: {  	[tilespmem:s12], [sflag:$0x1] =	stream.linear.gather [hbm4b:s1+s4], $0x2000, $0x38;
	[tilespmem:$0x1E8A0] =	vst v63  }
0x105: {  	s0 =	sshll.u32 s0, $0x3;
	s8 =	sadd.s32 s7, s8  }
0x106: {  	[tilespmem:s17], [sflag:$0x3] =	stream.linear.gather [hbm4b:s8+s4], $0x2000, $0x38;
	[tilespmem:$0x1E8A0] =	vst v63  }
0x107: {  	s0 =	sadd.s32 s5, s0  }
0x108: {  	[tilespmem:s18], [sflag:$0x5] =	stream.linear.gather [hbm4b:s0+s4], $0x40, $0x38;
	[tilespmem:$0x1E8A0] =	vst v63  }
0x109: {  	v1 =	vld [tilespmem:$0x1C020]  }
0x10a: {  	v2 =	vld [tilespmem:$0x1C0A0]  }
0x10b: {  	v3 =	vld [tilespmem:$0x1C120]  }
0x10c: {  	v39 =	vld [tilespmem:$0x1C1A0]  }
0x10d: {  	v40 =	vld [tilespmem:$0x1C220]  }
0x10e: {  	v41 =	vld [tilespmem:$0x1C420];
	[tilespmem:$0x1E420] =	vst v1  }
0x10f: {  	v1 =	vld [tilespmem:$0x1C2A0];
	[tilespmem:$0x1E430] =	vst v2  }
0x110: {  	v2 =	vld [tilespmem:$0x1C320];
	[tilespmem:$0x1E440] =	vst v3  }
0x111: {  	v3 =	vld [tilespmem:$0x1C3A0];
	[tilespmem:$0x1E450] =	vst v39  }
0x112: {  	v42 =	vld [tilespmem:$0x1C4A0];
	[tilespmem:$0x1E460] =	vst v40  }
0x113: {  	v43 =	vld [tilespmem:$0x1C6A0];
	[tilespmem:$0x1E4A0] =	vst v41  }
0x114: {  	[tilespmem:$0x1E470] =	vst v1;
	v1 =	vld [tilespmem:$0x1C520]  }
0x115: {  	[tilespmem:$0x1E480] =	vst v2;
	v2 =	vld [tilespmem:$0x1C5A0]  }
0x116: {  	[tilespmem:$0x1E490] =	vst v3;
	v3 =	vld [tilespmem:$0x1C620]  }
0x117: {  	v44 =	vld [tilespmem:$0x1C720];
	[tilespmem:$0x1E4B0] =	vst v42  }
0x118: {  	v45 =	vld [tilespmem:$0x1C920];
	[tilespmem:$0x1E4F0] =	vst v43  }
0x119: {  	[tilespmem:$0x1E4C0] =	vst v1;
	v1 =	vld [tilespmem:$0x1C7A0]  }
0x11a: {  	[tilespmem:$0x1E4D0] =	vst v2;
	v2 =	vld [tilespmem:$0x1C820]  }
0x11b: {  	[tilespmem:$0x1E4E0] =	vst v3;
	v3 =	vld [tilespmem:$0x1C8A0]  }
0x11c: {  	v46 =	vld [tilespmem:$0x1C9A0];
	[tilespmem:$0x1E500] =	vst v44  }
0x11d: {  	v47 =	vld [tilespmem:$0x1CBA0];
	[tilespmem:$0x1E540] =	vst v45  }
0x11e: {  	[tilespmem:$0x1E510] =	vst v1;
	v1 =	vld [tilespmem:$0x1CA20]  }
0x11f: {  	[tilespmem:$0x1E520] =	vst v2;
	v2 =	vld [tilespmem:$0x1CAA0]  }
0x120: {  	[tilespmem:$0x1E530] =	vst v3;
	v3 =	vld [tilespmem:$0x1CB20]  }
0x121: {  	v48 =	vld [tilespmem:$0x1CC20];
	[tilespmem:$0x1E550] =	vst v46  }
0x122: {  	v49 =	vld [tilespmem:$0x1CE20];
	[tilespmem:$0x1E590] =	vst v47  }
0x123: {  	[tilespmem:$0x1E560] =	vst v1;
	v1 =	vld [tilespmem:$0x1CCA0]  }
0x124: {  	[tilespmem:$0x1E570] =	vst v2;
	v2 =	vld [tilespmem:$0x1CD20]  }
0x125: {  	[tilespmem:$0x1E580] =	vst v3;
	v3 =	vld [tilespmem:$0x1CDA0]  }
0x126: {  	v50 =	vld [tilespmem:$0x1CEA0];
	[tilespmem:$0x1E5A0] =	vst v48  }
0x127: {  	v51 =	vld [tilespmem:$0x1D0A0];
	[tilespmem:$0x1E5E0] =	vst v49  }
0x128: {  	[tilespmem:$0x1E5B0] =	vst v1;
	v1 =	vld [tilespmem:$0x1CF20]  }
0x129: {  	[tilespmem:$0x1E5C0] =	vst v2;
	v2 =	vld [tilespmem:$0x1CFA0]  }
0x12a: {  	[tilespmem:$0x1E5D0] =	vst v3;
	v3 =	vld [tilespmem:$0x1D020]  }
0x12b: {  	v52 =	vld [tilespmem:$0x1D120];
	[tilespmem:$0x1E5F0] =	vst v50  }
0x12c: {  	v53 =	vld [tilespmem:$0x1D320];
	[tilespmem:$0x1E630] =	vst v51  }
0x12d: {  	[tilespmem:$0x1E600] =	vst v1;
	v1 =	vld [tilespmem:$0x1D1A0]  }
0x12e: {  	[tilespmem:$0x1E610] =	vst v2;
	v2 =	vld [tilespmem:$0x1D220]  }
0x12f: {  	[tilespmem:$0x1E620] =	vst v3;
	v3 =	vld [tilespmem:$0x1D2A0]  }
0x130: {  	v54 =	vld [tilespmem:$0x1D3A0];
	[tilespmem:$0x1E640] =	vst v52  }
0x131: {  	v55 =	vld [tilespmem:$0x1D5A0];
	[tilespmem:$0x1E680] =	vst v53  }
0x132: {  	[tilespmem:$0x1E650] =	vst v1;
	v1 =	vld [tilespmem:$0x1D420]  }
0x133: {  	[tilespmem:$0x1E660] =	vst v2;
	v2 =	vld [tilespmem:$0x1D4A0]  }
0x134: {  	[tilespmem:$0x1E670] =	vst v3;
	v3 =	vld [tilespmem:$0x1D520]  }
0x135: {  	v56 =	vld [tilespmem:$0x1D620];
	[tilespmem:$0x1E690] =	vst v54  }
0x136: {  	v57 =	vld [tilespmem:$0x1D820];
	[tilespmem:$0x1E6D0] =	vst v55  }
0x137: {  	[tilespmem:$0x1E6A0] =	vst v1;
	v1 =	vld [tilespmem:$0x1D6A0]  }
0x138: {  	[tilespmem:$0x1E6B0] =	vst v2;
	v2 =	vld [tilespmem:$0x1D720]  }
0x139: {  	[tilespmem:$0x1E6C0] =	vst v3;
	v3 =	vld [tilespmem:$0x1D7A0]  }
0x13a: {  	v58 =	vld [tilespmem:$0x1D8A0];
	[tilespmem:$0x1E6E0] =	vst v56  }
0x13b: {  	v59 =	vld [tilespmem:$0x1DAA0];
	[tilespmem:$0x1E720] =	vst v57  }
0x13c: {  	[tilespmem:$0x1E6F0] =	vst v1;
	v1 =	vld [tilespmem:$0x1D920]  }
0x13d: {  	[tilespmem:$0x1E700] =	vst v2;
	v2 =	vld [tilespmem:$0x1D9A0]  }
0x13e: {  	[tilespmem:$0x1E710] =	vst v3;
	v3 =	vld [tilespmem:$0x1DA20]  }
0x13f: {  	v60 =	vld [tilespmem:$0x1DB20];
	[tilespmem:$0x1E730] =	vst v58  }
0x140: {  	v61 =	vld [tilespmem:$0x1DD20];
	[tilespmem:$0x1E770] =	vst v59  }
0x141: {  	[tilespmem:$0x1E740] =	vst v1;
	v1 =	vld [tilespmem:$0x1DBA0]  }
0x142: {  	[tilespmem:$0x1E750] =	vst v2;
	v2 =	vld [tilespmem:$0x1DC20]  }
0x143: {  	[tilespmem:$0x1E760] =	vst v3;
	v3 =	vld [tilespmem:$0x1DCA0]  }
0x144: {  	v62 =	vld [tilespmem:$0x1DDA0];
	[tilespmem:$0x1E780] =	vst v60  }
0x145: {  	v63 =	vld [tilespmem:$0x1DFA0];
	[tilespmem:$0x1E7C0] =	vst v61  }
0x146: {  	[tilespmem:$0x1E790] =	vst v1;
	v1 =	vld [tilespmem:$0x1DE20]  }
0x147: {  	[tilespmem:$0x1E7A0] =	vst v2;
	v2 =	vld [tilespmem:$0x1DEA0]  }
0x148: {  	[tilespmem:$0x1E7B0] =	vst v3;
	v3 =	vld [tilespmem:$0x1DF20]  }
0x149: {  	[tilespmem:$0x1E7D0] =	vst v62  }
0x14a: {  	[tilespmem:$0x1E810] =	vst v63  }
0x14b: {  	[tilespmem:$0x1E7E0] =	vst v1  }
0x14c: {  	[tilespmem:$0x1E7F0] =	vst v2  }
0x14d: {  	[tilespmem:$0x1E800] =	vst v3  }
0x14e: {  	[spmem:s2] =	stream.indirect.scatter.add.f32 [tilespmem:s22], [sflag:$0x7], $0x80, s23, s24, $0xb8;
	[tilespmem:$0x1E8A0] =	vst v63  }
0x14f: {  	_ =	swait.ge [sflag:s13], $0x2000  }
0x150: {  	p0 =	sne.s32 s30, $0x9E;
	[sflag:s13] =	ssyncset.done $0x0  }
.Ltmp1:
0x151: {  	s8 =	rddreg [dreg:$0x7];
	[sflag:s13] =	ssyncadd.s32 $0xFFFFE000;
	(pc) =	sbr.rel @p0 .LBB2_4-.Ltmp1, $4  }
0x152: {  	[spmem:s3] =	stream.indirect.scatter.add.f32 [tilespmem:s8], [sflag:$0x7], $0x10, s23, s24, $0xb8;
	[tilespmem:$0x1E8A0] =	vst v63  }
0x153: {  	_ =	swait.ge [sflag:s13], $0x400  }
0x154: {  	s30 =	sadd.s32 $0x2, s30;
	s10 =	sadd.s32 $0x800, s10;
	[sflag:s13] =	ssyncset.done $0x0  }
0x155: {  	s11 =	sadd.s32 $0x800, s11;
	s9 =	sadd.s32 $0x10, s9;
	[sflag:s13] =	ssyncadd.s32 $0xFFFFFC00  }
0x156: {  	_ =	swait.ge [sflag:s19], $0x2000  }
0x157: {  	[sflag:s19] =	ssyncset.done $0x0  }
0x158: {  	[sflag:s19] =	ssyncadd.s32 $0xFFFFE000  }
0x159: {  	_ =	swait.ge [sflag:s20], $0x2000  }
0x15a: {  	[sflag:s20] =	ssyncset.done $0x0  }
0x15b: {  	[sflag:s20] =	ssyncadd.s32 $0xFFFFE000  }
0x15c: {  	_ =	swait.ge [sflag:s21], $0x40  }
0x15d: {  	[sflag:s21] =	ssyncset.done $0x0  }
0x15e: {  	s0 =	stileid.u32;
	[sflag:s21] =	ssyncadd.s32 $0xFFFFFFC0  }
0x15f: {  	s0 =	sshll.u32 s0, $0x6;
	[bflag:$0x0] =	sbarrier.arrive $0xFFFF  }
0x160: {  	s1 =	sshrl.u32 s14, $0x3;
	s0 =	sor.u32 $0x1C07, s0;
	s8 =	rddreg [dreg:$0xd]  }
0x161: {  	[hbm:s8], [sflag:s0] =	dma.local [spmem:s1], $0x2710  }
0x162: {  	_ =	swait.ge [sflag:s13], $0x2710  }
0x163: {  	[sflag:s13] =	ssyncset.done $0x0  }
0x164: {  	s10 =	sshrl.u32 s16, $0x3;
	s11 =	rddreg [dreg:$0xe];
	[sflag:s13] =	ssyncadd.s32 $0xFFFFD8F0  }
0x165: {  	[hbm:s11], [sflag:s0] =	dma.local [spmem:s10], $0x4E2  }
0x166: {  	_ =	swait.ge [sflag:s13], $0x4E2  }
0x167: {  	s29 =	sadd.s32 $0x1, s29;
	s30 =	rddreg [dreg:$0xf]  }
0x168: {  	p0 =	sne.s32 s29, s30  }
.Ltmp2:
0x169: {  	_ = 	snop;
	(pc) =	sbr.rel @p0 .LBB2_1-.Ltmp2, $3  }
0x16a: {  	_ =	sdelay $0x1  }
0x16b: {  	[sflag:s13] =	ssyncset.done $0x0  }
0x16c: {  	[sflag:s13] =	ssyncadd.s32 $0xFFFFFB1E  }
0x16d: {  	_ =	sfence.sel $0x180000  }
0x16e: {  	[bflag:$0x0] =	sbarrier.arrive $0xFFFF  }
0x16f: {  	_ =	strace $0x9000004A  }
0x170: {  	s0 =	stileid.u32;
	[bflag:$0x2] =	sbarrier.arrive $0xFFFF  }
0x171: {  	p0 =	sne.s32 s0, $0x0;
	s0 =	rddreg [dreg:$0x4]  }
0x172: {  	s0 =	sadd.s32 @!p0 $0x100000, s0  }
0x173: {  	[sflag:s0] =	ssyncadd.tile.s32 @!p0 $0x1;
	_ =	shalt  }
.Lfunc_end2:
_tile_overlayer_lowered:
.L_overlay_start_2:
0x174: {  	(tag) =	ssettag $0x2  }
0x175: {  	s0 =	rddreg [dreg:$0x0];
	s2 =	stileid.u32  }
0x176: {  	s1 =	rddreg [dreg:$0x1];
	p0 =	sne.s32 s2, $0x0  }
0x177: {  	s3 =	rddreg [dreg:$0x2];
	[bflag:$0x3] =	sbarrier.arrive $0xFFFF;
	s2 =	simm.s32 @!p0 $0x1C07  }
0x178: {  	[timem:s3], [sflag:s2] =	dma.local @!p0 [hbm:s0], s1  }
0x179: {  	s0 =	simm.s32 @!p0 $0x7  }
0x17a: {  	_ =	swait.ge @!p0 [sflag:s0], s1  }
0x17b: {  	s1 =	ssub.s32 @!p0 $0x0, s1;
	[sflag:s0] =	ssyncset.done @!p0 $0x0  }
0x17c: {  	[sflag:s0] =	ssyncadd.s32 @!p0 s1  }
0x17d: {  	[bflag:$0x3] =	sbarrier.arrive $0xFFFF  }
0x17e: {  	_ =	shalt  }

// kernel: kernel.7.cloned.1.call-start
scs
__scs_entry_jumppad:
0x0: {  	(pc) =	sbr.rel $0x88, $3  }
0x1: {  	(tag) =	ssettag $0x0;
	lr =	simm.s32 $0x1  }
0x2: {  	[smem:$0x3F8B] =	sst lr;
	_ =	strace $0xD0000000  }
0x3: {  	_ = 	snop  }
0x4: {  	_ = 	snop  }
0x5: {  	_ = 	snop  }
0x6: {  	_ = 	snop  }
0x7: {  	_ = 	snop  }
__scs_overlays_trampoline_lowered:
0x8: {  	[smem:$0x3F9A] =	sst s0  }
0x9: {  	[smem:$0x3F9B] =	sst s1  }
0xa: {  	[smem:$0x3F9C] =	sst s2  }
0xb: {  	[smem:$0x3F9D] =	sst s3  }
0xc: {  	[smem:$0x3F9E] =	sst s4  }
0xd: {  	[smem:$0x3F9F] =	sst s5  }
0xe: {  	[smem:$0x3FA0] =	sst s6  }
0xf: {  	[smem:$0x3FA1] =	sst s7  }
0x10: {  	[smem:$0x3FA2] =	sst s8  }
0x11: {  	[smem:$0x3FA3] =	sst s9;
	s0 =	simm.s32 @!p0 $0x0  }
0x12: {  	s1 =	sld [smem:$0x3F89];
	s0 =	simm.s32 @p0 $0x1  }
0x13: {  	[smem:$0x3FA4] =	sst s0;
	s0 =	simm.s32 @!p1 $0x0  }
0x14: {  	s2 =	sld [smem:$0x3F88];
	s0 =	simm.s32 @p1 $0x1  }
0x15: {  	[smem:$0x3FA5] =	sst s0;
	s0 =	simm.s32 @!p2 $0x0  }
0x16: {  	s3 =	sld [smem:$0x3FDB];
	s0 =	simm.s32 @p2 $0x1  }
0x17: {  	s4 =	simm.s32 $0x1BF5;
	[smem:$0x3FA7] =	sst s0  }
0x18: {  	s0 =	sld [smem:$0x3F8A];
	_ =	swait.ge [sflag:s4], $0x0  }
0x19: {  	s7 =	sld [smem:$0x3F8B]  }
0x1a: {  	s8 =	sadd.s32 $0xFFFFE003, lr  }
0x1b: {  	s9 =	sadd.s32 $0xFFFFFEF7, lr;
	s5 =	simm.s32 $0xFFFFFFFF;
	p2 =	slt.u32 s8, $0xFFFFF086  }
0x1c: {  	p1 =	slt.u32 s9, $0xF7A;
	s5 =	simm.s32 @!p2 $0x0  }
0x1d: {  	s5 =	simm.s32 @p1 $0x1;
	p0 =	seq.s32 s7, s2  }
0x1e: {  	s7 =	smul.u32 @!p0 $0xF7A, s2;
	p2 =	seq.s32 @!p0 s5, $0x0  }
0x1f: {  	s9 =	smul.u32 $0xF7A, s1;
	s8 =	simm.s32 @!p0 $0x1BF5;
	p2 =	por !p2, p0  }
0x20: {  	[sflag:s8] =	ssyncset.s32 @!p0 $0xFFFFF086;
	s6 =	sadd.s32 @!p0 s3, s7;
	s7 =	simm.s32 @!p0 $0x108  }
0x21: {  	s3 =	sadd.s32 s3, s9;
	s6 =	sadd.s32 @!p0 $0x88, s6;
	s7 =	simm.s32 @p2 $0x1082  }
0x22: {  	[simem:s7], [sflag:s8] =	dma.local @!p0 [hbm:s6], $0xF7A  }
0x23: {  	s9 =	sor.u32 $0xD0000000, s2;
	s6 =	simm.s32 $0x108;
	_ =	swait.ge @!p0 [sflag:s8], $0x0  }
0x24: {  	s3 =	sadd.s32 $0x88, s3;
	s6 =	simm.s32 @!p1 $0x1082;
	[sflag:s4] =	ssyncset.s32 $0xFFFFF086  }
0x25: {  	[simem:s6], [sflag:s4] =	dma.local [hbm:s3], $0xF7A  }
0x26: {  	[smem:$0x3F8B] =	sst s1;
	(tag) =	ssettag s2;
	_ =	strace s9  }
0x27: {  	s1 =	sld [smem:$0x3F9B]  }
0x28: {  	s2 =	sld [smem:$0x3F9C]  }
0x29: {  	s4 =	sld [smem:$0x3F9E]  }
0x2a: {  	p0 =	seq.s32 s5, $0x0;
	s5 =	sld [smem:$0x3F9F]  }
0x2b: {  	s6 =	sld [smem:$0x3FA0]  }
0x2c: {  	s7 =	sld [smem:$0x3FA1]  }
0x2d: {  	s3 =	simm.s32 $0x108;
	s8 =	sld [smem:$0x3FA2]  }
0x2e: {  	s3 =	simm.s32 @!p0 $0x1082;
	s9 =	sld [smem:$0x3FA3]  }
0x2f: {  	lr =	sadd.s32 s0, s3;
	s0 =	sld [smem:$0x3F9A]  }
0x30: {  	s3 =	sld [smem:$0x3F9D]  }
0x31: {  	[smem:$0x3FA6] =	sst s10  }
0x32: {  	s10 =	sld [smem:$0x3FA4];
	_ =	sdelay $0x3  }
0x33: {  	p0 =	seq.s32 s10, $0x1;
	s10 =	sld [smem:$0x3FA6];
	_ =	sdelay $0x3  }
0x34: {  	[smem:$0x3FA6] =	sst s10  }
0x35: {  	s10 =	sld [smem:$0x3FA5];
	_ =	sdelay $0x3  }
0x36: {  	p1 =	seq.s32 s10, $0x1;
	s10 =	sld [smem:$0x3FA6];
	_ =	sdelay $0x3  }
0x37: {  	[smem:$0x3FA6] =	sst s10  }
0x38: {  	s10 =	sld [smem:$0x3FA7]  }
0x39: {  	_ = 	snop;
	(pc) =	sbr.ind lr, $3  }
0x3a: {  	_ = 	snop  }
0x3b: {  	_ = 	snop  }
0x3c: {  	p2 =	seq.s32 s10, $0x1;
	s10 =	sld [smem:$0x3FA6]  }
0x3d: {  	_ =	shalt  }
0x3e: {  	_ =	shalt  }
0x3f: {  	_ =	shalt  }
0x40: {  	_ =	shalt  }
0x41: {  	_ =	shalt  }
0x42: {  	_ =	shalt  }
0x43: {  	_ =	shalt  }
0x44: {  	_ =	shalt  }
0x45: {  	_ =	shalt  }
0x46: {  	_ =	shalt  }
0x47: {  	_ =	shalt  }
0x48: {  	_ =	shalt  }
0x49: {  	_ =	shalt  }
0x4a: {  	_ =	shalt  }
0x4b: {  	_ =	shalt  }
0x4c: {  	_ =	shalt  }
0x4d: {  	_ =	shalt  }
0x4e: {  	_ =	shalt  }
0x4f: {  	_ =	shalt  }
0x50: {  	_ =	shalt  }
0x51: {  	_ =	shalt  }
0x52: {  	_ =	shalt  }
0x53: {  	_ =	shalt  }
0x54: {  	_ =	shalt  }
0x55: {  	_ =	shalt  }
0x56: {  	_ =	shalt  }
0x57: {  	_ =	shalt  }
0x58: {  	_ =	shalt  }
0x59: {  	_ =	shalt  }
0x5a: {  	_ =	shalt  }
0x5b: {  	_ =	shalt  }
0x5c: {  	_ =	shalt  }
0x5d: {  	_ =	shalt  }
0x5e: {  	_ =	shalt  }
0x5f: {  	_ =	shalt  }
0x60: {  	_ =	shalt  }
0x61: {  	_ =	shalt  }
0x62: {  	_ =	shalt  }
0x63: {  	_ =	shalt  }
0x64: {  	_ =	shalt  }
0x65: {  	_ =	shalt  }
0x66: {  	_ =	shalt  }
0x67: {  	_ =	shalt  }
0x68: {  	_ =	shalt  }
0x69: {  	_ =	shalt  }
0x6a: {  	_ =	shalt  }
0x6b: {  	_ =	shalt  }
0x6c: {  	_ =	shalt  }
0x6d: {  	_ =	shalt  }
0x6e: {  	_ =	shalt  }
0x6f: {  	_ =	shalt  }
0x70: {  	_ =	shalt  }
0x71: {  	_ =	shalt  }
0x72: {  	_ =	shalt  }
0x73: {  	_ =	shalt  }
0x74: {  	_ =	shalt  }
0x75: {  	_ =	shalt  }
0x76: {  	_ =	shalt  }
0x77: {  	_ =	shalt  }
0x78: {  	_ =	shalt  }
0x79: {  	_ =	shalt  }
0x7a: {  	_ =	shalt  }
0x7b: {  	_ =	shalt  }
0x7c: {  	_ =	shalt  }
0x7d: {  	_ =	shalt  }
0x7e: {  	_ =	shalt  }
0x7f: {  	_ =	shalt  }
0x80: {  	_ =	shalt  }
0x81: {  	_ =	shalt  }
0x82: {  	_ =	shalt  }
0x83: {  	_ =	shalt  }
0x84: {  	_ =	shalt  }
0x85: {  	_ =	shalt  }
0x86: {  	_ =	shalt  }
0x87: {  	_ =	shalt  }
.Lfunc_end0:
.L_simem_size_0:
called_computation_lowered:
.L_overlay_start_0:
0x88: {  	s2 =	sld [smem:$0x3FD9]  }
0x89: {  	s3 =	sld [smem:$0x3FFE];
	_ =	sdelay $0x1  }
0x8a: {  	s1 =	srdreg.scid  }
0x8b: {  	s0 =	sand.u32 $0x1, s1  }
0x8c: {  	s17 =	sshll.u32 s0, $0xA;
	s2 =	sadd.s32 s3, s2  }
0x8d: {  	s2 =	sadd.s32 s2, s17  }
0x8e: {  	[smem:$0x3FB2] =	sst s2  }
0x8f: {  	_ = 	snop  }
0x90: {  	s2 =	sld [smem:$0x3FD0];
	(tm) =	ssettm $0x1  }
0x91: {  	s18 =	sld [smem:$0x3FFB];
	_ =	sdelay $0x3  }
0x92: {  	_ =	strace s18  }
0x93: {  	s3 =	sld [smem:$0x3FFC];
	_ =	sdelay $0x3  }
0x94: {  	_ =	strace s3  }
0x95: {  	s3 =	sld [smem:$0x3FFD];
	_ =	sdelay $0x3  }
0x96: {  	_ =	strace s3  }
0x97: {  	_ =	strace $0x8FFFFFFF  }
0x98: {  	s19 =	sld [smem:$0x3FDB];
	_ =	sdelay $0x1  }
0x99: {  	s4 =	simm.s32 $_scs_section_size  }
0x9a: {  	s5 =	simm.s32 $_size__tile_overlayer_lowered;
	s6 =	simm.s32 $_tile_overlayer_lowered  }
0x9b: {  	s22 =	simm.s32 $0x1BFF;
	s21 =	sshll.u32 s6, $0x1;
	s3 =	sadd.s32 s4, s19  }
0x9c: {  	s7 =	simm.s32 $0x0;
	s20 =	sshll.u32 s5, $0x1;
	s5 =	sadd.s32 s21, s3  }
0x9d: {  	[timem:s7], [sflag:s22] =	dma.local [hbm:s5], s20  }
0x9e: {  	_ =	swait.ge [sflag:s22], s20  }
0x9f: {  	s4 =	ssub.s32 $0x0, s20;
	[sflag:s22] =	ssyncset.done $0x0  }
0xa0: {  	[sflag:s22] =	ssyncadd.s32 s4;
	_ =	sdelay $0x1  }
0xa1: {  	s23 =	simm.s32 $0x1B8B  }
0xa2: {  	_ =	swait.ge [sflag:s23], $0x1  }
0xa3: {  	[sflag:s23] =	ssyncset.done $0x0  }
0xa4: {  	s25 =	simm.s32 $0x1B8E;
	s24 =	sld [smem:$0x3FFE];
	[sflag:s23] =	ssyncadd.s32 $0xFFFFFFFF  }
0xa5: {  	s26 =	simm.s32 $execute0_lowered;
	[smem:$0x3FD2] =	sst s25  }
0xa6: {  	s5 =	sshll.u32 s26, $0x1;
	_ =	strace $0x80000046;
	[dreg:$0x1] =	wrdreg $0xFFFFFFFF  }
0xa7: {  	s28 =	simm.s32 $_size_execute0_lowered;
	s3 =	sadd.s32 s3, s5;
	[dreg:$0x0] =	wrdreg $0x0  }
0xa8: {  	s5 =	sshll.u32 s28, $0x1;
	[dreg:$0x2] =	wrdreg s3  }
0xa9: {  	[dreg:$0x3] =	wrdreg s5  }
0xaa: {  	[dreg:$0x4] =	wrdreg $0xC0  }
0xab: {  	_ =	task [dreg:s7], $0x5FFFF  }
0xac: {  	[dreg:$0x1] =	wrdreg $0xFFFFFFFF  }
0xad: {  	[dreg:$0x0] =	wrdreg $0x60  }
0xae: {  	[dreg:$0x2] =	wrdreg s2  }
0xaf: {  	[dreg:$0x3] =	wrdreg s24  }
0xb0: {  	[dreg:$0x4] =	wrdreg $0x9  }
0xb1: {  	_ =	task.clear_ibuf [dreg:s7], $0x5FFFF;
	_ =	strace $0x90000046  }
0xb2: {  	s29 =	simm.s32 $0x9;
	_ =	strace $0x80000048  }
0xb3: {  	_ =	swait.ge [sflag:s29], $0x1  }
0xb4: {  	[sflag:s29] =	ssyncadd.s32 $0xFFFFFFFF  }
0xb5: {  	_ =	strace $0x90000048  }
0xb6: {  	_ =	sfence  }
0xb7: {  	s30 =	sld [smem:$0x0];
	_ =	sdelay $0x2  }
0xb8: {  	s31 =	sshll.u32 s1, $0xD;
	s1 =	sshrl.u32 s1, $0x2  }
0xb9: {  	s3 =	sand.u32 $0x4000, s31;
	s1 =	sadd.s32 s1, s30  }
0xba: {  	s0 =	sor.u32 s3, s0;
	s1 =	sshll.u32 s1, $0x11  }
0xbb: {  	s0 =	sor.u32 s1, s0  }
0xbc: {  	s0 =	sadd.s32 $0x8F2B, s0  }
0xbd: {  	[sflag:s0] =	ssyncadd.remote.s32 $0x1  }
0xbe: {  	_ =	sfence.sel $0xFFFF  }
0xbf: {  	[dreg:$0x0] =	wrdreg $0xFFFFFFFF;
	(pc) =	sbr.abs _section_cstart, $3  }
0xc0: {  	[dreg:$0x1] =	wrdreg $0xFFFFFFFF  }
0xc1: {  	_ =	task.clear_ibuf [dreg:s7], $0x2FFFF;
	_ =	strace $0x9FFFFFFF  }
0xc2: {  	(tm) =	ssettm $0x7FFFFFFF  }
0xc3: {  	_ =	shalt  }
tec
execute0_lowered:
.L_overlay_start_1:
0x0: {  	(tag) =	ssettag $0x1  }
0x1: {  	s0 =	rddreg [dreg:$0x0]  }
0x2: {  	s1 =	rddreg [dreg:$0x1];
	s2 =	srdreg.scid  }
0x3: {  	s11 =	stileid.u32;
	s12 =	simm.s32 $0x80;
	s14 =	simm.s32 $0x400  }
0x4: {  	s15 =	simm.s32 $0x200;
	s16 =	simm.s32 $0x8400;
	s17 =	simm.s32 $0x10400  }
0x5: {  	s26 =	simm.s32 $0x380;
	s19 =	simm.s32 $0x2;
	s20 =	simm.s32 $0x4400  }
0x6: {  	s28 =	simm.s32 $0x9;
	s29 =	simm.s32 $0x4;
	s30 =	simm.s32 $0x6  }
0x7: {  	s31 =	simm.s32 $0x8;
	s6 =	sand.u32 $0x1, s2;
	s2 =	simm.s32 $0x0  }
0x8: {  	s4 =	sadd.s32 $0x52600, s1;
	s5 =	sadd.s32 $0x2B400, s1;
	s10 =	smul.u32 $0x50, s11  }
0x9: {  	s3 =	sshll.u32 s6, $0x4;
	[smem:$0x7FF] =	sst s2;
	s7 =	smul.u32 $0x280000, s6  }
0xa: {  	s9 =	smul.u32 $0x500, s6;
	s6 =	ssub.s32 $0x2, s6;
	s3 =	sor.u32 s11, s3  }
0xb: {  	_ =	strace $0x80000047;
	s21 =	sshrl.u32 s6, $0x1;
	s11 =	smul.u32 $0x28000, s11  }
0xc: {  	[dreg:$0x6] =	wrdreg s26;
	s26 =	simm.s32 $0x7;
	s8 =	smul.u32 $0xA00, s3  }
0xd: {  	s3 =	sadd.s32 $0x79800, s1;
	s1 =	sadd.s32 s7, s1;
	s6 =	ssub.s32 s6, s21  }
0xe: {  	s22 =	sadd.s32 s10, s9;
	s21 =	simm.s32 $0x280;
	s6 =	smax.u32 s6, $0x1  }
0xf: {  	s1 =	sadd.s32 s11, s1;
	s8 =	sadd.s32 s0, s8;
	[dreg:$0x9] =	wrdreg s6  }
0x10: {  	s7 =	sshll.u32 s22, $0x5;
	s23 =	sadd.s32 $0xAAAC00, s1;
	[dreg:$0x7] =	wrdreg s8  }
0x11: {  	s11 =	simm.s32 $0x1;
	s24 =	sadd.s32 $0x5AAC00, s1;
	[dreg:$0x3] =	wrdreg s23  }
0x12: {  	s22 =	simm.s32 $0xC400;
	s25 =	sadd.s32 $0xAAC00, s1;
	[dreg:$0x4] =	wrdreg s24  }
0x13: {  	s0 =	sadd.s32 s7, s0;
	s8 =	sadd.s32 $0x20, s8;
	[dreg:$0x5] =	wrdreg s25  }
0x14: {  	s1 =	simm.s32 $0x0;
	s7 =	sadd.s32 $0x60, s0;
	[dreg:$0x8] =	wrdreg s8  }
0x15: {  	s0 =	sadd.s32 $0x40, s0;
	s23 =	simm.s32 $0x14400;
	[dreg:$0xa] =	wrdreg s7  }
0x16: {  	s24 =	simm.s32 $0x3;
	s25 =	simm.s32 $0x5;
	[dreg:$0xb] =	wrdreg s0  }
.LBB2_1:
0x17: {  	[dreg:$0xc] =	wrdreg s1  }
0x18: {  	s0 =	rddreg [dreg:$0x7]  }
0x19: {  	[tilespmem:s2], [sflag:$0x1] =	stream.linear.gather [hbm4b:s0+s2], $0x100, $0x38;
	[tilespmem:$0x18400] =	vst v63  }
0x1a: {  	_ =	swait.ge [sflag:s11], $0x100  }
0x1b: {  	[sflag:s11] =	ssyncset.done $0x0  }
0x1c: {  	[sflag:s11] =	ssyncadd.s32 $0xFFFFFF00  }
0x1d: {  	v0 =	vld [tilespmem:$0x0]  }
0x1e: {  	v1 =	vld [tilespmem:$0x80]  }
0x1f: {  	v2 =	vld [tilespmem:$0x10]  }
0x20: {  	v3 =	vld [tilespmem:$0x90]  }
0x21: {  	v4 =	vld [tilespmem:$0x20]  }
0x22: {  	[tilespmem:$0x200] =	vst v0;
	v0 =	vld [tilespmem:$0xA0]  }
0x23: {  	[tilespmem:$0x300] =	vst v1;
	v1 =	vld [tilespmem:$0x30]  }
0x24: {  	[tilespmem:$0x210] =	vst v2;
	v2 =	vld [tilespmem:$0xB0]  }
0x25: {  	[tilespmem:$0x310] =	vst v3;
	v3 =	vld [tilespmem:$0x40]  }
0x26: {  	[tilespmem:$0x220] =	vst v4;
	v4 =	vld [tilespmem:$0xC0]  }
0x27: {  	[tilespmem:$0x320] =	vst v0;
	v0 =	vld [tilespmem:$0x50]  }
0x28: {  	[tilespmem:$0x230] =	vst v1;
	v1 =	vld [tilespmem:$0xD0]  }
0x29: {  	[tilespmem:$0x330] =	vst v2;
	v2 =	vld [tilespmem:$0x60]  }
0x2a: {  	[tilespmem:$0x240] =	vst v3;
	v3 =	vld [tilespmem:$0xE0]  }
0x2b: {  	[tilespmem:$0x340] =	vst v4;
	v4 =	vld [tilespmem:$0x70]  }
0x2c: {  	[tilespmem:$0x250] =	vst v0;
	v0 =	vld [tilespmem:$0xF0]  }
0x2d: {  	[tilespmem:$0x350] =	vst v1  }
0x2e: {  	[tilespmem:$0x260] =	vst v2  }
0x2f: {  	[tilespmem:$0x360] =	vst v3  }
0x30: {  	[tilespmem:$0x270] =	vst v4  }
0x31: {  	s1 =	simm.s32 $0x300;
	[tilespmem:$0x370] =	vst v0  }
0x32: {  	[tilespmem:s14], [sflag:$0x3] =	stream.indirect.gather [hbm4b:s3+s12], $0x80, s1, s12, $0xb8;
	[tilespmem:$0x18400] =	vst v63  }
0x33: {  	_ = 	snop  }
0x34: {  	[tilespmem:s16], [sflag:$0x5] =	stream.indirect.gather [hbm4b:s4+s12], $0x80, s15, s12, $0xb8;
	[tilespmem:$0x18400] =	vst v63  }
0x35: {  	_ = 	snop  }
0x36: {  	[tilespmem:s17], [sflag:$0x7] =	stream.indirect.gather [hbm4b:s5+s12], $0x80, s15, s12, $0xb8;
	[tilespmem:$0x18400] =	vst v63  }
0x37: {  	s7 =	simm.s32 $0x100;
	s6 =	rddreg [dreg:$0x8]  }
0x38: {  	[tilespmem:s7], [sflag:$0x2] =	stream.linear.gather [hbm4b:s6+s2], $0x100, $0x38;
	[tilespmem:$0x18400] =	vst v63  }
0x39: {  	_ =	swait.ge [sflag:s19], $0x100  }
0x3a: {  	[sflag:s19] =	ssyncset.done $0x0  }
0x3b: {  	[sflag:s19] =	ssyncadd.s32 $0xFFFFFF00  }
0x3c: {  	v0 =	vld [tilespmem:$0x1F0]  }
0x3d: {  	v1 =	vld [tilespmem:$0x1E0]  }
0x3e: {  	v2 =	vld [tilespmem:$0x170]  }
0x3f: {  	v3 =	vld [tilespmem:$0x1D0]  }
0x40: {  	v4 =	vld [tilespmem:$0x160]  }
0x41: {  	v5 =	vld [tilespmem:$0x1C0];
	[tilespmem:$0x3F0] =	vst v0  }
0x42: {  	v0 =	vld [tilespmem:$0x150];
	[tilespmem:$0x3E0] =	vst v1  }
0x43: {  	v1 =	vld [tilespmem:$0x1B0];
	[tilespmem:$0x2F0] =	vst v2  }
0x44: {  	v2 =	vld [tilespmem:$0x140];
	[tilespmem:$0x3D0] =	vst v3  }
0x45: {  	v3 =	vld [tilespmem:$0x1A0];
	[tilespmem:$0x2E0] =	vst v4  }
0x46: {  	v4 =	vld [tilespmem:$0x130];
	[tilespmem:$0x3C0] =	vst v5  }
0x47: {  	v5 =	vld [tilespmem:$0x190];
	[tilespmem:$0x2D0] =	vst v0  }
0x48: {  	v0 =	vld [tilespmem:$0x120];
	[tilespmem:$0x3B0] =	vst v1  }
0x49: {  	v1 =	vld [tilespmem:$0x100];
	[tilespmem:$0x2C0] =	vst v2  }
0x4a: {  	v2 =	vld [tilespmem:$0x110];
	[tilespmem:$0x3A0] =	vst v3  }
0x4b: {  	v3 =	vld [tilespmem:$0x180];
	[tilespmem:$0x2B0] =	vst v4  }
0x4c: {  	[tilespmem:$0x390] =	vst v5  }
0x4d: {  	[tilespmem:$0x2A0] =	vst v0  }
0x4e: {  	[tilespmem:$0x280] =	vst v1  }
0x4f: {  	[tilespmem:$0x290] =	vst v2  }
0x50: {  	s8 =	rddreg [dreg:$0x6];
	[tilespmem:$0x380] =	vst v3  }
0x51: {  	[tilespmem:s20], [sflag:$0x4] =	stream.indirect.gather [hbm4b:s3+s12], $0x80, s8, s12, $0xb8;
	[tilespmem:$0x18400] =	vst v63  }
0x52: {  	_ = 	snop  }
0x53: {  	[tilespmem:s22], [sflag:$0x6] =	stream.indirect.gather [hbm4b:s4+s12], $0x80, s21, s12, $0xb8;
	[tilespmem:$0x18400] =	vst v63  }
0x54: {  	_ = 	snop  }
0x55: {  	[tilespmem:s23], [sflag:$0x8] =	stream.indirect.gather [hbm4b:s5+s12], $0x80, s21, s12, $0xb8;
	[tilespmem:$0x18400] =	vst v63  }
0x56: {  	s10 =	rddreg [dreg:$0xb]  }
0x57: {  	[tilespmem:s2], [sflag:$0x1] =	stream.linear.gather [hbm4b:s10+s2], $0x100, $0x38;
	[tilespmem:$0x18400] =	vst v63  }
0x58: {  	_ =	swait.ge [sflag:s24], $0x4000  }
0x59: {  	[sflag:s24] =	ssyncset.done $0x0  }
0x5a: {  	[sflag:s24] =	ssyncadd.s32 $0xFFFFC000  }
0x5b: {  	_ =	swait.ge [sflag:s25], $0x4000  }
0x5c: {  	[sflag:s25] =	ssyncset.done $0x0  }
0x5d: {  	[sflag:s25] =	ssyncadd.s32 $0xFFFFC000  }
0x5e: {  	_ =	swait.ge [sflag:s26], $0x4000  }
0x5f: {  	s9 =	rddreg [dreg:$0x5];
	[sflag:s26] =	ssyncset.done $0x0  }
0x60: {  	[sflag:s26] =	ssyncadd.s32 $0xFFFFC000;
	s6 =	sadd.s32 $0x0, s9  }
0x61: {  	[hbm4b:s6+s2] =	stream.linear.scatter [tilespmem:s14], [sflag:$0x9], $0x4000, $0x38;
	[tilespmem:$0x18400] =	vst v63  }
0x62: {  	_ =	swait.ge [sflag:s28], $0x4000  }
0x63: {  	s13 =	rddreg [dreg:$0x4];
	[sflag:s28] =	ssyncset.done $0x0  }
0x64: {  	[sflag:s28] =	ssyncadd.s32 $0xFFFFC000;
	s0 =	sadd.s32 $0x0, s13  }
0x65: {  	[hbm4b:s0+s2] =	stream.linear.scatter [tilespmem:s16], [sflag:$0x9], $0x4000, $0x38;
	[tilespmem:$0x18400] =	vst v63  }
0x66: {  	_ =	swait.ge [sflag:s28], $0x4000  }
0x67: {  	s18 =	rddreg [dreg:$0x3];
	[sflag:s28] =	ssyncset.done $0x0  }
0x68: {  	[sflag:s28] =	ssyncadd.s32 $0xFFFFC000;
	s13 =	sadd.s32 $0x0, s18  }
0x69: {  	[hbm4b:s13+s2] =	stream.linear.scatter [tilespmem:s17], [sflag:$0x9], $0x4000, $0x38;
	[tilespmem:$0x18400] =	vst v63  }
0x6a: {  	_ =	swait.ge [sflag:s28], $0x4000  }
0x6b: {  	[sflag:s28] =	ssyncset.done $0x0  }
0x6c: {  	[sflag:s28] =	ssyncadd.s32 $0xFFFFC000  }
0x6d: {  	_ =	swait.ge [sflag:s11], $0x100  }
0x6e: {  	[sflag:s11] =	ssyncset.done $0x0  }
0x6f: {  	[sflag:s11] =	ssyncadd.s32 $0xFFFFFF00  }
0x70: {  	v0 =	vld [tilespmem:$0x0]  }
0x71: {  	v1 =	vld [tilespmem:$0x80]  }
0x72: {  	v2 =	vld [tilespmem:$0x10]  }
0x73: {  	v4 =	vld [tilespmem:$0x90]  }
0x74: {  	v3 =	vld [tilespmem:$0x20]  }
0x75: {  	[tilespmem:$0x200] =	vst v0;
	v0 =	vld [tilespmem:$0xA0]  }
0x76: {  	s9 =	rddreg [dreg:$0xa];
	[tilespmem:$0x300] =	vst v1;
	v1 =	vld [tilespmem:$0x30]  }
0x77: {  	s7 =	simm.s32 $0x1000;
	s1 =	smov.u32 s9;
	[tilespmem:$0x210] =	vst v2;
	v2 =	vld [tilespmem:$0xB0]  }
.LBB2_2:
0x78: {  	v5 =	vld [tilespmem:$0x50];
	[tilespmem:$0x310] =	vst v4  }
0x79: {  	v4 =	vld [tilespmem:$0x40];
	[tilespmem:$0x220] =	vst v3  }
0x7a: {  	v3 =	vld [tilespmem:$0xC0];
	[tilespmem:$0x320] =	vst v0  }
0x7b: {  	v0 =	vld [tilespmem:$0xF0];
	[tilespmem:$0x230] =	vst v1  }
0x7c: {  	v1 =	vld [tilespmem:$0x70];
	[tilespmem:$0x330] =	vst v2  }
0x7d: {  	v2 =	vld [tilespmem:$0xE0];
	[tilespmem:$0x250] =	vst v5  }
0x7e: {  	[tilespmem:$0x240] =	vst v4;
	v4 =	vld [tilespmem:$0x60]  }
0x7f: {  	[tilespmem:$0x340] =	vst v3;
	v3 =	vld [tilespmem:$0xD0]  }
0x80: {  	[tilespmem:$0x370] =	vst v0  }
0x81: {  	[tilespmem:$0x270] =	vst v1  }
0x82: {  	[tilespmem:$0x360] =	vst v2  }
0x83: {  	[tilespmem:$0x260] =	vst v4  }
0x84: {  	s18 =	simm.s32 $0x300;
	[tilespmem:$0x350] =	vst v3  }
0x85: {  	[tilespmem:s14], [sflag:$0x3] =	stream.indirect.gather [hbm4b:s3+s12], $0x80, s18, s12, $0xb8;
	[tilespmem:$0x18400] =	vst v63  }
0x86: {  	_ = 	snop  }
0x87: {  	[tilespmem:s16], [sflag:$0x5] =	stream.indirect.gather [hbm4b:s4+s12], $0x80, s15, s12, $0xb8;
	[tilespmem:$0x18400] =	vst v63  }
0x88: {  	_ = 	snop  }
0x89: {  	[tilespmem:s17], [sflag:$0x7] =	stream.indirect.gather [hbm4b:s5+s12], $0x80, s15, s12, $0xb8;
	[tilespmem:$0x18400] =	vst v63  }
0x8a: {  	s18 =	simm.s32 $0x100  }
0x8b: {  	[tilespmem:s18], [sflag:$0x2] =	stream.linear.gather [hbm4b:s9+s2], $0x100, $0x38;
	[tilespmem:$0x18400] =	vst v63  }
0x8c: {  	_ =	swait.ge [sflag:s29], $0x4000  }
0x8d: {  	[sflag:s29] =	ssyncset.done $0x0  }
0x8e: {  	[sflag:s29] =	ssyncadd.s32 $0xFFFFC000  }
0x8f: {  	_ =	swait.ge [sflag:s30], $0x4000  }
0x90: {  	[sflag:s30] =	ssyncset.done $0x0  }
0x91: {  	[sflag:s30] =	ssyncadd.s32 $0xFFFFC000  }
0x92: {  	_ =	swait.ge [sflag:s31], $0x4000  }
0x93: {  	[sflag:s31] =	ssyncset.done $0x0  }
0x94: {  	s6 =	sadd.s32 $0x800, s6;
	[sflag:s31] =	ssyncadd.s32 $0xFFFFC000  }
0x95: {  	[hbm4b:s6+s2] =	stream.linear.scatter [tilespmem:s20], [sflag:$0x9], $0x4000, $0x38;
	[tilespmem:$0x18400] =	vst v63  }
0x96: {  	_ =	swait.ge [sflag:s28], $0x4000  }
0x97: {  	[sflag:s28] =	ssyncset.done $0x0  }
0x98: {  	s0 =	sadd.s32 $0x800, s0;
	[sflag:s28] =	ssyncadd.s32 $0xFFFFC000  }
0x99: {  	[hbm4b:s0+s2] =	stream.linear.scatter [tilespmem:s22], [sflag:$0x9], $0x4000, $0x38;
	[tilespmem:$0x18400] =	vst v63  }
0x9a: {  	_ =	swait.ge [sflag:s28], $0x4000  }
0x9b: {  	[sflag:s28] =	ssyncset.done $0x0  }
0x9c: {  	s13 =	sadd.s32 $0x800, s13;
	[sflag:s28] =	ssyncadd.s32 $0xFFFFC000  }
0x9d: {  	[hbm4b:s13+s2] =	stream.linear.scatter [tilespmem:s23], [sflag:$0x9], $0x4000, $0x38;
	[tilespmem:$0x18400] =	vst v63  }
0x9e: {  	_ =	swait.ge [sflag:s28], $0x4000  }
0x9f: {  	[sflag:s28] =	ssyncset.done $0x0  }
0xa0: {  	[sflag:s28] =	ssyncadd.s32 $0xFFFFC000  }
0xa1: {  	_ =	swait.ge [sflag:s19], $0x100  }
0xa2: {  	[sflag:s19] =	ssyncset.done $0x0  }
0xa3: {  	[sflag:s19] =	ssyncadd.s32 $0xFFFFFF00  }
0xa4: {  	v0 =	vld [tilespmem:$0x1F0]  }
0xa5: {  	v1 =	vld [tilespmem:$0x1E0]  }
0xa6: {  	v2 =	vld [tilespmem:$0x170]  }
0xa7: {  	v3 =	vld [tilespmem:$0x1D0]  }
0xa8: {  	v4 =	vld [tilespmem:$0x160]  }
0xa9: {  	v5 =	vld [tilespmem:$0x1C0];
	[tilespmem:$0x3F0] =	vst v0  }
0xaa: {  	v0 =	vld [tilespmem:$0x150];
	[tilespmem:$0x3E0] =	vst v1  }
0xab: {  	v1 =	vld [tilespmem:$0x1B0];
	[tilespmem:$0x2F0] =	vst v2  }
0xac: {  	v2 =	vld [tilespmem:$0x140];
	[tilespmem:$0x3D0] =	vst v3  }
0xad: {  	v3 =	vld [tilespmem:$0x1A0];
	[tilespmem:$0x2E0] =	vst v4  }
0xae: {  	v4 =	vld [tilespmem:$0x130];
	[tilespmem:$0x3C0] =	vst v5  }
0xaf: {  	v5 =	vld [tilespmem:$0x190];
	[tilespmem:$0x2D0] =	vst v0  }
0xb0: {  	v0 =	vld [tilespmem:$0x120];
	[tilespmem:$0x3B0] =	vst v1  }
0xb1: {  	v1 =	vld [tilespmem:$0x100];
	[tilespmem:$0x2C0] =	vst v2  }
0xb2: {  	v2 =	vld [tilespmem:$0x110];
	[tilespmem:$0x3A0] =	vst v3  }
0xb3: {  	v3 =	vld [tilespmem:$0x180];
	[tilespmem:$0x2B0] =	vst v4  }
0xb4: {  	[tilespmem:$0x390] =	vst v5  }
0xb5: {  	[tilespmem:$0x2A0] =	vst v0  }
0xb6: {  	[tilespmem:$0x280] =	vst v1  }
0xb7: {  	[tilespmem:$0x290] =	vst v2  }
0xb8: {  	s18 =	rddreg [dreg:$0x6];
	[tilespmem:$0x380] =	vst v3  }
0xb9: {  	[tilespmem:s20], [sflag:$0x4] =	stream.indirect.gather [hbm4b:s3+s12], $0x80, s18, s12, $0xb8;
	[tilespmem:$0x18400] =	vst v63  }
0xba: {  	_ = 	snop  }
0xbb: {  	[tilespmem:s22], [sflag:$0x6] =	stream.indirect.gather [hbm4b:s4+s12], $0x80, s21, s12, $0xb8;
	[tilespmem:$0x18400] =	vst v63  }
0xbc: {  	_ = 	snop  }
0xbd: {  	[tilespmem:s23], [sflag:$0x8] =	stream.indirect.gather [hbm4b:s5+s12], $0x80, s21, s12, $0xb8;
	[tilespmem:$0x18400] =	vst v63  }
0xbe: {  	s10 =	sadd.s32 $0x40, s10  }
0xbf: {  	[tilespmem:s2], [sflag:$0x1] =	stream.linear.gather [hbm4b:s10+s2], $0x100, $0x38;
	[tilespmem:$0x18400] =	vst v63  }
0xc0: {  	_ =	swait.ge [sflag:s24], $0x4000  }
0xc1: {  	[sflag:s24] =	ssyncset.done $0x0  }
0xc2: {  	[sflag:s24] =	ssyncadd.s32 $0xFFFFC000  }
0xc3: {  	_ =	swait.ge [sflag:s25], $0x4000  }
0xc4: {  	[sflag:s25] =	ssyncset.done $0x0  }
0xc5: {  	[sflag:s25] =	ssyncadd.s32 $0xFFFFC000  }
0xc6: {  	_ =	swait.ge [sflag:s26], $0x4000  }
0xc7: {  	s8 =	smov.u32 s7;
	s6 =	rddreg [dreg:$0x5];
	[sflag:s26] =	ssyncset.done $0x0  }
0xc8: {  	[sflag:s26] =	ssyncadd.s32 $0xFFFFC000;
	s6 =	sadd.s32 s8, s6  }
0xc9: {  	[hbm4b:s6+s2] =	stream.linear.scatter [tilespmem:s14], [sflag:$0x9], $0x4000, $0x38;
	[tilespmem:$0x18400] =	vst v63  }
0xca: {  	_ =	swait.ge [sflag:s28], $0x4000  }
0xcb: {  	s13 =	rddreg [dreg:$0x4];
	[sflag:s28] =	ssyncset.done $0x0  }
0xcc: {  	[sflag:s28] =	ssyncadd.s32 $0xFFFFC000;
	s0 =	sadd.s32 s8, s13  }
0xcd: {  	[hbm4b:s0+s2] =	stream.linear.scatter [tilespmem:s16], [sflag:$0x9], $0x4000, $0x38;
	[tilespmem:$0x18400] =	vst v63  }
0xce: {  	_ =	swait.ge [sflag:s28], $0x4000  }
0xcf: {  	s18 =	rddreg [dreg:$0x3];
	[sflag:s28] =	ssyncset.done $0x0  }
0xd0: {  	[sflag:s28] =	ssyncadd.s32 $0xFFFFC000;
	s13 =	sadd.s32 s8, s18  }
0xd1: {  	[hbm4b:s13+s2] =	stream.linear.scatter [tilespmem:s17], [sflag:$0x9], $0x4000, $0x38;
	[tilespmem:$0x18400] =	vst v63  }
0xd2: {  	_ =	swait.ge [sflag:s28], $0x4000  }
0xd3: {  	[sflag:s28] =	ssyncset.done $0x0  }
0xd4: {  	[sflag:s28] =	ssyncadd.s32 $0xFFFFC000  }
0xd5: {  	_ =	swait.ge [sflag:s11], $0x100  }
0xd6: {  	[sflag:s11] =	ssyncset.done $0x0  }
0xd7: {  	[sflag:s11] =	ssyncadd.s32 $0xFFFFFF00  }
0xd8: {  	v0 =	vld [tilespmem:$0x0]  }
0xd9: {  	v1 =	vld [tilespmem:$0x80]  }
0xda: {  	p0 =	sne.s32 s7, $0x27000;
	v2 =	vld [tilespmem:$0x10]  }
.Ltmp0:
0xdb: {  	v4 =	vld [tilespmem:$0x90];
	(pc) =	sbr.rel @p0 .LBB2_2-.Ltmp0, $4  }
0xdc: {  	v3 =	vld [tilespmem:$0x20]  }
0xdd: {  	[tilespmem:$0x200] =	vst v0;
	v0 =	vld [tilespmem:$0xA0]  }
0xde: {  	s1 =	sadd.s32 $0x40, s1;
	[tilespmem:$0x300] =	vst v1;
	v1 =	vld [tilespmem:$0x30]  }
0xdf: {  	s7 =	sadd.s32 $0x1000, s7;
	s9 =	smov.u32 s1;
	[tilespmem:$0x210] =	vst v2;
	v2 =	vld [tilespmem:$0xB0]  }
0xe0: {  	[tilespmem:$0x310] =	vst v4;
	v57 =	vld [tilespmem:$0x40]  }
0xe1: {  	v58 =	vld [tilespmem:$0xC0];
	[tilespmem:$0x220] =	vst v3  }
0xe2: {  	v59 =	vld [tilespmem:$0xF0];
	[tilespmem:$0x320] =	vst v0  }
0xe3: {  	v60 =	vld [tilespmem:$0x70];
	[tilespmem:$0x230] =	vst v1  }
0xe4: {  	v61 =	vld [tilespmem:$0xE0];
	[tilespmem:$0x330] =	vst v2  }
0xe5: {  	v62 =	vld [tilespmem:$0x60];
	[tilespmem:$0x240] =	vst v57  }
0xe6: {  	v63 =	vld [tilespmem:$0xD0];
	[tilespmem:$0x340] =	vst v58  }
0xe7: {  	v5 =	vld [tilespmem:$0x50];
	[tilespmem:$0x370] =	vst v59  }
0xe8: {  	[tilespmem:$0x270] =	vst v60  }
0xe9: {  	[tilespmem:$0x360] =	vst v61  }
0xea: {  	[tilespmem:$0x260] =	vst v62  }
0xeb: {  	[tilespmem:$0x350] =	vst v63  }
0xec: {  	s1 =	simm.s32 $0x300;
	[tilespmem:$0x250] =	vst v5  }
0xed: {  	[tilespmem:s14], [sflag:$0x3] =	stream.indirect.gather [hbm4b:s3+s12], $0x80, s1, s12, $0xb8;
	[tilespmem:$0x18400] =	vst v63  }
0xee: {  	_ = 	snop  }
0xef: {  	[tilespmem:s16], [sflag:$0x5] =	stream.indirect.gather [hbm4b:s4+s12], $0x80, s15, s12, $0xb8;
	[tilespmem:$0x18400] =	vst v63  }
0xf0: {  	_ = 	snop  }
0xf1: {  	[tilespmem:s17], [sflag:$0x7] =	stream.indirect.gather [hbm4b:s5+s12], $0x80, s15, s12, $0xb8;
	[tilespmem:$0x18400] =	vst v63  }
0xf2: {  	s8 =	simm.s32 $0x100  }
0xf3: {  	[tilespmem:s8], [sflag:$0x2] =	stream.linear.gather [hbm4b:s9+s2], $0x100, $0x38;
	[tilespmem:$0x18400] =	vst v63  }
0xf4: {  	_ =	swait.ge [sflag:s29], $0x4000  }
0xf5: {  	[sflag:s29] =	ssyncset.done $0x0  }
0xf6: {  	[sflag:s29] =	ssyncadd.s32 $0xFFFFC000  }
0xf7: {  	_ =	swait.ge [sflag:s30], $0x4000  }
0xf8: {  	[sflag:s30] =	ssyncset.done $0x0  }
0xf9: {  	[sflag:s30] =	ssyncadd.s32 $0xFFFFC000  }
0xfa: {  	_ =	swait.ge [sflag:s31], $0x4000  }
0xfb: {  	[sflag:s31] =	ssyncset.done $0x0  }
0xfc: {  	s9 =	sadd.s32 $0x800, s6;
	[sflag:s31] =	ssyncadd.s32 $0xFFFFC000  }
0xfd: {  	[hbm4b:s9+s2] =	stream.linear.scatter [tilespmem:s20], [sflag:$0x9], $0x4000, $0x38;
	[tilespmem:$0x18400] =	vst v63  }
0xfe: {  	_ =	swait.ge [sflag:s28], $0x4000  }
0xff: {  	[sflag:s28] =	ssyncset.done $0x0  }
0x100: {  	s0 =	sadd.s32 $0x800, s0;
	[sflag:s28] =	ssyncadd.s32 $0xFFFFC000  }
0x101: {  	[hbm4b:s0+s2] =	stream.linear.scatter [tilespmem:s22], [sflag:$0x9], $0x4000, $0x38;
	[tilespmem:$0x18400] =	vst v63  }
0x102: {  	_ =	swait.ge [sflag:s28], $0x4000  }
0x103: {  	[sflag:s28] =	ssyncset.done $0x0  }
0x104: {  	s10 =	sadd.s32 $0x800, s13;
	[sflag:s28] =	ssyncadd.s32 $0xFFFFC000  }
0x105: {  	[hbm4b:s10+s2] =	stream.linear.scatter [tilespmem:s23], [sflag:$0x9], $0x4000, $0x38;
	[tilespmem:$0x18400] =	vst v63  }
0x106: {  	_ =	swait.ge [sflag:s28], $0x4000  }
0x107: {  	[sflag:s28] =	ssyncset.done $0x0  }
0x108: {  	[sflag:s28] =	ssyncadd.s32 $0xFFFFC000  }
0x109: {  	_ =	swait.ge [sflag:s19], $0x100  }
0x10a: {  	[sflag:s19] =	ssyncset.done $0x0  }
0x10b: {  	[sflag:s19] =	ssyncadd.s32 $0xFFFFFF00  }
0x10c: {  	_ =	swait.ge [sflag:s24], $0x4000  }
0x10d: {  	[sflag:s24] =	ssyncset.done $0x0  }
0x10e: {  	[sflag:s24] =	ssyncadd.s32 $0xFFFFC000  }
0x10f: {  	_ =	swait.ge [sflag:s25], $0x4000  }
0x110: {  	[sflag:s25] =	ssyncset.done $0x0  }
0x111: {  	[sflag:s25] =	ssyncadd.s32 $0xFFFFC000  }
0x112: {  	_ =	swait.ge [sflag:s26], $0x4000  }
0x113: {  	s13 =	rddreg [dreg:$0xc]  }
0x114: {  	s18 =	rddreg [dreg:$0x9];
	s1 =	sadd.s32 $0x1, s13  }
0x115: {  	p0 =	sne.s32 s1, s18  }
.Ltmp1:
0x116: {  	_ = 	snop;
	(pc) =	sbr.rel @p0 .LBB2_1-.Ltmp1, $3  }
0x117: {  	_ =	sdelay $0x1  }
0x118: {  	[sflag:s26] =	ssyncset.done $0x0  }
0x119: {  	[sflag:s26] =	ssyncadd.s32 $0xFFFFC000  }
0x11a: {  	_ =	sfence.sel $0x180000  }
0x11b: {  	[bflag:$0x0] =	sbarrier.arrive $0xFFFF  }
0x11c: {  	_ =	strace $0x90000047  }
0x11d: {  	s0 =	stileid.u32;
	[bflag:$0x2] =	sbarrier.arrive $0xFFFF  }
0x11e: {  	p0 =	sne.s32 s0, $0x0;
	s0 =	rddreg [dreg:$0x2]  }
0x11f: {  	s0 =	sadd.s32 @!p0 $0x100000, s0  }
0x120: {  	[sflag:s0] =	ssyncadd.tile.s32 @!p0 $0x1;
	_ =	shalt  }
.Lfunc_end2:
_tile_overlayer_lowered:
.L_overlay_start_2:
0x121: {  	(tag) =	ssettag $0x2  }
0x122: {  	s0 =	rddreg [dreg:$0x0];
	s2 =	stileid.u32  }
0x123: {  	s1 =	rddreg [dreg:$0x1];
	p0 =	sne.s32 s2, $0x0  }
0x124: {  	s3 =	rddreg [dreg:$0x2];
	[bflag:$0x3] =	sbarrier.arrive $0xFFFF;
	s2 =	simm.s32 @!p0 $0x1C09  }
0x125: {  	[timem:s3], [sflag:s2] =	dma.local @!p0 [hbm:s0], s1  }
0x126: {  	s0 =	simm.s32 @!p0 $0x9  }
0x127: {  	_ =	swait.ge @!p0 [sflag:s0], s1  }
0x128: {  	s1 =	ssub.s32 @!p0 $0x0, s1;
	[sflag:s0] =	ssyncset.done @!p0 $0x0  }
0x129: {  	[sflag:s0] =	ssyncadd.s32 @!p0 s1  }
0x12a: {  	[bflag:$0x3] =	sbarrier.arrive $0xFFFF  }
0x12b: {  	_ =	shalt  }

</sc_bundles>
